<compile_context>
chip_gen: v7x
topology: tpu7x:2x2x1
jax: 0.10.2.dev20260603
libtpu: 0.0.44.dev20260713+nightly
codegen_flags: <defaults>
</compile_context>

<pallas_src>
import functools

import jax
import jax.numpy as jnp
import numpy as np
from jax import lax
from jax.experimental import pallas as pl
from jax.experimental.pallas import tpu as pltpu
from jax.experimental.pallas import tpu_sc as plsc

_MAX_Z = 36
_N_ORB = 13
_D = 64
_ROW = _N_ORB * _D
_ROWP = _ROW + 1
_N = 50000
_NB = 128
_DB = 16
_NSTEP_D = _D // _DB
_NFULL = _N // _NB
_TAIL = _N - _NFULL * _NB
_TAIL_BASE = _NFULL * _NB


def _elec_table_np():
    caps = [2, 2, 3, 3, 2, 3, 3, 2, 4, 3, 3, 3, 3]
    table = np.zeros((_MAX_Z + 1, _N_ORB), dtype=np.int32)
    for zz in range(1, _MAX_Z + 1):
        rem = zz
        for col, cap in enumerate(caps):
            e = min(rem, cap)
            table[zz, col] = e
            rem -= e
            if rem == 0:
                break
    return table


_ELEC = _elec_table_np()
_ORB = np.arange(_N_ORB)[None, :]
_MASK = (_ELEC > 0).astype(np.float32)


def _make_sc_kernel():
    info = plsc.get_sparse_core_info()
    nc, ns = info.num_cores, info.num_subcores
    nw = nc * ns
    tail_w = _NFULL % nw
    max_blocks = -(-_NFULL // nw)
    npairs = (max_blocks * _NSTEP_D + 1) // 2

    mesh = plsc.VectorSubcoreMesh(core_axis_name="c", subcore_axis_name="s")

    @functools.partial(
        pl.kernel,
        mesh=mesh,
        compiler_params=pltpu.CompilerParams(needs_layout_passes=False),
        out_type=jax.ShapeDtypeStruct((_N_ORB, _D, _N), jnp.float32),
        scratch_types=[
            pltpu.VMEM(((_MAX_Z + 1) * _ROWP,), jnp.float32),
            pltpu.VMEM((_NB,), jnp.int32),
            pltpu.VMEM((_NB,), jnp.int32),
            pltpu.VMEM((_DB, _NB), jnp.float32),
            pltpu.VMEM((_DB, _NB), jnp.float32),
            pltpu.VMEM((_N_ORB, _DB, _NB), jnp.float32),
            pltpu.VMEM((_N_ORB, _DB, _NB), jnp.float32),
            pltpu.VMEM((_TAIL,), jnp.int32),
            pltpu.VMEM((_DB, _TAIL), jnp.float32),
            pltpu.VMEM((_N_ORB, _DB, _TAIL), jnp.float32),
            pltpu.SemaphoreType.DMA,
            pltpu.SemaphoreType.DMA,
            pltpu.SemaphoreType.DMA,
            pltpu.SemaphoreType.DMA,
            pltpu.SemaphoreType.DMA,
            pltpu.SemaphoreType.DMA,
        ],
    )
    def sc_kernel(comb_hbm, z_hbm, zet_hbm, out_hbm, comb_v,
                  idx0, idx1, ze0, ze1, out0, out1,
                  idx80, ze80, out80,
                  zs0, zs1, zes0, zes1, os0, os1):
        w = lax.axis_index("s") * nc + lax.axis_index("c")
        nsteps = ((_NFULL - 1 - w) // nw + 1) * _NSTEP_D
        idx_ = (idx0, idx1)
        ze_ = (ze0, ze1)
        out_ = (out0, out1)
        zs_ = (zs0, zs1)
        zes_ = (zes0, zes1)
        os_ = (os0, os1)

        def step_params(t):
            blk = t // _NSTEP_D
            db = t % _NSTEP_D
            base = (w + blk * nw) * _NB
            return base, db * _DB

        def start_inputs(t, b):
            @pl.when(t < nsteps)
            def _():
                base, dof = step_params(t)
                pltpu.async_copy(z_hbm.at[pl.ds(base, _NB)], idx_[b], zs_[b])
                pltpu.async_copy(
                    zet_hbm.at[pl.ds(dof, _DB), pl.ds(base, _NB)],
                    ze_[b], zes_[b],
                )

        def compute_block(idx_v, ze_v, out_v, dof, nsub):
            @plsc.parallel_loop(0, nsub * 16, 1, unroll=2)
            def u_body(u):
                su = (u // 16) * 16
                dd = u % 16
                z16 = idx_v[pl.ds(su, 16)]
                zp = 1.0 + ze_v[dd, pl.ds(su, 16)]
                idxv = z16 * _ROWP + (dof + dd)
                for orb in range(_N_ORB):
                    val = plsc.load_gather(comb_v, [idxv + (orb * _D)])
                    out_v[orb, dd, pl.ds(su, 16)] = val * zp

        start_inputs(jnp.int32(0), 0)
        pltpu.sync_copy(comb_hbm, comb_v)

        def pair_body(j, carry):
            for b in range(2):
                t = 2 * j + b
                start_inputs(t + 1, b ^ 1)

                @pl.when(t < nsteps)
                def _():
                    base, dof = step_params(t)
                    idx_v, ze_v, out_v = idx_[b], ze_[b], out_[b]
                    pltpu.make_async_copy(
                        z_hbm.at[pl.ds(0, _NB)], idx_v, zs_[b]
                    ).wait()
                    pltpu.make_async_copy(
                        zet_hbm.at[pl.ds(0, _DB), pl.ds(0, _NB)], ze_v, zes_[b]
                    ).wait()

                    @pl.when(t >= 2)
                    def _w():
                        pltpu.make_async_copy(
                            out_v,
                            out_hbm.at[
                                pl.ds(0, _N_ORB), pl.ds(0, _DB), pl.ds(0, _NB)
                            ],
                            os_[b],
                        ).wait()

                    compute_block(idx_v, ze_v, out_v, dof, _NB // 16)
                    pltpu.async_copy(
                        out_v,
                        out_hbm.at[
                            pl.ds(0, _N_ORB), pl.ds(dof, _DB), pl.ds(base, _NB)
                        ],
                        os_[b],
                    )
            return carry

        lax.fori_loop(0, npairs, pair_body, 0)
        for b in range(2):
            pltpu.make_async_copy(
                out_[b],
                out_hbm.at[pl.ds(0, _N_ORB), pl.ds(0, _DB), pl.ds(0, _NB)],
                os_[b],
            ).wait()

        @pl.when(w == tail_w)
        def _tail():
            pltpu.sync_copy(z_hbm.at[pl.ds(_TAIL_BASE, _TAIL)], idx80)
            for db in range(_NSTEP_D):
                pltpu.sync_copy(
                    zet_hbm.at[pl.ds(db * _DB, _DB), pl.ds(_TAIL_BASE, _TAIL)],
                    ze80,
                )
                compute_block(idx80, ze80, out80, db * _DB, _TAIL // 16)
                pltpu.sync_copy(
                    out80,
                    out_hbm.at[
                        pl.ds(0, _N_ORB),
                        pl.ds(db * _DB, _DB),
                        pl.ds(_TAIL_BASE, _TAIL),
                    ],
                )

    return sc_kernel


_sc_kernel = None


def kernel(z, z_embed, embeds):
    global _sc_kernel
    if _sc_kernel is None:
        _sc_kernel = _make_sc_kernel()
    gathered = embeds[_ORB, _ELEC]
    comb = (gathered * _MASK[:, :, None]).reshape(_MAX_Z + 1, _ROW)
    comb = jnp.pad(comb, ((0, 0), (0, _ROWP - _ROW)))
    out_t = _sc_kernel(comb.reshape(-1), z.astype(jnp.int32), z_embed.T)
    return out_t.transpose(2, 0, 1)

# --- scband reference (transcript-rebuilt; emitter-appended) ---
"""Pipeline reference for scband-embed-elec-9234179687170 (READ-ONLY COPY).

The authoritative reference and input builder live on the scoring server;
editing this copy changes nothing except your own understanding.
"""

import jax, jax.numpy as jnp
import numpy as np

MAX_Z = 36
N_ORB = 13
EMBED_DIM = 64
N_NODE = 50000
# suborbital capacities for 1s,2s,2p(x2),3s,3p(x2),4s,3d(x3),4p(x2)
SUB_CAPS = [2, 2, 3, 3, 2, 3, 3, 2, 4, 3, 3, 3, 3]
MAX_IDX = [c + 1 for c in SUB_CAPS]  # num_embeddings per suborbital (padded to 5)


def _build_elec_table():
    table = np.zeros((MAX_Z + 1, N_ORB), dtype=np.int64)
    for zz in range(1, MAX_Z + 1):
        rem = zz
        for col, cap in enumerate(SUB_CAPS):
            e = min(rem, cap)
            table[zz, col] = e
            rem -= e
            if rem == 0:
                break
    return table


def setup_inputs(seed: int = 0) -> dict:
    key = jax.random.key(seed)
    k1, k2, k3 = jax.random.split(key, 3)
    z = jax.random.randint(k1, (N_NODE,), 0, MAX_Z + 1)
    z_embed = jax.random.normal(k2, (N_NODE, EMBED_DIM), dtype=jnp.float32)
    # per-orbital embedding tables, padded to max rows (5); row 0 is padding_idx -> zeros
    embeds = jax.random.normal(k3, (N_ORB, 5, EMBED_DIM), dtype=jnp.float32) * 0.02
    embeds = embeds.at[:, 0, :].set(0.0)
    return {"z": z, "z_embed": z_embed, "embeds": embeds}


def reference(z, z_embed, embeds):
    elec_table = jnp.asarray(_build_elec_table())
    elec = elec_table[z]  # [N, n_orb] electron counts per suborbital
    # per-orbital embedding lookup: embeds[i][elec[:, i]] for each orbital i
    orb_idx = jnp.arange(N_ORB)[None, :]  # [1, n_orb]
    gathered = embeds[orb_idx, elec]  # [N, n_orb, D]
    # padding_idx=0 semantics: row 0 is zero (enforced in setup); mask keeps it exact
    mask = (elec > 0).astype(gathered.dtype)[:, :, None]
    elec_embed = gathered * mask
    out = elec_embed + elec_embed * z_embed[:, None, :]
    return out

if __name__ == "__main__":
    import jax
    _d = setup_inputs()
    print(jax.jit(kernel)(*tuple(_d.values())))

</pallas_src>

<mosaic_0001>
#map = affine_map<(d0, d1) -> (0)>
#map1 = affine_map<(d0, d1) -> (0, 0)>
#map2 = affine_map<(d0, d1) -> (0, 0, 0)>
module attributes {stable_mosaic.version = 14 : i64} {
  func.func @sc_kernel(%arg0: i32, %arg1: i32, %arg2: memref<30821xf32, #tpu.memory_space<hbm>>, %arg3: memref<50000xi32, #tpu.memory_space<hbm>>, %arg4: memref<64x50000xf32, #tpu.memory_space<hbm>>, %arg5: memref<13x64x50000xf32, #tpu.memory_space<hbm>>, %arg6: memref<30821xf32, #tpu.memory_space<vmem>>, %arg7: memref<128xi32, #tpu.memory_space<vmem>>, %arg8: memref<128xi32, #tpu.memory_space<vmem>>, %arg9: memref<16x128xf32, #tpu.memory_space<vmem>>, %arg10: memref<16x128xf32, #tpu.memory_space<vmem>>, %arg11: memref<13x16x128xf32, #tpu.memory_space<vmem>>, %arg12: memref<13x16x128xf32, #tpu.memory_space<vmem>>, %arg13: memref<80xi32, #tpu.memory_space<vmem>>, %arg14: memref<16x80xf32, #tpu.memory_space<vmem>>, %arg15: memref<13x16x80xf32, #tpu.memory_space<vmem>>, %arg16: memref<!tpu.dma_semaphore, #tpu.memory_space<semaphore_mem>>, %arg17: memref<!tpu.dma_semaphore, #tpu.memory_space<semaphore_mem>>, %arg18: memref<!tpu.dma_semaphore, #tpu.memory_space<semaphore_mem>>, %arg19: memref<!tpu.dma_semaphore, #tpu.memory_space<semaphore_mem>>, %arg20: memref<!tpu.dma_semaphore, #tpu.memory_space<semaphore_mem>>, %arg21: memref<!tpu.dma_semaphore, #tpu.memory_space<semaphore_mem>>) attributes {dimension_semantics = [#tpu.dimension_semantics<core_parallel>, #tpu.dimension_semantics<subcore_parallel>], iteration_bounds = array<i64: 2, 16>, scalar_prefetch = 0 : i64, scratch_operands = 16 : i64, tpu.core_type = #tpu.core_type<sc_vector_subcore>, window_params = [{transform_indices = #map}, {transform_indices = #map}, {transform_indices = #map1}, {transform_indices = #map2}]} {
    %mul3A = arith.constant 2 : i32
    %mul3A_0 = arith.muli %arg1, %mul3A : i32
    %add3A = arith.addi %mul3A_0, %arg0 : i32
    %sub3A = arith.constant 389 : i32
    %sub3A_1 = arith.subi %sub3A, %add3A : i32
    %jit3A = arith.constant 32 : i32
    %div3A = arith.divsi %sub3A_1, %jit3A : i32
    %sign3A = arith.constant 0 : i32
    %sign3A_2 = arith.cmpi sgt, %sub3A_1, %sign3A : i32
    %sign3A_3 = arith.extui %sign3A_2 : i1 to i32
    %sign3A_4 = arith.constant 0 : i32
    %sign3A_5 = arith.cmpi slt, %sub3A_1, %sign3A_4 : i32
    %sign3A_6 = arith.extui %sign3A_5 : i1 to i32
    %sign3A_7 = arith.subi %sign3A_3, %sign3A_6 : i32
    %sign3A_8 = arith.constant 0 : i32
    %sign3A_9 = arith.cmpi sgt, %jit3A, %sign3A_8 : i32
    %sign3A_10 = arith.extui %sign3A_9 : i1 to i32
    %sign3A_11 = arith.constant 0 : i32
    %sign3A_12 = arith.cmpi slt, %jit3A, %sign3A_11 : i32
    %sign3A_13 = arith.extui %sign3A_12 : i1 to i32
    %sign3A_14 = arith.subi %sign3A_10, %sign3A_13 : i32
    %ne3A = arith.cmpi ne, %sign3A_7, %sign3A_14 : i32
    %rem3A = arith.remsi %sub3A_1, %jit3A : i32
    %ne3A_15 = arith.constant 0 : i32
    %ne3A_16 = arith.cmpi ne, %rem3A, %ne3A_15 : i32
    %and3A = arith.andi %ne3A, %ne3A_16 : i1
    %sub3A_17 = arith.constant 1 : i32
    %sub3A_18 = arith.subi %div3A, %sub3A_17 : i32
    %select_n3A = arith.select %and3A, %sub3A_18, %div3A : i32
    %add3A_19 = arith.constant 1 : i32
    %add3A_20 = arith.addi %select_n3A, %add3A_19 : i32
    %mul3A_21 = arith.constant 4 : i32
    %mul3A_22 = arith.muli %add3A_20, %mul3A_21 : i32
    %lt3A = arith.constant 0 : i32
    %lt3A_23 = arith.cmpi slt, %lt3A, %mul3A_22 : i32
    %convert_element_type3A = arith.extui %lt3A_23 : i1 to i32
    %cond3A = arith.constant 0 : i32
    %cond3A_24 = arith.constant 0 : i32
    %cond3A_25 = arith.cmpi ne, %convert_element_type3A, %cond3A_24 : i32
    scf.if %cond3A_25 {
      %jit3A_50 = arith.constant 4 : i32
      %div3A_51 = arith.divsi %cond3A, %jit3A_50 : i32
      %sign3A_52 = arith.constant 0 : i32
      %sign3A_53 = arith.cmpi sgt, %cond3A, %sign3A_52 : i32
      %sign3A_54 = arith.extui %sign3A_53 : i1 to i32
      %sign3A_55 = arith.constant 0 : i32
      %sign3A_56 = arith.cmpi slt, %cond3A, %sign3A_55 : i32
      %sign3A_57 = arith.extui %sign3A_56 : i1 to i32
      %sign3A_58 = arith.subi %sign3A_54, %sign3A_57 : i32
      %sign3A_59 = arith.constant 0 : i32
      %sign3A_60 = arith.cmpi sgt, %jit3A_50, %sign3A_59 : i32
      %sign3A_61 = arith.extui %sign3A_60 : i1 to i32
      %sign3A_62 = arith.constant 0 : i32
      %sign3A_63 = arith.cmpi slt, %jit3A_50, %sign3A_62 : i32
      %sign3A_64 = arith.extui %sign3A_63 : i1 to i32
      %sign3A_65 = arith.subi %sign3A_61, %sign3A_64 : i32
      %ne3A_66 = arith.cmpi ne, %sign3A_58, %sign3A_65 : i32
      %rem3A_67 = arith.remsi %cond3A, %jit3A_50 : i32
      %ne3A_68 = arith.constant 0 : i32
      %ne3A_69 = arith.cmpi ne, %rem3A_67, %ne3A_68 : i32
      %and3A_70 = arith.andi %ne3A_66, %ne3A_69 : i1
      %sub3A_71 = arith.constant 1 : i32
      %sub3A_72 = arith.subi %div3A_51, %sub3A_71 : i32
      %select_n3A_73 = arith.select %and3A_70, %sub3A_72, %div3A_51 : i32
      %jit3A_74 = arith.constant 4 : i32
      %eq3A_75 = arith.constant 0 : i32
      %eq3A_76 = arith.cmpi eq, %jit3A_74, %eq3A_75 : i32
      %jit3A_77 = arith.constant 1 : i32
      %select_n3A_78 = arith.select %eq3A_76, %jit3A_77, %jit3A_74 : i32
      %rem3A_79 = arith.remsi %cond3A, %select_n3A_78 : i32
      %ne3A_80 = arith.constant 0 : i32
      %ne3A_81 = arith.cmpi ne, %rem3A_79, %ne3A_80 : i32
      %lt3A_82 = arith.constant 0 : i32
      %lt3A_83 = arith.cmpi slt, %rem3A_79, %lt3A_82 : i32
      %lt3A_84 = arith.constant 0 : i32
      %lt3A_85 = arith.cmpi slt, %select_n3A_78, %lt3A_84 : i32
      %ne3A_86 = arith.xori %lt3A_83, %lt3A_85 : i1
      %and3A_87 = arith.andi %ne3A_86, %ne3A_81 : i1
      %add3A_88 = arith.addi %rem3A_79, %select_n3A_78 : i32
      %select_n3A_89 = arith.select %and3A_87, %add3A_88, %rem3A_79 : i32
      %mul3A_90 = arith.constant 32 : i32
      %mul3A_91 = arith.muli %select_n3A_73, %mul3A_90 : i32
      %add3A_92 = arith.addi %add3A, %mul3A_91 : i32
      %mul3A_93 = arith.constant 128 : i32
      %mul3A_94 = arith.muli %add3A_92, %mul3A_93 : i32
      %mul3A_95 = arith.constant 16 : i32
      %mul3A_96 = arith.muli %select_n3A_89, %mul3A_95 : i32
      %dma_start3A = tpu.memref_slice %arg3[%mul3A_94] : memref<50000xi32, #tpu.memory_space<hbm>> -> memref<128xi32, #tpu.memory_space<hbm>>
      %dma_start3A_97 = tpu.memref_slice %arg3[%mul3A_94] : memref<50000xi32, #tpu.memory_space<hbm>> -> memref<128xi32, #tpu.memory_space<hbm>>
      tpu.enqueue_dma source(%dma_start3A_97 : memref<128xi32, #tpu.memory_space<hbm>>) target(%arg7 : memref<128xi32, #tpu.memory_space<vmem>>) target_semaphore(%arg16 : memref<!tpu.dma_semaphore, #tpu.memory_space<semaphore_mem>>)
      %dma_start3A_98 = tpu.memref_slice %arg4[%mul3A_96, %mul3A_94] : memref<64x50000xf32, #tpu.memory_space<hbm>> -> memref<16x128xf32, #tpu.memory_space<hbm>>
      %dma_start3A_99 = tpu.memref_slice %arg4[%mul3A_96, %mul3A_94] : memref<64x50000xf32, #tpu.memory_space<hbm>> -> memref<16x128xf32, #tpu.memory_space<hbm>>
      tpu.enqueue_dma source(%dma_start3A_99 : memref<16x128xf32, #tpu.memory_space<hbm>>) target(%arg9 : memref<16x128xf32, #tpu.memory_space<vmem>>) target_semaphore(%arg18 : memref<!tpu.dma_semaphore, #tpu.memory_space<semaphore_mem>>)
    } else {
    }
    "tpu.region"() ({
      %run_scoped3A = tpu.sem_alloc : memref<!tpu.dma_semaphore, #tpu.memory_space<semaphore_mem>>
      tpu.enqueue_dma source(%arg2 : memref<30821xf32, #tpu.memory_space<hbm>>) target(%arg6 : memref<30821xf32, #tpu.memory_space<vmem>>) target_semaphore(%run_scoped3A : memref<!tpu.dma_semaphore, #tpu.memory_space<semaphore_mem>>)
      tpu.wait_dma2 semaphore(%run_scoped3A : memref<!tpu.dma_semaphore, #tpu.memory_space<semaphore_mem>>) src(%arg2 : memref<30821xf32, #tpu.memory_space<hbm>>) dst(%arg6 : memref<30821xf32, #tpu.memory_space<vmem>>)
      tpu.yield
    }) : () -> ()
    %scan3A = arith.constant 0 : i32
    %scan3A_26 = arith.constant 0 : i32
    %scan3A_27 = arith.constant 26 : i32
    %scan3A_28 = arith.addi %scan3A_26, %scan3A_27 : i32
    %scan3A_29 = arith.constant 1 : i32
    scf.for %scan3A_50 = %scan3A_26 to %scan3A_28 step %scan3A_29  : i32 {
      %mul3A_51 = arith.constant 2 : i32
      %mul3A_52 = arith.muli %mul3A_51, %scan3A_50 : i32
      %add3A_53 = arith.constant 0 : i32
      %add3A_54 = arith.addi %mul3A_52, %add3A_53 : i32
      %add3A_55 = arith.constant 1 : i32
      %add3A_56 = arith.addi %add3A_54, %add3A_55 : i32
      %lt3A_57 = arith.cmpi slt, %add3A_56, %mul3A_22 : i32
      %convert_element_type3A_58 = arith.extui %lt3A_57 : i1 to i32
      %cond3A_59 = arith.constant 0 : i32
      %cond3A_60 = arith.cmpi ne, %convert_element_type3A_58, %cond3A_59 : i32
      scf.if %cond3A_60 {
        %jit3A_79 = arith.constant 4 : i32
        %div3A_80 = arith.divsi %add3A_56, %jit3A_79 : i32
        %sign3A_81 = arith.constant 0 : i32
        %sign3A_82 = arith.cmpi sgt, %add3A_56, %sign3A_81 : i32
        %sign3A_83 = arith.extui %sign3A_82 : i1 to i32
        %sign3A_84 = arith.constant 0 : i32
        %sign3A_85 = arith.cmpi slt, %add3A_56, %sign3A_84 : i32
        %sign3A_86 = arith.extui %sign3A_85 : i1 to i32
        %sign3A_87 = arith.subi %sign3A_83, %sign3A_86 : i32
        %sign3A_88 = arith.constant 0 : i32
        %sign3A_89 = arith.cmpi sgt, %jit3A_79, %sign3A_88 : i32
        %sign3A_90 = arith.extui %sign3A_89 : i1 to i32
        %sign3A_91 = arith.constant 0 : i32
        %sign3A_92 = arith.cmpi slt, %jit3A_79, %sign3A_91 : i32
        %sign3A_93 = arith.extui %sign3A_92 : i1 to i32
        %sign3A_94 = arith.subi %sign3A_90, %sign3A_93 : i32
        %ne3A_95 = arith.cmpi ne, %sign3A_87, %sign3A_94 : i32
        %rem3A_96 = arith.remsi %add3A_56, %jit3A_79 : i32
        %ne3A_97 = arith.constant 0 : i32
        %ne3A_98 = arith.cmpi ne, %rem3A_96, %ne3A_97 : i32
        %and3A_99 = arith.andi %ne3A_95, %ne3A_98 : i1
        %sub3A_100 = arith.constant 1 : i32
        %sub3A_101 = arith.subi %div3A_80, %sub3A_100 : i32
        %select_n3A_102 = arith.select %and3A_99, %sub3A_101, %div3A_80 : i32
        %jit3A_103 = arith.constant 4 : i32
        %eq3A_104 = arith.constant 0 : i32
        %eq3A_105 = arith.cmpi eq, %jit3A_103, %eq3A_104 : i32
        %jit3A_106 = arith.constant 1 : i32
        %select_n3A_107 = arith.select %eq3A_105, %jit3A_106, %jit3A_103 : i32
        %rem3A_108 = arith.remsi %add3A_56, %select_n3A_107 : i32
        %ne3A_109 = arith.constant 0 : i32
        %ne3A_110 = arith.cmpi ne, %rem3A_108, %ne3A_109 : i32
        %lt3A_111 = arith.constant 0 : i32
        %lt3A_112 = arith.cmpi slt, %rem3A_108, %lt3A_111 : i32
        %lt3A_113 = arith.constant 0 : i32
        %lt3A_114 = arith.cmpi slt, %select_n3A_107, %lt3A_113 : i32
        %ne3A_115 = arith.xori %lt3A_112, %lt3A_114 : i1
        %and3A_116 = arith.andi %ne3A_115, %ne3A_110 : i1
        %add3A_117 = arith.addi %rem3A_108, %select_n3A_107 : i32
        %select_n3A_118 = arith.select %and3A_116, %add3A_117, %rem3A_108 : i32
        %mul3A_119 = arith.constant 32 : i32
        %mul3A_120 = arith.muli %select_n3A_102, %mul3A_119 : i32
        %add3A_121 = arith.addi %add3A, %mul3A_120 : i32
        %mul3A_122 = arith.constant 128 : i32
        %mul3A_123 = arith.muli %add3A_121, %mul3A_122 : i32
        %mul3A_124 = arith.constant 16 : i32
        %mul3A_125 = arith.muli %select_n3A_118, %mul3A_124 : i32
        %dma_start3A = tpu.memref_slice %arg3[%mul3A_123] : memref<50000xi32, #tpu.memory_space<hbm>> -> memref<128xi32, #tpu.memory_space<hbm>>
        %dma_start3A_126 = tpu.memref_slice %arg3[%mul3A_123] : memref<50000xi32, #tpu.memory_space<hbm>> -> memref<128xi32, #tpu.memory_space<hbm>>
        tpu.enqueue_dma source(%dma_start3A_126 : memref<128xi32, #tpu.memory_space<hbm>>) target(%arg8 : memref<128xi32, #tpu.memory_space<vmem>>) target_semaphore(%arg17 : memref<!tpu.dma_semaphore, #tpu.memory_space<semaphore_mem>>)
        %dma_start3A_127 = tpu.memref_slice %arg4[%mul3A_125, %mul3A_123] : memref<64x50000xf32, #tpu.memory_space<hbm>> -> memref<16x128xf32, #tpu.memory_space<hbm>>
        %dma_start3A_128 = tpu.memref_slice %arg4[%mul3A_125, %mul3A_123] : memref<64x50000xf32, #tpu.memory_space<hbm>> -> memref<16x128xf32, #tpu.memory_space<hbm>>
        tpu.enqueue_dma source(%dma_start3A_128 : memref<16x128xf32, #tpu.memory_space<hbm>>) target(%arg10 : memref<16x128xf32, #tpu.memory_space<vmem>>) target_semaphore(%arg19 : memref<!tpu.dma_semaphore, #tpu.memory_space<semaphore_mem>>)
      } else {
      }
      %lt3A_61 = arith.cmpi slt, %add3A_54, %mul3A_22 : i32
      %convert_element_type3A_62 = arith.extui %lt3A_61 : i1 to i32
      %cond3A_63 = arith.constant 0 : i32
      %cond3A_64 = arith.cmpi ne, %convert_element_type3A_62, %cond3A_63 : i32
      scf.if %cond3A_64 {
        %jit3A_79 = arith.constant 4 : i32
        %div3A_80 = arith.divsi %add3A_54, %jit3A_79 : i32
        %sign3A_81 = arith.constant 0 : i32
        %sign3A_82 = arith.cmpi sgt, %add3A_54, %sign3A_81 : i32
        %sign3A_83 = arith.extui %sign3A_82 : i1 to i32
        %sign3A_84 = arith.constant 0 : i32
        %sign3A_85 = arith.cmpi slt, %add3A_54, %sign3A_84 : i32
        %sign3A_86 = arith.extui %sign3A_85 : i1 to i32
        %sign3A_87 = arith.subi %sign3A_83, %sign3A_86 : i32
        %sign3A_88 = arith.constant 0 : i32
        %sign3A_89 = arith.cmpi sgt, %jit3A_79, %sign3A_88 : i32
        %sign3A_90 = arith.extui %sign3A_89 : i1 to i32
        %sign3A_91 = arith.constant 0 : i32
        %sign3A_92 = arith.cmpi slt, %jit3A_79, %sign3A_91 : i32
        %sign3A_93 = arith.extui %sign3A_92 : i1 to i32
        %sign3A_94 = arith.subi %sign3A_90, %sign3A_93 : i32
        %ne3A_95 = arith.cmpi ne, %sign3A_87, %sign3A_94 : i32
        %rem3A_96 = arith.remsi %add3A_54, %jit3A_79 : i32
        %ne3A_97 = arith.constant 0 : i32
        %ne3A_98 = arith.cmpi ne, %rem3A_96, %ne3A_97 : i32
        %and3A_99 = arith.andi %ne3A_95, %ne3A_98 : i1
        %sub3A_100 = arith.constant 1 : i32
        %sub3A_101 = arith.subi %div3A_80, %sub3A_100 : i32
        %select_n3A_102 = arith.select %and3A_99, %sub3A_101, %div3A_80 : i32
        %jit3A_103 = arith.constant 4 : i32
        %eq3A_104 = arith.constant 0 : i32
        %eq3A_105 = arith.cmpi eq, %jit3A_103, %eq3A_104 : i32
        %jit3A_106 = arith.constant 1 : i32
        %select_n3A_107 = arith.select %eq3A_105, %jit3A_106, %jit3A_103 : i32
        %rem3A_108 = arith.remsi %add3A_54, %select_n3A_107 : i32
        %ne3A_109 = arith.constant 0 : i32
        %ne3A_110 = arith.cmpi ne, %rem3A_108, %ne3A_109 : i32
        %lt3A_111 = arith.constant 0 : i32
        %lt3A_112 = arith.cmpi slt, %rem3A_108, %lt3A_111 : i32
        %lt3A_113 = arith.constant 0 : i32
        %lt3A_114 = arith.cmpi slt, %select_n3A_107, %lt3A_113 : i32
        %ne3A_115 = arith.xori %lt3A_112, %lt3A_114 : i1
        %and3A_116 = arith.andi %ne3A_115, %ne3A_110 : i1
        %add3A_117 = arith.addi %rem3A_108, %select_n3A_107 : i32
        %select_n3A_118 = arith.select %and3A_116, %add3A_117, %rem3A_108 : i32
        %mul3A_119 = arith.constant 32 : i32
        %mul3A_120 = arith.muli %select_n3A_102, %mul3A_119 : i32
        %add3A_121 = arith.addi %add3A, %mul3A_120 : i32
        %mul3A_122 = arith.constant 128 : i32
        %mul3A_123 = arith.muli %add3A_121, %mul3A_122 : i32
        %mul3A_124 = arith.constant 16 : i32
        %mul3A_125 = arith.muli %select_n3A_118, %mul3A_124 : i32
        %dma_wait3A_126 = arith.constant 0 : i32
        %dma_wait3A_127 = tpu.memref_slice %arg3[%dma_wait3A_126] : memref<50000xi32, #tpu.memory_space<hbm>> -> memref<128xi32, #tpu.memory_space<hbm>>
        %dma_wait3A_128 = arith.constant 0 : i32
        %dma_wait3A_129 = tpu.memref_slice %arg3[%dma_wait3A_128] : memref<50000xi32, #tpu.memory_space<hbm>> -> memref<128xi32, #tpu.memory_space<hbm>>
        tpu.wait_dma2 semaphore(%arg16 : memref<!tpu.dma_semaphore, #tpu.memory_space<semaphore_mem>>) src(%dma_wait3A_129 : memref<128xi32, #tpu.memory_space<hbm>>) dst(%arg7 : memref<128xi32, #tpu.memory_space<vmem>>)
        %dma_wait3A_130 = arith.constant 0 : i32
        %dma_wait3A_131 = arith.constant 0 : i32
        %dma_wait3A_132 = tpu.memref_slice %arg4[%dma_wait3A_130, %dma_wait3A_131] : memref<64x50000xf32, #tpu.memory_space<hbm>> -> memref<16x128xf32, #tpu.memory_space<hbm>>
        %dma_wait3A_133 = arith.constant 0 : i32
        %dma_wait3A_134 = arith.constant 0 : i32
        %dma_wait3A_135 = tpu.memref_slice %arg4[%dma_wait3A_133, %dma_wait3A_134] : memref<64x50000xf32, #tpu.memory_space<hbm>> -> memref<16x128xf32, #tpu.memory_space<hbm>>
        tpu.wait_dma2 semaphore(%arg18 : memref<!tpu.dma_semaphore, #tpu.memory_space<semaphore_mem>>) src(%dma_wait3A_135 : memref<16x128xf32, #tpu.memory_space<hbm>>) dst(%arg9 : memref<16x128xf32, #tpu.memory_space<vmem>>)
        %ge3A = arith.constant 2 : i32
        %ge3A_136 = arith.cmpi sge, %add3A_54, %ge3A : i32
        %convert_element_type3A_137 = arith.extui %ge3A_136 : i1 to i32
        %cond3A_138 = arith.constant 0 : i32
        %cond3A_139 = arith.cmpi ne, %convert_element_type3A_137, %cond3A_138 : i32
        scf.if %cond3A_139 {
          %dma_wait3A_145 = arith.constant 0 : i32
          %dma_wait3A_146 = arith.constant 0 : i32
          %dma_wait3A_147 = arith.constant 0 : i32
          %dma_wait3A_148 = tpu.memref_slice %arg5[%dma_wait3A_145, %dma_wait3A_146, %dma_wait3A_147] : memref<13x64x50000xf32, #tpu.memory_space<hbm>> -> memref<13x16x128xf32, #tpu.memory_space<hbm>>
          %dma_wait3A_149 = arith.constant 0 : i32
          %dma_wait3A_150 = arith.constant 0 : i32
          %dma_wait3A_151 = arith.constant 0 : i32
          %dma_wait3A_152 = tpu.memref_slice %arg5[%dma_wait3A_149, %dma_wait3A_150, %dma_wait3A_151] : memref<13x64x50000xf32, #tpu.memory_space<hbm>> -> memref<13x16x128xf32, #tpu.memory_space<hbm>>
          tpu.wait_dma2 semaphore(%arg20 : memref<!tpu.dma_semaphore, #tpu.memory_space<semaphore_mem>>) src(%arg11 : memref<13x16x128xf32, #tpu.memory_space<vmem>>) dst(%dma_wait3A_152 : memref<13x16x128xf32, #tpu.memory_space<hbm>>)
        } else {
        }
        %parallel_loop3A = arith.constant 0 : i32
        %parallel_loop3A_140 = arith.constant 128 : i32
        %parallel_loop3A_141 = arith.constant 1 : i32
        scf.for %parallel_loop3A_145 = %parallel_loop3A to %parallel_loop3A_140 step %parallel_loop3A_141  : i32 {
          %parallel_loop3A_146 = arith.constant 16 : i32
          %parallel_loop3A_147 = arith.divsi %parallel_loop3A_145, %parallel_loop3A_146 : i32
          %parallel_loop3A_148 = arith.constant 0 : i32
          %parallel_loop3A_149 = arith.cmpi sgt, %parallel_loop3A_145, %parallel_loop3A_148 : i32
          %parallel_loop3A_150 = arith.extui %parallel_loop3A_149 : i1 to i32
          %parallel_loop3A_151 = arith.constant 0 : i32
          %parallel_loop3A_152 = arith.cmpi slt, %parallel_loop3A_145, %parallel_loop3A_151 : i32
          %parallel_loop3A_153 = arith.extui %parallel_loop3A_152 : i1 to i32
          %parallel_loop3A_154 = arith.subi %parallel_loop3A_150, %parallel_loop3A_153 : i32
          %parallel_loop3A_155 = arith.constant 0 : i32
          %parallel_loop3A_156 = arith.cmpi sgt, %parallel_loop3A_146, %parallel_loop3A_155 : i32
          %parallel_loop3A_157 = arith.extui %parallel_loop3A_156 : i1 to i32
          %parallel_loop3A_158 = arith.constant 0 : i32
          %parallel_loop3A_159 = arith.cmpi slt, %parallel_loop3A_146, %parallel_loop3A_158 : i32
          %parallel_loop3A_160 = arith.extui %parallel_loop3A_159 : i1 to i32
          %parallel_loop3A_161 = arith.subi %parallel_loop3A_157, %parallel_loop3A_160 : i32
          %parallel_loop3A_162 = arith.cmpi ne, %parallel_loop3A_154, %parallel_loop3A_161 : i32
          %parallel_loop3A_163 = arith.remsi %parallel_loop3A_145, %parallel_loop3A_146 : i32
          %parallel_loop3A_164 = arith.constant 0 : i32
          %parallel_loop3A_165 = arith.cmpi ne, %parallel_loop3A_163, %parallel_loop3A_164 : i32
          %parallel_loop3A_166 = arith.andi %parallel_loop3A_162, %parallel_loop3A_165 : i1
          %parallel_loop3A_167 = arith.constant 1 : i32
          %parallel_loop3A_168 = arith.subi %parallel_loop3A_147, %parallel_loop3A_167 : i32
          %parallel_loop3A_169 = arith.select %parallel_loop3A_166, %parallel_loop3A_168, %parallel_loop3A_147 : i32
          %parallel_loop3A_170 = arith.constant 16 : i32
          %parallel_loop3A_171 = arith.muli %parallel_loop3A_169, %parallel_loop3A_170 : i32
          %parallel_loop3A_172 = arith.constant 16 : i32
          %parallel_loop3A_173 = arith.constant 0 : i32
          %parallel_loop3A_174 = arith.cmpi eq, %parallel_loop3A_172, %parallel_loop3A_173 : i32
          %parallel_loop3A_175 = arith.constant 1 : i32
          %parallel_loop3A_176 = arith.select %parallel_loop3A_174, %parallel_loop3A_175, %parallel_loop3A_172 : i32
          %parallel_loop3A_177 = arith.remsi %parallel_loop3A_145, %parallel_loop3A_176 : i32
          %parallel_loop3A_178 = arith.constant 0 : i32
          %parallel_loop3A_179 = arith.cmpi ne, %parallel_loop3A_177, %parallel_loop3A_178 : i32
          %parallel_loop3A_180 = arith.constant 0 : i32
          %parallel_loop3A_181 = arith.cmpi slt, %parallel_loop3A_177, %parallel_loop3A_180 : i32
          %parallel_loop3A_182 = arith.constant 0 : i32
          %parallel_loop3A_183 = arith.cmpi slt, %parallel_loop3A_176, %parallel_loop3A_182 : i32
          %parallel_loop3A_184 = arith.xori %parallel_loop3A_181, %parallel_loop3A_183 : i1
          %parallel_loop3A_185 = arith.andi %parallel_loop3A_184, %parallel_loop3A_179 : i1
          %parallel_loop3A_186 = arith.addi %parallel_loop3A_177, %parallel_loop3A_176 : i32
          %parallel_loop3A_187 = arith.select %parallel_loop3A_185, %parallel_loop3A_186, %parallel_loop3A_177 : i32
          %parallel_loop3A_188 = arith.index_cast %parallel_loop3A_171 : i32 to index
          %parallel_loop3A_189 = tpu.vector_load %arg7[%parallel_loop3A_188] {strides = array<i32>} : memref<128xi32, #tpu.memory_space<vmem>>, vector<16xi32>,
          %parallel_loop3A_190 = arith.index_cast %parallel_loop3A_187 : i32 to index
          %parallel_loop3A_191 = arith.index_cast %parallel_loop3A_171 : i32 to index
          %parallel_loop3A_192 = tpu.vector_load %arg9[%parallel_loop3A_190, %parallel_loop3A_191] {strides = array<i32>} : memref<16x128xf32, #tpu.memory_space<vmem>>, vector<16xf32>,
          %parallel_loop3A_193 = arith.constant 1.000000e+00 : f32
          %parallel_loop3A_194 = vector.broadcast %parallel_loop3A_193 : f32 to vector<16xf32>
          %parallel_loop3A_195 = arith.addf %parallel_loop3A_194, %parallel_loop3A_192 : vector<16xf32>
          %parallel_loop3A_196 = arith.constant 833 : i32
          %parallel_loop3A_197 = vector.broadcast %parallel_loop3A_196 : i32 to vector<16xi32>
          %parallel_loop3A_198 = arith.muli %parallel_loop3A_189, %parallel_loop3A_197 : vector<16xi32>
          %parallel_loop3A_199 = arith.addi %mul3A_125, %parallel_loop3A_187 : i32
          %parallel_loop3A_200 = vector.broadcast %parallel_loop3A_199 : i32 to vector<16xi32>
          %parallel_loop3A_201 = arith.addi %parallel_loop3A_198, %parallel_loop3A_200 : vector<16xi32>
          %parallel_loop3A_202 = arith.constant 0 : i32
          %parallel_loop3A_203 = vector.broadcast %parallel_loop3A_202 : i32 to vector<16xi32>
          %parallel_loop3A_204 = arith.addi %parallel_loop3A_201, %parallel_loop3A_203 : vector<16xi32>
          %parallel_loop3A_205 = tpu.vector_load_idx %arg6[%parallel_loop3A_204] : memref<30821xf32, #tpu.memory_space<vmem>>[vector<16xi32>], vector<16xf32>,
          %parallel_loop3A_206 = arith.mulf %parallel_loop3A_205, %parallel_loop3A_195 : vector<16xf32>
          %parallel_loop3A_207 = arith.constant 0 : i32
          %parallel_loop3A_208 = arith.index_cast %parallel_loop3A_207 : i32 to index
          %parallel_loop3A_209 = arith.index_cast %parallel_loop3A_187 : i32 to index
          %parallel_loop3A_210 = arith.index_cast %parallel_loop3A_171 : i32 to index
          %parallel_loop3A_211 = tpu.vector_load %arg11[%parallel_loop3A_208, %parallel_loop3A_209, %parallel_loop3A_210] {strides = array<i32>} : memref<13x16x128xf32, #tpu.memory_space<vmem>>, vector<16xf32>,
          tpu.vector_store %arg11[%parallel_loop3A_208, %parallel_loop3A_209, %parallel_loop3A_210], %parallel_loop3A_206 {strides = array<i32>} : memref<13x16x128xf32, #tpu.memory_space<vmem>>, vector<16xf32>,
          %parallel_loop3A_212 = arith.constant 64 : i32
          %parallel_loop3A_213 = vector.broadcast %parallel_loop3A_212 : i32 to vector<16xi32>
          %parallel_loop3A_214 = arith.addi %parallel_loop3A_201, %parallel_loop3A_213 : vector<16xi32>
          %parallel_loop3A_215 = tpu.vector_load_idx %arg6[%parallel_loop3A_214] : memref<30821xf32, #tpu.memory_space<vmem>>[vector<16xi32>], vector<16xf32>,
          %parallel_loop3A_216 = arith.mulf %parallel_loop3A_215, %parallel_loop3A_195 : vector<16xf32>
          %parallel_loop3A_217 = arith.constant 1 : i32
          %parallel_loop3A_218 = arith.index_cast %parallel_loop3A_217 : i32 to index
          %parallel_loop3A_219 = arith.index_cast %parallel_loop3A_187 : i32 to index
          %parallel_loop3A_220 = arith.index_cast %parallel_loop3A_171 : i32 to index
          %parallel_loop3A_221 = tpu.vector_load %arg11[%parallel_loop3A_218, %parallel_loop3A_219, %parallel_loop3A_220] {strides = array<i32>} : memref<13x16x128xf32, #tpu.memory_space<vmem>>, vector<16xf32>,
          tpu.vector_store %arg11[%parallel_loop3A_218, %parallel_loop3A_219, %parallel_loop3A_220], %parallel_loop3A_216 {strides = array<i32>} : memref<13x16x128xf32, #tpu.memory_space<vmem>>, vector<16xf32>,
          %parallel_loop3A_222 = arith.constant 128 : i32
          %parallel_loop3A_223 = vector.broadcast %parallel_loop3A_222 : i32 to vector<16xi32>
          %parallel_loop3A_224 = arith.addi %parallel_loop3A_201, %parallel_loop3A_223 : vector<16xi32>
          %parallel_loop3A_225 = tpu.vector_load_idx %arg6[%parallel_loop3A_224] : memref<30821xf32, #tpu.memory_space<vmem>>[vector<16xi32>], vector<16xf32>,
          %parallel_loop3A_226 = arith.mulf %parallel_loop3A_225, %parallel_loop3A_195 : vector<16xf32>
          %parallel_loop3A_227 = arith.constant 2 : i32
          %parallel_loop3A_228 = arith.index_cast %parallel_loop3A_227 : i32 to index
          %parallel_loop3A_229 = arith.index_cast %parallel_loop3A_187 : i32 to index
          %parallel_loop3A_230 = arith.index_cast %parallel_loop3A_171 : i32 to index
          %parallel_loop3A_231 = tpu.vector_load %arg11[%parallel_loop3A_228, %parallel_loop3A_229, %parallel_loop3A_230] {strides = array<i32>} : memref<13x16x128xf32, #tpu.memory_space<vmem>>, vector<16xf32>,
          tpu.vector_store %arg11[%parallel_loop3A_228, %parallel_loop3A_229, %parallel_loop3A_230], %parallel_loop3A_226 {strides = array<i32>} : memref<13x16x128xf32, #tpu.memory_space<vmem>>, vector<16xf32>,
          %parallel_loop3A_232 = arith.constant 192 : i32
          %parallel_loop3A_233 = vector.broadcast %parallel_loop3A_232 : i32 to vector<16xi32>
          %parallel_loop3A_234 = arith.addi %parallel_loop3A_201, %parallel_loop3A_233 : vector<16xi32>
          %parallel_loop3A_235 = tpu.vector_load_idx %arg6[%parallel_loop3A_234] : memref<30821xf32, #tpu.memory_space<vmem>>[vector<16xi32>], vector<16xf32>,
          %parallel_loop3A_236 = arith.mulf %parallel_loop3A_235, %parallel_loop3A_195 : vector<16xf32>
          %parallel_loop3A_237 = arith.constant 3 : i32
          %parallel_loop3A_238 = arith.index_cast %parallel_loop3A_237 : i32 to index
          %parallel_loop3A_239 = arith.index_cast %parallel_loop3A_187 : i32 to index
          %parallel_loop3A_240 = arith.index_cast %parallel_loop3A_171 : i32 to index
          %parallel_loop3A_241 = tpu.vector_load %arg11[%parallel_loop3A_238, %parallel_loop3A_239, %parallel_loop3A_240] {strides = array<i32>} : memref<13x16x128xf32, #tpu.memory_space<vmem>>, vector<16xf32>,
          tpu.vector_store %arg11[%parallel_loop3A_238, %parallel_loop3A_239, %parallel_loop3A_240], %parallel_loop3A_236 {strides = array<i32>} : memref<13x16x128xf32, #tpu.memory_space<vmem>>, vector<16xf32>,
          %parallel_loop3A_242 = arith.constant 256 : i32
          %parallel_loop3A_243 = vector.broadcast %parallel_loop3A_242 : i32 to vector<16xi32>
          %parallel_loop3A_244 = arith.addi %parallel_loop3A_201, %parallel_loop3A_243 : vector<16xi32>
          %parallel_loop3A_245 = tpu.vector_load_idx %arg6[%parallel_loop3A_244] : memref<30821xf32, #tpu.memory_space<vmem>>[vector<16xi32>], vector<16xf32>,
          %parallel_loop3A_246 = arith.mulf %parallel_loop3A_245, %parallel_loop3A_195 : vector<16xf32>
          %parallel_loop3A_247 = arith.constant 4 : i32
          %parallel_loop3A_248 = arith.index_cast %parallel_loop3A_247 : i32 to index
          %parallel_loop3A_249 = arith.index_cast %parallel_loop3A_187 : i32 to index
          %parallel_loop3A_250 = arith.index_cast %parallel_loop3A_171 : i32 to index
          %parallel_loop3A_251 = tpu.vector_load %arg11[%parallel_loop3A_248, %parallel_loop3A_249, %parallel_loop3A_250] {strides = array<i32>} : memref<13x16x128xf32, #tpu.memory_space<vmem>>, vector<16xf32>,
          tpu.vector_store %arg11[%parallel_loop3A_248, %parallel_loop3A_249, %parallel_loop3A_250], %parallel_loop3A_246 {strides = array<i32>} : memref<13x16x128xf32, #tpu.memory_space<vmem>>, vector<16xf32>,
          %parallel_loop3A_252 = arith.constant 320 : i32
          %parallel_loop3A_253 = vector.broadcast %parallel_loop3A_252 : i32 to vector<16xi32>
          %parallel_loop3A_254 = arith.addi %parallel_loop3A_201, %parallel_loop3A_253 : vector<16xi32>
          %parallel_loop3A_255 = tpu.vector_load_idx %arg6[%parallel_loop3A_254] : memref<30821xf32, #tpu.memory_space<vmem>>[vector<16xi32>], vector<16xf32>,
          %parallel_loop3A_256 = arith.mulf %parallel_loop3A_255, %parallel_loop3A_195 : vector<16xf32>
          %parallel_loop3A_257 = arith.constant 5 : i32
          %parallel_loop3A_258 = arith.index_cast %parallel_loop3A_257 : i32 to index
          %parallel_loop3A_259 = arith.index_cast %parallel_loop3A_187 : i32 to index
          %parallel_loop3A_260 = arith.index_cast %parallel_loop3A_171 : i32 to index
          %parallel_loop3A_261 = tpu.vector_load %arg11[%parallel_loop3A_258, %parallel_loop3A_259, %parallel_loop3A_260] {strides = array<i32>} : memref<13x16x128xf32, #tpu.memory_space<vmem>>, vector<16xf32>,
          tpu.vector_store %arg11[%parallel_loop3A_258, %parallel_loop3A_259, %parallel_loop3A_260], %parallel_loop3A_256 {strides = array<i32>} : memref<13x16x128xf32, #tpu.memory_space<vmem>>, vector<16xf32>,
          %parallel_loop3A_262 = arith.constant 384 : i32
          %parallel_loop3A_263 = vector.broadcast %parallel_loop3A_262 : i32 to vector<16xi32>
          %parallel_loop3A_264 = arith.addi %parallel_loop3A_201, %parallel_loop3A_263 : vector<16xi32>
          %parallel_loop3A_265 = tpu.vector_load_idx %arg6[%parallel_loop3A_264] : memref<30821xf32, #tpu.memory_space<vmem>>[vector<16xi32>], vector<16xf32>,
          %parallel_loop3A_266 = arith.mulf %parallel_loop3A_265, %parallel_loop3A_195 : vector<16xf32>
          %parallel_loop3A_267 = arith.constant 6 : i32
          %parallel_loop3A_268 = arith.index_cast %parallel_loop3A_267 : i32 to index
          %parallel_loop3A_269 = arith.index_cast %parallel_loop3A_187 : i32 to index
          %parallel_loop3A_270 = arith.index_cast %parallel_loop3A_171 : i32 to index
          %parallel_loop3A_271 = tpu.vector_load %arg11[%parallel_loop3A_268, %parallel_loop3A_269, %parallel_loop3A_270] {strides = array<i32>} : memref<13x16x128xf32, #tpu.memory_space<vmem>>, vector<16xf32>,
          tpu.vector_store %arg11[%parallel_loop3A_268, %parallel_loop3A_269, %parallel_loop3A_270], %parallel_loop3A_266 {strides = array<i32>} : memref<13x16x128xf32, #tpu.memory_space<vmem>>, vector<16xf32>,
          %parallel_loop3A_272 = arith.constant 448 : i32
          %parallel_loop3A_273 = vector.broadcast %parallel_loop3A_272 : i32 to vector<16xi32>
          %parallel_loop3A_274 = arith.addi %parallel_loop3A_201, %parallel_loop3A_273 : vector<16xi32>
          %parallel_loop3A_275 = tpu.vector_load_idx %arg6[%parallel_loop3A_274] : memref<30821xf32, #tpu.memory_space<vmem>>[vector<16xi32>], vector<16xf32>,
          %parallel_loop3A_276 = arith.mulf %parallel_loop3A_275, %parallel_loop3A_195 : vector<16xf32>
          %parallel_loop3A_277 = arith.constant 7 : i32
          %parallel_loop3A_278 = arith.index_cast %parallel_loop3A_277 : i32 to index
          %parallel_loop3A_279 = arith.index_cast %parallel_loop3A_187 : i32 to index
          %parallel_loop3A_280 = arith.index_cast %parallel_loop3A_171 : i32 to index
          %parallel_loop3A_281 = tpu.vector_load %arg11[%parallel_loop3A_278, %parallel_loop3A_279, %parallel_loop3A_280] {strides = array<i32>} : memref<13x16x128xf32, #tpu.memory_space<vmem>>, vector<16xf32>,
          tpu.vector_store %arg11[%parallel_loop3A_278, %parallel_loop3A_279, %parallel_loop3A_280], %parallel_loop3A_276 {strides = array<i32>} : memref<13x16x128xf32, #tpu.memory_space<vmem>>, vector<16xf32>,
          %parallel_loop3A_282 = arith.constant 512 : i32
          %parallel_loop3A_283 = vector.broadcast %parallel_loop3A_282 : i32 to vector<16xi32>
          %parallel_loop3A_284 = arith.addi %parallel_loop3A_201, %parallel_loop3A_283 : vector<16xi32>
          %parallel_loop3A_285 = tpu.vector_load_idx %arg6[%parallel_loop3A_284] : memref<30821xf32, #tpu.memory_space<vmem>>[vector<16xi32>], vector<16xf32>,
          %parallel_loop3A_286 = arith.mulf %parallel_loop3A_285, %parallel_loop3A_195 : vector<16xf32>
          %parallel_loop3A_287 = arith.constant 8 : i32
          %parallel_loop3A_288 = arith.index_cast %parallel_loop3A_287 : i32 to index
          %parallel_loop3A_289 = arith.index_cast %parallel_loop3A_187 : i32 to index
          %parallel_loop3A_290 = arith.index_cast %parallel_loop3A_171 : i32 to index
          %parallel_loop3A_291 = tpu.vector_load %arg11[%parallel_loop3A_288, %parallel_loop3A_289, %parallel_loop3A_290] {strides = array<i32>} : memref<13x16x128xf32, #tpu.memory_space<vmem>>, vector<16xf32>,
          tpu.vector_store %arg11[%parallel_loop3A_288, %parallel_loop3A_289, %parallel_loop3A_290], %parallel_loop3A_286 {strides = array<i32>} : memref<13x16x128xf32, #tpu.memory_space<vmem>>, vector<16xf32>,
          %parallel_loop3A_292 = arith.constant 576 : i32
          %parallel_loop3A_293 = vector.broadcast %parallel_loop3A_292 : i32 to vector<16xi32>
          %parallel_loop3A_294 = arith.addi %parallel_loop3A_201, %parallel_loop3A_293 : vector<16xi32>
          %parallel_loop3A_295 = tpu.vector_load_idx %arg6[%parallel_loop3A_294] : memref<30821xf32, #tpu.memory_space<vmem>>[vector<16xi32>], vector<16xf32>,
          %parallel_loop3A_296 = arith.mulf %parallel_loop3A_295, %parallel_loop3A_195 : vector<16xf32>
          %parallel_loop3A_297 = arith.constant 9 : i32
          %parallel_loop3A_298 = arith.index_cast %parallel_loop3A_297 : i32 to index
          %parallel_loop3A_299 = arith.index_cast %parallel_loop3A_187 : i32 to index
          %parallel_loop3A_300 = arith.index_cast %parallel_loop3A_171 : i32 to index
          %parallel_loop3A_301 = tpu.vector_load %arg11[%parallel_loop3A_298, %parallel_loop3A_299, %parallel_loop3A_300] {strides = array<i32>} : memref<13x16x128xf32, #tpu.memory_space<vmem>>, vector<16xf32>,
          tpu.vector_store %arg11[%parallel_loop3A_298, %parallel_loop3A_299, %parallel_loop3A_300], %parallel_loop3A_296 {strides = array<i32>} : memref<13x16x128xf32, #tpu.memory_space<vmem>>, vector<16xf32>,
          %parallel_loop3A_302 = arith.constant 640 : i32
          %parallel_loop3A_303 = vector.broadcast %parallel_loop3A_302 : i32 to vector<16xi32>
          %parallel_loop3A_304 = arith.addi %parallel_loop3A_201, %parallel_loop3A_303 : vector<16xi32>
          %parallel_loop3A_305 = tpu.vector_load_idx %arg6[%parallel_loop3A_304] : memref<30821xf32, #tpu.memory_space<vmem>>[vector<16xi32>], vector<16xf32>,
          %parallel_loop3A_306 = arith.mulf %parallel_loop3A_305, %parallel_loop3A_195 : vector<16xf32>
          %parallel_loop3A_307 = arith.constant 10 : i32
          %parallel_loop3A_308 = arith.index_cast %parallel_loop3A_307 : i32 to index
          %parallel_loop3A_309 = arith.index_cast %parallel_loop3A_187 : i32 to index
          %parallel_loop3A_310 = arith.index_cast %parallel_loop3A_171 : i32 to index
          %parallel_loop3A_311 = tpu.vector_load %arg11[%parallel_loop3A_308, %parallel_loop3A_309, %parallel_loop3A_310] {strides = array<i32>} : memref<13x16x128xf32, #tpu.memory_space<vmem>>, vector<16xf32>,
          tpu.vector_store %arg11[%parallel_loop3A_308, %parallel_loop3A_309, %parallel_loop3A_310], %parallel_loop3A_306 {strides = array<i32>} : memref<13x16x128xf32, #tpu.memory_space<vmem>>, vector<16xf32>,
          %parallel_loop3A_312 = arith.constant 704 : i32
          %parallel_loop3A_313 = vector.broadcast %parallel_loop3A_312 : i32 to vector<16xi32>
          %parallel_loop3A_314 = arith.addi %parallel_loop3A_201, %parallel_loop3A_313 : vector<16xi32>
          %parallel_loop3A_315 = tpu.vector_load_idx %arg6[%parallel_loop3A_314] : memref<30821xf32, #tpu.memory_space<vmem>>[vector<16xi32>], vector<16xf32>,
          %parallel_loop3A_316 = arith.mulf %parallel_loop3A_315, %parallel_loop3A_195 : vector<16xf32>
          %parallel_loop3A_317 = arith.constant 11 : i32
          %parallel_loop3A_318 = arith.index_cast %parallel_loop3A_317 : i32 to index
          %parallel_loop3A_319 = arith.index_cast %parallel_loop3A_187 : i32 to index
          %parallel_loop3A_320 = arith.index_cast %parallel_loop3A_171 : i32 to index
          %parallel_loop3A_321 = tpu.vector_load %arg11[%parallel_loop3A_318, %parallel_loop3A_319, %parallel_loop3A_320] {strides = array<i32>} : memref<13x16x128xf32, #tpu.memory_space<vmem>>, vector<16xf32>,
          tpu.vector_store %arg11[%parallel_loop3A_318, %parallel_loop3A_319, %parallel_loop3A_320], %parallel_loop3A_316 {strides = array<i32>} : memref<13x16x128xf32, #tpu.memory_space<vmem>>, vector<16xf32>,
          %parallel_loop3A_322 = arith.constant 768 : i32
          %parallel_loop3A_323 = vector.broadcast %parallel_loop3A_322 : i32 to vector<16xi32>
          %parallel_loop3A_324 = arith.addi %parallel_loop3A_201, %parallel_loop3A_323 : vector<16xi32>
          %parallel_loop3A_325 = tpu.vector_load_idx %arg6[%parallel_loop3A_324] : memref<30821xf32, #tpu.memory_space<vmem>>[vector<16xi32>], vector<16xf32>,
          %parallel_loop3A_326 = arith.mulf %parallel_loop3A_325, %parallel_loop3A_195 : vector<16xf32>
          %parallel_loop3A_327 = arith.constant 12 : i32
          %parallel_loop3A_328 = arith.index_cast %parallel_loop3A_327 : i32 to index
          %parallel_loop3A_329 = arith.index_cast %parallel_loop3A_187 : i32 to index
          %parallel_loop3A_330 = arith.index_cast %parallel_loop3A_171 : i32 to index
          %parallel_loop3A_331 = tpu.vector_load %arg11[%parallel_loop3A_328, %parallel_loop3A_329, %parallel_loop3A_330] {strides = array<i32>} : memref<13x16x128xf32, #tpu.memory_space<vmem>>, vector<16xf32>,
          tpu.vector_store %arg11[%parallel_loop3A_328, %parallel_loop3A_329, %parallel_loop3A_330], %parallel_loop3A_326 {strides = array<i32>} : memref<13x16x128xf32, #tpu.memory_space<vmem>>, vector<16xf32>,
        } {sc.loop_unroll_factor = 2 : i64, sc.parallel_access}
        %dma_start3A = arith.constant 0 : i32
        %dma_start3A_142 = tpu.memref_slice %arg5[%dma_start3A, %mul3A_125, %mul3A_123] : memref<13x64x50000xf32, #tpu.memory_space<hbm>> -> memref<13x16x128xf32, #tpu.memory_space<hbm>>
        %dma_start3A_143 = arith.constant 0 : i32
        %dma_start3A_144 = tpu.memref_slice %arg5[%dma_start3A_143, %mul3A_125, %mul3A_123] : memref<13x64x50000xf32, #tpu.memory_space<hbm>> -> memref<13x16x128xf32, #tpu.memory_space<hbm>>
        tpu.enqueue_dma source(%arg11 : memref<13x16x128xf32, #tpu.memory_space<vmem>>) target(%dma_start3A_144 : memref<13x16x128xf32, #tpu.memory_space<hbm>>) target_semaphore(%arg20 : memref<!tpu.dma_semaphore, #tpu.memory_space<semaphore_mem>>)
      } else {
      }
      %mul3A_65 = arith.constant 2 : i32
      %mul3A_66 = arith.muli %mul3A_65, %scan3A_50 : i32
      %add3A_67 = arith.constant 1 : i32
      %add3A_68 = arith.addi %mul3A_66, %add3A_67 : i32
      %add3A_69 = arith.constant 1 : i32
      %add3A_70 = arith.addi %add3A_68, %add3A_69 : i32
      %lt3A_71 = arith.cmpi slt, %add3A_70, %mul3A_22 : i32
      %convert_element_type3A_72 = arith.extui %lt3A_71 : i1 to i32
      %cond3A_73 = arith.constant 0 : i32
      %cond3A_74 = arith.cmpi ne, %convert_element_type3A_72, %cond3A_73 : i32
      scf.if %cond3A_74 {
        %jit3A_79 = arith.constant 4 : i32
        %div3A_80 = arith.divsi %add3A_70, %jit3A_79 : i32
        %sign3A_81 = arith.constant 0 : i32
        %sign3A_82 = arith.cmpi sgt, %add3A_70, %sign3A_81 : i32
        %sign3A_83 = arith.extui %sign3A_82 : i1 to i32
        %sign3A_84 = arith.constant 0 : i32
        %sign3A_85 = arith.cmpi slt, %add3A_70, %sign3A_84 : i32
        %sign3A_86 = arith.extui %sign3A_85 : i1 to i32
        %sign3A_87 = arith.subi %sign3A_83, %sign3A_86 : i32
        %sign3A_88 = arith.constant 0 : i32
        %sign3A_89 = arith.cmpi sgt, %jit3A_79, %sign3A_88 : i32
        %sign3A_90 = arith.extui %sign3A_89 : i1 to i32
        %sign3A_91 = arith.constant 0 : i32
        %sign3A_92 = arith.cmpi slt, %jit3A_79, %sign3A_91 : i32
        %sign3A_93 = arith.extui %sign3A_92 : i1 to i32
        %sign3A_94 = arith.subi %sign3A_90, %sign3A_93 : i32
        %ne3A_95 = arith.cmpi ne, %sign3A_87, %sign3A_94 : i32
        %rem3A_96 = arith.remsi %add3A_70, %jit3A_79 : i32
        %ne3A_97 = arith.constant 0 : i32
        %ne3A_98 = arith.cmpi ne, %rem3A_96, %ne3A_97 : i32
        %and3A_99 = arith.andi %ne3A_95, %ne3A_98 : i1
        %sub3A_100 = arith.constant 1 : i32
        %sub3A_101 = arith.subi %div3A_80, %sub3A_100 : i32
        %select_n3A_102 = arith.select %and3A_99, %sub3A_101, %div3A_80 : i32
        %jit3A_103 = arith.constant 4 : i32
        %eq3A_104 = arith.constant 0 : i32
        %eq3A_105 = arith.cmpi eq, %jit3A_103, %eq3A_104 : i32
        %jit3A_106 = arith.constant 1 : i32
        %select_n3A_107 = arith.select %eq3A_105, %jit3A_106, %jit3A_103 : i32
        %rem3A_108 = arith.remsi %add3A_70, %select_n3A_107 : i32
        %ne3A_109 = arith.constant 0 : i32
        %ne3A_110 = arith.cmpi ne, %rem3A_108, %ne3A_109 : i32
        %lt3A_111 = arith.constant 0 : i32
        %lt3A_112 = arith.cmpi slt, %rem3A_108, %lt3A_111 : i32
        %lt3A_113 = arith.constant 0 : i32
        %lt3A_114 = arith.cmpi slt, %select_n3A_107, %lt3A_113 : i32
        %ne3A_115 = arith.xori %lt3A_112, %lt3A_114 : i1
        %and3A_116 = arith.andi %ne3A_115, %ne3A_110 : i1
        %add3A_117 = arith.addi %rem3A_108, %select_n3A_107 : i32
        %select_n3A_118 = arith.select %and3A_116, %add3A_117, %rem3A_108 : i32
        %mul3A_119 = arith.constant 32 : i32
        %mul3A_120 = arith.muli %select_n3A_102, %mul3A_119 : i32
        %add3A_121 = arith.addi %add3A, %mul3A_120 : i32
        %mul3A_122 = arith.constant 128 : i32
        %mul3A_123 = arith.muli %add3A_121, %mul3A_122 : i32
        %mul3A_124 = arith.constant 16 : i32
        %mul3A_125 = arith.muli %select_n3A_118, %mul3A_124 : i32
        %dma_start3A = tpu.memref_slice %arg3[%mul3A_123] : memref<50000xi32, #tpu.memory_space<hbm>> -> memref<128xi32, #tpu.memory_space<hbm>>
        %dma_start3A_126 = tpu.memref_slice %arg3[%mul3A_123] : memref<50000xi32, #tpu.memory_space<hbm>> -> memref<128xi32, #tpu.memory_space<hbm>>
        tpu.enqueue_dma source(%dma_start3A_126 : memref<128xi32, #tpu.memory_space<hbm>>) target(%arg7 : memref<128xi32, #tpu.memory_space<vmem>>) target_semaphore(%arg16 : memref<!tpu.dma_semaphore, #tpu.memory_space<semaphore_mem>>)
        %dma_start3A_127 = tpu.memref_slice %arg4[%mul3A_125, %mul3A_123] : memref<64x50000xf32, #tpu.memory_space<hbm>> -> memref<16x128xf32, #tpu.memory_space<hbm>>
        %dma_start3A_128 = tpu.memref_slice %arg4[%mul3A_125, %mul3A_123] : memref<64x50000xf32, #tpu.memory_space<hbm>> -> memref<16x128xf32, #tpu.memory_space<hbm>>
        tpu.enqueue_dma source(%dma_start3A_128 : memref<16x128xf32, #tpu.memory_space<hbm>>) target(%arg9 : memref<16x128xf32, #tpu.memory_space<vmem>>) target_semaphore(%arg18 : memref<!tpu.dma_semaphore, #tpu.memory_space<semaphore_mem>>)
      } else {
      }
      %lt3A_75 = arith.cmpi slt, %add3A_68, %mul3A_22 : i32
      %convert_element_type3A_76 = arith.extui %lt3A_75 : i1 to i32
      %cond3A_77 = arith.constant 0 : i32
      %cond3A_78 = arith.cmpi ne, %convert_element_type3A_76, %cond3A_77 : i32
      scf.if %cond3A_78 {
        %jit3A_79 = arith.constant 4 : i32
        %div3A_80 = arith.divsi %add3A_68, %jit3A_79 : i32
        %sign3A_81 = arith.constant 0 : i32
        %sign3A_82 = arith.cmpi sgt, %add3A_68, %sign3A_81 : i32
        %sign3A_83 = arith.extui %sign3A_82 : i1 to i32
        %sign3A_84 = arith.constant 0 : i32
        %sign3A_85 = arith.cmpi slt, %add3A_68, %sign3A_84 : i32
        %sign3A_86 = arith.extui %sign3A_85 : i1 to i32
        %sign3A_87 = arith.subi %sign3A_83, %sign3A_86 : i32
        %sign3A_88 = arith.constant 0 : i32
        %sign3A_89 = arith.cmpi sgt, %jit3A_79, %sign3A_88 : i32
        %sign3A_90 = arith.extui %sign3A_89 : i1 to i32
        %sign3A_91 = arith.constant 0 : i32
        %sign3A_92 = arith.cmpi slt, %jit3A_79, %sign3A_91 : i32
        %sign3A_93 = arith.extui %sign3A_92 : i1 to i32
        %sign3A_94 = arith.subi %sign3A_90, %sign3A_93 : i32
        %ne3A_95 = arith.cmpi ne, %sign3A_87, %sign3A_94 : i32
        %rem3A_96 = arith.remsi %add3A_68, %jit3A_79 : i32
        %ne3A_97 = arith.constant 0 : i32
        %ne3A_98 = arith.cmpi ne, %rem3A_96, %ne3A_97 : i32
        %and3A_99 = arith.andi %ne3A_95, %ne3A_98 : i1
        %sub3A_100 = arith.constant 1 : i32
        %sub3A_101 = arith.subi %div3A_80, %sub3A_100 : i32
        %select_n3A_102 = arith.select %and3A_99, %sub3A_101, %div3A_80 : i32
        %jit3A_103 = arith.constant 4 : i32
        %eq3A_104 = arith.constant 0 : i32
        %eq3A_105 = arith.cmpi eq, %jit3A_103, %eq3A_104 : i32
        %jit3A_106 = arith.constant 1 : i32
        %select_n3A_107 = arith.select %eq3A_105, %jit3A_106, %jit3A_103 : i32
        %rem3A_108 = arith.remsi %add3A_68, %select_n3A_107 : i32
        %ne3A_109 = arith.constant 0 : i32
        %ne3A_110 = arith.cmpi ne, %rem3A_108, %ne3A_109 : i32
        %lt3A_111 = arith.constant 0 : i32
        %lt3A_112 = arith.cmpi slt, %rem3A_108, %lt3A_111 : i32
        %lt3A_113 = arith.constant 0 : i32
        %lt3A_114 = arith.cmpi slt, %select_n3A_107, %lt3A_113 : i32
        %ne3A_115 = arith.xori %lt3A_112, %lt3A_114 : i1
        %and3A_116 = arith.andi %ne3A_115, %ne3A_110 : i1
        %add3A_117 = arith.addi %rem3A_108, %select_n3A_107 : i32
        %select_n3A_118 = arith.select %and3A_116, %add3A_117, %rem3A_108 : i32
        %mul3A_119 = arith.constant 32 : i32
        %mul3A_120 = arith.muli %select_n3A_102, %mul3A_119 : i32
        %add3A_121 = arith.addi %add3A, %mul3A_120 : i32
        %mul3A_122 = arith.constant 128 : i32
        %mul3A_123 = arith.muli %add3A_121, %mul3A_122 : i32
        %mul3A_124 = arith.constant 16 : i32
        %mul3A_125 = arith.muli %select_n3A_118, %mul3A_124 : i32
        %dma_wait3A_126 = arith.constant 0 : i32
        %dma_wait3A_127 = tpu.memref_slice %arg3[%dma_wait3A_126] : memref<50000xi32, #tpu.memory_space<hbm>> -> memref<128xi32, #tpu.memory_space<hbm>>
        %dma_wait3A_128 = arith.constant 0 : i32
        %dma_wait3A_129 = tpu.memref_slice %arg3[%dma_wait3A_128] : memref<50000xi32, #tpu.memory_space<hbm>> -> memref<128xi32, #tpu.memory_space<hbm>>
        tpu.wait_dma2 semaphore(%arg17 : memref<!tpu.dma_semaphore, #tpu.memory_space<semaphore_mem>>) src(%dma_wait3A_129 : memref<128xi32, #tpu.memory_space<hbm>>) dst(%arg8 : memref<128xi32, #tpu.memory_space<vmem>>)
        %dma_wait3A_130 = arith.constant 0 : i32
        %dma_wait3A_131 = arith.constant 0 : i32
        %dma_wait3A_132 = tpu.memref_slice %arg4[%dma_wait3A_130, %dma_wait3A_131] : memref<64x50000xf32, #tpu.memory_space<hbm>> -> memref<16x128xf32, #tpu.memory_space<hbm>>
        %dma_wait3A_133 = arith.constant 0 : i32
        %dma_wait3A_134 = arith.constant 0 : i32
        %dma_wait3A_135 = tpu.memref_slice %arg4[%dma_wait3A_133, %dma_wait3A_134] : memref<64x50000xf32, #tpu.memory_space<hbm>> -> memref<16x128xf32, #tpu.memory_space<hbm>>
        tpu.wait_dma2 semaphore(%arg19 : memref<!tpu.dma_semaphore, #tpu.memory_space<semaphore_mem>>) src(%dma_wait3A_135 : memref<16x128xf32, #tpu.memory_space<hbm>>) dst(%arg10 : memref<16x128xf32, #tpu.memory_space<vmem>>)
        %ge3A = arith.constant 2 : i32
        %ge3A_136 = arith.cmpi sge, %add3A_68, %ge3A : i32
        %convert_element_type3A_137 = arith.extui %ge3A_136 : i1 to i32
        %cond3A_138 = arith.constant 0 : i32
        %cond3A_139 = arith.cmpi ne, %convert_element_type3A_137, %cond3A_138 : i32
        scf.if %cond3A_139 {
          %dma_wait3A_145 = arith.constant 0 : i32
          %dma_wait3A_146 = arith.constant 0 : i32
          %dma_wait3A_147 = arith.constant 0 : i32
          %dma_wait3A_148 = tpu.memref_slice %arg5[%dma_wait3A_145, %dma_wait3A_146, %dma_wait3A_147] : memref<13x64x50000xf32, #tpu.memory_space<hbm>> -> memref<13x16x128xf32, #tpu.memory_space<hbm>>
          %dma_wait3A_149 = arith.constant 0 : i32
          %dma_wait3A_150 = arith.constant 0 : i32
          %dma_wait3A_151 = arith.constant 0 : i32
          %dma_wait3A_152 = tpu.memref_slice %arg5[%dma_wait3A_149, %dma_wait3A_150, %dma_wait3A_151] : memref<13x64x50000xf32, #tpu.memory_space<hbm>> -> memref<13x16x128xf32, #tpu.memory_space<hbm>>
          tpu.wait_dma2 semaphore(%arg21 : memref<!tpu.dma_semaphore, #tpu.memory_space<semaphore_mem>>) src(%arg12 : memref<13x16x128xf32, #tpu.memory_space<vmem>>) dst(%dma_wait3A_152 : memref<13x16x128xf32, #tpu.memory_space<hbm>>)
        } else {
        }
        %parallel_loop3A = arith.constant 0 : i32
        %parallel_loop3A_140 = arith.constant 128 : i32
        %parallel_loop3A_141 = arith.constant 1 : i32
        scf.for %parallel_loop3A_145 = %parallel_loop3A to %parallel_loop3A_140 step %parallel_loop3A_141  : i32 {
          %parallel_loop3A_146 = arith.constant 16 : i32
          %parallel_loop3A_147 = arith.divsi %parallel_loop3A_145, %parallel_loop3A_146 : i32
          %parallel_loop3A_148 = arith.constant 0 : i32
          %parallel_loop3A_149 = arith.cmpi sgt, %parallel_loop3A_145, %parallel_loop3A_148 : i32
          %parallel_loop3A_150 = arith.extui %parallel_loop3A_149 : i1 to i32
          %parallel_loop3A_151 = arith.constant 0 : i32
          %parallel_loop3A_152 = arith.cmpi slt, %parallel_loop3A_145, %parallel_loop3A_151 : i32
          %parallel_loop3A_153 = arith.extui %parallel_loop3A_152 : i1 to i32
          %parallel_loop3A_154 = arith.subi %parallel_loop3A_150, %parallel_loop3A_153 : i32
          %parallel_loop3A_155 = arith.constant 0 : i32
          %parallel_loop3A_156 = arith.cmpi sgt, %parallel_loop3A_146, %parallel_loop3A_155 : i32
          %parallel_loop3A_157 = arith.extui %parallel_loop3A_156 : i1 to i32
          %parallel_loop3A_158 = arith.constant 0 : i32
          %parallel_loop3A_159 = arith.cmpi slt, %parallel_loop3A_146, %parallel_loop3A_158 : i32
          %parallel_loop3A_160 = arith.extui %parallel_loop3A_159 : i1 to i32
          %parallel_loop3A_161 = arith.subi %parallel_loop3A_157, %parallel_loop3A_160 : i32
          %parallel_loop3A_162 = arith.cmpi ne, %parallel_loop3A_154, %parallel_loop3A_161 : i32
          %parallel_loop3A_163 = arith.remsi %parallel_loop3A_145, %parallel_loop3A_146 : i32
          %parallel_loop3A_164 = arith.constant 0 : i32
          %parallel_loop3A_165 = arith.cmpi ne, %parallel_loop3A_163, %parallel_loop3A_164 : i32
          %parallel_loop3A_166 = arith.andi %parallel_loop3A_162, %parallel_loop3A_165 : i1
          %parallel_loop3A_167 = arith.constant 1 : i32
          %parallel_loop3A_168 = arith.subi %parallel_loop3A_147, %parallel_loop3A_167 : i32
          %parallel_loop3A_169 = arith.select %parallel_loop3A_166, %parallel_loop3A_168, %parallel_loop3A_147 : i32
          %parallel_loop3A_170 = arith.constant 16 : i32
          %parallel_loop3A_171 = arith.muli %parallel_loop3A_169, %parallel_loop3A_170 : i32
          %parallel_loop3A_172 = arith.constant 16 : i32
          %parallel_loop3A_173 = arith.constant 0 : i32
          %parallel_loop3A_174 = arith.cmpi eq, %parallel_loop3A_172, %parallel_loop3A_173 : i32
          %parallel_loop3A_175 = arith.constant 1 : i32
          %parallel_loop3A_176 = arith.select %parallel_loop3A_174, %parallel_loop3A_175, %parallel_loop3A_172 : i32
          %parallel_loop3A_177 = arith.remsi %parallel_loop3A_145, %parallel_loop3A_176 : i32
          %parallel_loop3A_178 = arith.constant 0 : i32
          %parallel_loop3A_179 = arith.cmpi ne, %parallel_loop3A_177, %parallel_loop3A_178 : i32
          %parallel_loop3A_180 = arith.constant 0 : i32
          %parallel_loop3A_181 = arith.cmpi slt, %parallel_loop3A_177, %parallel_loop3A_180 : i32
          %parallel_loop3A_182 = arith.constant 0 : i32
          %parallel_loop3A_183 = arith.cmpi slt, %parallel_loop3A_176, %parallel_loop3A_182 : i32
          %parallel_loop3A_184 = arith.xori %parallel_loop3A_181, %parallel_loop3A_183 : i1
          %parallel_loop3A_185 = arith.andi %parallel_loop3A_184, %parallel_loop3A_179 : i1
          %parallel_loop3A_186 = arith.addi %parallel_loop3A_177, %parallel_loop3A_176 : i32
          %parallel_loop3A_187 = arith.select %parallel_loop3A_185, %parallel_loop3A_186, %parallel_loop3A_177 : i32
          %parallel_loop3A_188 = arith.index_cast %parallel_loop3A_171 : i32 to index
          %parallel_loop3A_189 = tpu.vector_load %arg8[%parallel_loop3A_188] {strides = array<i32>} : memref<128xi32, #tpu.memory_space<vmem>>, vector<16xi32>,
          %parallel_loop3A_190 = arith.index_cast %parallel_loop3A_187 : i32 to index
          %parallel_loop3A_191 = arith.index_cast %parallel_loop3A_171 : i32 to index
          %parallel_loop3A_192 = tpu.vector_load %arg10[%parallel_loop3A_190, %parallel_loop3A_191] {strides = array<i32>} : memref<16x128xf32, #tpu.memory_space<vmem>>, vector<16xf32>,
          %parallel_loop3A_193 = arith.constant 1.000000e+00 : f32
          %parallel_loop3A_194 = vector.broadcast %parallel_loop3A_193 : f32 to vector<16xf32>
          %parallel_loop3A_195 = arith.addf %parallel_loop3A_194, %parallel_loop3A_192 : vector<16xf32>
          %parallel_loop3A_196 = arith.constant 833 : i32
          %parallel_loop3A_197 = vector.broadcast %parallel_loop3A_196 : i32 to vector<16xi32>
          %parallel_loop3A_198 = arith.muli %parallel_loop3A_189, %parallel_loop3A_197 : vector<16xi32>
          %parallel_loop3A_199 = arith.addi %mul3A_125, %parallel_loop3A_187 : i32
          %parallel_loop3A_200 = vector.broadcast %parallel_loop3A_199 : i32 to vector<16xi32>
          %parallel_loop3A_201 = arith.addi %parallel_loop3A_198, %parallel_loop3A_200 : vector<16xi32>
          %parallel_loop3A_202 = arith.constant 0 : i32
          %parallel_loop3A_203 = vector.broadcast %parallel_loop3A_202 : i32 to vector<16xi32>
          %parallel_loop3A_204 = arith.addi %parallel_loop3A_201, %parallel_loop3A_203 : vector<16xi32>
          %parallel_loop3A_205 = tpu.vector_load_idx %arg6[%parallel_loop3A_204] : memref<30821xf32, #tpu.memory_space<vmem>>[vector<16xi32>], vector<16xf32>,
          %parallel_loop3A_206 = arith.mulf %parallel_loop3A_205, %parallel_loop3A_195 : vector<16xf32>
          %parallel_loop3A_207 = arith.constant 0 : i32
          %parallel_loop3A_208 = arith.index_cast %parallel_loop3A_207 : i32 to index
          %parallel_loop3A_209 = arith.index_cast %parallel_loop3A_187 : i32 to index
          %parallel_loop3A_210 = arith.index_cast %parallel_loop3A_171 : i32 to index
          %parallel_loop3A_211 = tpu.vector_load %arg12[%parallel_loop3A_208, %parallel_loop3A_209, %parallel_loop3A_210] {strides = array<i32>} : memref<13x16x128xf32, #tpu.memory_space<vmem>>, vector<16xf32>,
          tpu.vector_store %arg12[%parallel_loop3A_208, %parallel_loop3A_209, %parallel_loop3A_210], %parallel_loop3A_206 {strides = array<i32>} : memref<13x16x128xf32, #tpu.memory_space<vmem>>, vector<16xf32>,
          %parallel_loop3A_212 = arith.constant 64 : i32
          %parallel_loop3A_213 = vector.broadcast %parallel_loop3A_212 : i32 to vector<16xi32>
          %parallel_loop3A_214 = arith.addi %parallel_loop3A_201, %parallel_loop3A_213 : vector<16xi32>
          %parallel_loop3A_215 = tpu.vector_load_idx %arg6[%parallel_loop3A_214] : memref<30821xf32, #tpu.memory_space<vmem>>[vector<16xi32>], vector<16xf32>,
          %parallel_loop3A_216 = arith.mulf %parallel_loop3A_215, %parallel_loop3A_195 : vector<16xf32>
          %parallel_loop3A_217 = arith.constant 1 : i32
          %parallel_loop3A_218 = arith.index_cast %parallel_loop3A_217 : i32 to index
          %parallel_loop3A_219 = arith.index_cast %parallel_loop3A_187 : i32 to index
          %parallel_loop3A_220 = arith.index_cast %parallel_loop3A_171 : i32 to index
          %parallel_loop3A_221 = tpu.vector_load %arg12[%parallel_loop3A_218, %parallel_loop3A_219, %parallel_loop3A_220] {strides = array<i32>} : memref<13x16x128xf32, #tpu.memory_space<vmem>>, vector<16xf32>,
          tpu.vector_store %arg12[%parallel_loop3A_218, %parallel_loop3A_219, %parallel_loop3A_220], %parallel_loop3A_216 {strides = array<i32>} : memref<13x16x128xf32, #tpu.memory_space<vmem>>, vector<16xf32>,
          %parallel_loop3A_222 = arith.constant 128 : i32
          %parallel_loop3A_223 = vector.broadcast %parallel_loop3A_222 : i32 to vector<16xi32>
          %parallel_loop3A_224 = arith.addi %parallel_loop3A_201, %parallel_loop3A_223 : vector<16xi32>
          %parallel_loop3A_225 = tpu.vector_load_idx %arg6[%parallel_loop3A_224] : memref<30821xf32, #tpu.memory_space<vmem>>[vector<16xi32>], vector<16xf32>,
          %parallel_loop3A_226 = arith.mulf %parallel_loop3A_225, %parallel_loop3A_195 : vector<16xf32>
          %parallel_loop3A_227 = arith.constant 2 : i32
          %parallel_loop3A_228 = arith.index_cast %parallel_loop3A_227 : i32 to index
          %parallel_loop3A_229 = arith.index_cast %parallel_loop3A_187 : i32 to index
          %parallel_loop3A_230 = arith.index_cast %parallel_loop3A_171 : i32 to index
          %parallel_loop3A_231 = tpu.vector_load %arg12[%parallel_loop3A_228, %parallel_loop3A_229, %parallel_loop3A_230] {strides = array<i32>} : memref<13x16x128xf32, #tpu.memory_space<vmem>>, vector<16xf32>,
          tpu.vector_store %arg12[%parallel_loop3A_228, %parallel_loop3A_229, %parallel_loop3A_230], %parallel_loop3A_226 {strides = array<i32>} : memref<13x16x128xf32, #tpu.memory_space<vmem>>, vector<16xf32>,
          %parallel_loop3A_232 = arith.constant 192 : i32
          %parallel_loop3A_233 = vector.broadcast %parallel_loop3A_232 : i32 to vector<16xi32>
          %parallel_loop3A_234 = arith.addi %parallel_loop3A_201, %parallel_loop3A_233 : vector<16xi32>
          %parallel_loop3A_235 = tpu.vector_load_idx %arg6[%parallel_loop3A_234] : memref<30821xf32, #tpu.memory_space<vmem>>[vector<16xi32>], vector<16xf32>,
          %parallel_loop3A_236 = arith.mulf %parallel_loop3A_235, %parallel_loop3A_195 : vector<16xf32>
          %parallel_loop3A_237 = arith.constant 3 : i32
          %parallel_loop3A_238 = arith.index_cast %parallel_loop3A_237 : i32 to index
          %parallel_loop3A_239 = arith.index_cast %parallel_loop3A_187 : i32 to index
          %parallel_loop3A_240 = arith.index_cast %parallel_loop3A_171 : i32 to index
          %parallel_loop3A_241 = tpu.vector_load %arg12[%parallel_loop3A_238, %parallel_loop3A_239, %parallel_loop3A_240] {strides = array<i32>} : memref<13x16x128xf32, #tpu.memory_space<vmem>>, vector<16xf32>,
          tpu.vector_store %arg12[%parallel_loop3A_238, %parallel_loop3A_239, %parallel_loop3A_240], %parallel_loop3A_236 {strides = array<i32>} : memref<13x16x128xf32, #tpu.memory_space<vmem>>, vector<16xf32>,
          %parallel_loop3A_242 = arith.constant 256 : i32
          %parallel_loop3A_243 = vector.broadcast %parallel_loop3A_242 : i32 to vector<16xi32>
          %parallel_loop3A_244 = arith.addi %parallel_loop3A_201, %parallel_loop3A_243 : vector<16xi32>
          %parallel_loop3A_245 = tpu.vector_load_idx %arg6[%parallel_loop3A_244] : memref<30821xf32, #tpu.memory_space<vmem>>[vector<16xi32>], vector<16xf32>,
          %parallel_loop3A_246 = arith.mulf %parallel_loop3A_245, %parallel_loop3A_195 : vector<16xf32>
          %parallel_loop3A_247 = arith.constant 4 : i32
          %parallel_loop3A_248 = arith.index_cast %parallel_loop3A_247 : i32 to index
          %parallel_loop3A_249 = arith.index_cast %parallel_loop3A_187 : i32 to index
          %parallel_loop3A_250 = arith.index_cast %parallel_loop3A_171 : i32 to index
          %parallel_loop3A_251 = tpu.vector_load %arg12[%parallel_loop3A_248, %parallel_loop3A_249, %parallel_loop3A_250] {strides = array<i32>} : memref<13x16x128xf32, #tpu.memory_space<vmem>>, vector<16xf32>,
          tpu.vector_store %arg12[%parallel_loop3A_248, %parallel_loop3A_249, %parallel_loop3A_250], %parallel_loop3A_246 {strides = array<i32>} : memref<13x16x128xf32, #tpu.memory_space<vmem>>, vector<16xf32>,
          %parallel_loop3A_252 = arith.constant 320 : i32
          %parallel_loop3A_253 = vector.broadcast %parallel_loop3A_252 : i32 to vector<16xi32>
          %parallel_loop3A_254 = arith.addi %parallel_loop3A_201, %parallel_loop3A_253 : vector<16xi32>
          %parallel_loop3A_255 = tpu.vector_load_idx %arg6[%parallel_loop3A_254] : memref<30821xf32, #tpu.memory_space<vmem>>[vector<16xi32>], vector<16xf32>,
          %parallel_loop3A_256 = arith.mulf %parallel_loop3A_255, %parallel_loop3A_195 : vector<16xf32>
          %parallel_loop3A_257 = arith.constant 5 : i32
          %parallel_loop3A_258 = arith.index_cast %parallel_loop3A_257 : i32 to index
          %parallel_loop3A_259 = arith.index_cast %parallel_loop3A_187 : i32 to index
          %parallel_loop3A_260 = arith.index_cast %parallel_loop3A_171 : i32 to index
          %parallel_loop3A_261 = tpu.vector_load %arg12[%parallel_loop3A_258, %parallel_loop3A_259, %parallel_loop3A_260] {strides = array<i32>} : memref<13x16x128xf32, #tpu.memory_space<vmem>>, vector<16xf32>,
          tpu.vector_store %arg12[%parallel_loop3A_258, %parallel_loop3A_259, %parallel_loop3A_260], %parallel_loop3A_256 {strides = array<i32>} : memref<13x16x128xf32, #tpu.memory_space<vmem>>, vector<16xf32>,
          %parallel_loop3A_262 = arith.constant 384 : i32
          %parallel_loop3A_263 = vector.broadcast %parallel_loop3A_262 : i32 to vector<16xi32>
          %parallel_loop3A_264 = arith.addi %parallel_loop3A_201, %parallel_loop3A_263 : vector<16xi32>
          %parallel_loop3A_265 = tpu.vector_load_idx %arg6[%parallel_loop3A_264] : memref<30821xf32, #tpu.memory_space<vmem>>[vector<16xi32>], vector<16xf32>,
          %parallel_loop3A_266 = arith.mulf %parallel_loop3A_265, %parallel_loop3A_195 : vector<16xf32>
          %parallel_loop3A_267 = arith.constant 6 : i32
          %parallel_loop3A_268 = arith.index_cast %parallel_loop3A_267 : i32 to index
          %parallel_loop3A_269 = arith.index_cast %parallel_loop3A_187 : i32 to index
          %parallel_loop3A_270 = arith.index_cast %parallel_loop3A_171 : i32 to index
          %parallel_loop3A_271 = tpu.vector_load %arg12[%parallel_loop3A_268, %parallel_loop3A_269, %parallel_loop3A_270] {strides = array<i32>} : memref<13x16x128xf32, #tpu.memory_space<vmem>>, vector<16xf32>,
          tpu.vector_store %arg12[%parallel_loop3A_268, %parallel_loop3A_269, %parallel_loop3A_270], %parallel_loop3A_266 {strides = array<i32>} : memref<13x16x128xf32, #tpu.memory_space<vmem>>, vector<16xf32>,
          %parallel_loop3A_272 = arith.constant 448 : i32
          %parallel_loop3A_273 = vector.broadcast %parallel_loop3A_272 : i32 to vector<16xi32>
          %parallel_loop3A_274 = arith.addi %parallel_loop3A_201, %parallel_loop3A_273 : vector<16xi32>
          %parallel_loop3A_275 = tpu.vector_load_idx %arg6[%parallel_loop3A_274] : memref<30821xf32, #tpu.memory_space<vmem>>[vector<16xi32>], vector<16xf32>,
          %parallel_loop3A_276 = arith.mulf %parallel_loop3A_275, %parallel_loop3A_195 : vector<16xf32>
          %parallel_loop3A_277 = arith.constant 7 : i32
          %parallel_loop3A_278 = arith.index_cast %parallel_loop3A_277 : i32 to index
          %parallel_loop3A_279 = arith.index_cast %parallel_loop3A_187 : i32 to index
          %parallel_loop3A_280 = arith.index_cast %parallel_loop3A_171 : i32 to index
          %parallel_loop3A_281 = tpu.vector_load %arg12[%parallel_loop3A_278, %parallel_loop3A_279, %parallel_loop3A_280] {strides = array<i32>} : memref<13x16x128xf32, #tpu.memory_space<vmem>>, vector<16xf32>,
          tpu.vector_store %arg12[%parallel_loop3A_278, %parallel_loop3A_279, %parallel_loop3A_280], %parallel_loop3A_276 {strides = array<i32>} : memref<13x16x128xf32, #tpu.memory_space<vmem>>, vector<16xf32>,
          %parallel_loop3A_282 = arith.constant 512 : i32
          %parallel_loop3A_283 = vector.broadcast %parallel_loop3A_282 : i32 to vector<16xi32>
          %parallel_loop3A_284 = arith.addi %parallel_loop3A_201, %parallel_loop3A_283 : vector<16xi32>
          %parallel_loop3A_285 = tpu.vector_load_idx %arg6[%parallel_loop3A_284] : memref<30821xf32, #tpu.memory_space<vmem>>[vector<16xi32>], vector<16xf32>,
          %parallel_loop3A_286 = arith.mulf %parallel_loop3A_285, %parallel_loop3A_195 : vector<16xf32>
          %parallel_loop3A_287 = arith.constant 8 : i32
          %parallel_loop3A_288 = arith.index_cast %parallel_loop3A_287 : i32 to index
          %parallel_loop3A_289 = arith.index_cast %parallel_loop3A_187 : i32 to index
          %parallel_loop3A_290 = arith.index_cast %parallel_loop3A_171 : i32 to index
          %parallel_loop3A_291 = tpu.vector_load %arg12[%parallel_loop3A_288, %parallel_loop3A_289, %parallel_loop3A_290] {strides = array<i32>} : memref<13x16x128xf32, #tpu.memory_space<vmem>>, vector<16xf32>,
          tpu.vector_store %arg12[%parallel_loop3A_288, %parallel_loop3A_289, %parallel_loop3A_290], %parallel_loop3A_286 {strides = array<i32>} : memref<13x16x128xf32, #tpu.memory_space<vmem>>, vector<16xf32>,
          %parallel_loop3A_292 = arith.constant 576 : i32
          %parallel_loop3A_293 = vector.broadcast %parallel_loop3A_292 : i32 to vector<16xi32>
          %parallel_loop3A_294 = arith.addi %parallel_loop3A_201, %parallel_loop3A_293 : vector<16xi32>
          %parallel_loop3A_295 = tpu.vector_load_idx %arg6[%parallel_loop3A_294] : memref<30821xf32, #tpu.memory_space<vmem>>[vector<16xi32>], vector<16xf32>,
          %parallel_loop3A_296 = arith.mulf %parallel_loop3A_295, %parallel_loop3A_195 : vector<16xf32>
          %parallel_loop3A_297 = arith.constant 9 : i32
          %parallel_loop3A_298 = arith.index_cast %parallel_loop3A_297 : i32 to index
          %parallel_loop3A_299 = arith.index_cast %parallel_loop3A_187 : i32 to index
          %parallel_loop3A_300 = arith.index_cast %parallel_loop3A_171 : i32 to index
          %parallel_loop3A_301 = tpu.vector_load %arg12[%parallel_loop3A_298, %parallel_loop3A_299, %parallel_loop3A_300] {strides = array<i32>} : memref<13x16x128xf32, #tpu.memory_space<vmem>>, vector<16xf32>,
          tpu.vector_store %arg12[%parallel_loop3A_298, %parallel_loop3A_299, %parallel_loop3A_300], %parallel_loop3A_296 {strides = array<i32>} : memref<13x16x128xf32, #tpu.memory_space<vmem>>, vector<16xf32>,
          %parallel_loop3A_302 = arith.constant 640 : i32
          %parallel_loop3A_303 = vector.broadcast %parallel_loop3A_302 : i32 to vector<16xi32>
          %parallel_loop3A_304 = arith.addi %parallel_loop3A_201, %parallel_loop3A_303 : vector<16xi32>
          %parallel_loop3A_305 = tpu.vector_load_idx %arg6[%parallel_loop3A_304] : memref<30821xf32, #tpu.memory_space<vmem>>[vector<16xi32>], vector<16xf32>,
          %parallel_loop3A_306 = arith.mulf %parallel_loop3A_305, %parallel_loop3A_195 : vector<16xf32>
          %parallel_loop3A_307 = arith.constant 10 : i32
          %parallel_loop3A_308 = arith.index_cast %parallel_loop3A_307 : i32 to index
          %parallel_loop3A_309 = arith.index_cast %parallel_loop3A_187 : i32 to index
          %parallel_loop3A_310 = arith.index_cast %parallel_loop3A_171 : i32 to index
          %parallel_loop3A_311 = tpu.vector_load %arg12[%parallel_loop3A_308, %parallel_loop3A_309, %parallel_loop3A_310] {strides = array<i32>} : memref<13x16x128xf32, #tpu.memory_space<vmem>>, vector<16xf32>,
          tpu.vector_store %arg12[%parallel_loop3A_308, %parallel_loop3A_309, %parallel_loop3A_310], %parallel_loop3A_306 {strides = array<i32>} : memref<13x16x128xf32, #tpu.memory_space<vmem>>, vector<16xf32>,
          %parallel_loop3A_312 = arith.constant 704 : i32
          %parallel_loop3A_313 = vector.broadcast %parallel_loop3A_312 : i32 to vector<16xi32>
          %parallel_loop3A_314 = arith.addi %parallel_loop3A_201, %parallel_loop3A_313 : vector<16xi32>
          %parallel_loop3A_315 = tpu.vector_load_idx %arg6[%parallel_loop3A_314] : memref<30821xf32, #tpu.memory_space<vmem>>[vector<16xi32>], vector<16xf32>,
          %parallel_loop3A_316 = arith.mulf %parallel_loop3A_315, %parallel_loop3A_195 : vector<16xf32>
          %parallel_loop3A_317 = arith.constant 11 : i32
          %parallel_loop3A_318 = arith.index_cast %parallel_loop3A_317 : i32 to index
          %parallel_loop3A_319 = arith.index_cast %parallel_loop3A_187 : i32 to index
          %parallel_loop3A_320 = arith.index_cast %parallel_loop3A_171 : i32 to index
          %parallel_loop3A_321 = tpu.vector_load %arg12[%parallel_loop3A_318, %parallel_loop3A_319, %parallel_loop3A_320] {strides = array<i32>} : memref<13x16x128xf32, #tpu.memory_space<vmem>>, vector<16xf32>,
          tpu.vector_store %arg12[%parallel_loop3A_318, %parallel_loop3A_319, %parallel_loop3A_320], %parallel_loop3A_316 {strides = array<i32>} : memref<13x16x128xf32, #tpu.memory_space<vmem>>, vector<16xf32>,
          %parallel_loop3A_322 = arith.constant 768 : i32
          %parallel_loop3A_323 = vector.broadcast %parallel_loop3A_322 : i32 to vector<16xi32>
          %parallel_loop3A_324 = arith.addi %parallel_loop3A_201, %parallel_loop3A_323 : vector<16xi32>
          %parallel_loop3A_325 = tpu.vector_load_idx %arg6[%parallel_loop3A_324] : memref<30821xf32, #tpu.memory_space<vmem>>[vector<16xi32>], vector<16xf32>,
          %parallel_loop3A_326 = arith.mulf %parallel_loop3A_325, %parallel_loop3A_195 : vector<16xf32>
          %parallel_loop3A_327 = arith.constant 12 : i32
          %parallel_loop3A_328 = arith.index_cast %parallel_loop3A_327 : i32 to index
          %parallel_loop3A_329 = arith.index_cast %parallel_loop3A_187 : i32 to index
          %parallel_loop3A_330 = arith.index_cast %parallel_loop3A_171 : i32 to index
          %parallel_loop3A_331 = tpu.vector_load %arg12[%parallel_loop3A_328, %parallel_loop3A_329, %parallel_loop3A_330] {strides = array<i32>} : memref<13x16x128xf32, #tpu.memory_space<vmem>>, vector<16xf32>,
          tpu.vector_store %arg12[%parallel_loop3A_328, %parallel_loop3A_329, %parallel_loop3A_330], %parallel_loop3A_326 {strides = array<i32>} : memref<13x16x128xf32, #tpu.memory_space<vmem>>, vector<16xf32>,
        } {sc.loop_unroll_factor = 2 : i64, sc.parallel_access}
        %dma_start3A = arith.constant 0 : i32
        %dma_start3A_142 = tpu.memref_slice %arg5[%dma_start3A, %mul3A_125, %mul3A_123] : memref<13x64x50000xf32, #tpu.memory_space<hbm>> -> memref<13x16x128xf32, #tpu.memory_space<hbm>>
        %dma_start3A_143 = arith.constant 0 : i32
        %dma_start3A_144 = tpu.memref_slice %arg5[%dma_start3A_143, %mul3A_125, %mul3A_123] : memref<13x64x50000xf32, #tpu.memory_space<hbm>> -> memref<13x16x128xf32, #tpu.memory_space<hbm>>
        tpu.enqueue_dma source(%arg12 : memref<13x16x128xf32, #tpu.memory_space<vmem>>) target(%dma_start3A_144 : memref<13x16x128xf32, #tpu.memory_space<hbm>>) target_semaphore(%arg21 : memref<!tpu.dma_semaphore, #tpu.memory_space<semaphore_mem>>)
      } else {
      }
    }
    %scan3A_30 = arith.constant 26 : i32
    %dma_wait3A = arith.constant 0 : i32
    %dma_wait3A_31 = arith.constant 0 : i32
    %dma_wait3A_32 = arith.constant 0 : i32
    %dma_wait3A_33 = tpu.memref_slice %arg5[%dma_wait3A, %dma_wait3A_31, %dma_wait3A_32] : memref<13x64x50000xf32, #tpu.memory_space<hbm>> -> memref<13x16x128xf32, #tpu.memory_space<hbm>>
    %dma_wait3A_34 = arith.constant 0 : i32
    %dma_wait3A_35 = arith.constant 0 : i32
    %dma_wait3A_36 = arith.constant 0 : i32
    %dma_wait3A_37 = tpu.memref_slice %arg5[%dma_wait3A_34, %dma_wait3A_35, %dma_wait3A_36] : memref<13x64x50000xf32, #tpu.memory_space<hbm>> -> memref<13x16x128xf32, #tpu.memory_space<hbm>>
    tpu.wait_dma2 semaphore(%arg20 : memref<!tpu.dma_semaphore, #tpu.memory_space<semaphore_mem>>) src(%arg11 : memref<13x16x128xf32, #tpu.memory_space<vmem>>) dst(%dma_wait3A_37 : memref<13x16x128xf32, #tpu.memory_space<hbm>>)
    %dma_wait3A_38 = arith.constant 0 : i32
    %dma_wait3A_39 = arith.constant 0 : i32
    %dma_wait3A_40 = arith.constant 0 : i32
    %dma_wait3A_41 = tpu.memref_slice %arg5[%dma_wait3A_38, %dma_wait3A_39, %dma_wait3A_40] : memref<13x64x50000xf32, #tpu.memory_space<hbm>> -> memref<13x16x128xf32, #tpu.memory_space<hbm>>
    %dma_wait3A_42 = arith.constant 0 : i32
    %dma_wait3A_43 = arith.constant 0 : i32
    %dma_wait3A_44 = arith.constant 0 : i32
    %dma_wait3A_45 = tpu.memref_slice %arg5[%dma_wait3A_42, %dma_wait3A_43, %dma_wait3A_44] : memref<13x64x50000xf32, #tpu.memory_space<hbm>> -> memref<13x16x128xf32, #tpu.memory_space<hbm>>
    tpu.wait_dma2 semaphore(%arg21 : memref<!tpu.dma_semaphore, #tpu.memory_space<semaphore_mem>>) src(%arg12 : memref<13x16x128xf32, #tpu.memory_space<vmem>>) dst(%dma_wait3A_45 : memref<13x16x128xf32, #tpu.memory_space<hbm>>)
    %eq3A = arith.constant 6 : i32
    %eq3A_46 = arith.cmpi eq, %add3A, %eq3A : i32
    %convert_element_type3A_47 = arith.extui %eq3A_46 : i1 to i32
    %cond3A_48 = arith.constant 0 : i32
    %cond3A_49 = arith.cmpi ne, %convert_element_type3A_47, %cond3A_48 : i32
    scf.if %cond3A_49 {
      "tpu.region"() ({
        %run_scoped3A = tpu.sem_alloc : memref<!tpu.dma_semaphore, #tpu.memory_space<semaphore_mem>>
        %dma_start3A = arith.constant 49920 : i32
        %dma_start3A_61 = tpu.memref_slice %arg3[%dma_start3A] : memref<50000xi32, #tpu.memory_space<hbm>> -> memref<80xi32, #tpu.memory_space<hbm>>
        %dma_start3A_62 = arith.constant 49920 : i32
        %dma_start3A_63 = tpu.memref_slice %arg3[%dma_start3A_62] : memref<50000xi32, #tpu.memory_space<hbm>> -> memref<80xi32, #tpu.memory_space<hbm>>
        tpu.enqueue_dma source(%dma_start3A_63 : memref<80xi32, #tpu.memory_space<hbm>>) target(%arg13 : memref<80xi32, #tpu.memory_space<vmem>>) target_semaphore(%run_scoped3A : memref<!tpu.dma_semaphore, #tpu.memory_space<semaphore_mem>>)
        %dma_wait3A_64 = arith.constant 49920 : i32
        %dma_wait3A_65 = tpu.memref_slice %arg3[%dma_wait3A_64] : memref<50000xi32, #tpu.memory_space<hbm>> -> memref<80xi32, #tpu.memory_space<hbm>>
        %dma_wait3A_66 = arith.constant 49920 : i32
        %dma_wait3A_67 = tpu.memref_slice %arg3[%dma_wait3A_66] : memref<50000xi32, #tpu.memory_space<hbm>> -> memref<80xi32, #tpu.memory_space<hbm>>
        tpu.wait_dma2 semaphore(%run_scoped3A : memref<!tpu.dma_semaphore, #tpu.memory_space<semaphore_mem>>) src(%dma_wait3A_67 : memref<80xi32, #tpu.memory_space<hbm>>) dst(%arg13 : memref<80xi32, #tpu.memory_space<vmem>>)
        tpu.yield
      }) : () -> ()
      "tpu.region"() ({
        %run_scoped3A = tpu.sem_alloc : memref<!tpu.dma_semaphore, #tpu.memory_space<semaphore_mem>>
        %dma_start3A = arith.constant 0 : i32
        %dma_start3A_61 = arith.constant 49920 : i32
        %dma_start3A_62 = tpu.memref_slice %arg4[%dma_start3A, %dma_start3A_61] : memref<64x50000xf32, #tpu.memory_space<hbm>> -> memref<16x80xf32, #tpu.memory_space<hbm>>
        %dma_start3A_63 = arith.constant 0 : i32
        %dma_start3A_64 = arith.constant 49920 : i32
        %dma_start3A_65 = tpu.memref_slice %arg4[%dma_start3A_63, %dma_start3A_64] : memref<64x50000xf32, #tpu.memory_space<hbm>> -> memref<16x80xf32, #tpu.memory_space<hbm>>
        tpu.enqueue_dma source(%dma_start3A_65 : memref<16x80xf32, #tpu.memory_space<hbm>>) target(%arg14 : memref<16x80xf32, #tpu.memory_space<vmem>>) target_semaphore(%run_scoped3A : memref<!tpu.dma_semaphore, #tpu.memory_space<semaphore_mem>>)
        %dma_wait3A_66 = arith.constant 0 : i32
        %dma_wait3A_67 = arith.constant 49920 : i32
        %dma_wait3A_68 = tpu.memref_slice %arg4[%dma_wait3A_66, %dma_wait3A_67] : memref<64x50000xf32, #tpu.memory_space<hbm>> -> memref<16x80xf32, #tpu.memory_space<hbm>>
        %dma_wait3A_69 = arith.constant 0 : i32
        %dma_wait3A_70 = arith.constant 49920 : i32
        %dma_wait3A_71 = tpu.memref_slice %arg4[%dma_wait3A_69, %dma_wait3A_70] : memref<64x50000xf32, #tpu.memory_space<hbm>> -> memref<16x80xf32, #tpu.memory_space<hbm>>
        tpu.wait_dma2 semaphore(%run_scoped3A : memref<!tpu.dma_semaphore, #tpu.memory_space<semaphore_mem>>) src(%dma_wait3A_71 : memref<16x80xf32, #tpu.memory_space<hbm>>) dst(%arg14 : memref<16x80xf32, #tpu.memory_space<vmem>>)
        tpu.yield
      }) : () -> ()
      %parallel_loop3A = arith.constant 0 : i32
      %parallel_loop3A_50 = arith.constant 80 : i32
      %parallel_loop3A_51 = arith.constant 1 : i32
      scf.for %parallel_loop3A_61 = %parallel_loop3A to %parallel_loop3A_50 step %parallel_loop3A_51  : i32 {
        %parallel_loop3A_62 = arith.constant 16 : i32
        %parallel_loop3A_63 = arith.divsi %parallel_loop3A_61, %parallel_loop3A_62 : i32
        %parallel_loop3A_64 = arith.constant 0 : i32
        %parallel_loop3A_65 = arith.cmpi sgt, %parallel_loop3A_61, %parallel_loop3A_64 : i32
        %parallel_loop3A_66 = arith.extui %parallel_loop3A_65 : i1 to i32
        %parallel_loop3A_67 = arith.constant 0 : i32
        %parallel_loop3A_68 = arith.cmpi slt, %parallel_loop3A_61, %parallel_loop3A_67 : i32
        %parallel_loop3A_69 = arith.extui %parallel_loop3A_68 : i1 to i32
        %parallel_loop3A_70 = arith.subi %parallel_loop3A_66, %parallel_loop3A_69 : i32
        %parallel_loop3A_71 = arith.constant 0 : i32
        %parallel_loop3A_72 = arith.cmpi sgt, %parallel_loop3A_62, %parallel_loop3A_71 : i32
        %parallel_loop3A_73 = arith.extui %parallel_loop3A_72 : i1 to i32
        %parallel_loop3A_74 = arith.constant 0 : i32
        %parallel_loop3A_75 = arith.cmpi slt, %parallel_loop3A_62, %parallel_loop3A_74 : i32
        %parallel_loop3A_76 = arith.extui %parallel_loop3A_75 : i1 to i32
        %parallel_loop3A_77 = arith.subi %parallel_loop3A_73, %parallel_loop3A_76 : i32
        %parallel_loop3A_78 = arith.cmpi ne, %parallel_loop3A_70, %parallel_loop3A_77 : i32
        %parallel_loop3A_79 = arith.remsi %parallel_loop3A_61, %parallel_loop3A_62 : i32
        %parallel_loop3A_80 = arith.constant 0 : i32
        %parallel_loop3A_81 = arith.cmpi ne, %parallel_loop3A_79, %parallel_loop3A_80 : i32
        %parallel_loop3A_82 = arith.andi %parallel_loop3A_78, %parallel_loop3A_81 : i1
        %parallel_loop3A_83 = arith.constant 1 : i32
        %parallel_loop3A_84 = arith.subi %parallel_loop3A_63, %parallel_loop3A_83 : i32
        %parallel_loop3A_85 = arith.select %parallel_loop3A_82, %parallel_loop3A_84, %parallel_loop3A_63 : i32
        %parallel_loop3A_86 = arith.constant 16 : i32
        %parallel_loop3A_87 = arith.muli %parallel_loop3A_85, %parallel_loop3A_86 : i32
        %parallel_loop3A_88 = arith.constant 16 : i32
        %parallel_loop3A_89 = arith.constant 0 : i32
        %parallel_loop3A_90 = arith.cmpi eq, %parallel_loop3A_88, %parallel_loop3A_89 : i32
        %parallel_loop3A_91 = arith.constant 1 : i32
        %parallel_loop3A_92 = arith.select %parallel_loop3A_90, %parallel_loop3A_91, %parallel_loop3A_88 : i32
        %parallel_loop3A_93 = arith.remsi %parallel_loop3A_61, %parallel_loop3A_92 : i32
        %parallel_loop3A_94 = arith.constant 0 : i32
        %parallel_loop3A_95 = arith.cmpi ne, %parallel_loop3A_93, %parallel_loop3A_94 : i32
        %parallel_loop3A_96 = arith.constant 0 : i32
        %parallel_loop3A_97 = arith.cmpi slt, %parallel_loop3A_93, %parallel_loop3A_96 : i32
        %parallel_loop3A_98 = arith.constant 0 : i32
        %parallel_loop3A_99 = arith.cmpi slt, %parallel_loop3A_92, %parallel_loop3A_98 : i32
        %parallel_loop3A_100 = arith.xori %parallel_loop3A_97, %parallel_loop3A_99 : i1
        %parallel_loop3A_101 = arith.andi %parallel_loop3A_100, %parallel_loop3A_95 : i1
        %parallel_loop3A_102 = arith.addi %parallel_loop3A_93, %parallel_loop3A_92 : i32
        %parallel_loop3A_103 = arith.select %parallel_loop3A_101, %parallel_loop3A_102, %parallel_loop3A_93 : i32
        %parallel_loop3A_104 = arith.index_cast %parallel_loop3A_87 : i32 to index
        %parallel_loop3A_105 = tpu.vector_load %arg13[%parallel_loop3A_104] {strides = array<i32>} : memref<80xi32, #tpu.memory_space<vmem>>, vector<16xi32>,
        %parallel_loop3A_106 = arith.index_cast %parallel_loop3A_103 : i32 to index
        %parallel_loop3A_107 = arith.index_cast %parallel_loop3A_87 : i32 to index
        %parallel_loop3A_108 = tpu.vector_load %arg14[%parallel_loop3A_106, %parallel_loop3A_107] {strides = array<i32>} : memref<16x80xf32, #tpu.memory_space<vmem>>, vector<16xf32>,
        %parallel_loop3A_109 = arith.constant 1.000000e+00 : f32
        %parallel_loop3A_110 = vector.broadcast %parallel_loop3A_109 : f32 to vector<16xf32>
        %parallel_loop3A_111 = arith.addf %parallel_loop3A_110, %parallel_loop3A_108 : vector<16xf32>
        %parallel_loop3A_112 = arith.constant 833 : i32
        %parallel_loop3A_113 = vector.broadcast %parallel_loop3A_112 : i32 to vector<16xi32>
        %parallel_loop3A_114 = arith.muli %parallel_loop3A_105, %parallel_loop3A_113 : vector<16xi32>
        %parallel_loop3A_115 = arith.constant 0 : i32
        %parallel_loop3A_116 = arith.addi %parallel_loop3A_115, %parallel_loop3A_103 : i32
        %parallel_loop3A_117 = vector.broadcast %parallel_loop3A_116 : i32 to vector<16xi32>
        %parallel_loop3A_118 = arith.addi %parallel_loop3A_114, %parallel_loop3A_117 : vector<16xi32>
        %parallel_loop3A_119 = arith.constant 0 : i32
        %parallel_loop3A_120 = vector.broadcast %parallel_loop3A_119 : i32 to vector<16xi32>
        %parallel_loop3A_121 = arith.addi %parallel_loop3A_118, %parallel_loop3A_120 : vector<16xi32>
        %parallel_loop3A_122 = tpu.vector_load_idx %arg6[%parallel_loop3A_121] : memref<30821xf32, #tpu.memory_space<vmem>>[vector<16xi32>], vector<16xf32>,
        %parallel_loop3A_123 = arith.mulf %parallel_loop3A_122, %parallel_loop3A_111 : vector<16xf32>
        %parallel_loop3A_124 = arith.constant 0 : i32
        %parallel_loop3A_125 = arith.index_cast %parallel_loop3A_124 : i32 to index
        %parallel_loop3A_126 = arith.index_cast %parallel_loop3A_103 : i32 to index
        %parallel_loop3A_127 = arith.index_cast %parallel_loop3A_87 : i32 to index
        %parallel_loop3A_128 = tpu.vector_load %arg15[%parallel_loop3A_125, %parallel_loop3A_126, %parallel_loop3A_127] {strides = array<i32>} : memref<13x16x80xf32, #tpu.memory_space<vmem>>, vector<16xf32>,
        tpu.vector_store %arg15[%parallel_loop3A_125, %parallel_loop3A_126, %parallel_loop3A_127], %parallel_loop3A_123 {strides = array<i32>} : memref<13x16x80xf32, #tpu.memory_space<vmem>>, vector<16xf32>,
        %parallel_loop3A_129 = arith.constant 64 : i32
        %parallel_loop3A_130 = vector.broadcast %parallel_loop3A_129 : i32 to vector<16xi32>
        %parallel_loop3A_131 = arith.addi %parallel_loop3A_118, %parallel_loop3A_130 : vector<16xi32>
        %parallel_loop3A_132 = tpu.vector_load_idx %arg6[%parallel_loop3A_131] : memref<30821xf32, #tpu.memory_space<vmem>>[vector<16xi32>], vector<16xf32>,
        %parallel_loop3A_133 = arith.mulf %parallel_loop3A_132, %parallel_loop3A_111 : vector<16xf32>
        %parallel_loop3A_134 = arith.constant 1 : i32
        %parallel_loop3A_135 = arith.index_cast %parallel_loop3A_134 : i32 to index
        %parallel_loop3A_136 = arith.index_cast %parallel_loop3A_103 : i32 to index
        %parallel_loop3A_137 = arith.index_cast %parallel_loop3A_87 : i32 to index
        %parallel_loop3A_138 = tpu.vector_load %arg15[%parallel_loop3A_135, %parallel_loop3A_136, %parallel_loop3A_137] {strides = array<i32>} : memref<13x16x80xf32, #tpu.memory_space<vmem>>, vector<16xf32>,
        tpu.vector_store %arg15[%parallel_loop3A_135, %parallel_loop3A_136, %parallel_loop3A_137], %parallel_loop3A_133 {strides = array<i32>} : memref<13x16x80xf32, #tpu.memory_space<vmem>>, vector<16xf32>,
        %parallel_loop3A_139 = arith.constant 128 : i32
        %parallel_loop3A_140 = vector.broadcast %parallel_loop3A_139 : i32 to vector<16xi32>
        %parallel_loop3A_141 = arith.addi %parallel_loop3A_118, %parallel_loop3A_140 : vector<16xi32>
        %parallel_loop3A_142 = tpu.vector_load_idx %arg6[%parallel_loop3A_141] : memref<30821xf32, #tpu.memory_space<vmem>>[vector<16xi32>], vector<16xf32>,
        %parallel_loop3A_143 = arith.mulf %parallel_loop3A_142, %parallel_loop3A_111 : vector<16xf32>
        %parallel_loop3A_144 = arith.constant 2 : i32
        %parallel_loop3A_145 = arith.index_cast %parallel_loop3A_144 : i32 to index
        %parallel_loop3A_146 = arith.index_cast %parallel_loop3A_103 : i32 to index
        %parallel_loop3A_147 = arith.index_cast %parallel_loop3A_87 : i32 to index
        %parallel_loop3A_148 = tpu.vector_load %arg15[%parallel_loop3A_145, %parallel_loop3A_146, %parallel_loop3A_147] {strides = array<i32>} : memref<13x16x80xf32, #tpu.memory_space<vmem>>, vector<16xf32>,
        tpu.vector_store %arg15[%parallel_loop3A_145, %parallel_loop3A_146, %parallel_loop3A_147], %parallel_loop3A_143 {strides = array<i32>} : memref<13x16x80xf32, #tpu.memory_space<vmem>>, vector<16xf32>,
        %parallel_loop3A_149 = arith.constant 192 : i32
        %parallel_loop3A_150 = vector.broadcast %parallel_loop3A_149 : i32 to vector<16xi32>
        %parallel_loop3A_151 = arith.addi %parallel_loop3A_118, %parallel_loop3A_150 : vector<16xi32>
        %parallel_loop3A_152 = tpu.vector_load_idx %arg6[%parallel_loop3A_151] : memref<30821xf32, #tpu.memory_space<vmem>>[vector<16xi32>], vector<16xf32>,
        %parallel_loop3A_153 = arith.mulf %parallel_loop3A_152, %parallel_loop3A_111 : vector<16xf32>
        %parallel_loop3A_154 = arith.constant 3 : i32
        %parallel_loop3A_155 = arith.index_cast %parallel_loop3A_154 : i32 to index
        %parallel_loop3A_156 = arith.index_cast %parallel_loop3A_103 : i32 to index
        %parallel_loop3A_157 = arith.index_cast %parallel_loop3A_87 : i32 to index
        %parallel_loop3A_158 = tpu.vector_load %arg15[%parallel_loop3A_155, %parallel_loop3A_156, %parallel_loop3A_157] {strides = array<i32>} : memref<13x16x80xf32, #tpu.memory_space<vmem>>, vector<16xf32>,
        tpu.vector_store %arg15[%parallel_loop3A_155, %parallel_loop3A_156, %parallel_loop3A_157], %parallel_loop3A_153 {strides = array<i32>} : memref<13x16x80xf32, #tpu.memory_space<vmem>>, vector<16xf32>,
        %parallel_loop3A_159 = arith.constant 256 : i32
        %parallel_loop3A_160 = vector.broadcast %parallel_loop3A_159 : i32 to vector<16xi32>
        %parallel_loop3A_161 = arith.addi %parallel_loop3A_118, %parallel_loop3A_160 : vector<16xi32>
        %parallel_loop3A_162 = tpu.vector_load_idx %arg6[%parallel_loop3A_161] : memref<30821xf32, #tpu.memory_space<vmem>>[vector<16xi32>], vector<16xf32>,
        %parallel_loop3A_163 = arith.mulf %parallel_loop3A_162, %parallel_loop3A_111 : vector<16xf32>
        %parallel_loop3A_164 = arith.constant 4 : i32
        %parallel_loop3A_165 = arith.index_cast %parallel_loop3A_164 : i32 to index
        %parallel_loop3A_166 = arith.index_cast %parallel_loop3A_103 : i32 to index
        %parallel_loop3A_167 = arith.index_cast %parallel_loop3A_87 : i32 to index
        %parallel_loop3A_168 = tpu.vector_load %arg15[%parallel_loop3A_165, %parallel_loop3A_166, %parallel_loop3A_167] {strides = array<i32>} : memref<13x16x80xf32, #tpu.memory_space<vmem>>, vector<16xf32>,
        tpu.vector_store %arg15[%parallel_loop3A_165, %parallel_loop3A_166, %parallel_loop3A_167], %parallel_loop3A_163 {strides = array<i32>} : memref<13x16x80xf32, #tpu.memory_space<vmem>>, vector<16xf32>,
        %parallel_loop3A_169 = arith.constant 320 : i32
        %parallel_loop3A_170 = vector.broadcast %parallel_loop3A_169 : i32 to vector<16xi32>
        %parallel_loop3A_171 = arith.addi %parallel_loop3A_118, %parallel_loop3A_170 : vector<16xi32>
        %parallel_loop3A_172 = tpu.vector_load_idx %arg6[%parallel_loop3A_171] : memref<30821xf32, #tpu.memory_space<vmem>>[vector<16xi32>], vector<16xf32>,
        %parallel_loop3A_173 = arith.mulf %parallel_loop3A_172, %parallel_loop3A_111 : vector<16xf32>
        %parallel_loop3A_174 = arith.constant 5 : i32
        %parallel_loop3A_175 = arith.index_cast %parallel_loop3A_174 : i32 to index
        %parallel_loop3A_176 = arith.index_cast %parallel_loop3A_103 : i32 to index
        %parallel_loop3A_177 = arith.index_cast %parallel_loop3A_87 : i32 to index
        %parallel_loop3A_178 = tpu.vector_load %arg15[%parallel_loop3A_175, %parallel_loop3A_176, %parallel_loop3A_177] {strides = array<i32>} : memref<13x16x80xf32, #tpu.memory_space<vmem>>, vector<16xf32>,
        tpu.vector_store %arg15[%parallel_loop3A_175, %parallel_loop3A_176, %parallel_loop3A_177], %parallel_loop3A_173 {strides = array<i32>} : memref<13x16x80xf32, #tpu.memory_space<vmem>>, vector<16xf32>,
        %parallel_loop3A_179 = arith.constant 384 : i32
        %parallel_loop3A_180 = vector.broadcast %parallel_loop3A_179 : i32 to vector<16xi32>
        %parallel_loop3A_181 = arith.addi %parallel_loop3A_118, %parallel_loop3A_180 : vector<16xi32>
        %parallel_loop3A_182 = tpu.vector_load_idx %arg6[%parallel_loop3A_181] : memref<30821xf32, #tpu.memory_space<vmem>>[vector<16xi32>], vector<16xf32>,
        %parallel_loop3A_183 = arith.mulf %parallel_loop3A_182, %parallel_loop3A_111 : vector<16xf32>
        %parallel_loop3A_184 = arith.constant 6 : i32
        %parallel_loop3A_185 = arith.index_cast %parallel_loop3A_184 : i32 to index
        %parallel_loop3A_186 = arith.index_cast %parallel_loop3A_103 : i32 to index
        %parallel_loop3A_187 = arith.index_cast %parallel_loop3A_87 : i32 to index
        %parallel_loop3A_188 = tpu.vector_load %arg15[%parallel_loop3A_185, %parallel_loop3A_186, %parallel_loop3A_187] {strides = array<i32>} : memref<13x16x80xf32, #tpu.memory_space<vmem>>, vector<16xf32>,
        tpu.vector_store %arg15[%parallel_loop3A_185, %parallel_loop3A_186, %parallel_loop3A_187], %parallel_loop3A_183 {strides = array<i32>} : memref<13x16x80xf32, #tpu.memory_space<vmem>>, vector<16xf32>,
        %parallel_loop3A_189 = arith.constant 448 : i32
        %parallel_loop3A_190 = vector.broadcast %parallel_loop3A_189 : i32 to vector<16xi32>
        %parallel_loop3A_191 = arith.addi %parallel_loop3A_118, %parallel_loop3A_190 : vector<16xi32>
        %parallel_loop3A_192 = tpu.vector_load_idx %arg6[%parallel_loop3A_191] : memref<30821xf32, #tpu.memory_space<vmem>>[vector<16xi32>], vector<16xf32>,
        %parallel_loop3A_193 = arith.mulf %parallel_loop3A_192, %parallel_loop3A_111 : vector<16xf32>
        %parallel_loop3A_194 = arith.constant 7 : i32
        %parallel_loop3A_195 = arith.index_cast %parallel_loop3A_194 : i32 to index
        %parallel_loop3A_196 = arith.index_cast %parallel_loop3A_103 : i32 to index
        %parallel_loop3A_197 = arith.index_cast %parallel_loop3A_87 : i32 to index
        %parallel_loop3A_198 = tpu.vector_load %arg15[%parallel_loop3A_195, %parallel_loop3A_196, %parallel_loop3A_197] {strides = array<i32>} : memref<13x16x80xf32, #tpu.memory_space<vmem>>, vector<16xf32>,
        tpu.vector_store %arg15[%parallel_loop3A_195, %parallel_loop3A_196, %parallel_loop3A_197], %parallel_loop3A_193 {strides = array<i32>} : memref<13x16x80xf32, #tpu.memory_space<vmem>>, vector<16xf32>,
        %parallel_loop3A_199 = arith.constant 512 : i32
        %parallel_loop3A_200 = vector.broadcast %parallel_loop3A_199 : i32 to vector<16xi32>
        %parallel_loop3A_201 = arith.addi %parallel_loop3A_118, %parallel_loop3A_200 : vector<16xi32>
        %parallel_loop3A_202 = tpu.vector_load_idx %arg6[%parallel_loop3A_201] : memref<30821xf32, #tpu.memory_space<vmem>>[vector<16xi32>], vector<16xf32>,
        %parallel_loop3A_203 = arith.mulf %parallel_loop3A_202, %parallel_loop3A_111 : vector<16xf32>
        %parallel_loop3A_204 = arith.constant 8 : i32
        %parallel_loop3A_205 = arith.index_cast %parallel_loop3A_204 : i32 to index
        %parallel_loop3A_206 = arith.index_cast %parallel_loop3A_103 : i32 to index
        %parallel_loop3A_207 = arith.index_cast %parallel_loop3A_87 : i32 to index
        %parallel_loop3A_208 = tpu.vector_load %arg15[%parallel_loop3A_205, %parallel_loop3A_206, %parallel_loop3A_207] {strides = array<i32>} : memref<13x16x80xf32, #tpu.memory_space<vmem>>, vector<16xf32>,
        tpu.vector_store %arg15[%parallel_loop3A_205, %parallel_loop3A_206, %parallel_loop3A_207], %parallel_loop3A_203 {strides = array<i32>} : memref<13x16x80xf32, #tpu.memory_space<vmem>>, vector<16xf32>,
        %parallel_loop3A_209 = arith.constant 576 : i32
        %parallel_loop3A_210 = vector.broadcast %parallel_loop3A_209 : i32 to vector<16xi32>
        %parallel_loop3A_211 = arith.addi %parallel_loop3A_118, %parallel_loop3A_210 : vector<16xi32>
        %parallel_loop3A_212 = tpu.vector_load_idx %arg6[%parallel_loop3A_211] : memref<30821xf32, #tpu.memory_space<vmem>>[vector<16xi32>], vector<16xf32>,
        %parallel_loop3A_213 = arith.mulf %parallel_loop3A_212, %parallel_loop3A_111 : vector<16xf32>
        %parallel_loop3A_214 = arith.constant 9 : i32
        %parallel_loop3A_215 = arith.index_cast %parallel_loop3A_214 : i32 to index
        %parallel_loop3A_216 = arith.index_cast %parallel_loop3A_103 : i32 to index
        %parallel_loop3A_217 = arith.index_cast %parallel_loop3A_87 : i32 to index
        %parallel_loop3A_218 = tpu.vector_load %arg15[%parallel_loop3A_215, %parallel_loop3A_216, %parallel_loop3A_217] {strides = array<i32>} : memref<13x16x80xf32, #tpu.memory_space<vmem>>, vector<16xf32>,
        tpu.vector_store %arg15[%parallel_loop3A_215, %parallel_loop3A_216, %parallel_loop3A_217], %parallel_loop3A_213 {strides = array<i32>} : memref<13x16x80xf32, #tpu.memory_space<vmem>>, vector<16xf32>,
        %parallel_loop3A_219 = arith.constant 640 : i32
        %parallel_loop3A_220 = vector.broadcast %parallel_loop3A_219 : i32 to vector<16xi32>
        %parallel_loop3A_221 = arith.addi %parallel_loop3A_118, %parallel_loop3A_220 : vector<16xi32>
        %parallel_loop3A_222 = tpu.vector_load_idx %arg6[%parallel_loop3A_221] : memref<30821xf32, #tpu.memory_space<vmem>>[vector<16xi32>], vector<16xf32>,
        %parallel_loop3A_223 = arith.mulf %parallel_loop3A_222, %parallel_loop3A_111 : vector<16xf32>
        %parallel_loop3A_224 = arith.constant 10 : i32
        %parallel_loop3A_225 = arith.index_cast %parallel_loop3A_224 : i32 to index
        %parallel_loop3A_226 = arith.index_cast %parallel_loop3A_103 : i32 to index
        %parallel_loop3A_227 = arith.index_cast %parallel_loop3A_87 : i32 to index
        %parallel_loop3A_228 = tpu.vector_load %arg15[%parallel_loop3A_225, %parallel_loop3A_226, %parallel_loop3A_227] {strides = array<i32>} : memref<13x16x80xf32, #tpu.memory_space<vmem>>, vector<16xf32>,
        tpu.vector_store %arg15[%parallel_loop3A_225, %parallel_loop3A_226, %parallel_loop3A_227], %parallel_loop3A_223 {strides = array<i32>} : memref<13x16x80xf32, #tpu.memory_space<vmem>>, vector<16xf32>,
        %parallel_loop3A_229 = arith.constant 704 : i32
        %parallel_loop3A_230 = vector.broadcast %parallel_loop3A_229 : i32 to vector<16xi32>
        %parallel_loop3A_231 = arith.addi %parallel_loop3A_118, %parallel_loop3A_230 : vector<16xi32>
        %parallel_loop3A_232 = tpu.vector_load_idx %arg6[%parallel_loop3A_231] : memref<30821xf32, #tpu.memory_space<vmem>>[vector<16xi32>], vector<16xf32>,
        %parallel_loop3A_233 = arith.mulf %parallel_loop3A_232, %parallel_loop3A_111 : vector<16xf32>
        %parallel_loop3A_234 = arith.constant 11 : i32
        %parallel_loop3A_235 = arith.index_cast %parallel_loop3A_234 : i32 to index
        %parallel_loop3A_236 = arith.index_cast %parallel_loop3A_103 : i32 to index
        %parallel_loop3A_237 = arith.index_cast %parallel_loop3A_87 : i32 to index
        %parallel_loop3A_238 = tpu.vector_load %arg15[%parallel_loop3A_235, %parallel_loop3A_236, %parallel_loop3A_237] {strides = array<i32>} : memref<13x16x80xf32, #tpu.memory_space<vmem>>, vector<16xf32>,
        tpu.vector_store %arg15[%parallel_loop3A_235, %parallel_loop3A_236, %parallel_loop3A_237], %parallel_loop3A_233 {strides = array<i32>} : memref<13x16x80xf32, #tpu.memory_space<vmem>>, vector<16xf32>,
        %parallel_loop3A_239 = arith.constant 768 : i32
        %parallel_loop3A_240 = vector.broadcast %parallel_loop3A_239 : i32 to vector<16xi32>
        %parallel_loop3A_241 = arith.addi %parallel_loop3A_118, %parallel_loop3A_240 : vector<16xi32>
        %parallel_loop3A_242 = tpu.vector_load_idx %arg6[%parallel_loop3A_241] : memref<30821xf32, #tpu.memory_space<vmem>>[vector<16xi32>], vector<16xf32>,
        %parallel_loop3A_243 = arith.mulf %parallel_loop3A_242, %parallel_loop3A_111 : vector<16xf32>
        %parallel_loop3A_244 = arith.constant 12 : i32
        %parallel_loop3A_245 = arith.index_cast %parallel_loop3A_244 : i32 to index
        %parallel_loop3A_246 = arith.index_cast %parallel_loop3A_103 : i32 to index
        %parallel_loop3A_247 = arith.index_cast %parallel_loop3A_87 : i32 to index
        %parallel_loop3A_248 = tpu.vector_load %arg15[%parallel_loop3A_245, %parallel_loop3A_246, %parallel_loop3A_247] {strides = array<i32>} : memref<13x16x80xf32, #tpu.memory_space<vmem>>, vector<16xf32>,
        tpu.vector_store %arg15[%parallel_loop3A_245, %parallel_loop3A_246, %parallel_loop3A_247], %parallel_loop3A_243 {strides = array<i32>} : memref<13x16x80xf32, #tpu.memory_space<vmem>>, vector<16xf32>,
      } {sc.loop_unroll_factor = 2 : i64, sc.parallel_access}
      "tpu.region"() ({
        %run_scoped3A = tpu.sem_alloc : memref<!tpu.dma_semaphore, #tpu.memory_space<semaphore_mem>>
        %dma_start3A = arith.constant 0 : i32
        %dma_start3A_61 = arith.constant 0 : i32
        %dma_start3A_62 = arith.constant 49920 : i32
        %dma_start3A_63 = tpu.memref_slice %arg5[%dma_start3A, %dma_start3A_61, %dma_start3A_62] : memref<13x64x50000xf32, #tpu.memory_space<hbm>> -> memref<13x16x80xf32, #tpu.memory_space<hbm>>
        %dma_start3A_64 = arith.constant 0 : i32
        %dma_start3A_65 = arith.constant 0 : i32
        %dma_start3A_66 = arith.constant 49920 : i32
        %dma_start3A_67 = tpu.memref_slice %arg5[%dma_start3A_64, %dma_start3A_65, %dma_start3A_66] : memref<13x64x50000xf32, #tpu.memory_space<hbm>> -> memref<13x16x80xf32, #tpu.memory_space<hbm>>
        tpu.enqueue_dma source(%arg15 : memref<13x16x80xf32, #tpu.memory_space<vmem>>) target(%dma_start3A_67 : memref<13x16x80xf32, #tpu.memory_space<hbm>>) target_semaphore(%run_scoped3A : memref<!tpu.dma_semaphore, #tpu.memory_space<semaphore_mem>>)
        %dma_wait3A_68 = arith.constant 0 : i32
        %dma_wait3A_69 = arith.constant 0 : i32
        %dma_wait3A_70 = arith.constant 49920 : i32
        %dma_wait3A_71 = tpu.memref_slice %arg5[%dma_wait3A_68, %dma_wait3A_69, %dma_wait3A_70] : memref<13x64x50000xf32, #tpu.memory_space<hbm>> -> memref<13x16x80xf32, #tpu.memory_space<hbm>>
        %dma_wait3A_72 = arith.constant 0 : i32
        %dma_wait3A_73 = arith.constant 0 : i32
        %dma_wait3A_74 = arith.constant 49920 : i32
        %dma_wait3A_75 = tpu.memref_slice %arg5[%dma_wait3A_72, %dma_wait3A_73, %dma_wait3A_74] : memref<13x64x50000xf32, #tpu.memory_space<hbm>> -> memref<13x16x80xf32, #tpu.memory_space<hbm>>
        tpu.wait_dma2 semaphore(%run_scoped3A : memref<!tpu.dma_semaphore, #tpu.memory_space<semaphore_mem>>) src(%arg15 : memref<13x16x80xf32, #tpu.memory_space<vmem>>) dst(%dma_wait3A_75 : memref<13x16x80xf32, #tpu.memory_space<hbm>>)
        tpu.yield
      }) : () -> ()
      "tpu.region"() ({
        %run_scoped3A = tpu.sem_alloc : memref<!tpu.dma_semaphore, #tpu.memory_space<semaphore_mem>>
        %dma_start3A = arith.constant 16 : i32
        %dma_start3A_61 = arith.constant 49920 : i32
        %dma_start3A_62 = tpu.memref_slice %arg4[%dma_start3A, %dma_start3A_61] : memref<64x50000xf32, #tpu.memory_space<hbm>> -> memref<16x80xf32, #tpu.memory_space<hbm>>
        %dma_start3A_63 = arith.constant 16 : i32
        %dma_start3A_64 = arith.constant 49920 : i32
        %dma_start3A_65 = tpu.memref_slice %arg4[%dma_start3A_63, %dma_start3A_64] : memref<64x50000xf32, #tpu.memory_space<hbm>> -> memref<16x80xf32, #tpu.memory_space<hbm>>
        tpu.enqueue_dma source(%dma_start3A_65 : memref<16x80xf32, #tpu.memory_space<hbm>>) target(%arg14 : memref<16x80xf32, #tpu.memory_space<vmem>>) target_semaphore(%run_scoped3A : memref<!tpu.dma_semaphore, #tpu.memory_space<semaphore_mem>>)
        %dma_wait3A_66 = arith.constant 16 : i32
        %dma_wait3A_67 = arith.constant 49920 : i32
        %dma_wait3A_68 = tpu.memref_slice %arg4[%dma_wait3A_66, %dma_wait3A_67] : memref<64x50000xf32, #tpu.memory_space<hbm>> -> memref<16x80xf32, #tpu.memory_space<hbm>>
        %dma_wait3A_69 = arith.constant 16 : i32
        %dma_wait3A_70 = arith.constant 49920 : i32
        %dma_wait3A_71 = tpu.memref_slice %arg4[%dma_wait3A_69, %dma_wait3A_70] : memref<64x50000xf32, #tpu.memory_space<hbm>> -> memref<16x80xf32, #tpu.memory_space<hbm>>
        tpu.wait_dma2 semaphore(%run_scoped3A : memref<!tpu.dma_semaphore, #tpu.memory_space<semaphore_mem>>) src(%dma_wait3A_71 : memref<16x80xf32, #tpu.memory_space<hbm>>) dst(%arg14 : memref<16x80xf32, #tpu.memory_space<vmem>>)
        tpu.yield
      }) : () -> ()
      %parallel_loop3A_52 = arith.constant 0 : i32
      %parallel_loop3A_53 = arith.constant 80 : i32
      %parallel_loop3A_54 = arith.constant 1 : i32
      scf.for %parallel_loop3A_61 = %parallel_loop3A_52 to %parallel_loop3A_53 step %parallel_loop3A_54  : i32 {
        %parallel_loop3A_62 = arith.constant 16 : i32
        %parallel_loop3A_63 = arith.divsi %parallel_loop3A_61, %parallel_loop3A_62 : i32
        %parallel_loop3A_64 = arith.constant 0 : i32
        %parallel_loop3A_65 = arith.cmpi sgt, %parallel_loop3A_61, %parallel_loop3A_64 : i32
        %parallel_loop3A_66 = arith.extui %parallel_loop3A_65 : i1 to i32
        %parallel_loop3A_67 = arith.constant 0 : i32
        %parallel_loop3A_68 = arith.cmpi slt, %parallel_loop3A_61, %parallel_loop3A_67 : i32
        %parallel_loop3A_69 = arith.extui %parallel_loop3A_68 : i1 to i32
        %parallel_loop3A_70 = arith.subi %parallel_loop3A_66, %parallel_loop3A_69 : i32
        %parallel_loop3A_71 = arith.constant 0 : i32
        %parallel_loop3A_72 = arith.cmpi sgt, %parallel_loop3A_62, %parallel_loop3A_71 : i32
        %parallel_loop3A_73 = arith.extui %parallel_loop3A_72 : i1 to i32
        %parallel_loop3A_74 = arith.constant 0 : i32
        %parallel_loop3A_75 = arith.cmpi slt, %parallel_loop3A_62, %parallel_loop3A_74 : i32
        %parallel_loop3A_76 = arith.extui %parallel_loop3A_75 : i1 to i32
        %parallel_loop3A_77 = arith.subi %parallel_loop3A_73, %parallel_loop3A_76 : i32
        %parallel_loop3A_78 = arith.cmpi ne, %parallel_loop3A_70, %parallel_loop3A_77 : i32
        %parallel_loop3A_79 = arith.remsi %parallel_loop3A_61, %parallel_loop3A_62 : i32
        %parallel_loop3A_80 = arith.constant 0 : i32
        %parallel_loop3A_81 = arith.cmpi ne, %parallel_loop3A_79, %parallel_loop3A_80 : i32
        %parallel_loop3A_82 = arith.andi %parallel_loop3A_78, %parallel_loop3A_81 : i1
        %parallel_loop3A_83 = arith.constant 1 : i32
        %parallel_loop3A_84 = arith.subi %parallel_loop3A_63, %parallel_loop3A_83 : i32
        %parallel_loop3A_85 = arith.select %parallel_loop3A_82, %parallel_loop3A_84, %parallel_loop3A_63 : i32
        %parallel_loop3A_86 = arith.constant 16 : i32
        %parallel_loop3A_87 = arith.muli %parallel_loop3A_85, %parallel_loop3A_86 : i32
        %parallel_loop3A_88 = arith.constant 16 : i32
        %parallel_loop3A_89 = arith.constant 0 : i32
        %parallel_loop3A_90 = arith.cmpi eq, %parallel_loop3A_88, %parallel_loop3A_89 : i32
        %parallel_loop3A_91 = arith.constant 1 : i32
        %parallel_loop3A_92 = arith.select %parallel_loop3A_90, %parallel_loop3A_91, %parallel_loop3A_88 : i32
        %parallel_loop3A_93 = arith.remsi %parallel_loop3A_61, %parallel_loop3A_92 : i32
        %parallel_loop3A_94 = arith.constant 0 : i32
        %parallel_loop3A_95 = arith.cmpi ne, %parallel_loop3A_93, %parallel_loop3A_94 : i32
        %parallel_loop3A_96 = arith.constant 0 : i32
        %parallel_loop3A_97 = arith.cmpi slt, %parallel_loop3A_93, %parallel_loop3A_96 : i32
        %parallel_loop3A_98 = arith.constant 0 : i32
        %parallel_loop3A_99 = arith.cmpi slt, %parallel_loop3A_92, %parallel_loop3A_98 : i32
        %parallel_loop3A_100 = arith.xori %parallel_loop3A_97, %parallel_loop3A_99 : i1
        %parallel_loop3A_101 = arith.andi %parallel_loop3A_100, %parallel_loop3A_95 : i1
        %parallel_loop3A_102 = arith.addi %parallel_loop3A_93, %parallel_loop3A_92 : i32
        %parallel_loop3A_103 = arith.select %parallel_loop3A_101, %parallel_loop3A_102, %parallel_loop3A_93 : i32
        %parallel_loop3A_104 = arith.index_cast %parallel_loop3A_87 : i32 to index
        %parallel_loop3A_105 = tpu.vector_load %arg13[%parallel_loop3A_104] {strides = array<i32>} : memref<80xi32, #tpu.memory_space<vmem>>, vector<16xi32>,
        %parallel_loop3A_106 = arith.index_cast %parallel_loop3A_103 : i32 to index
        %parallel_loop3A_107 = arith.index_cast %parallel_loop3A_87 : i32 to index
        %parallel_loop3A_108 = tpu.vector_load %arg14[%parallel_loop3A_106, %parallel_loop3A_107] {strides = array<i32>} : memref<16x80xf32, #tpu.memory_space<vmem>>, vector<16xf32>,
        %parallel_loop3A_109 = arith.constant 1.000000e+00 : f32
        %parallel_loop3A_110 = vector.broadcast %parallel_loop3A_109 : f32 to vector<16xf32>
        %parallel_loop3A_111 = arith.addf %parallel_loop3A_110, %parallel_loop3A_108 : vector<16xf32>
        %parallel_loop3A_112 = arith.constant 833 : i32
        %parallel_loop3A_113 = vector.broadcast %parallel_loop3A_112 : i32 to vector<16xi32>
        %parallel_loop3A_114 = arith.muli %parallel_loop3A_105, %parallel_loop3A_113 : vector<16xi32>
        %parallel_loop3A_115 = arith.constant 16 : i32
        %parallel_loop3A_116 = arith.addi %parallel_loop3A_115, %parallel_loop3A_103 : i32
        %parallel_loop3A_117 = vector.broadcast %parallel_loop3A_116 : i32 to vector<16xi32>
        %parallel_loop3A_118 = arith.addi %parallel_loop3A_114, %parallel_loop3A_117 : vector<16xi32>
        %parallel_loop3A_119 = arith.constant 0 : i32
        %parallel_loop3A_120 = vector.broadcast %parallel_loop3A_119 : i32 to vector<16xi32>
        %parallel_loop3A_121 = arith.addi %parallel_loop3A_118, %parallel_loop3A_120 : vector<16xi32>
        %parallel_loop3A_122 = tpu.vector_load_idx %arg6[%parallel_loop3A_121] : memref<30821xf32, #tpu.memory_space<vmem>>[vector<16xi32>], vector<16xf32>,
        %parallel_loop3A_123 = arith.mulf %parallel_loop3A_122, %parallel_loop3A_111 : vector<16xf32>
        %parallel_loop3A_124 = arith.constant 0 : i32
        %parallel_loop3A_125 = arith.index_cast %parallel_loop3A_124 : i32 to index
        %parallel_loop3A_126 = arith.index_cast %parallel_loop3A_103 : i32 to index
        %parallel_loop3A_127 = arith.index_cast %parallel_loop3A_87 : i32 to index
        %parallel_loop3A_128 = tpu.vector_load %arg15[%parallel_loop3A_125, %parallel_loop3A_126, %parallel_loop3A_127] {strides = array<i32>} : memref<13x16x80xf32, #tpu.memory_space<vmem>>, vector<16xf32>,
        tpu.vector_store %arg15[%parallel_loop3A_125, %parallel_loop3A_126, %parallel_loop3A_127], %parallel_loop3A_123 {strides = array<i32>} : memref<13x16x80xf32, #tpu.memory_space<vmem>>, vector<16xf32>,
        %parallel_loop3A_129 = arith.constant 64 : i32
        %parallel_loop3A_130 = vector.broadcast %parallel_loop3A_129 : i32 to vector<16xi32>
        %parallel_loop3A_131 = arith.addi %parallel_loop3A_118, %parallel_loop3A_130 : vector<16xi32>
        %parallel_loop3A_132 = tpu.vector_load_idx %arg6[%parallel_loop3A_131] : memref<30821xf32, #tpu.memory_space<vmem>>[vector<16xi32>], vector<16xf32>,
        %parallel_loop3A_133 = arith.mulf %parallel_loop3A_132, %parallel_loop3A_111 : vector<16xf32>
        %parallel_loop3A_134 = arith.constant 1 : i32
        %parallel_loop3A_135 = arith.index_cast %parallel_loop3A_134 : i32 to index
        %parallel_loop3A_136 = arith.index_cast %parallel_loop3A_103 : i32 to index
        %parallel_loop3A_137 = arith.index_cast %parallel_loop3A_87 : i32 to index
        %parallel_loop3A_138 = tpu.vector_load %arg15[%parallel_loop3A_135, %parallel_loop3A_136, %parallel_loop3A_137] {strides = array<i32>} : memref<13x16x80xf32, #tpu.memory_space<vmem>>, vector<16xf32>,
        tpu.vector_store %arg15[%parallel_loop3A_135, %parallel_loop3A_136, %parallel_loop3A_137], %parallel_loop3A_133 {strides = array<i32>} : memref<13x16x80xf32, #tpu.memory_space<vmem>>, vector<16xf32>,
        %parallel_loop3A_139 = arith.constant 128 : i32
        %parallel_loop3A_140 = vector.broadcast %parallel_loop3A_139 : i32 to vector<16xi32>
        %parallel_loop3A_141 = arith.addi %parallel_loop3A_118, %parallel_loop3A_140 : vector<16xi32>
        %parallel_loop3A_142 = tpu.vector_load_idx %arg6[%parallel_loop3A_141] : memref<30821xf32, #tpu.memory_space<vmem>>[vector<16xi32>], vector<16xf32>,
        %parallel_loop3A_143 = arith.mulf %parallel_loop3A_142, %parallel_loop3A_111 : vector<16xf32>
        %parallel_loop3A_144 = arith.constant 2 : i32
        %parallel_loop3A_145 = arith.index_cast %parallel_loop3A_144 : i32 to index
        %parallel_loop3A_146 = arith.index_cast %parallel_loop3A_103 : i32 to index
        %parallel_loop3A_147 = arith.index_cast %parallel_loop3A_87 : i32 to index
        %parallel_loop3A_148 = tpu.vector_load %arg15[%parallel_loop3A_145, %parallel_loop3A_146, %parallel_loop3A_147] {strides = array<i32>} : memref<13x16x80xf32, #tpu.memory_space<vmem>>, vector<16xf32>,
        tpu.vector_store %arg15[%parallel_loop3A_145, %parallel_loop3A_146, %parallel_loop3A_147], %parallel_loop3A_143 {strides = array<i32>} : memref<13x16x80xf32, #tpu.memory_space<vmem>>, vector<16xf32>,
        %parallel_loop3A_149 = arith.constant 192 : i32
        %parallel_loop3A_150 = vector.broadcast %parallel_loop3A_149 : i32 to vector<16xi32>
        %parallel_loop3A_151 = arith.addi %parallel_loop3A_118, %parallel_loop3A_150 : vector<16xi32>
        %parallel_loop3A_152 = tpu.vector_load_idx %arg6[%parallel_loop3A_151] : memref<30821xf32, #tpu.memory_space<vmem>>[vector<16xi32>], vector<16xf32>,
        %parallel_loop3A_153 = arith.mulf %parallel_loop3A_152, %parallel_loop3A_111 : vector<16xf32>
        %parallel_loop3A_154 = arith.constant 3 : i32
        %parallel_loop3A_155 = arith.index_cast %parallel_loop3A_154 : i32 to index
        %parallel_loop3A_156 = arith.index_cast %parallel_loop3A_103 : i32 to index
        %parallel_loop3A_157 = arith.index_cast %parallel_loop3A_87 : i32 to index
        %parallel_loop3A_158 = tpu.vector_load %arg15[%parallel_loop3A_155, %parallel_loop3A_156, %parallel_loop3A_157] {strides = array<i32>} : memref<13x16x80xf32, #tpu.memory_space<vmem>>, vector<16xf32>,
        tpu.vector_store %arg15[%parallel_loop3A_155, %parallel_loop3A_156, %parallel_loop3A_157], %parallel_loop3A_153 {strides = array<i32>} : memref<13x16x80xf32, #tpu.memory_space<vmem>>, vector<16xf32>,
        %parallel_loop3A_159 = arith.constant 256 : i32
        %parallel_loop3A_160 = vector.broadcast %parallel_loop3A_159 : i32 to vector<16xi32>
        %parallel_loop3A_161 = arith.addi %parallel_loop3A_118, %parallel_loop3A_160 : vector<16xi32>
        %parallel_loop3A_162 = tpu.vector_load_idx %arg6[%parallel_loop3A_161] : memref<30821xf32, #tpu.memory_space<vmem>>[vector<16xi32>], vector<16xf32>,
        %parallel_loop3A_163 = arith.mulf %parallel_loop3A_162, %parallel_loop3A_111 : vector<16xf32>
        %parallel_loop3A_164 = arith.constant 4 : i32
        %parallel_loop3A_165 = arith.index_cast %parallel_loop3A_164 : i32 to index
        %parallel_loop3A_166 = arith.index_cast %parallel_loop3A_103 : i32 to index
        %parallel_loop3A_167 = arith.index_cast %parallel_loop3A_87 : i32 to index
        %parallel_loop3A_168 = tpu.vector_load %arg15[%parallel_loop3A_165, %parallel_loop3A_166, %parallel_loop3A_167] {strides = array<i32>} : memref<13x16x80xf32, #tpu.memory_space<vmem>>, vector<16xf32>,
        tpu.vector_store %arg15[%parallel_loop3A_165, %parallel_loop3A_166, %parallel_loop3A_167], %parallel_loop3A_163 {strides = array<i32>} : memref<13x16x80xf32, #tpu.memory_space<vmem>>, vector<16xf32>,
        %parallel_loop3A_169 = arith.constant 320 : i32
        %parallel_loop3A_170 = vector.broadcast %parallel_loop3A_169 : i32 to vector<16xi32>
        %parallel_loop3A_171 = arith.addi %parallel_loop3A_118, %parallel_loop3A_170 : vector<16xi32>
        %parallel_loop3A_172 = tpu.vector_load_idx %arg6[%parallel_loop3A_171] : memref<30821xf32, #tpu.memory_space<vmem>>[vector<16xi32>], vector<16xf32>,
        %parallel_loop3A_173 = arith.mulf %parallel_loop3A_172, %parallel_loop3A_111 : vector<16xf32>
        %parallel_loop3A_174 = arith.constant 5 : i32
        %parallel_loop3A_175 = arith.index_cast %parallel_loop3A_174 : i32 to index
        %parallel_loop3A_176 = arith.index_cast %parallel_loop3A_103 : i32 to index
        %parallel_loop3A_177 = arith.index_cast %parallel_loop3A_87 : i32 to index
        %parallel_loop3A_178 = tpu.vector_load %arg15[%parallel_loop3A_175, %parallel_loop3A_176, %parallel_loop3A_177] {strides = array<i32>} : memref<13x16x80xf32, #tpu.memory_space<vmem>>, vector<16xf32>,
        tpu.vector_store %arg15[%parallel_loop3A_175, %parallel_loop3A_176, %parallel_loop3A_177], %parallel_loop3A_173 {strides = array<i32>} : memref<13x16x80xf32, #tpu.memory_space<vmem>>, vector<16xf32>,
        %parallel_loop3A_179 = arith.constant 384 : i32
        %parallel_loop3A_180 = vector.broadcast %parallel_loop3A_179 : i32 to vector<16xi32>
        %parallel_loop3A_181 = arith.addi %parallel_loop3A_118, %parallel_loop3A_180 : vector<16xi32>
        %parallel_loop3A_182 = tpu.vector_load_idx %arg6[%parallel_loop3A_181] : memref<30821xf32, #tpu.memory_space<vmem>>[vector<16xi32>], vector<16xf32>,
        %parallel_loop3A_183 = arith.mulf %parallel_loop3A_182, %parallel_loop3A_111 : vector<16xf32>
        %parallel_loop3A_184 = arith.constant 6 : i32
        %parallel_loop3A_185 = arith.index_cast %parallel_loop3A_184 : i32 to index
        %parallel_loop3A_186 = arith.index_cast %parallel_loop3A_103 : i32 to index
        %parallel_loop3A_187 = arith.index_cast %parallel_loop3A_87 : i32 to index
        %parallel_loop3A_188 = tpu.vector_load %arg15[%parallel_loop3A_185, %parallel_loop3A_186, %parallel_loop3A_187] {strides = array<i32>} : memref<13x16x80xf32, #tpu.memory_space<vmem>>, vector<16xf32>,
        tpu.vector_store %arg15[%parallel_loop3A_185, %parallel_loop3A_186, %parallel_loop3A_187], %parallel_loop3A_183 {strides = array<i32>} : memref<13x16x80xf32, #tpu.memory_space<vmem>>, vector<16xf32>,
        %parallel_loop3A_189 = arith.constant 448 : i32
        %parallel_loop3A_190 = vector.broadcast %parallel_loop3A_189 : i32 to vector<16xi32>
        %parallel_loop3A_191 = arith.addi %parallel_loop3A_118, %parallel_loop3A_190 : vector<16xi32>
        %parallel_loop3A_192 = tpu.vector_load_idx %arg6[%parallel_loop3A_191] : memref<30821xf32, #tpu.memory_space<vmem>>[vector<16xi32>], vector<16xf32>,
        %parallel_loop3A_193 = arith.mulf %parallel_loop3A_192, %parallel_loop3A_111 : vector<16xf32>
        %parallel_loop3A_194 = arith.constant 7 : i32
        %parallel_loop3A_195 = arith.index_cast %parallel_loop3A_194 : i32 to index
        %parallel_loop3A_196 = arith.index_cast %parallel_loop3A_103 : i32 to index
        %parallel_loop3A_197 = arith.index_cast %parallel_loop3A_87 : i32 to index
        %parallel_loop3A_198 = tpu.vector_load %arg15[%parallel_loop3A_195, %parallel_loop3A_196, %parallel_loop3A_197] {strides = array<i32>} : memref<13x16x80xf32, #tpu.memory_space<vmem>>, vector<16xf32>,
        tpu.vector_store %arg15[%parallel_loop3A_195, %parallel_loop3A_196, %parallel_loop3A_197], %parallel_loop3A_193 {strides = array<i32>} : memref<13x16x80xf32, #tpu.memory_space<vmem>>, vector<16xf32>,
        %parallel_loop3A_199 = arith.constant 512 : i32
        %parallel_loop3A_200 = vector.broadcast %parallel_loop3A_199 : i32 to vector<16xi32>
        %parallel_loop3A_201 = arith.addi %parallel_loop3A_118, %parallel_loop3A_200 : vector<16xi32>
        %parallel_loop3A_202 = tpu.vector_load_idx %arg6[%parallel_loop3A_201] : memref<30821xf32, #tpu.memory_space<vmem>>[vector<16xi32>], vector<16xf32>,
        %parallel_loop3A_203 = arith.mulf %parallel_loop3A_202, %parallel_loop3A_111 : vector<16xf32>
        %parallel_loop3A_204 = arith.constant 8 : i32
        %parallel_loop3A_205 = arith.index_cast %parallel_loop3A_204 : i32 to index
        %parallel_loop3A_206 = arith.index_cast %parallel_loop3A_103 : i32 to index
        %parallel_loop3A_207 = arith.index_cast %parallel_loop3A_87 : i32 to index
        %parallel_loop3A_208 = tpu.vector_load %arg15[%parallel_loop3A_205, %parallel_loop3A_206, %parallel_loop3A_207] {strides = array<i32>} : memref<13x16x80xf32, #tpu.memory_space<vmem>>, vector<16xf32>,
        tpu.vector_store %arg15[%parallel_loop3A_205, %parallel_loop3A_206, %parallel_loop3A_207], %parallel_loop3A_203 {strides = array<i32>} : memref<13x16x80xf32, #tpu.memory_space<vmem>>, vector<16xf32>,
        %parallel_loop3A_209 = arith.constant 576 : i32
        %parallel_loop3A_210 = vector.broadcast %parallel_loop3A_209 : i32 to vector<16xi32>
        %parallel_loop3A_211 = arith.addi %parallel_loop3A_118, %parallel_loop3A_210 : vector<16xi32>
        %parallel_loop3A_212 = tpu.vector_load_idx %arg6[%parallel_loop3A_211] : memref<30821xf32, #tpu.memory_space<vmem>>[vector<16xi32>], vector<16xf32>,
        %parallel_loop3A_213 = arith.mulf %parallel_loop3A_212, %parallel_loop3A_111 : vector<16xf32>
        %parallel_loop3A_214 = arith.constant 9 : i32
        %parallel_loop3A_215 = arith.index_cast %parallel_loop3A_214 : i32 to index
        %parallel_loop3A_216 = arith.index_cast %parallel_loop3A_103 : i32 to index
        %parallel_loop3A_217 = arith.index_cast %parallel_loop3A_87 : i32 to index
        %parallel_loop3A_218 = tpu.vector_load %arg15[%parallel_loop3A_215, %parallel_loop3A_216, %parallel_loop3A_217] {strides = array<i32>} : memref<13x16x80xf32, #tpu.memory_space<vmem>>, vector<16xf32>,
        tpu.vector_store %arg15[%parallel_loop3A_215, %parallel_loop3A_216, %parallel_loop3A_217], %parallel_loop3A_213 {strides = array<i32>} : memref<13x16x80xf32, #tpu.memory_space<vmem>>, vector<16xf32>,
        %parallel_loop3A_219 = arith.constant 640 : i32
        %parallel_loop3A_220 = vector.broadcast %parallel_loop3A_219 : i32 to vector<16xi32>
        %parallel_loop3A_221 = arith.addi %parallel_loop3A_118, %parallel_loop3A_220 : vector<16xi32>
        %parallel_loop3A_222 = tpu.vector_load_idx %arg6[%parallel_loop3A_221] : memref<30821xf32, #tpu.memory_space<vmem>>[vector<16xi32>], vector<16xf32>,
        %parallel_loop3A_223 = arith.mulf %parallel_loop3A_222, %parallel_loop3A_111 : vector<16xf32>
        %parallel_loop3A_224 = arith.constant 10 : i32
        %parallel_loop3A_225 = arith.index_cast %parallel_loop3A_224 : i32 to index
        %parallel_loop3A_226 = arith.index_cast %parallel_loop3A_103 : i32 to index
        %parallel_loop3A_227 = arith.index_cast %parallel_loop3A_87 : i32 to index
        %parallel_loop3A_228 = tpu.vector_load %arg15[%parallel_loop3A_225, %parallel_loop3A_226, %parallel_loop3A_227] {strides = array<i32>} : memref<13x16x80xf32, #tpu.memory_space<vmem>>, vector<16xf32>,
        tpu.vector_store %arg15[%parallel_loop3A_225, %parallel_loop3A_226, %parallel_loop3A_227], %parallel_loop3A_223 {strides = array<i32>} : memref<13x16x80xf32, #tpu.memory_space<vmem>>, vector<16xf32>,
        %parallel_loop3A_229 = arith.constant 704 : i32
        %parallel_loop3A_230 = vector.broadcast %parallel_loop3A_229 : i32 to vector<16xi32>
        %parallel_loop3A_231 = arith.addi %parallel_loop3A_118, %parallel_loop3A_230 : vector<16xi32>
        %parallel_loop3A_232 = tpu.vector_load_idx %arg6[%parallel_loop3A_231] : memref<30821xf32, #tpu.memory_space<vmem>>[vector<16xi32>], vector<16xf32>,
        %parallel_loop3A_233 = arith.mulf %parallel_loop3A_232, %parallel_loop3A_111 : vector<16xf32>
        %parallel_loop3A_234 = arith.constant 11 : i32
        %parallel_loop3A_235 = arith.index_cast %parallel_loop3A_234 : i32 to index
        %parallel_loop3A_236 = arith.index_cast %parallel_loop3A_103 : i32 to index
        %parallel_loop3A_237 = arith.index_cast %parallel_loop3A_87 : i32 to index
        %parallel_loop3A_238 = tpu.vector_load %arg15[%parallel_loop3A_235, %parallel_loop3A_236, %parallel_loop3A_237] {strides = array<i32>} : memref<13x16x80xf32, #tpu.memory_space<vmem>>, vector<16xf32>,
        tpu.vector_store %arg15[%parallel_loop3A_235, %parallel_loop3A_236, %parallel_loop3A_237], %parallel_loop3A_233 {strides = array<i32>} : memref<13x16x80xf32, #tpu.memory_space<vmem>>, vector<16xf32>,
        %parallel_loop3A_239 = arith.constant 768 : i32
        %parallel_loop3A_240 = vector.broadcast %parallel_loop3A_239 : i32 to vector<16xi32>
        %parallel_loop3A_241 = arith.addi %parallel_loop3A_118, %parallel_loop3A_240 : vector<16xi32>
        %parallel_loop3A_242 = tpu.vector_load_idx %arg6[%parallel_loop3A_241] : memref<30821xf32, #tpu.memory_space<vmem>>[vector<16xi32>], vector<16xf32>,
        %parallel_loop3A_243 = arith.mulf %parallel_loop3A_242, %parallel_loop3A_111 : vector<16xf32>
        %parallel_loop3A_244 = arith.constant 12 : i32
        %parallel_loop3A_245 = arith.index_cast %parallel_loop3A_244 : i32 to index
        %parallel_loop3A_246 = arith.index_cast %parallel_loop3A_103 : i32 to index
        %parallel_loop3A_247 = arith.index_cast %parallel_loop3A_87 : i32 to index
        %parallel_loop3A_248 = tpu.vector_load %arg15[%parallel_loop3A_245, %parallel_loop3A_246, %parallel_loop3A_247] {strides = array<i32>} : memref<13x16x80xf32, #tpu.memory_space<vmem>>, vector<16xf32>,
        tpu.vector_store %arg15[%parallel_loop3A_245, %parallel_loop3A_246, %parallel_loop3A_247], %parallel_loop3A_243 {strides = array<i32>} : memref<13x16x80xf32, #tpu.memory_space<vmem>>, vector<16xf32>,
      } {sc.loop_unroll_factor = 2 : i64, sc.parallel_access}
      "tpu.region"() ({
        %run_scoped3A = tpu.sem_alloc : memref<!tpu.dma_semaphore, #tpu.memory_space<semaphore_mem>>
        %dma_start3A = arith.constant 0 : i32
        %dma_start3A_61 = arith.constant 16 : i32
        %dma_start3A_62 = arith.constant 49920 : i32
        %dma_start3A_63 = tpu.memref_slice %arg5[%dma_start3A, %dma_start3A_61, %dma_start3A_62] : memref<13x64x50000xf32, #tpu.memory_space<hbm>> -> memref<13x16x80xf32, #tpu.memory_space<hbm>>
        %dma_start3A_64 = arith.constant 0 : i32
        %dma_start3A_65 = arith.constant 16 : i32
        %dma_start3A_66 = arith.constant 49920 : i32
        %dma_start3A_67 = tpu.memref_slice %arg5[%dma_start3A_64, %dma_start3A_65, %dma_start3A_66] : memref<13x64x50000xf32, #tpu.memory_space<hbm>> -> memref<13x16x80xf32, #tpu.memory_space<hbm>>
        tpu.enqueue_dma source(%arg15 : memref<13x16x80xf32, #tpu.memory_space<vmem>>) target(%dma_start3A_67 : memref<13x16x80xf32, #tpu.memory_space<hbm>>) target_semaphore(%run_scoped3A : memref<!tpu.dma_semaphore, #tpu.memory_space<semaphore_mem>>)
        %dma_wait3A_68 = arith.constant 0 : i32
        %dma_wait3A_69 = arith.constant 16 : i32
        %dma_wait3A_70 = arith.constant 49920 : i32
        %dma_wait3A_71 = tpu.memref_slice %arg5[%dma_wait3A_68, %dma_wait3A_69, %dma_wait3A_70] : memref<13x64x50000xf32, #tpu.memory_space<hbm>> -> memref<13x16x80xf32, #tpu.memory_space<hbm>>
        %dma_wait3A_72 = arith.constant 0 : i32
        %dma_wait3A_73 = arith.constant 16 : i32
        %dma_wait3A_74 = arith.constant 49920 : i32
        %dma_wait3A_75 = tpu.memref_slice %arg5[%dma_wait3A_72, %dma_wait3A_73, %dma_wait3A_74] : memref<13x64x50000xf32, #tpu.memory_space<hbm>> -> memref<13x16x80xf32, #tpu.memory_space<hbm>>
        tpu.wait_dma2 semaphore(%run_scoped3A : memref<!tpu.dma_semaphore, #tpu.memory_space<semaphore_mem>>) src(%arg15 : memref<13x16x80xf32, #tpu.memory_space<vmem>>) dst(%dma_wait3A_75 : memref<13x16x80xf32, #tpu.memory_space<hbm>>)
        tpu.yield
      }) : () -> ()
      "tpu.region"() ({
        %run_scoped3A = tpu.sem_alloc : memref<!tpu.dma_semaphore, #tpu.memory_space<semaphore_mem>>
        %dma_start3A = arith.constant 32 : i32
        %dma_start3A_61 = arith.constant 49920 : i32
        %dma_start3A_62 = tpu.memref_slice %arg4[%dma_start3A, %dma_start3A_61] : memref<64x50000xf32, #tpu.memory_space<hbm>> -> memref<16x80xf32, #tpu.memory_space<hbm>>
        %dma_start3A_63 = arith.constant 32 : i32
        %dma_start3A_64 = arith.constant 49920 : i32
        %dma_start3A_65 = tpu.memref_slice %arg4[%dma_start3A_63, %dma_start3A_64] : memref<64x50000xf32, #tpu.memory_space<hbm>> -> memref<16x80xf32, #tpu.memory_space<hbm>>
        tpu.enqueue_dma source(%dma_start3A_65 : memref<16x80xf32, #tpu.memory_space<hbm>>) target(%arg14 : memref<16x80xf32, #tpu.memory_space<vmem>>) target_semaphore(%run_scoped3A : memref<!tpu.dma_semaphore, #tpu.memory_space<semaphore_mem>>)
        %dma_wait3A_66 = arith.constant 32 : i32
        %dma_wait3A_67 = arith.constant 49920 : i32
        %dma_wait3A_68 = tpu.memref_slice %arg4[%dma_wait3A_66, %dma_wait3A_67] : memref<64x50000xf32, #tpu.memory_space<hbm>> -> memref<16x80xf32, #tpu.memory_space<hbm>>
        %dma_wait3A_69 = arith.constant 32 : i32
        %dma_wait3A_70 = arith.constant 49920 : i32
        %dma_wait3A_71 = tpu.memref_slice %arg4[%dma_wait3A_69, %dma_wait3A_70] : memref<64x50000xf32, #tpu.memory_space<hbm>> -> memref<16x80xf32, #tpu.memory_space<hbm>>
        tpu.wait_dma2 semaphore(%run_scoped3A : memref<!tpu.dma_semaphore, #tpu.memory_space<semaphore_mem>>) src(%dma_wait3A_71 : memref<16x80xf32, #tpu.memory_space<hbm>>) dst(%arg14 : memref<16x80xf32, #tpu.memory_space<vmem>>)
        tpu.yield
      }) : () -> ()
      %parallel_loop3A_55 = arith.constant 0 : i32
      %parallel_loop3A_56 = arith.constant 80 : i32
      %parallel_loop3A_57 = arith.constant 1 : i32
      scf.for %parallel_loop3A_61 = %parallel_loop3A_55 to %parallel_loop3A_56 step %parallel_loop3A_57  : i32 {
        %parallel_loop3A_62 = arith.constant 16 : i32
        %parallel_loop3A_63 = arith.divsi %parallel_loop3A_61, %parallel_loop3A_62 : i32
        %parallel_loop3A_64 = arith.constant 0 : i32
        %parallel_loop3A_65 = arith.cmpi sgt, %parallel_loop3A_61, %parallel_loop3A_64 : i32
        %parallel_loop3A_66 = arith.extui %parallel_loop3A_65 : i1 to i32
        %parallel_loop3A_67 = arith.constant 0 : i32
        %parallel_loop3A_68 = arith.cmpi slt, %parallel_loop3A_61, %parallel_loop3A_67 : i32
        %parallel_loop3A_69 = arith.extui %parallel_loop3A_68 : i1 to i32
        %parallel_loop3A_70 = arith.subi %parallel_loop3A_66, %parallel_loop3A_69 : i32
        %parallel_loop3A_71 = arith.constant 0 : i32
        %parallel_loop3A_72 = arith.cmpi sgt, %parallel_loop3A_62, %parallel_loop3A_71 : i32
        %parallel_loop3A_73 = arith.extui %parallel_loop3A_72 : i1 to i32
        %parallel_loop3A_74 = arith.constant 0 : i32
        %parallel_loop3A_75 = arith.cmpi slt, %parallel_loop3A_62, %parallel_loop3A_74 : i32
        %parallel_loop3A_76 = arith.extui %parallel_loop3A_75 : i1 to i32
        %parallel_loop3A_77 = arith.subi %parallel_loop3A_73, %parallel_loop3A_76 : i32
        %parallel_loop3A_78 = arith.cmpi ne, %parallel_loop3A_70, %parallel_loop3A_77 : i32
        %parallel_loop3A_79 = arith.remsi %parallel_loop3A_61, %parallel_loop3A_62 : i32
        %parallel_loop3A_80 = arith.constant 0 : i32
        %parallel_loop3A_81 = arith.cmpi ne, %parallel_loop3A_79, %parallel_loop3A_80 : i32
        %parallel_loop3A_82 = arith.andi %parallel_loop3A_78, %parallel_loop3A_81 : i1
        %parallel_loop3A_83 = arith.constant 1 : i32
        %parallel_loop3A_84 = arith.subi %parallel_loop3A_63, %parallel_loop3A_83 : i32
        %parallel_loop3A_85 = arith.select %parallel_loop3A_82, %parallel_loop3A_84, %parallel_loop3A_63 : i32
        %parallel_loop3A_86 = arith.constant 16 : i32
        %parallel_loop3A_87 = arith.muli %parallel_loop3A_85, %parallel_loop3A_86 : i32
        %parallel_loop3A_88 = arith.constant 16 : i32
        %parallel_loop3A_89 = arith.constant 0 : i32
        %parallel_loop3A_90 = arith.cmpi eq, %parallel_loop3A_88, %parallel_loop3A_89 : i32
        %parallel_loop3A_91 = arith.constant 1 : i32
        %parallel_loop3A_92 = arith.select %parallel_loop3A_90, %parallel_loop3A_91, %parallel_loop3A_88 : i32
        %parallel_loop3A_93 = arith.remsi %parallel_loop3A_61, %parallel_loop3A_92 : i32
        %parallel_loop3A_94 = arith.constant 0 : i32
        %parallel_loop3A_95 = arith.cmpi ne, %parallel_loop3A_93, %parallel_loop3A_94 : i32
        %parallel_loop3A_96 = arith.constant 0 : i32
        %parallel_loop3A_97 = arith.cmpi slt, %parallel_loop3A_93, %parallel_loop3A_96 : i32
        %parallel_loop3A_98 = arith.constant 0 : i32
        %parallel_loop3A_99 = arith.cmpi slt, %parallel_loop3A_92, %parallel_loop3A_98 : i32
        %parallel_loop3A_100 = arith.xori %parallel_loop3A_97, %parallel_loop3A_99 : i1
        %parallel_loop3A_101 = arith.andi %parallel_loop3A_100, %parallel_loop3A_95 : i1
        %parallel_loop3A_102 = arith.addi %parallel_loop3A_93, %parallel_loop3A_92 : i32
        %parallel_loop3A_103 = arith.select %parallel_loop3A_101, %parallel_loop3A_102, %parallel_loop3A_93 : i32
        %parallel_loop3A_104 = arith.index_cast %parallel_loop3A_87 : i32 to index
        %parallel_loop3A_105 = tpu.vector_load %arg13[%parallel_loop3A_104] {strides = array<i32>} : memref<80xi32, #tpu.memory_space<vmem>>, vector<16xi32>,
        %parallel_loop3A_106 = arith.index_cast %parallel_loop3A_103 : i32 to index
        %parallel_loop3A_107 = arith.index_cast %parallel_loop3A_87 : i32 to index
        %parallel_loop3A_108 = tpu.vector_load %arg14[%parallel_loop3A_106, %parallel_loop3A_107] {strides = array<i32>} : memref<16x80xf32, #tpu.memory_space<vmem>>, vector<16xf32>,
        %parallel_loop3A_109 = arith.constant 1.000000e+00 : f32
        %parallel_loop3A_110 = vector.broadcast %parallel_loop3A_109 : f32 to vector<16xf32>
        %parallel_loop3A_111 = arith.addf %parallel_loop3A_110, %parallel_loop3A_108 : vector<16xf32>
        %parallel_loop3A_112 = arith.constant 833 : i32
        %parallel_loop3A_113 = vector.broadcast %parallel_loop3A_112 : i32 to vector<16xi32>
        %parallel_loop3A_114 = arith.muli %parallel_loop3A_105, %parallel_loop3A_113 : vector<16xi32>
        %parallel_loop3A_115 = arith.constant 32 : i32
        %parallel_loop3A_116 = arith.addi %parallel_loop3A_115, %parallel_loop3A_103 : i32
        %parallel_loop3A_117 = vector.broadcast %parallel_loop3A_116 : i32 to vector<16xi32>
        %parallel_loop3A_118 = arith.addi %parallel_loop3A_114, %parallel_loop3A_117 : vector<16xi32>
        %parallel_loop3A_119 = arith.constant 0 : i32
        %parallel_loop3A_120 = vector.broadcast %parallel_loop3A_119 : i32 to vector<16xi32>
        %parallel_loop3A_121 = arith.addi %parallel_loop3A_118, %parallel_loop3A_120 : vector<16xi32>
        %parallel_loop3A_122 = tpu.vector_load_idx %arg6[%parallel_loop3A_121] : memref<30821xf32, #tpu.memory_space<vmem>>[vector<16xi32>], vector<16xf32>,
        %parallel_loop3A_123 = arith.mulf %parallel_loop3A_122, %parallel_loop3A_111 : vector<16xf32>
        %parallel_loop3A_124 = arith.constant 0 : i32
        %parallel_loop3A_125 = arith.index_cast %parallel_loop3A_124 : i32 to index
        %parallel_loop3A_126 = arith.index_cast %parallel_loop3A_103 : i32 to index
        %parallel_loop3A_127 = arith.index_cast %parallel_loop3A_87 : i32 to index
        %parallel_loop3A_128 = tpu.vector_load %arg15[%parallel_loop3A_125, %parallel_loop3A_126, %parallel_loop3A_127] {strides = array<i32>} : memref<13x16x80xf32, #tpu.memory_space<vmem>>, vector<16xf32>,
        tpu.vector_store %arg15[%parallel_loop3A_125, %parallel_loop3A_126, %parallel_loop3A_127], %parallel_loop3A_123 {strides = array<i32>} : memref<13x16x80xf32, #tpu.memory_space<vmem>>, vector<16xf32>,
        %parallel_loop3A_129 = arith.constant 64 : i32
        %parallel_loop3A_130 = vector.broadcast %parallel_loop3A_129 : i32 to vector<16xi32>
        %parallel_loop3A_131 = arith.addi %parallel_loop3A_118, %parallel_loop3A_130 : vector<16xi32>
        %parallel_loop3A_132 = tpu.vector_load_idx %arg6[%parallel_loop3A_131] : memref<30821xf32, #tpu.memory_space<vmem>>[vector<16xi32>], vector<16xf32>,
        %parallel_loop3A_133 = arith.mulf %parallel_loop3A_132, %parallel_loop3A_111 : vector<16xf32>
        %parallel_loop3A_134 = arith.constant 1 : i32
        %parallel_loop3A_135 = arith.index_cast %parallel_loop3A_134 : i32 to index
        %parallel_loop3A_136 = arith.index_cast %parallel_loop3A_103 : i32 to index
        %parallel_loop3A_137 = arith.index_cast %parallel_loop3A_87 : i32 to index
        %parallel_loop3A_138 = tpu.vector_load %arg15[%parallel_loop3A_135, %parallel_loop3A_136, %parallel_loop3A_137] {strides = array<i32>} : memref<13x16x80xf32, #tpu.memory_space<vmem>>, vector<16xf32>,
        tpu.vector_store %arg15[%parallel_loop3A_135, %parallel_loop3A_136, %parallel_loop3A_137], %parallel_loop3A_133 {strides = array<i32>} : memref<13x16x80xf32, #tpu.memory_space<vmem>>, vector<16xf32>,
        %parallel_loop3A_139 = arith.constant 128 : i32
        %parallel_loop3A_140 = vector.broadcast %parallel_loop3A_139 : i32 to vector<16xi32>
        %parallel_loop3A_141 = arith.addi %parallel_loop3A_118, %parallel_loop3A_140 : vector<16xi32>
        %parallel_loop3A_142 = tpu.vector_load_idx %arg6[%parallel_loop3A_141] : memref<30821xf32, #tpu.memory_space<vmem>>[vector<16xi32>], vector<16xf32>,
        %parallel_loop3A_143 = arith.mulf %parallel_loop3A_142, %parallel_loop3A_111 : vector<16xf32>
        %parallel_loop3A_144 = arith.constant 2 : i32
        %parallel_loop3A_145 = arith.index_cast %parallel_loop3A_144 : i32 to index
        %parallel_loop3A_146 = arith.index_cast %parallel_loop3A_103 : i32 to index
        %parallel_loop3A_147 = arith.index_cast %parallel_loop3A_87 : i32 to index
        %parallel_loop3A_148 = tpu.vector_load %arg15[%parallel_loop3A_145, %parallel_loop3A_146, %parallel_loop3A_147] {strides = array<i32>} : memref<13x16x80xf32, #tpu.memory_space<vmem>>, vector<16xf32>,
        tpu.vector_store %arg15[%parallel_loop3A_145, %parallel_loop3A_146, %parallel_loop3A_147], %parallel_loop3A_143 {strides = array<i32>} : memref<13x16x80xf32, #tpu.memory_space<vmem>>, vector<16xf32>,
        %parallel_loop3A_149 = arith.constant 192 : i32
        %parallel_loop3A_150 = vector.broadcast %parallel_loop3A_149 : i32 to vector<16xi32>
        %parallel_loop3A_151 = arith.addi %parallel_loop3A_118, %parallel_loop3A_150 : vector<16xi32>
        %parallel_loop3A_152 = tpu.vector_load_idx %arg6[%parallel_loop3A_151] : memref<30821xf32, #tpu.memory_space<vmem>>[vector<16xi32>], vector<16xf32>,
        %parallel_loop3A_153 = arith.mulf %parallel_loop3A_152, %parallel_loop3A_111 : vector<16xf32>
        %parallel_loop3A_154 = arith.constant 3 : i32
        %parallel_loop3A_155 = arith.index_cast %parallel_loop3A_154 : i32 to index
        %parallel_loop3A_156 = arith.index_cast %parallel_loop3A_103 : i32 to index
        %parallel_loop3A_157 = arith.index_cast %parallel_loop3A_87 : i32 to index
        %parallel_loop3A_158 = tpu.vector_load %arg15[%parallel_loop3A_155, %parallel_loop3A_156, %parallel_loop3A_157] {strides = array<i32>} : memref<13x16x80xf32, #tpu.memory_space<vmem>>, vector<16xf32>,
        tpu.vector_store %arg15[%parallel_loop3A_155, %parallel_loop3A_156, %parallel_loop3A_157], %parallel_loop3A_153 {strides = array<i32>} : memref<13x16x80xf32, #tpu.memory_space<vmem>>, vector<16xf32>,
        %parallel_loop3A_159 = arith.constant 256 : i32
        %parallel_loop3A_160 = vector.broadcast %parallel_loop3A_159 : i32 to vector<16xi32>
        %parallel_loop3A_161 = arith.addi %parallel_loop3A_118, %parallel_loop3A_160 : vector<16xi32>
        %parallel_loop3A_162 = tpu.vector_load_idx %arg6[%parallel_loop3A_161] : memref<30821xf32, #tpu.memory_space<vmem>>[vector<16xi32>], vector<16xf32>,
        %parallel_loop3A_163 = arith.mulf %parallel_loop3A_162, %parallel_loop3A_111 : vector<16xf32>
        %parallel_loop3A_164 = arith.constant 4 : i32
        %parallel_loop3A_165 = arith.index_cast %parallel_loop3A_164 : i32 to index
        %parallel_loop3A_166 = arith.index_cast %parallel_loop3A_103 : i32 to index
        %parallel_loop3A_167 = arith.index_cast %parallel_loop3A_87 : i32 to index
        %parallel_loop3A_168 = tpu.vector_load %arg15[%parallel_loop3A_165, %parallel_loop3A_166, %parallel_loop3A_167] {strides = array<i32>} : memref<13x16x80xf32, #tpu.memory_space<vmem>>, vector<16xf32>,
        tpu.vector_store %arg15[%parallel_loop3A_165, %parallel_loop3A_166, %parallel_loop3A_167], %parallel_loop3A_163 {strides = array<i32>} : memref<13x16x80xf32, #tpu.memory_space<vmem>>, vector<16xf32>,
        %parallel_loop3A_169 = arith.constant 320 : i32
        %parallel_loop3A_170 = vector.broadcast %parallel_loop3A_169 : i32 to vector<16xi32>
        %parallel_loop3A_171 = arith.addi %parallel_loop3A_118, %parallel_loop3A_170 : vector<16xi32>
        %parallel_loop3A_172 = tpu.vector_load_idx %arg6[%parallel_loop3A_171] : memref<30821xf32, #tpu.memory_space<vmem>>[vector<16xi32>], vector<16xf32>,
        %parallel_loop3A_173 = arith.mulf %parallel_loop3A_172, %parallel_loop3A_111 : vector<16xf32>
        %parallel_loop3A_174 = arith.constant 5 : i32
        %parallel_loop3A_175 = arith.index_cast %parallel_loop3A_174 : i32 to index
        %parallel_loop3A_176 = arith.index_cast %parallel_loop3A_103 : i32 to index
        %parallel_loop3A_177 = arith.index_cast %parallel_loop3A_87 : i32 to index
        %parallel_loop3A_178 = tpu.vector_load %arg15[%parallel_loop3A_175, %parallel_loop3A_176, %parallel_loop3A_177] {strides = array<i32>} : memref<13x16x80xf32, #tpu.memory_space<vmem>>, vector<16xf32>,
        tpu.vector_store %arg15[%parallel_loop3A_175, %parallel_loop3A_176, %parallel_loop3A_177], %parallel_loop3A_173 {strides = array<i32>} : memref<13x16x80xf32, #tpu.memory_space<vmem>>, vector<16xf32>,
        %parallel_loop3A_179 = arith.constant 384 : i32
        %parallel_loop3A_180 = vector.broadcast %parallel_loop3A_179 : i32 to vector<16xi32>
        %parallel_loop3A_181 = arith.addi %parallel_loop3A_118, %parallel_loop3A_180 : vector<16xi32>
        %parallel_loop3A_182 = tpu.vector_load_idx %arg6[%parallel_loop3A_181] : memref<30821xf32, #tpu.memory_space<vmem>>[vector<16xi32>], vector<16xf32>,
        %parallel_loop3A_183 = arith.mulf %parallel_loop3A_182, %parallel_loop3A_111 : vector<16xf32>
        %parallel_loop3A_184 = arith.constant 6 : i32
        %parallel_loop3A_185 = arith.index_cast %parallel_loop3A_184 : i32 to index
        %parallel_loop3A_186 = arith.index_cast %parallel_loop3A_103 : i32 to index
        %parallel_loop3A_187 = arith.index_cast %parallel_loop3A_87 : i32 to index
        %parallel_loop3A_188 = tpu.vector_load %arg15[%parallel_loop3A_185, %parallel_loop3A_186, %parallel_loop3A_187] {strides = array<i32>} : memref<13x16x80xf32, #tpu.memory_space<vmem>>, vector<16xf32>,
        tpu.vector_store %arg15[%parallel_loop3A_185, %parallel_loop3A_186, %parallel_loop3A_187], %parallel_loop3A_183 {strides = array<i32>} : memref<13x16x80xf32, #tpu.memory_space<vmem>>, vector<16xf32>,
        %parallel_loop3A_189 = arith.constant 448 : i32
        %parallel_loop3A_190 = vector.broadcast %parallel_loop3A_189 : i32 to vector<16xi32>
        %parallel_loop3A_191 = arith.addi %parallel_loop3A_118, %parallel_loop3A_190 : vector<16xi32>
        %parallel_loop3A_192 = tpu.vector_load_idx %arg6[%parallel_loop3A_191] : memref<30821xf32, #tpu.memory_space<vmem>>[vector<16xi32>], vector<16xf32>,
        %parallel_loop3A_193 = arith.mulf %parallel_loop3A_192, %parallel_loop3A_111 : vector<16xf32>
        %parallel_loop3A_194 = arith.constant 7 : i32
        %parallel_loop3A_195 = arith.index_cast %parallel_loop3A_194 : i32 to index
        %parallel_loop3A_196 = arith.index_cast %parallel_loop3A_103 : i32 to index
        %parallel_loop3A_197 = arith.index_cast %parallel_loop3A_87 : i32 to index
        %parallel_loop3A_198 = tpu.vector_load %arg15[%parallel_loop3A_195, %parallel_loop3A_196, %parallel_loop3A_197] {strides = array<i32>} : memref<13x16x80xf32, #tpu.memory_space<vmem>>, vector<16xf32>,
        tpu.vector_store %arg15[%parallel_loop3A_195, %parallel_loop3A_196, %parallel_loop3A_197], %parallel_loop3A_193 {strides = array<i32>} : memref<13x16x80xf32, #tpu.memory_space<vmem>>, vector<16xf32>,
        %parallel_loop3A_199 = arith.constant 512 : i32
        %parallel_loop3A_200 = vector.broadcast %parallel_loop3A_199 : i32 to vector<16xi32>
        %parallel_loop3A_201 = arith.addi %parallel_loop3A_118, %parallel_loop3A_200 : vector<16xi32>
        %parallel_loop3A_202 = tpu.vector_load_idx %arg6[%parallel_loop3A_201] : memref<30821xf32, #tpu.memory_space<vmem>>[vector<16xi32>], vector<16xf32>,
        %parallel_loop3A_203 = arith.mulf %parallel_loop3A_202, %parallel_loop3A_111 : vector<16xf32>
        %parallel_loop3A_204 = arith.constant 8 : i32
        %parallel_loop3A_205 = arith.index_cast %parallel_loop3A_204 : i32 to index
        %parallel_loop3A_206 = arith.index_cast %parallel_loop3A_103 : i32 to index
        %parallel_loop3A_207 = arith.index_cast %parallel_loop3A_87 : i32 to index
        %parallel_loop3A_208 = tpu.vector_load %arg15[%parallel_loop3A_205, %parallel_loop3A_206, %parallel_loop3A_207] {strides = array<i32>} : memref<13x16x80xf32, #tpu.memory_space<vmem>>, vector<16xf32>,
        tpu.vector_store %arg15[%parallel_loop3A_205, %parallel_loop3A_206, %parallel_loop3A_207], %parallel_loop3A_203 {strides = array<i32>} : memref<13x16x80xf32, #tpu.memory_space<vmem>>, vector<16xf32>,
        %parallel_loop3A_209 = arith.constant 576 : i32
        %parallel_loop3A_210 = vector.broadcast %parallel_loop3A_209 : i32 to vector<16xi32>
        %parallel_loop3A_211 = arith.addi %parallel_loop3A_118, %parallel_loop3A_210 : vector<16xi32>
        %parallel_loop3A_212 = tpu.vector_load_idx %arg6[%parallel_loop3A_211] : memref<30821xf32, #tpu.memory_space<vmem>>[vector<16xi32>], vector<16xf32>,
        %parallel_loop3A_213 = arith.mulf %parallel_loop3A_212, %parallel_loop3A_111 : vector<16xf32>
        %parallel_loop3A_214 = arith.constant 9 : i32
        %parallel_loop3A_215 = arith.index_cast %parallel_loop3A_214 : i32 to index
        %parallel_loop3A_216 = arith.index_cast %parallel_loop3A_103 : i32 to index
        %parallel_loop3A_217 = arith.index_cast %parallel_loop3A_87 : i32 to index
        %parallel_loop3A_218 = tpu.vector_load %arg15[%parallel_loop3A_215, %parallel_loop3A_216, %parallel_loop3A_217] {strides = array<i32>} : memref<13x16x80xf32, #tpu.memory_space<vmem>>, vector<16xf32>,
        tpu.vector_store %arg15[%parallel_loop3A_215, %parallel_loop3A_216, %parallel_loop3A_217], %parallel_loop3A_213 {strides = array<i32>} : memref<13x16x80xf32, #tpu.memory_space<vmem>>, vector<16xf32>,
        %parallel_loop3A_219 = arith.constant 640 : i32
        %parallel_loop3A_220 = vector.broadcast %parallel_loop3A_219 : i32 to vector<16xi32>
        %parallel_loop3A_221 = arith.addi %parallel_loop3A_118, %parallel_loop3A_220 : vector<16xi32>
        %parallel_loop3A_222 = tpu.vector_load_idx %arg6[%parallel_loop3A_221] : memref<30821xf32, #tpu.memory_space<vmem>>[vector<16xi32>], vector<16xf32>,
        %parallel_loop3A_223 = arith.mulf %parallel_loop3A_222, %parallel_loop3A_111 : vector<16xf32>
        %parallel_loop3A_224 = arith.constant 10 : i32
        %parallel_loop3A_225 = arith.index_cast %parallel_loop3A_224 : i32 to index
        %parallel_loop3A_226 = arith.index_cast %parallel_loop3A_103 : i32 to index
        %parallel_loop3A_227 = arith.index_cast %parallel_loop3A_87 : i32 to index
        %parallel_loop3A_228 = tpu.vector_load %arg15[%parallel_loop3A_225, %parallel_loop3A_226, %parallel_loop3A_227] {strides = array<i32>} : memref<13x16x80xf32, #tpu.memory_space<vmem>>, vector<16xf32>,
        tpu.vector_store %arg15[%parallel_loop3A_225, %parallel_loop3A_226, %parallel_loop3A_227], %parallel_loop3A_223 {strides = array<i32>} : memref<13x16x80xf32, #tpu.memory_space<vmem>>, vector<16xf32>,
        %parallel_loop3A_229 = arith.constant 704 : i32
        %parallel_loop3A_230 = vector.broadcast %parallel_loop3A_229 : i32 to vector<16xi32>
        %parallel_loop3A_231 = arith.addi %parallel_loop3A_118, %parallel_loop3A_230 : vector<16xi32>
        %parallel_loop3A_232 = tpu.vector_load_idx %arg6[%parallel_loop3A_231] : memref<30821xf32, #tpu.memory_space<vmem>>[vector<16xi32>], vector<16xf32>,
        %parallel_loop3A_233 = arith.mulf %parallel_loop3A_232, %parallel_loop3A_111 : vector<16xf32>
        %parallel_loop3A_234 = arith.constant 11 : i32
        %parallel_loop3A_235 = arith.index_cast %parallel_loop3A_234 : i32 to index
        %parallel_loop3A_236 = arith.index_cast %parallel_loop3A_103 : i32 to index
        %parallel_loop3A_237 = arith.index_cast %parallel_loop3A_87 : i32 to index
        %parallel_loop3A_238 = tpu.vector_load %arg15[%parallel_loop3A_235, %parallel_loop3A_236, %parallel_loop3A_237] {strides = array<i32>} : memref<13x16x80xf32, #tpu.memory_space<vmem>>, vector<16xf32>,
        tpu.vector_store %arg15[%parallel_loop3A_235, %parallel_loop3A_236, %parallel_loop3A_237], %parallel_loop3A_233 {strides = array<i32>} : memref<13x16x80xf32, #tpu.memory_space<vmem>>, vector<16xf32>,
        %parallel_loop3A_239 = arith.constant 768 : i32
        %parallel_loop3A_240 = vector.broadcast %parallel_loop3A_239 : i32 to vector<16xi32>
        %parallel_loop3A_241 = arith.addi %parallel_loop3A_118, %parallel_loop3A_240 : vector<16xi32>
        %parallel_loop3A_242 = tpu.vector_load_idx %arg6[%parallel_loop3A_241] : memref<30821xf32, #tpu.memory_space<vmem>>[vector<16xi32>], vector<16xf32>,
        %parallel_loop3A_243 = arith.mulf %parallel_loop3A_242, %parallel_loop3A_111 : vector<16xf32>
        %parallel_loop3A_244 = arith.constant 12 : i32
        %parallel_loop3A_245 = arith.index_cast %parallel_loop3A_244 : i32 to index
        %parallel_loop3A_246 = arith.index_cast %parallel_loop3A_103 : i32 to index
        %parallel_loop3A_247 = arith.index_cast %parallel_loop3A_87 : i32 to index
        %parallel_loop3A_248 = tpu.vector_load %arg15[%parallel_loop3A_245, %parallel_loop3A_246, %parallel_loop3A_247] {strides = array<i32>} : memref<13x16x80xf32, #tpu.memory_space<vmem>>, vector<16xf32>,
        tpu.vector_store %arg15[%parallel_loop3A_245, %parallel_loop3A_246, %parallel_loop3A_247], %parallel_loop3A_243 {strides = array<i32>} : memref<13x16x80xf32, #tpu.memory_space<vmem>>, vector<16xf32>,
      } {sc.loop_unroll_factor = 2 : i64, sc.parallel_access}
      "tpu.region"() ({
        %run_scoped3A = tpu.sem_alloc : memref<!tpu.dma_semaphore, #tpu.memory_space<semaphore_mem>>
        %dma_start3A = arith.constant 0 : i32
        %dma_start3A_61 = arith.constant 32 : i32
        %dma_start3A_62 = arith.constant 49920 : i32
        %dma_start3A_63 = tpu.memref_slice %arg5[%dma_start3A, %dma_start3A_61, %dma_start3A_62] : memref<13x64x50000xf32, #tpu.memory_space<hbm>> -> memref<13x16x80xf32, #tpu.memory_space<hbm>>
        %dma_start3A_64 = arith.constant 0 : i32
        %dma_start3A_65 = arith.constant 32 : i32
        %dma_start3A_66 = arith.constant 49920 : i32
        %dma_start3A_67 = tpu.memref_slice %arg5[%dma_start3A_64, %dma_start3A_65, %dma_start3A_66] : memref<13x64x50000xf32, #tpu.memory_space<hbm>> -> memref<13x16x80xf32, #tpu.memory_space<hbm>>
        tpu.enqueue_dma source(%arg15 : memref<13x16x80xf32, #tpu.memory_space<vmem>>) target(%dma_start3A_67 : memref<13x16x80xf32, #tpu.memory_space<hbm>>) target_semaphore(%run_scoped3A : memref<!tpu.dma_semaphore, #tpu.memory_space<semaphore_mem>>)
        %dma_wait3A_68 = arith.constant 0 : i32
        %dma_wait3A_69 = arith.constant 32 : i32
        %dma_wait3A_70 = arith.constant 49920 : i32
        %dma_wait3A_71 = tpu.memref_slice %arg5[%dma_wait3A_68, %dma_wait3A_69, %dma_wait3A_70] : memref<13x64x50000xf32, #tpu.memory_space<hbm>> -> memref<13x16x80xf32, #tpu.memory_space<hbm>>
        %dma_wait3A_72 = arith.constant 0 : i32
        %dma_wait3A_73 = arith.constant 32 : i32
        %dma_wait3A_74 = arith.constant 49920 : i32
        %dma_wait3A_75 = tpu.memref_slice %arg5[%dma_wait3A_72, %dma_wait3A_73, %dma_wait3A_74] : memref<13x64x50000xf32, #tpu.memory_space<hbm>> -> memref<13x16x80xf32, #tpu.memory_space<hbm>>
        tpu.wait_dma2 semaphore(%run_scoped3A : memref<!tpu.dma_semaphore, #tpu.memory_space<semaphore_mem>>) src(%arg15 : memref<13x16x80xf32, #tpu.memory_space<vmem>>) dst(%dma_wait3A_75 : memref<13x16x80xf32, #tpu.memory_space<hbm>>)
        tpu.yield
      }) : () -> ()
      "tpu.region"() ({
        %run_scoped3A = tpu.sem_alloc : memref<!tpu.dma_semaphore, #tpu.memory_space<semaphore_mem>>
        %dma_start3A = arith.constant 48 : i32
        %dma_start3A_61 = arith.constant 49920 : i32
        %dma_start3A_62 = tpu.memref_slice %arg4[%dma_start3A, %dma_start3A_61] : memref<64x50000xf32, #tpu.memory_space<hbm>> -> memref<16x80xf32, #tpu.memory_space<hbm>>
        %dma_start3A_63 = arith.constant 48 : i32
        %dma_start3A_64 = arith.constant 49920 : i32
        %dma_start3A_65 = tpu.memref_slice %arg4[%dma_start3A_63, %dma_start3A_64] : memref<64x50000xf32, #tpu.memory_space<hbm>> -> memref<16x80xf32, #tpu.memory_space<hbm>>
        tpu.enqueue_dma source(%dma_start3A_65 : memref<16x80xf32, #tpu.memory_space<hbm>>) target(%arg14 : memref<16x80xf32, #tpu.memory_space<vmem>>) target_semaphore(%run_scoped3A : memref<!tpu.dma_semaphore, #tpu.memory_space<semaphore_mem>>)
        %dma_wait3A_66 = arith.constant 48 : i32
        %dma_wait3A_67 = arith.constant 49920 : i32
        %dma_wait3A_68 = tpu.memref_slice %arg4[%dma_wait3A_66, %dma_wait3A_67] : memref<64x50000xf32, #tpu.memory_space<hbm>> -> memref<16x80xf32, #tpu.memory_space<hbm>>
        %dma_wait3A_69 = arith.constant 48 : i32
        %dma_wait3A_70 = arith.constant 49920 : i32
        %dma_wait3A_71 = tpu.memref_slice %arg4[%dma_wait3A_69, %dma_wait3A_70] : memref<64x50000xf32, #tpu.memory_space<hbm>> -> memref<16x80xf32, #tpu.memory_space<hbm>>
        tpu.wait_dma2 semaphore(%run_scoped3A : memref<!tpu.dma_semaphore, #tpu.memory_space<semaphore_mem>>) src(%dma_wait3A_71 : memref<16x80xf32, #tpu.memory_space<hbm>>) dst(%arg14 : memref<16x80xf32, #tpu.memory_space<vmem>>)
        tpu.yield
      }) : () -> ()
      %parallel_loop3A_58 = arith.constant 0 : i32
      %parallel_loop3A_59 = arith.constant 80 : i32
      %parallel_loop3A_60 = arith.constant 1 : i32
      scf.for %parallel_loop3A_61 = %parallel_loop3A_58 to %parallel_loop3A_59 step %parallel_loop3A_60  : i32 {
        %parallel_loop3A_62 = arith.constant 16 : i32
        %parallel_loop3A_63 = arith.divsi %parallel_loop3A_61, %parallel_loop3A_62 : i32
        %parallel_loop3A_64 = arith.constant 0 : i32
        %parallel_loop3A_65 = arith.cmpi sgt, %parallel_loop3A_61, %parallel_loop3A_64 : i32
        %parallel_loop3A_66 = arith.extui %parallel_loop3A_65 : i1 to i32
        %parallel_loop3A_67 = arith.constant 0 : i32
        %parallel_loop3A_68 = arith.cmpi slt, %parallel_loop3A_61, %parallel_loop3A_67 : i32
        %parallel_loop3A_69 = arith.extui %parallel_loop3A_68 : i1 to i32
        %parallel_loop3A_70 = arith.subi %parallel_loop3A_66, %parallel_loop3A_69 : i32
        %parallel_loop3A_71 = arith.constant 0 : i32
        %parallel_loop3A_72 = arith.cmpi sgt, %parallel_loop3A_62, %parallel_loop3A_71 : i32
        %parallel_loop3A_73 = arith.extui %parallel_loop3A_72 : i1 to i32
        %parallel_loop3A_74 = arith.constant 0 : i32
        %parallel_loop3A_75 = arith.cmpi slt, %parallel_loop3A_62, %parallel_loop3A_74 : i32
        %parallel_loop3A_76 = arith.extui %parallel_loop3A_75 : i1 to i32
        %parallel_loop3A_77 = arith.subi %parallel_loop3A_73, %parallel_loop3A_76 : i32
        %parallel_loop3A_78 = arith.cmpi ne, %parallel_loop3A_70, %parallel_loop3A_77 : i32
        %parallel_loop3A_79 = arith.remsi %parallel_loop3A_61, %parallel_loop3A_62 : i32
        %parallel_loop3A_80 = arith.constant 0 : i32
        %parallel_loop3A_81 = arith.cmpi ne, %parallel_loop3A_79, %parallel_loop3A_80 : i32
        %parallel_loop3A_82 = arith.andi %parallel_loop3A_78, %parallel_loop3A_81 : i1
        %parallel_loop3A_83 = arith.constant 1 : i32
        %parallel_loop3A_84 = arith.subi %parallel_loop3A_63, %parallel_loop3A_83 : i32
        %parallel_loop3A_85 = arith.select %parallel_loop3A_82, %parallel_loop3A_84, %parallel_loop3A_63 : i32
        %parallel_loop3A_86 = arith.constant 16 : i32
        %parallel_loop3A_87 = arith.muli %parallel_loop3A_85, %parallel_loop3A_86 : i32
        %parallel_loop3A_88 = arith.constant 16 : i32
        %parallel_loop3A_89 = arith.constant 0 : i32
        %parallel_loop3A_90 = arith.cmpi eq, %parallel_loop3A_88, %parallel_loop3A_89 : i32
        %parallel_loop3A_91 = arith.constant 1 : i32
        %parallel_loop3A_92 = arith.select %parallel_loop3A_90, %parallel_loop3A_91, %parallel_loop3A_88 : i32
        %parallel_loop3A_93 = arith.remsi %parallel_loop3A_61, %parallel_loop3A_92 : i32
        %parallel_loop3A_94 = arith.constant 0 : i32
        %parallel_loop3A_95 = arith.cmpi ne, %parallel_loop3A_93, %parallel_loop3A_94 : i32
        %parallel_loop3A_96 = arith.constant 0 : i32
        %parallel_loop3A_97 = arith.cmpi slt, %parallel_loop3A_93, %parallel_loop3A_96 : i32
        %parallel_loop3A_98 = arith.constant 0 : i32
        %parallel_loop3A_99 = arith.cmpi slt, %parallel_loop3A_92, %parallel_loop3A_98 : i32
        %parallel_loop3A_100 = arith.xori %parallel_loop3A_97, %parallel_loop3A_99 : i1
        %parallel_loop3A_101 = arith.andi %parallel_loop3A_100, %parallel_loop3A_95 : i1
        %parallel_loop3A_102 = arith.addi %parallel_loop3A_93, %parallel_loop3A_92 : i32
        %parallel_loop3A_103 = arith.select %parallel_loop3A_101, %parallel_loop3A_102, %parallel_loop3A_93 : i32
        %parallel_loop3A_104 = arith.index_cast %parallel_loop3A_87 : i32 to index
        %parallel_loop3A_105 = tpu.vector_load %arg13[%parallel_loop3A_104] {strides = array<i32>} : memref<80xi32, #tpu.memory_space<vmem>>, vector<16xi32>,
        %parallel_loop3A_106 = arith.index_cast %parallel_loop3A_103 : i32 to index
        %parallel_loop3A_107 = arith.index_cast %parallel_loop3A_87 : i32 to index
        %parallel_loop3A_108 = tpu.vector_load %arg14[%parallel_loop3A_106, %parallel_loop3A_107] {strides = array<i32>} : memref<16x80xf32, #tpu.memory_space<vmem>>, vector<16xf32>,
        %parallel_loop3A_109 = arith.constant 1.000000e+00 : f32
        %parallel_loop3A_110 = vector.broadcast %parallel_loop3A_109 : f32 to vector<16xf32>
        %parallel_loop3A_111 = arith.addf %parallel_loop3A_110, %parallel_loop3A_108 : vector<16xf32>
        %parallel_loop3A_112 = arith.constant 833 : i32
        %parallel_loop3A_113 = vector.broadcast %parallel_loop3A_112 : i32 to vector<16xi32>
        %parallel_loop3A_114 = arith.muli %parallel_loop3A_105, %parallel_loop3A_113 : vector<16xi32>
        %parallel_loop3A_115 = arith.constant 48 : i32
        %parallel_loop3A_116 = arith.addi %parallel_loop3A_115, %parallel_loop3A_103 : i32
        %parallel_loop3A_117 = vector.broadcast %parallel_loop3A_116 : i32 to vector<16xi32>
        %parallel_loop3A_118 = arith.addi %parallel_loop3A_114, %parallel_loop3A_117 : vector<16xi32>
        %parallel_loop3A_119 = arith.constant 0 : i32
        %parallel_loop3A_120 = vector.broadcast %parallel_loop3A_119 : i32 to vector<16xi32>
        %parallel_loop3A_121 = arith.addi %parallel_loop3A_118, %parallel_loop3A_120 : vector<16xi32>
        %parallel_loop3A_122 = tpu.vector_load_idx %arg6[%parallel_loop3A_121] : memref<30821xf32, #tpu.memory_space<vmem>>[vector<16xi32>], vector<16xf32>,
        %parallel_loop3A_123 = arith.mulf %parallel_loop3A_122, %parallel_loop3A_111 : vector<16xf32>
        %parallel_loop3A_124 = arith.constant 0 : i32
        %parallel_loop3A_125 = arith.index_cast %parallel_loop3A_124 : i32 to index
        %parallel_loop3A_126 = arith.index_cast %parallel_loop3A_103 : i32 to index
        %parallel_loop3A_127 = arith.index_cast %parallel_loop3A_87 : i32 to index
        %parallel_loop3A_128 = tpu.vector_load %arg15[%parallel_loop3A_125, %parallel_loop3A_126, %parallel_loop3A_127] {strides = array<i32>} : memref<13x16x80xf32, #tpu.memory_space<vmem>>, vector<16xf32>,
        tpu.vector_store %arg15[%parallel_loop3A_125, %parallel_loop3A_126, %parallel_loop3A_127], %parallel_loop3A_123 {strides = array<i32>} : memref<13x16x80xf32, #tpu.memory_space<vmem>>, vector<16xf32>,
        %parallel_loop3A_129 = arith.constant 64 : i32
        %parallel_loop3A_130 = vector.broadcast %parallel_loop3A_129 : i32 to vector<16xi32>
        %parallel_loop3A_131 = arith.addi %parallel_loop3A_118, %parallel_loop3A_130 : vector<16xi32>
        %parallel_loop3A_132 = tpu.vector_load_idx %arg6[%parallel_loop3A_131] : memref<30821xf32, #tpu.memory_space<vmem>>[vector<16xi32>], vector<16xf32>,
        %parallel_loop3A_133 = arith.mulf %parallel_loop3A_132, %parallel_loop3A_111 : vector<16xf32>
        %parallel_loop3A_134 = arith.constant 1 : i32
        %parallel_loop3A_135 = arith.index_cast %parallel_loop3A_134 : i32 to index
        %parallel_loop3A_136 = arith.index_cast %parallel_loop3A_103 : i32 to index
        %parallel_loop3A_137 = arith.index_cast %parallel_loop3A_87 : i32 to index
        %parallel_loop3A_138 = tpu.vector_load %arg15[%parallel_loop3A_135, %parallel_loop3A_136, %parallel_loop3A_137] {strides = array<i32>} : memref<13x16x80xf32, #tpu.memory_space<vmem>>, vector<16xf32>,
        tpu.vector_store %arg15[%parallel_loop3A_135, %parallel_loop3A_136, %parallel_loop3A_137], %parallel_loop3A_133 {strides = array<i32>} : memref<13x16x80xf32, #tpu.memory_space<vmem>>, vector<16xf32>,
        %parallel_loop3A_139 = arith.constant 128 : i32
        %parallel_loop3A_140 = vector.broadcast %parallel_loop3A_139 : i32 to vector<16xi32>
        %parallel_loop3A_141 = arith.addi %parallel_loop3A_118, %parallel_loop3A_140 : vector<16xi32>
        %parallel_loop3A_142 = tpu.vector_load_idx %arg6[%parallel_loop3A_141] : memref<30821xf32, #tpu.memory_space<vmem>>[vector<16xi32>], vector<16xf32>,
        %parallel_loop3A_143 = arith.mulf %parallel_loop3A_142, %parallel_loop3A_111 : vector<16xf32>
        %parallel_loop3A_144 = arith.constant 2 : i32
        %parallel_loop3A_145 = arith.index_cast %parallel_loop3A_144 : i32 to index
        %parallel_loop3A_146 = arith.index_cast %parallel_loop3A_103 : i32 to index
        %parallel_loop3A_147 = arith.index_cast %parallel_loop3A_87 : i32 to index
        %parallel_loop3A_148 = tpu.vector_load %arg15[%parallel_loop3A_145, %parallel_loop3A_146, %parallel_loop3A_147] {strides = array<i32>} : memref<13x16x80xf32, #tpu.memory_space<vmem>>, vector<16xf32>,
        tpu.vector_store %arg15[%parallel_loop3A_145, %parallel_loop3A_146, %parallel_loop3A_147], %parallel_loop3A_143 {strides = array<i32>} : memref<13x16x80xf32, #tpu.memory_space<vmem>>, vector<16xf32>,
        %parallel_loop3A_149 = arith.constant 192 : i32
        %parallel_loop3A_150 = vector.broadcast %parallel_loop3A_149 : i32 to vector<16xi32>
        %parallel_loop3A_151 = arith.addi %parallel_loop3A_118, %parallel_loop3A_150 : vector<16xi32>
        %parallel_loop3A_152 = tpu.vector_load_idx %arg6[%parallel_loop3A_151] : memref<30821xf32, #tpu.memory_space<vmem>>[vector<16xi32>], vector<16xf32>,
        %parallel_loop3A_153 = arith.mulf %parallel_loop3A_152, %parallel_loop3A_111 : vector<16xf32>
        %parallel_loop3A_154 = arith.constant 3 : i32
        %parallel_loop3A_155 = arith.index_cast %parallel_loop3A_154 : i32 to index
        %parallel_loop3A_156 = arith.index_cast %parallel_loop3A_103 : i32 to index
        %parallel_loop3A_157 = arith.index_cast %parallel_loop3A_87 : i32 to index
        %parallel_loop3A_158 = tpu.vector_load %arg15[%parallel_loop3A_155, %parallel_loop3A_156, %parallel_loop3A_157] {strides = array<i32>} : memref<13x16x80xf32, #tpu.memory_space<vmem>>, vector<16xf32>,
        tpu.vector_store %arg15[%parallel_loop3A_155, %parallel_loop3A_156, %parallel_loop3A_157], %parallel_loop3A_153 {strides = array<i32>} : memref<13x16x80xf32, #tpu.memory_space<vmem>>, vector<16xf32>,
        %parallel_loop3A_159 = arith.constant 256 : i32
        %parallel_loop3A_160 = vector.broadcast %parallel_loop3A_159 : i32 to vector<16xi32>
        %parallel_loop3A_161 = arith.addi %parallel_loop3A_118, %parallel_loop3A_160 : vector<16xi32>
        %parallel_loop3A_162 = tpu.vector_load_idx %arg6[%parallel_loop3A_161] : memref<30821xf32, #tpu.memory_space<vmem>>[vector<16xi32>], vector<16xf32>,
        %parallel_loop3A_163 = arith.mulf %parallel_loop3A_162, %parallel_loop3A_111 : vector<16xf32>
        %parallel_loop3A_164 = arith.constant 4 : i32
        %parallel_loop3A_165 = arith.index_cast %parallel_loop3A_164 : i32 to index
        %parallel_loop3A_166 = arith.index_cast %parallel_loop3A_103 : i32 to index
        %parallel_loop3A_167 = arith.index_cast %parallel_loop3A_87 : i32 to index
        %parallel_loop3A_168 = tpu.vector_load %arg15[%parallel_loop3A_165, %parallel_loop3A_166, %parallel_loop3A_167] {strides = array<i32>} : memref<13x16x80xf32, #tpu.memory_space<vmem>>, vector<16xf32>,
        tpu.vector_store %arg15[%parallel_loop3A_165, %parallel_loop3A_166, %parallel_loop3A_167], %parallel_loop3A_163 {strides = array<i32>} : memref<13x16x80xf32, #tpu.memory_space<vmem>>, vector<16xf32>,
        %parallel_loop3A_169 = arith.constant 320 : i32
        %parallel_loop3A_170 = vector.broadcast %parallel_loop3A_169 : i32 to vector<16xi32>
        %parallel_loop3A_171 = arith.addi %parallel_loop3A_118, %parallel_loop3A_170 : vector<16xi32>
        %parallel_loop3A_172 = tpu.vector_load_idx %arg6[%parallel_loop3A_171] : memref<30821xf32, #tpu.memory_space<vmem>>[vector<16xi32>], vector<16xf32>,
        %parallel_loop3A_173 = arith.mulf %parallel_loop3A_172, %parallel_loop3A_111 : vector<16xf32>
        %parallel_loop3A_174 = arith.constant 5 : i32
        %parallel_loop3A_175 = arith.index_cast %parallel_loop3A_174 : i32 to index
        %parallel_loop3A_176 = arith.index_cast %parallel_loop3A_103 : i32 to index
        %parallel_loop3A_177 = arith.index_cast %parallel_loop3A_87 : i32 to index
        %parallel_loop3A_178 = tpu.vector_load %arg15[%parallel_loop3A_175, %parallel_loop3A_176, %parallel_loop3A_177] {strides = array<i32>} : memref<13x16x80xf32, #tpu.memory_space<vmem>>, vector<16xf32>,
        tpu.vector_store %arg15[%parallel_loop3A_175, %parallel_loop3A_176, %parallel_loop3A_177], %parallel_loop3A_173 {strides = array<i32>} : memref<13x16x80xf32, #tpu.memory_space<vmem>>, vector<16xf32>,
        %parallel_loop3A_179 = arith.constant 384 : i32
        %parallel_loop3A_180 = vector.broadcast %parallel_loop3A_179 : i32 to vector<16xi32>
        %parallel_loop3A_181 = arith.addi %parallel_loop3A_118, %parallel_loop3A_180 : vector<16xi32>
        %parallel_loop3A_182 = tpu.vector_load_idx %arg6[%parallel_loop3A_181] : memref<30821xf32, #tpu.memory_space<vmem>>[vector<16xi32>], vector<16xf32>,
        %parallel_loop3A_183 = arith.mulf %parallel_loop3A_182, %parallel_loop3A_111 : vector<16xf32>
        %parallel_loop3A_184 = arith.constant 6 : i32
        %parallel_loop3A_185 = arith.index_cast %parallel_loop3A_184 : i32 to index
        %parallel_loop3A_186 = arith.index_cast %parallel_loop3A_103 : i32 to index
        %parallel_loop3A_187 = arith.index_cast %parallel_loop3A_87 : i32 to index
        %parallel_loop3A_188 = tpu.vector_load %arg15[%parallel_loop3A_185, %parallel_loop3A_186, %parallel_loop3A_187] {strides = array<i32>} : memref<13x16x80xf32, #tpu.memory_space<vmem>>, vector<16xf32>,
        tpu.vector_store %arg15[%parallel_loop3A_185, %parallel_loop3A_186, %parallel_loop3A_187], %parallel_loop3A_183 {strides = array<i32>} : memref<13x16x80xf32, #tpu.memory_space<vmem>>, vector<16xf32>,
        %parallel_loop3A_189 = arith.constant 448 : i32
        %parallel_loop3A_190 = vector.broadcast %parallel_loop3A_189 : i32 to vector<16xi32>
        %parallel_loop3A_191 = arith.addi %parallel_loop3A_118, %parallel_loop3A_190 : vector<16xi32>
        %parallel_loop3A_192 = tpu.vector_load_idx %arg6[%parallel_loop3A_191] : memref<30821xf32, #tpu.memory_space<vmem>>[vector<16xi32>], vector<16xf32>,
        %parallel_loop3A_193 = arith.mulf %parallel_loop3A_192, %parallel_loop3A_111 : vector<16xf32>
        %parallel_loop3A_194 = arith.constant 7 : i32
        %parallel_loop3A_195 = arith.index_cast %parallel_loop3A_194 : i32 to index
        %parallel_loop3A_196 = arith.index_cast %parallel_loop3A_103 : i32 to index
        %parallel_loop3A_197 = arith.index_cast %parallel_loop3A_87 : i32 to index
        %parallel_loop3A_198 = tpu.vector_load %arg15[%parallel_loop3A_195, %parallel_loop3A_196, %parallel_loop3A_197] {strides = array<i32>} : memref<13x16x80xf32, #tpu.memory_space<vmem>>, vector<16xf32>,
        tpu.vector_store %arg15[%parallel_loop3A_195, %parallel_loop3A_196, %parallel_loop3A_197], %parallel_loop3A_193 {strides = array<i32>} : memref<13x16x80xf32, #tpu.memory_space<vmem>>, vector<16xf32>,
        %parallel_loop3A_199 = arith.constant 512 : i32
        %parallel_loop3A_200 = vector.broadcast %parallel_loop3A_199 : i32 to vector<16xi32>
        %parallel_loop3A_201 = arith.addi %parallel_loop3A_118, %parallel_loop3A_200 : vector<16xi32>
        %parallel_loop3A_202 = tpu.vector_load_idx %arg6[%parallel_loop3A_201] : memref<30821xf32, #tpu.memory_space<vmem>>[vector<16xi32>], vector<16xf32>,
        %parallel_loop3A_203 = arith.mulf %parallel_loop3A_202, %parallel_loop3A_111 : vector<16xf32>
        %parallel_loop3A_204 = arith.constant 8 : i32
        %parallel_loop3A_205 = arith.index_cast %parallel_loop3A_204 : i32 to index
        %parallel_loop3A_206 = arith.index_cast %parallel_loop3A_103 : i32 to index
        %parallel_loop3A_207 = arith.index_cast %parallel_loop3A_87 : i32 to index
        %parallel_loop3A_208 = tpu.vector_load %arg15[%parallel_loop3A_205, %parallel_loop3A_206, %parallel_loop3A_207] {strides = array<i32>} : memref<13x16x80xf32, #tpu.memory_space<vmem>>, vector<16xf32>,
        tpu.vector_store %arg15[%parallel_loop3A_205, %parallel_loop3A_206, %parallel_loop3A_207], %parallel_loop3A_203 {strides = array<i32>} : memref<13x16x80xf32, #tpu.memory_space<vmem>>, vector<16xf32>,
        %parallel_loop3A_209 = arith.constant 576 : i32
        %parallel_loop3A_210 = vector.broadcast %parallel_loop3A_209 : i32 to vector<16xi32>
        %parallel_loop3A_211 = arith.addi %parallel_loop3A_118, %parallel_loop3A_210 : vector<16xi32>
        %parallel_loop3A_212 = tpu.vector_load_idx %arg6[%parallel_loop3A_211] : memref<30821xf32, #tpu.memory_space<vmem>>[vector<16xi32>], vector<16xf32>,
        %parallel_loop3A_213 = arith.mulf %parallel_loop3A_212, %parallel_loop3A_111 : vector<16xf32>
        %parallel_loop3A_214 = arith.constant 9 : i32
        %parallel_loop3A_215 = arith.index_cast %parallel_loop3A_214 : i32 to index
        %parallel_loop3A_216 = arith.index_cast %parallel_loop3A_103 : i32 to index
        %parallel_loop3A_217 = arith.index_cast %parallel_loop3A_87 : i32 to index
        %parallel_loop3A_218 = tpu.vector_load %arg15[%parallel_loop3A_215, %parallel_loop3A_216, %parallel_loop3A_217] {strides = array<i32>} : memref<13x16x80xf32, #tpu.memory_space<vmem>>, vector<16xf32>,
        tpu.vector_store %arg15[%parallel_loop3A_215, %parallel_loop3A_216, %parallel_loop3A_217], %parallel_loop3A_213 {strides = array<i32>} : memref<13x16x80xf32, #tpu.memory_space<vmem>>, vector<16xf32>,
        %parallel_loop3A_219 = arith.constant 640 : i32
        %parallel_loop3A_220 = vector.broadcast %parallel_loop3A_219 : i32 to vector<16xi32>
        %parallel_loop3A_221 = arith.addi %parallel_loop3A_118, %parallel_loop3A_220 : vector<16xi32>
        %parallel_loop3A_222 = tpu.vector_load_idx %arg6[%parallel_loop3A_221] : memref<30821xf32, #tpu.memory_space<vmem>>[vector<16xi32>], vector<16xf32>,
        %parallel_loop3A_223 = arith.mulf %parallel_loop3A_222, %parallel_loop3A_111 : vector<16xf32>
        %parallel_loop3A_224 = arith.constant 10 : i32
        %parallel_loop3A_225 = arith.index_cast %parallel_loop3A_224 : i32 to index
        %parallel_loop3A_226 = arith.index_cast %parallel_loop3A_103 : i32 to index
        %parallel_loop3A_227 = arith.index_cast %parallel_loop3A_87 : i32 to index
        %parallel_loop3A_228 = tpu.vector_load %arg15[%parallel_loop3A_225, %parallel_loop3A_226, %parallel_loop3A_227] {strides = array<i32>} : memref<13x16x80xf32, #tpu.memory_space<vmem>>, vector<16xf32>,
        tpu.vector_store %arg15[%parallel_loop3A_225, %parallel_loop3A_226, %parallel_loop3A_227], %parallel_loop3A_223 {strides = array<i32>} : memref<13x16x80xf32, #tpu.memory_space<vmem>>, vector<16xf32>,
        %parallel_loop3A_229 = arith.constant 704 : i32
        %parallel_loop3A_230 = vector.broadcast %parallel_loop3A_229 : i32 to vector<16xi32>
        %parallel_loop3A_231 = arith.addi %parallel_loop3A_118, %parallel_loop3A_230 : vector<16xi32>
        %parallel_loop3A_232 = tpu.vector_load_idx %arg6[%parallel_loop3A_231] : memref<30821xf32, #tpu.memory_space<vmem>>[vector<16xi32>], vector<16xf32>,
        %parallel_loop3A_233 = arith.mulf %parallel_loop3A_232, %parallel_loop3A_111 : vector<16xf32>
        %parallel_loop3A_234 = arith.constant 11 : i32
        %parallel_loop3A_235 = arith.index_cast %parallel_loop3A_234 : i32 to index
        %parallel_loop3A_236 = arith.index_cast %parallel_loop3A_103 : i32 to index
        %parallel_loop3A_237 = arith.index_cast %parallel_loop3A_87 : i32 to index
        %parallel_loop3A_238 = tpu.vector_load %arg15[%parallel_loop3A_235, %parallel_loop3A_236, %parallel_loop3A_237] {strides = array<i32>} : memref<13x16x80xf32, #tpu.memory_space<vmem>>, vector<16xf32>,
        tpu.vector_store %arg15[%parallel_loop3A_235, %parallel_loop3A_236, %parallel_loop3A_237], %parallel_loop3A_233 {strides = array<i32>} : memref<13x16x80xf32, #tpu.memory_space<vmem>>, vector<16xf32>,
        %parallel_loop3A_239 = arith.constant 768 : i32
        %parallel_loop3A_240 = vector.broadcast %parallel_loop3A_239 : i32 to vector<16xi32>
        %parallel_loop3A_241 = arith.addi %parallel_loop3A_118, %parallel_loop3A_240 : vector<16xi32>
        %parallel_loop3A_242 = tpu.vector_load_idx %arg6[%parallel_loop3A_241] : memref<30821xf32, #tpu.memory_space<vmem>>[vector<16xi32>], vector<16xf32>,
        %parallel_loop3A_243 = arith.mulf %parallel_loop3A_242, %parallel_loop3A_111 : vector<16xf32>
        %parallel_loop3A_244 = arith.constant 12 : i32
        %parallel_loop3A_245 = arith.index_cast %parallel_loop3A_244 : i32 to index
        %parallel_loop3A_246 = arith.index_cast %parallel_loop3A_103 : i32 to index
        %parallel_loop3A_247 = arith.index_cast %parallel_loop3A_87 : i32 to index
        %parallel_loop3A_248 = tpu.vector_load %arg15[%parallel_loop3A_245, %parallel_loop3A_246, %parallel_loop3A_247] {strides = array<i32>} : memref<13x16x80xf32, #tpu.memory_space<vmem>>, vector<16xf32>,
        tpu.vector_store %arg15[%parallel_loop3A_245, %parallel_loop3A_246, %parallel_loop3A_247], %parallel_loop3A_243 {strides = array<i32>} : memref<13x16x80xf32, #tpu.memory_space<vmem>>, vector<16xf32>,
      } {sc.loop_unroll_factor = 2 : i64, sc.parallel_access}
      "tpu.region"() ({
        %run_scoped3A = tpu.sem_alloc : memref<!tpu.dma_semaphore, #tpu.memory_space<semaphore_mem>>
        %dma_start3A = arith.constant 0 : i32
        %dma_start3A_61 = arith.constant 48 : i32
        %dma_start3A_62 = arith.constant 49920 : i32
        %dma_start3A_63 = tpu.memref_slice %arg5[%dma_start3A, %dma_start3A_61, %dma_start3A_62] : memref<13x64x50000xf32, #tpu.memory_space<hbm>> -> memref<13x16x80xf32, #tpu.memory_space<hbm>>
        %dma_start3A_64 = arith.constant 0 : i32
        %dma_start3A_65 = arith.constant 48 : i32
        %dma_start3A_66 = arith.constant 49920 : i32
        %dma_start3A_67 = tpu.memref_slice %arg5[%dma_start3A_64, %dma_start3A_65, %dma_start3A_66] : memref<13x64x50000xf32, #tpu.memory_space<hbm>> -> memref<13x16x80xf32, #tpu.memory_space<hbm>>
        tpu.enqueue_dma source(%arg15 : memref<13x16x80xf32, #tpu.memory_space<vmem>>) target(%dma_start3A_67 : memref<13x16x80xf32, #tpu.memory_space<hbm>>) target_semaphore(%run_scoped3A : memref<!tpu.dma_semaphore, #tpu.memory_space<semaphore_mem>>)
        %dma_wait3A_68 = arith.constant 0 : i32
        %dma_wait3A_69 = arith.constant 48 : i32
        %dma_wait3A_70 = arith.constant 49920 : i32
        %dma_wait3A_71 = tpu.memref_slice %arg5[%dma_wait3A_68, %dma_wait3A_69, %dma_wait3A_70] : memref<13x64x50000xf32, #tpu.memory_space<hbm>> -> memref<13x16x80xf32, #tpu.memory_space<hbm>>
        %dma_wait3A_72 = arith.constant 0 : i32
        %dma_wait3A_73 = arith.constant 48 : i32
        %dma_wait3A_74 = arith.constant 49920 : i32
        %dma_wait3A_75 = tpu.memref_slice %arg5[%dma_wait3A_72, %dma_wait3A_73, %dma_wait3A_74] : memref<13x64x50000xf32, #tpu.memory_space<hbm>> -> memref<13x16x80xf32, #tpu.memory_space<hbm>>
        tpu.wait_dma2 semaphore(%run_scoped3A : memref<!tpu.dma_semaphore, #tpu.memory_space<semaphore_mem>>) src(%arg15 : memref<13x16x80xf32, #tpu.memory_space<vmem>>) dst(%dma_wait3A_75 : memref<13x16x80xf32, #tpu.memory_space<hbm>>)
        tpu.yield
      }) : () -> ()
    } else {
    }
    return
  }
}

</mosaic_0001>

<sc_bundles>
// kernel: kernel.3.cloned.1.call-start
scs
__scs_entry_jumppad:
0x0: {  	(pc) =	sbr.rel $0x88, $3  }
0x1: {  	(tag) =	ssettag $0x0;
	lr =	simm.s32 $0x1  }
0x2: {  	[smem:$0x3F9E] =	sst lr;
	_ =	strace $0xD0000000  }
0x3: {  	_ = 	snop  }
0x4: {  	_ = 	snop  }
0x5: {  	_ = 	snop  }
0x6: {  	_ = 	snop  }
0x7: {  	_ = 	snop  }
__scs_overlays_trampoline_lowered:
0x8: {  	[smem:$0x3FAD] =	sst s0  }
0x9: {  	[smem:$0x3FAE] =	sst s1  }
0xa: {  	[smem:$0x3FAF] =	sst s2  }
0xb: {  	[smem:$0x3FB0] =	sst s3  }
0xc: {  	[smem:$0x3FB1] =	sst s4  }
0xd: {  	[smem:$0x3FB2] =	sst s5  }
0xe: {  	[smem:$0x3FB3] =	sst s6  }
0xf: {  	[smem:$0x3FB4] =	sst s7  }
0x10: {  	[smem:$0x3FB5] =	sst s8  }
0x11: {  	[smem:$0x3FB6] =	sst s9;
	s0 =	simm.s32 @!p0 $0x0  }
0x12: {  	s1 =	sld [smem:$0x3F9C];
	s0 =	simm.s32 @p0 $0x1  }
0x13: {  	[smem:$0x3FB7] =	sst s0;
	s0 =	simm.s32 @!p1 $0x0  }
0x14: {  	s2 =	sld [smem:$0x3F9B];
	s0 =	simm.s32 @p1 $0x1  }
0x15: {  	[smem:$0x3FB8] =	sst s0;
	s0 =	simm.s32 @!p2 $0x0  }
0x16: {  	s3 =	sld [smem:$0x3FDB];
	s0 =	simm.s32 @p2 $0x1  }
0x17: {  	s4 =	simm.s32 $0x1BF5;
	[smem:$0x3FBA] =	sst s0  }
0x18: {  	s0 =	sld [smem:$0x3F9D];
	_ =	swait.ge [sflag:s4], $0x0  }
0x19: {  	s7 =	sld [smem:$0x3F9E]  }
0x1a: {  	s8 =	sadd.s32 $0xFFFFE003, lr  }
0x1b: {  	s9 =	sadd.s32 $0xFFFFFEF7, lr;
	s5 =	simm.s32 $0xFFFFFFFF;
	p2 =	slt.u32 s8, $0xFFFFF086  }
0x1c: {  	p1 =	slt.u32 s9, $0xF7A;
	s5 =	simm.s32 @!p2 $0x0  }
0x1d: {  	s5 =	simm.s32 @p1 $0x1;
	p0 =	seq.s32 s7, s2  }
0x1e: {  	s7 =	smul.u32 @!p0 $0xF7A, s2;
	p2 =	seq.s32 @!p0 s5, $0x0  }
0x1f: {  	s9 =	smul.u32 $0xF7A, s1;
	s8 =	simm.s32 @!p0 $0x1BF5;
	p2 =	por !p2, p0  }
0x20: {  	[sflag:s8] =	ssyncset.s32 @!p0 $0xFFFFF086;
	s6 =	sadd.s32 @!p0 s3, s7;
	s7 =	simm.s32 @!p0 $0x108  }
0x21: {  	s3 =	sadd.s32 s3, s9;
	s6 =	sadd.s32 @!p0 $0x88, s6;
	s7 =	simm.s32 @p2 $0x1082  }
0x22: {  	[simem:s7], [sflag:s8] =	dma.local @!p0 [hbm:s6], $0xF7A  }
0x23: {  	s9 =	sor.u32 $0xD0000000, s2;
	s6 =	simm.s32 $0x108;
	_ =	swait.ge @!p0 [sflag:s8], $0x0  }
0x24: {  	s3 =	sadd.s32 $0x88, s3;
	s6 =	simm.s32 @!p1 $0x1082;
	[sflag:s4] =	ssyncset.s32 $0xFFFFF086  }
0x25: {  	[simem:s6], [sflag:s4] =	dma.local [hbm:s3], $0xF7A  }
0x26: {  	[smem:$0x3F9E] =	sst s1;
	(tag) =	ssettag s2;
	_ =	strace s9  }
0x27: {  	s1 =	sld [smem:$0x3FAE]  }
0x28: {  	s2 =	sld [smem:$0x3FAF]  }
0x29: {  	s4 =	sld [smem:$0x3FB1]  }
0x2a: {  	p0 =	seq.s32 s5, $0x0;
	s5 =	sld [smem:$0x3FB2]  }
0x2b: {  	s6 =	sld [smem:$0x3FB3]  }
0x2c: {  	s7 =	sld [smem:$0x3FB4]  }
0x2d: {  	s3 =	simm.s32 $0x108;
	s8 =	sld [smem:$0x3FB5]  }
0x2e: {  	s3 =	simm.s32 @!p0 $0x1082;
	s9 =	sld [smem:$0x3FB6]  }
0x2f: {  	lr =	sadd.s32 s0, s3;
	s0 =	sld [smem:$0x3FAD]  }
0x30: {  	s3 =	sld [smem:$0x3FB0]  }
0x31: {  	[smem:$0x3FB9] =	sst s10  }
0x32: {  	s10 =	sld [smem:$0x3FB7];
	_ =	sdelay $0x3  }
0x33: {  	p0 =	seq.s32 s10, $0x1;
	s10 =	sld [smem:$0x3FB9];
	_ =	sdelay $0x3  }
0x34: {  	[smem:$0x3FB9] =	sst s10  }
0x35: {  	s10 =	sld [smem:$0x3FB8];
	_ =	sdelay $0x3  }
0x36: {  	p1 =	seq.s32 s10, $0x1;
	s10 =	sld [smem:$0x3FB9];
	_ =	sdelay $0x3  }
0x37: {  	[smem:$0x3FB9] =	sst s10  }
0x38: {  	s10 =	sld [smem:$0x3FBA]  }
0x39: {  	_ = 	snop;
	(pc) =	sbr.ind lr, $3  }
0x3a: {  	_ = 	snop  }
0x3b: {  	_ = 	snop  }
0x3c: {  	p2 =	seq.s32 s10, $0x1;
	s10 =	sld [smem:$0x3FB9]  }
0x3d: {  	_ =	shalt  }
0x3e: {  	_ =	shalt  }
0x3f: {  	_ =	shalt  }
0x40: {  	_ =	shalt  }
0x41: {  	_ =	shalt  }
0x42: {  	_ =	shalt  }
0x43: {  	_ =	shalt  }
0x44: {  	_ =	shalt  }
0x45: {  	_ =	shalt  }
0x46: {  	_ =	shalt  }
0x47: {  	_ =	shalt  }
0x48: {  	_ =	shalt  }
0x49: {  	_ =	shalt  }
0x4a: {  	_ =	shalt  }
0x4b: {  	_ =	shalt  }
0x4c: {  	_ =	shalt  }
0x4d: {  	_ =	shalt  }
0x4e: {  	_ =	shalt  }
0x4f: {  	_ =	shalt  }
0x50: {  	_ =	shalt  }
0x51: {  	_ =	shalt  }
0x52: {  	_ =	shalt  }
0x53: {  	_ =	shalt  }
0x54: {  	_ =	shalt  }
0x55: {  	_ =	shalt  }
0x56: {  	_ =	shalt  }
0x57: {  	_ =	shalt  }
0x58: {  	_ =	shalt  }
0x59: {  	_ =	shalt  }
0x5a: {  	_ =	shalt  }
0x5b: {  	_ =	shalt  }
0x5c: {  	_ =	shalt  }
0x5d: {  	_ =	shalt  }
0x5e: {  	_ =	shalt  }
0x5f: {  	_ =	shalt  }
0x60: {  	_ =	shalt  }
0x61: {  	_ =	shalt  }
0x62: {  	_ =	shalt  }
0x63: {  	_ =	shalt  }
0x64: {  	_ =	shalt  }
0x65: {  	_ =	shalt  }
0x66: {  	_ =	shalt  }
0x67: {  	_ =	shalt  }
0x68: {  	_ =	shalt  }
0x69: {  	_ =	shalt  }
0x6a: {  	_ =	shalt  }
0x6b: {  	_ =	shalt  }
0x6c: {  	_ =	shalt  }
0x6d: {  	_ =	shalt  }
0x6e: {  	_ =	shalt  }
0x6f: {  	_ =	shalt  }
0x70: {  	_ =	shalt  }
0x71: {  	_ =	shalt  }
0x72: {  	_ =	shalt  }
0x73: {  	_ =	shalt  }
0x74: {  	_ =	shalt  }
0x75: {  	_ =	shalt  }
0x76: {  	_ =	shalt  }
0x77: {  	_ =	shalt  }
0x78: {  	_ =	shalt  }
0x79: {  	_ =	shalt  }
0x7a: {  	_ =	shalt  }
0x7b: {  	_ =	shalt  }
0x7c: {  	_ =	shalt  }
0x7d: {  	_ =	shalt  }
0x7e: {  	_ =	shalt  }
0x7f: {  	_ =	shalt  }
0x80: {  	_ =	shalt  }
0x81: {  	_ =	shalt  }
0x82: {  	_ =	shalt  }
0x83: {  	_ =	shalt  }
0x84: {  	_ =	shalt  }
0x85: {  	_ =	shalt  }
0x86: {  	_ =	shalt  }
0x87: {  	_ =	shalt  }
.Lfunc_end0:
.L_simem_size_0:
called_computation_lowered:
.L_overlay_start_0:
0x88: {  	s2 =	sld [smem:$0x3FD9]  }
0x89: {  	s3 =	sld [smem:$0x3FFE];
	_ =	sdelay $0x1  }
0x8a: {  	s1 =	srdreg.scid  }
0x8b: {  	s0 =	sand.u32 $0x1, s1  }
0x8c: {  	s17 =	sshll.u32 s0, $0xA;
	s2 =	sadd.s32 s3, s2  }
0x8d: {  	s2 =	sadd.s32 s2, s17  }
0x8e: {  	[smem:$0x3FC5] =	sst s2  }
0x8f: {  	_ = 	snop  }
0x90: {  	s2 =	sld [smem:$0x3FC9]  }
0x91: {  	s18 =	sld [smem:$0x3FC8]  }
0x92: {  	s4 =	sld [smem:$0x3FD0];
	(tm) =	ssettm $0x1  }
0x93: {  	s5 =	sld [smem:$0x3FFB];
	_ =	sdelay $0x3  }
0x94: {  	_ =	strace s5  }
0x95: {  	s5 =	sld [smem:$0x3FFC];
	_ =	sdelay $0x3  }
0x96: {  	_ =	strace s5  }
0x97: {  	s5 =	sld [smem:$0x3FFD];
	_ =	sdelay $0x3  }
0x98: {  	_ =	strace s5  }
0x99: {  	_ =	strace $0x8FFFFFFF  }
0x9a: {  	s19 =	sld [smem:$0x3FDB];
	_ =	sdelay $0x1  }
0x9b: {  	s6 =	simm.s32 $_scs_section_size  }
0x9c: {  	s7 =	simm.s32 $_size__tile_overlayer_lowered;
	s8 =	simm.s32 $_tile_overlayer_lowered  }
0x9d: {  	s22 =	simm.s32 $0x1BFF;
	s21 =	sshll.u32 s8, $0x1;
	s5 =	sadd.s32 s6, s19  }
0x9e: {  	s9 =	simm.s32 $0x0;
	s20 =	sshll.u32 s7, $0x1;
	s7 =	sadd.s32 s21, s5  }
0x9f: {  	[timem:s9], [sflag:s22] =	dma.local [hbm:s7], s20  }
0xa0: {  	_ =	swait.ge [sflag:s22], s20  }
0xa1: {  	s6 =	ssub.s32 $0x0, s20;
	[sflag:s22] =	ssyncset.done $0x0  }
0xa2: {  	[sflag:s22] =	ssyncadd.s32 s6;
	_ =	sdelay $0x1  }
0xa3: {  	s23 =	simm.s32 $0x1B8B  }
0xa4: {  	_ =	swait.ge [sflag:s23], $0x1  }
0xa5: {  	[sflag:s23] =	ssyncset.done $0x0  }
0xa6: {  	s25 =	simm.s32 $0x1B8E;
	s24 =	sld [smem:$0x3FFE];
	[sflag:s23] =	ssyncadd.s32 $0xFFFFFFFF  }
0xa7: {  	s26 =	simm.s32 $execute0_lowered;
	[smem:$0x3FD2] =	sst s25  }
0xa8: {  	s7 =	sshll.u32 s26, $0x1;
	_ =	strace $0x80000046;
	[dreg:$0x1] =	wrdreg $0xFFFFFFFF  }
0xa9: {  	s28 =	simm.s32 $_size_execute0_lowered;
	s5 =	sadd.s32 s5, s7;
	[dreg:$0x0] =	wrdreg $0x0  }
0xaa: {  	s7 =	sshll.u32 s28, $0x1;
	[dreg:$0x2] =	wrdreg s5  }
0xab: {  	[dreg:$0x3] =	wrdreg s7  }
0xac: {  	[dreg:$0x4] =	wrdreg $0xC0  }
0xad: {  	_ =	task [dreg:s9], $0x5FFFF  }
0xae: {  	[dreg:$0x1] =	wrdreg $0xFFFFFFFF  }
0xaf: {  	[dreg:$0x0] =	wrdreg $0x60  }
0xb0: {  	[dreg:$0x2] =	wrdreg s24  }
0xb1: {  	[dreg:$0x3] =	wrdreg s2  }
0xb2: {  	[dreg:$0x4] =	wrdreg s18  }
0xb3: {  	[dreg:$0x5] =	wrdreg s4  }
0xb4: {  	[dreg:$0x6] =	wrdreg $0x9  }
0xb5: {  	_ =	task.clear_ibuf [dreg:s9], $0x7FFFF;
	_ =	strace $0x90000046  }
0xb6: {  	s29 =	simm.s32 $0x9;
	_ =	strace $0x80000048  }
0xb7: {  	_ =	swait.ge [sflag:s29], $0x1  }
0xb8: {  	[sflag:s29] =	ssyncadd.s32 $0xFFFFFFFF  }
0xb9: {  	_ =	strace $0x90000048  }
0xba: {  	_ =	sfence  }
0xbb: {  	s30 =	sld [smem:$0x0];
	_ =	sdelay $0x2  }
0xbc: {  	s31 =	sshll.u32 s1, $0xD;
	s1 =	sshrl.u32 s1, $0x2  }
0xbd: {  	s3 =	sand.u32 $0x4000, s31;
	s1 =	sadd.s32 s1, s30  }
0xbe: {  	s0 =	sor.u32 s3, s0;
	s1 =	sshll.u32 s1, $0x11  }
0xbf: {  	s0 =	sor.u32 s1, s0  }
0xc0: {  	s0 =	sadd.s32 $0x8F2B, s0  }
0xc1: {  	[sflag:s0] =	ssyncadd.remote.s32 $0x1  }
0xc2: {  	_ =	sfence.sel $0xFFFF  }
0xc3: {  	[dreg:$0x0] =	wrdreg $0xFFFFFFFF;
	(pc) =	sbr.abs _section_cstart, $3  }
0xc4: {  	[dreg:$0x1] =	wrdreg $0xFFFFFFFF  }
0xc5: {  	_ =	task.clear_ibuf [dreg:s9], $0x2FFFF;
	_ =	strace $0x9FFFFFFF  }
0xc6: {  	(tm) =	ssettm $0x7FFFFFFF  }
0xc7: {  	_ =	shalt  }
tec
execute0_lowered:
.L_overlay_start_1:
0x0: {  	(tag) =	ssettag $0x1  }
0x1: {  	s0 =	rddreg [dreg:$0x0]  }
0x2: {  	s1 =	rddreg [dreg:$0x1]  }
0x3: {  	s3 =	rddreg [dreg:$0x2]  }
0x4: {  	s4 =	rddreg [dreg:$0x3];
	s5 =	simm.s32 $0x0  }
0x5: {  	[smem:$0x7FF] =	sst s5;
	s0 =	sadd.s32 $0x600, s0  }
0x6: {  	s20 =	sadd.s32 $0x1860, s1;
	_ =	strace $0x80000047;
	[dreg:$0x5] =	wrdreg s0  }
0x7: {  	s2 =	srdreg.scid;
	s21 =	sadd.s32 $0xC300, s3;
	[dreg:$0x8] =	wrdreg s20  }
0x8: {  	s6 =	stileid.u32;
	s22 =	sadd.s32 $0xC300, s4;
	[dreg:$0x9] =	wrdreg s21  }
0x9: {  	s28 =	simm.s32 $0x1;
	s23 =	sadd.s32 $0x24A00, s3;
	[dreg:$0xa] =	wrdreg s22  }
0xa: {  	s29 =	simm.s32 $0x3;
	s24 =	sadd.s32 $0x24A00, s4;
	[dreg:$0xb] =	wrdreg s23  }
0xb: {  	s10 =	simm.s32 $0x2;
	s25 =	sadd.s32 $0x3D100, s3;
	[dreg:$0xc] =	wrdreg s24  }
0xc: {  	s2 =	sand.u32 $0x1, s2;
	s26 =	sadd.s32 $0x3D100, s4;
	[dreg:$0xd] =	wrdreg s25  }
0xd: {  	s6 =	sshll.u32 s6, $0x1;
	s30 =	sadd.s32 $0x55800, s3;
	[dreg:$0xe] =	wrdreg s26  }
0xe: {  	s31 =	sadd.s32 $0x55800, s4;
	s6 =	sor.u32 s2, s6;
	[dreg:$0xf] =	wrdreg s30  }
0xf: {  	s2 =	ssub.s32 $0x2, s2;
	[dreg:$0x10] =	wrdreg s31;
	s23 =	simm.s32 $0x400  }
0x10: {  	s24 =	simm.s32 $0x61C00;
	s21 =	simm.s32 $0x4;
	s7 =	ssub.s32 $0x185, s6  }
0x11: {  	s15 =	sshrl.u32 s2, $0x1;
	s17 =	sshll.u32 s6, $0x4;
	s19 =	sshll.u32 s6, $0x7  }
.Ltmp0:
0x12: {  	s11 =	sshll.u32 s6, $0xA;
	p0 =	sne.s32 s6, $0x6;
	(pc) =	sbr.rel .LBB2_1-.Ltmp0, $4  }
0x13: {  	s7 =	sshrl.u32 s7, $0x3;
	s0 =	ssub.s32 s2, s15;
	s18 =	sadd.s32 s1, s17  }
0x14: {  	s2 =	sadd.s32 s3, s19;
	s16 =	sand.u32 $0x3C, s7;
	[dreg:$0x6] =	wrdreg s18  }
0x15: {  	[dreg:$0x7] =	wrdreg s2;
	s0 =	smax.u32 s0, $0x1;
	s18 =	simm.s32 $0x7  }
0x16: {  	s2 =	simm.s32 $0x0;
	s8 =	sadd.s32 $0x4, s16;
	[dreg:$0x11] =	wrdreg s0  }
.LBB2_21:
0x17: {  	s2 =	sadd.s32 $0x1, s2;
	s0 =	rddreg [dreg:$0x11]  }
0x18: {  	p1 =	sne.s32 s2, s0  }
.Ltmp1:
0x19: {  	_ = 	snop;
	(pc) =	sbr.rel @!p1 .LBB2_22-.Ltmp1, $1  }
0x1a: {  	_ =	sdelay $0x3  }
.LBB2_1:
0x1b: {  	[dreg:$0x12] =	wrdreg s2  }
0x1c: {  	s0 =	rddreg [dreg:$0x6];
	s25 =	simm.s32 $0x7880  }
0x1d: {  	[tilespmem:s25], [sflag:$0x1] =	stream.linear.gather [hbm4b:s0+s5], $0x80, $0x38;
	[tilespmem:$0x1CA00] =	vst v63  }
0x1e: {  	s26 =	rddreg [dreg:$0x7];
	s30 =	simm.s32 $0x7980  }
0x1f: {  	[tilespmem:s30], [sflag:$0x3] =	stream.strided.gather [hbm4b:s26+s23], $0x800, s24, s23, $0x38;
	[tilespmem:$0x1CA00] =	vst v63  }
.Ltmp2:
0x20: {  	s31 =	rddreg [dreg:$0x5];
	(pc) =	sbr.rel .LBB2_2-.Ltmp2, $4  }
0x21: {  	[tilespmem:s5], [sflag:$0x7] =	stream.linear.gather [hbm4b:s31+s5], $0x7880, $0x38;
	[tilespmem:$0x1CA00] =	vst v63  }
0x22: {  	_ =	swait.ge [sflag:s18], $0x7880  }
0x23: {  	[sflag:s18] =	ssyncset.done $0x0  }
0x24: {  	s17 =	simm.s32 $0x0;
	[sflag:s18] =	ssyncadd.s32 $0xFFFF8780  }
.LBB2_10:
0x25: {  	s17 =	sadd.s32 $0x1, s17  }
0x26: {  	p1 =	sne.s32 s17, $0x1A  }
.Ltmp3:
0x27: {  	_ = 	snop;
	(pc) =	sbr.rel @!p1 .LBB2_11-.Ltmp3, $1  }
0x28: {  	_ =	sdelay $0x3  }
.LBB2_2:
0x29: {  	s19 =	sshllo.u32 s17, $0x1  }
0x2a: {  	p1 =	sge.u32 s19, s8  }
0x2b: {  	s0 =	sshll.u32 @!p1 s17, $0x4  }
0x2c: {  	s0 =	sand.u32 @!p1 $0x1E0, s0  }
0x2d: {  	s0 =	sor.u32 @!p1 s6, s0  }
0x2e: {  	s2 =	sshll.u32 @!p1 s0, $0x4  }
0x2f: {  	s7 =	simm.s32 @!p1 $0x0;
	s9 =	simm.s32 @!p1 $0x7900;
	s2 =	sadd.s32 @!p1 s1, s2  }
0x30: {  	[tilespmem:s9], [sflag:$0x2] =	stream.linear.gather @!p1 [hbm4b:s2+s7], $0x80, $0x38;
	[tilespmem:$0x1CA00] =	vst v63  }
0x31: {  	s2 =	sshll.u32 @!p1 s19, $0x1  }
0x32: {  	s7 =	sshll.u32 s17, $0x1;
	s2 =	sand.u32 @!p1 $0x6, s2  }
0x33: {  	p2 =	sge.u32 s7, s8;
	s2 =	smul.u32 @!p1 $0x61C00, s2  }
.Ltmp4:
0x34: {  	s0 =	sshll.u32 @!p1 s0, $0xA;
	(pc) =	sbr.rel @p2 .LBB2_6-.Ltmp4, $4  }
0x35: {  	s0 =	sadd.s32 @!p1 s0, s2  }
0x36: {  	s12 =	simm.s32 @!p1 $0x8180;
	s0 =	sshrl.u32 @!p1 s0, $0x3  }
0x37: {  	s9 =	simm.s32 @!p1 $0x61C00;
	s2 =	simm.s32 @!p1 $0x400;
	s0 =	sadd.s32 @!p1 s3, s0  }
0x38: {  	[tilespmem:s12], [sflag:$0x4] =	stream.strided.gather @!p1 [hbm4b:s0+s2], $0x800, s9, s2, $0x38;
	[tilespmem:$0x1CA00] =	vst v63  }
0x39: {  	_ =	swait.ge [sflag:s28], $0x80  }
0x3a: {  	[sflag:s28] =	ssyncset.done $0x0  }
0x3b: {  	[sflag:s28] =	ssyncadd.s32 $0xFFFFFF80  }
0x3c: {  	_ =	swait.ge [sflag:s29], $0x800  }
0x3d: {  	p2 =	seq.s32 s17, $0x0;
	[sflag:s29] =	ssyncset.done $0x0  }
0x3e: {  	s0 =	simm.s32 @!p2 $0x5;
	[sflag:s29] =	ssyncadd.s32 $0xFFFFF800  }
0x3f: {  	_ =	swait.ge @!p2 [sflag:s0], $0x6800  }
0x40: {  	s2 =	simm.s32 $0x0;
	[sflag:s0] =	ssyncset.done @!p2 $0x0  }
0x41: {  	s16 =	sand.u32 $0x70, s2;
	[sflag:s0] =	ssyncadd.s32 @!p2 $0xFFFF9800  }
0x42: {  	v0 =	vld [tilespmem:s16+$0x7880];
	_ =	sdelay $0x3  }
0x43: {  	s9 =	sshll.u32 s17, $0x5;
	s2 =	sand.u32 $0xE, s2  }
0x44: {  	s9 =	sand.u32 $0x20, s9;
	s12 =	sor.u32 $0x1, s2;
	v0 =	vmul.u32 $0x341, v0  }
0x45: {  	s14 =	sor.u32 s9, s12  }
0x46: {  	v10 =	vadd.s32 s14, v0  }
0x47: {  	s12 =	sshll.u32 s12, $0x7  }
0x48: {  	s12 =	sor.u32 s16, s12  }
0x49: {  	v1 =	vld [tilespmem:s12+$0x7980]  }
0x4a: {  	s18 =	sor.u32 s9, s2  }
0x4b: {  	v9 =	vadd.s32 s18, v0;
	v2 =	vld.idx.msk [tilespmem:v10+s5+$0x0], $0xffff  }
0x4c: {  	s2 =	sshll.u32 s2, $0x7  }
0x4d: {  	s18 =	sor.u32 s16, s2  }
0x4e: {  	v12 =	vadd.f32 $1.000000000e+00, v1;
	v0 =	vadd.s32 $0x40, v10;
	v1 =	vld [tilespmem:s18+$0x7980];
	_ =	sdelay $0x1  }
0x4f: {  	v3 =	vld.idx.msk [tilespmem:v9+s5+$0x0], $0xffff;
	v2 =	vmul.f32 v12, v2;
	_ =	sdelay $0x1  }
0x50: {  	[tilespmem:s12+$0x8980] =	vst v2  }
0x51: {  	v18 =	vadd.f32 $1.000000000e+00, v1;
	v2 =	vadd.s32 $0x40, v9;
	v0 =	vld.idx.msk [tilespmem:v0+s5+$0x0], $0xffff;
	_ =	sdelay $0x1  }
0x52: {  	v1 =	vmul.f32 v18, v3  }
0x53: {  	v3 =	vadd.s32 $0x80, v10  }
0x54: {  	s20 =	simm.s32 $0x2;
	[tilespmem:s18+$0x8980] =	vst v1  }
0x55: {  	s22 =	sand.u32 $0x70, s20;
	v1 =	vld.idx.msk [tilespmem:v2+s5+$0x0], $0xffff;
	v0 =	vmul.f32 v0, v12  }
0x56: {  	v2 =	vld [tilespmem:s22+$0x7880]  }
0x57: {  	[tilespmem:s12+$0x9180] =	vst v0  }
0x58: {  	v0 =	vld.idx.msk [tilespmem:v3+s5+$0x0], $0xffff  }
0x59: {  	v3 =	vadd.s32 $0x80, v9  }
0x5a: {  	s0 =	sand.u32 $0xE, s20  }
0x5b: {  	s25 =	sor.u32 $0x1, s0;
	v4 =	vadd.s32 $0xC0, v10;
	v1 =	vmul.f32 v1, v18;
	v5 =	vmul.u32 $0x341, v2  }
0x5c: {  	s16 =	sor.u32 s9, s25  }
0x5d: {  	s14 =	sshll.u32 s25, $0x7;
	[tilespmem:s18+$0x9180] =	vst v1;
	v2 =	vadd.s32 s16, v5;
	v0 =	vmul.f32 v0, v12  }
0x5e: {  	s14 =	sor.u32 s22, s14;
	v1 =	vld.idx.msk [tilespmem:v3+s5+$0x0], $0xffff  }
0x5f: {  	s26 =	sor.u32 s9, s0;
	[tilespmem:s12+$0x9980] =	vst v0;
	v0 =	vld [tilespmem:s14+$0x7980]  }
0x60: {  	v13 =	vadd.s32 s26, v5;
	v3 =	vld.idx.msk [tilespmem:v4+s5+$0x0], $0xffff  }
0x61: {  	s0 =	sshll.u32 s0, $0x7;
	v4 =	vadd.s32 $0xC0, v9  }
0x62: {  	s16 =	sor.u32 s22, s0;
	v5 =	vld.idx.msk [tilespmem:v2+s5+$0x0], $0xffff  }
0x63: {  	v6 =	vadd.s32 $0x100, v10;
	v7 =	vld [tilespmem:s16+$0x7980];
	v1 =	vmul.f32 v1, v18;
	_ =	sdelay $0x1  }
0x64: {  	v8 =	vadd.s32 $0x40, v2;
	v11 =	vld.idx.msk [tilespmem:v13+s5+$0x0], $0xffff;
	v0 =	vadd.f32 $1.000000000e+00, v0;
	[tilespmem:s18+$0x9980] =	vst v1;
	v3 =	vmul.f32 v3, v12  }
0x65: {  	v4 =	vld.idx.msk [tilespmem:v4+s5+$0x0], $0xffff  }
0x66: {  	v5 =	vmul.f32 v0, v5;
	[tilespmem:s12+$0xA180] =	vst v3  }
0x67: {  	v1 =	vadd.f32 $1.000000000e+00, v7;
	v3 =	vld.idx.msk [tilespmem:v6+s5+$0x0], $0xffff;
	v6 =	vadd.s32 $0x40, v13  }
0x68: {  	[tilespmem:s14+$0x8980] =	vst v5;
	v5 =	vadd.s32 $0x100, v9  }
0x69: {  	v7 =	vld.idx.msk [tilespmem:v8+s5+$0x0], $0xffff;
	v8 =	vmul.f32 v1, v11  }
0x6a: {  	v11 =	vadd.s32 $0x140, v10;
	v4 =	vmul.f32 v4, v18  }
0x6b: {  	[tilespmem:s16+$0x8980] =	vst v8  }
0x6c: {  	s13 =	simm.s32 $0x4;
	v8 =	vadd.s32 $0x80, v2;
	[tilespmem:s18+$0xA180] =	vst v4;
	v3 =	vmul.f32 v3, v12;
	v6 =	vld.idx.msk [tilespmem:v6+s5+$0x0], $0xffff  }
0x6d: {  	s15 =	sand.u32 $0x70, s13;
	v4 =	vld.idx.msk [tilespmem:v5+s5+$0x0], $0xffff  }
0x6e: {  	v5 =	vmul.f32 v7, v0;
	v7 =	vld [tilespmem:s15+$0x7880];
	[tilespmem:s12+$0xA980] =	vst v3  }
0x6f: {  	v3 =	vld.idx.msk [tilespmem:v11+s5+$0x0], $0xffff  }
0x70: {  	[tilespmem:s14+$0x9180] =	vst v5;
	v5 =	vadd.s32 $0x80, v13  }
0x71: {  	v11 =	vadd.s32 $0x140, v9;
	v8 =	vld.idx.msk [tilespmem:v8+s5+$0x0], $0xffff  }
0x72: {  	v14 =	vadd.s32 $0x180, v10;
	v6 =	vmul.f32 v6, v1  }
0x73: {  	s0 =	sand.u32 $0xE, s13;
	v4 =	vmul.f32 v4, v18  }
0x74: {  	v16 =	vadd.s32 $0xC0, v2;
	s20 =	sor.u32 $0x1, s0;
	[tilespmem:s16+$0x9180] =	vst v6;
	v6 =	vmul.u32 $0x341, v7;
	v3 =	vmul.f32 v3, v12  }
0x75: {  	s22 =	sor.u32 s9, s20;
	[tilespmem:s18+$0xA980] =	vst v4;
	v7 =	vld.idx.msk [tilespmem:v5+s5+$0x0], $0xffff  }
0x76: {  	s25 =	sor.u32 s9, s0;
	s20 =	sshll.u32 s20, $0x7;
	v4 =	vmul.f32 v8, v0;
	v8 =	vld.idx.msk [tilespmem:v11+s5+$0x0], $0xffff;
	v5 =	vadd.s32 s22, v6;
	[tilespmem:s12+$0xB180] =	vst v3  }
0x77: {  	s30 =	sor.u32 s15, s20;
	v15 =	vadd.s32 s25, v6;
	v3 =	vld.idx.msk [tilespmem:v14+s5+$0x0], $0xffff  }
0x78: {  	s0 =	sshll.u32 s0, $0x7;
	[tilespmem:s14+$0x9980] =	vst v4;
	v4 =	vadd.s32 $0xC0, v13;
	v14 =	vld [tilespmem:s30+$0x7980]  }
0x79: {  	s20 =	sor.u32 s15, s0;
	v11 =	vadd.s32 $0x180, v9;
	v6 =	vld.idx.msk [tilespmem:v16+s5+$0x0], $0xffff  }
0x7a: {  	v17 =	vadd.s32 $0x1C0, v10;
	v16 =	vld [tilespmem:s20+$0x7980];
	v7 =	vmul.f32 v7, v1  }
0x7b: {  	v8 =	vmul.f32 v8, v18;
	v19 =	vld.idx.msk [tilespmem:v5+s5+$0x0], $0xffff  }
0x7c: {  	v20 =	vadd.s32 $0x100, v2;
	[tilespmem:s16+$0x9980] =	vst v7;
	v7 =	vld.idx.msk [tilespmem:v15+s5+$0x0], $0xffff;
	v3 =	vmul.f32 v3, v12  }
0x7d: {  	[tilespmem:s18+$0xB180] =	vst v8;
	v8 =	vld.idx.msk [tilespmem:v4+s5+$0x0], $0xffff  }
0x7e: {  	v4 =	vadd.f32 $1.000000000e+00, v14;
	v14 =	vadd.s32 $0x40, v5;
	v6 =	vmul.f32 v6, v0;
	v11 =	vld.idx.msk [tilespmem:v11+s5+$0x0], $0xffff;
	[tilespmem:s12+$0xB980] =	vst v3  }
0x7f: {  	v21 =	vadd.s32 $0x40, v15;
	v3 =	vadd.f32 $1.000000000e+00, v16;
	v16 =	vld.idx.msk [tilespmem:v17+s5+$0x0], $0xffff  }
0x80: {  	v17 =	vadd.s32 $0x100, v13;
	v19 =	vmul.f32 v4, v19;
	[tilespmem:s14+$0xA180] =	vst v6  }
0x81: {  	v6 =	vadd.s32 $0x1C0, v9;
	v7 =	vmul.f32 v3, v7;
	v20 =	vld.idx.msk [tilespmem:v20+s5+$0x0], $0xffff  }
0x82: {  	[tilespmem:s30+$0x8980] =	vst v19;
	v8 =	vmul.f32 v8, v1;
	v19 =	vadd.s32 $0x200, v10  }
0x83: {  	[tilespmem:s20+$0x8980] =	vst v7;
	v7 =	vld.idx.msk [tilespmem:v14+s5+$0x0], $0xffff;
	v11 =	vmul.f32 v11, v18  }
0x84: {  	v14 =	vld.idx.msk [tilespmem:v21+s5+$0x0], $0xffff;
	[tilespmem:s16+$0xA180] =	vst v8;
	v8 =	vadd.s32 $0x140, v2;
	v16 =	vmul.f32 v16, v12  }
0x85: {  	v17 =	vld.idx.msk [tilespmem:v17+s5+$0x0], $0xffff;
	[tilespmem:s18+$0xB980] =	vst v11  }
0x86: {  	s25 =	simm.s32 $0x6;
	v11 =	vadd.s32 $0x80, v5;
	v20 =	vmul.f32 v20, v0;
	v6 =	vld.idx.msk [tilespmem:v6+s5+$0x0], $0xffff;
	[tilespmem:s12+$0xC180] =	vst v16  }
0x87: {  	s2 =	sand.u32 $0x70, s25;
	v16 =	vadd.s32 $0x80, v15;
	v19 =	vld.idx.msk [tilespmem:v19+s5+$0x0], $0xffff  }
0x88: {  	v7 =	vmul.f32 v7, v4;
	[tilespmem:s14+$0xA980] =	vst v20;
	v20 =	vld [tilespmem:s2+$0x7880]  }
0x89: {  	v21 =	vadd.s32 $0x140, v13;
	v14 =	vmul.f32 v14, v3;
	v8 =	vld.idx.msk [tilespmem:v8+s5+$0x0], $0xffff  }
0x8a: {  	v22 =	vadd.s32 $0x200, v9;
	s0 =	sand.u32 $0xE, s25;
	[tilespmem:s30+$0x9180] =	vst v7  }
0x8b: {  	s15 =	sshll.u32 s0, $0x7;
	v7 =	vmul.f32 v17, v1;
	v17 =	vadd.s32 $0x240, v10;
	[tilespmem:s20+$0x9180] =	vst v14;
	v11 =	vld.idx.msk [tilespmem:v11+s5+$0x0], $0xffff  }
0x8c: {  	s31 =	sor.u32 s2, s15;
	v6 =	vmul.f32 v6, v18;
	v14 =	vld.idx.msk [tilespmem:v16+s5+$0x0], $0xffff;
	v16 =	vadd.s32 $0x180, v2  }
0x8d: {  	v23 =	vld [tilespmem:s31+$0x7980];
	[tilespmem:s16+$0xA980] =	vst v7;
	v7 =	vmul.f32 v19, v12  }
0x8e: {  	s26 =	sor.u32 $0x1, s0;
	v21 =	vld.idx.msk [tilespmem:v21+s5+$0x0], $0xffff;
	[tilespmem:s18+$0xC180] =	vst v6;
	v6 =	vmul.u32 $0x341, v20;
	v20 =	vadd.s32 $0xC0, v5;
	v8 =	vmul.f32 v8, v0  }
0x8f: {  	s0 =	sor.u32 s9, s0;
	s13 =	sor.u32 s9, s26;
	s25 =	sshll.u32 s26, $0x7;
	v22 =	vld.idx.msk [tilespmem:v22+s5+$0x0], $0xffff;
	[tilespmem:s12+$0xC980] =	vst v7  }
0x90: {  	v7 =	vadd.s32 s13, v6;
	v19 =	vadd.s32 s0, v6;
	s0 =	sor.u32 s2, s25;
	s25 =	simm.s32 $0x8;
	v17 =	vld.idx.msk [tilespmem:v17+s5+$0x0], $0xffff;
	v6 =	vmul.f32 v11, v4;
	[tilespmem:s14+$0xB180] =	vst v8  }
0x91: {  	s13 =	sand.u32 $0xE, s25;
	v11 =	vld.idx.msk [tilespmem:v16+s5+$0x0], $0xffff  }
0x92: {  	v8 =	vadd.s32 $0xC0, v15;
	s2 =	sand.u32 $0x70, s25;
	v16 =	vld [tilespmem:s0+$0x7980];
	s26 =	sshll.u32 s13, $0x7;
	[tilespmem:s30+$0x9980] =	vst v6  }
0x93: {  	v6 =	vadd.s32 $0x280, v10;
	s22 =	sor.u32 s2, s26;
	v20 =	vld.idx.msk [tilespmem:v20+s5+$0x0], $0xffff  }
0x94: {  	v24 =	vadd.s32 $0x180, v13;
	v14 =	vmul.f32 v14, v3;
	v34 =	vld [tilespmem:s22+$0x7980]  }
0x95: {  	v26 =	vadd.s32 $0x1C0, v2;
	v25 =	vld.idx.msk [tilespmem:v7+s5+$0x0], $0xffff;
	v17 =	vmul.f32 v17, v12  }
0x96: {  	v27 =	vadd.s32 $0x240, v9;
	[tilespmem:s20+$0x9980] =	vst v14;
	v14 =	vmul.f32 v21, v1;
	v21 =	vld.idx.msk [tilespmem:v19+s5+$0x0], $0xffff  }
0x97: {  	v29 =	vadd.s32 $0x100, v5;
	v28 =	vld.idx.msk [tilespmem:v8+s5+$0x0], $0xffff;
	v11 =	vmul.f32 v11, v0;
	[tilespmem:s12+$0xD180] =	vst v17  }
0x98: {  	[tilespmem:s16+$0xB180] =	vst v14;
	v14 =	vmul.f32 v22, v18;
	v8 =	vadd.f32 $1.000000000e+00, v16;
	v16 =	vadd.s32 $0x40, v7;
	v17 =	vld.idx.msk [tilespmem:v6+s5+$0x0], $0xffff  }
0x99: {  	v22 =	vadd.s32 $0x40, v19;
	v6 =	vadd.f32 $1.000000000e+00, v23;
	v20 =	vmul.f32 v20, v4;
	v23 =	vld.idx.msk [tilespmem:v24+s5+$0x0], $0xffff;
	[tilespmem:s14+$0xB980] =	vst v11  }
0x9a: {  	[tilespmem:s18+$0xC980] =	vst v14;
	v11 =	vadd.s32 $0x100, v15;
	v14 =	vld.idx.msk [tilespmem:v26+s5+$0x0], $0xffff;
	v24 =	vmul.f32 v8, v25  }
0x9b: {  	v25 =	vadd.s32 $0x2C0, v10;
	[tilespmem:s30+$0xA180] =	vst v20;
	v20 =	vld.idx.msk [tilespmem:v27+s5+$0x0], $0xffff;
	v21 =	vmul.f32 v6, v21  }
0x9c: {  	v26 =	vadd.s32 $0x1C0, v13;
	v27 =	vld.idx.msk [tilespmem:v29+s5+$0x0], $0xffff;
	[tilespmem:s0+$0x8980] =	vst v24;
	v24 =	vmul.f32 v28, v3  }
0x9d: {  	[tilespmem:s31+$0x8980] =	vst v21;
	v16 =	vld.idx.msk [tilespmem:v16+s5+$0x0], $0xffff;
	v21 =	vadd.s32 $0x200, v2;
	v17 =	vmul.f32 v17, v12  }
0x9e: {  	v28 =	vadd.s32 $0x280, v9;
	v22 =	vld.idx.msk [tilespmem:v22+s5+$0x0], $0xffff;
	[tilespmem:s20+$0xA180] =	vst v24;
	v23 =	vmul.f32 v23, v1  }
0x9f: {  	v24 =	vadd.s32 $0x140, v5;
	v11 =	vld.idx.msk [tilespmem:v11+s5+$0x0], $0xffff;
	v14 =	vmul.f32 v14, v0;
	[tilespmem:s12+$0xD980] =	vst v17  }
0xa0: {  	[tilespmem:s16+$0xB980] =	vst v23;
	v17 =	vmul.f32 v20, v18;
	v20 =	vld.idx.msk [tilespmem:v25+s5+$0x0], $0xffff  }
0xa1: {  	v23 =	vadd.s32 $0x80, v7;
	v25 =	vmul.f32 v27, v4;
	v26 =	vld.idx.msk [tilespmem:v26+s5+$0x0], $0xffff;
	[tilespmem:s14+$0xC180] =	vst v14  }
0xa2: {  	v21 =	vld.idx.msk [tilespmem:v21+s5+$0x0], $0xffff;
	[tilespmem:s18+$0xD180] =	vst v17;
	v17 =	vadd.s32 $0x140, v15;
	v16 =	vmul.f32 v16, v8  }
0xa3: {  	v14 =	vadd.s32 $0x80, v19;
	[tilespmem:s30+$0xA980] =	vst v25;
	v25 =	vld.idx.msk [tilespmem:v28+s5+$0x0], $0xffff;
	v22 =	vmul.f32 v22, v6  }
0xa4: {  	v10 =	vadd.s32 $0x300, v10;
	v24 =	vld.idx.msk [tilespmem:v24+s5+$0x0], $0xffff;
	[tilespmem:s0+$0x9180] =	vst v16;
	v11 =	vmul.f32 v11, v3  }
0xa5: {  	v32 =	vadd.s32 $0x300, v9;
	v27 =	vadd.s32 $0x200, v13;
	v28 =	vld [tilespmem:s2+$0x7880];
	[tilespmem:s31+$0x9180] =	vst v22  }
0xa6: {  	v33 =	vadd.s32 $0x240, v13;
	v22 =	vld.idx.msk [tilespmem:v23+s5+$0x0], $0xffff;
	v23 =	vadd.s32 $0x240, v2;
	v16 =	vmul.f32 v20, v12;
	[tilespmem:s20+$0xA980] =	vst v11  }
0xa7: {  	v35 =	vadd.s32 $0x180, v15;
	v11 =	vmul.f32 v26, v1;
	v26 =	vld.idx.msk [tilespmem:v17+s5+$0x0], $0xffff;
	v17 =	vadd.s32 $0x180, v5  }
0xa8: {  	v41 =	vadd.s32 $0x1C0, v15;
	v29 =	vld.idx.msk [tilespmem:v14+s5+$0x0], $0xffff;
	v14 =	vmul.f32 v21, v0;
	v21 =	vadd.s32 $0x2C0, v9;
	[tilespmem:s12+$0xE180] =	vst v16  }
0xa9: {  	v9 =	vadd.s32 $0x300, v13;
	[tilespmem:s16+$0xC180] =	vst v11;
	v16 =	vadd.s32 $0x280, v13;
	v30 =	vld.idx.msk [tilespmem:v10+s5+$0x0], $0xffff;
	v20 =	vmul.f32 v24, v4  }
0xaa: {  	s15 =	sor.u32 $0x1, s13;
	v25 =	vmul.f32 v25, v18;
	v10 =	vmul.u32 $0x341, v28;
	v28 =	vadd.s32 $0xC0, v7;
	v24 =	vld.idx.msk [tilespmem:v27+s5+$0x0], $0xffff;
	[tilespmem:s14+$0xC980] =	vst v14  }
0xab: {  	s13 =	sor.u32 s9, s13;
	s26 =	sor.u32 s9, s15;
	v11 =	vadd.s32 $0x2C0, v13;
	v27 =	vadd.s32 $0xC0, v19;
	v23 =	vld.idx.msk [tilespmem:v23+s5+$0x0], $0xffff;
	v13 =	vmul.f32 v22, v8;
	[tilespmem:s30+$0xB180] =	vst v20  }
0xac: {  	[tilespmem:s18+$0xD980] =	vst v25;
	v22 =	vadd.s32 $0x200, v15;
	v14 =	vadd.s32 s26, v10;
	v42 =	vadd.s32 s13, v10;
	s26 =	sshll.u32 s15, $0x7;
	v25 =	vld.idx.msk [tilespmem:v17+s5+$0x0], $0xffff  }
0xad: {  	v20 =	vadd.s32 $0x240, v15;
	v29 =	vmul.f32 v29, v6;
	v10 =	vadd.s32 $0x300, v15;
	v21 =	vld.idx.msk [tilespmem:v21+s5+$0x0], $0xffff;
	s2 =	sor.u32 s2, s26  }
0xae: {  	[tilespmem:s0+$0x9980] =	vst v13;
	v17 =	vadd.s32 $0x280, v15;
	v13 =	vadd.s32 $0x2C0, v15;
	v26 =	vmul.f32 v26, v3;
	v15 =	vld [tilespmem:s2+$0x7980]  }
0xaf: {  	v37 =	vadd.s32 $0x280, v2;
	[tilespmem:s31+$0x9980] =	vst v29;
	v36 =	vld.idx.msk [tilespmem:v28+s5+$0x0], $0xffff  }
0xb0: {  	v38 =	vadd.s32 $0x1C0, v5;
	v52 =	vadd.s32 $0x200, v5;
	v12 =	vmul.f32 v30, v12;
	v43 =	vld.idx.msk [tilespmem:v27+s5+$0x0], $0xffff;
	[tilespmem:s20+$0xB180] =	vst v26  }
0xb1: {  	v39 =	vadd.s32 $0x100, v19;
	v31 =	vadd.s32 $0x140, v19;
	v26 =	vmul.f32 v24, v1;
	v35 =	vld.idx.msk [tilespmem:v35+s5+$0x0], $0xffff  }
0xb2: {  	v44 =	vadd.s32 $0x100, v7;
	v46 =	vadd.s32 $0x40, v14;
	v23 =	vmul.f32 v23, v0;
	v29 =	vld.idx.msk [tilespmem:v14+s5+$0x0], $0xffff;
	[tilespmem:s12+$0xE980] =	vst v12  }
0xb3: {  	v47 =	vadd.s32 $0x40, v42;
	v30 =	vadd.s32 $0x180, v19;
	v40 =	vld.idx.msk [tilespmem:v42+s5+$0x0], $0xffff;
	[tilespmem:s16+$0xC980] =	vst v26;
	v25 =	vmul.f32 v25, v4  }
0xb4: {  	v28 =	vadd.s32 $0x1C0, v19;
	v27 =	vadd.s32 $0x200, v19;
	[tilespmem:s14+$0xD180] =	vst v23;
	v26 =	vmul.f32 v21, v18;
	v49 =	vld.idx.msk [tilespmem:v33+s5+$0x0], $0xffff  }
0xb5: {  	v24 =	vadd.f32 $1.000000000e+00, v34;
	v45 =	vld.idx.msk [tilespmem:v37+s5+$0x0], $0xffff;
	v12 =	vadd.f32 $1.000000000e+00, v15;
	v15 =	vmul.f32 v36, v8;
	[tilespmem:s30+$0xB980] =	vst v25  }
0xb6: {  	v34 =	vadd.s32 $0x180, v42;
	v23 =	vadd.s32 $0x240, v19;
	[tilespmem:s18+$0xE180] =	vst v26;
	v48 =	vld.idx.msk [tilespmem:v38+s5+$0x0], $0xffff;
	v63 =	vmul.f32 v35, v3  }
0xb7: {  	v21 =	vadd.s32 $0x2C0, v19;
	v25 =	vadd.s32 $0x280, v19;
	v51 =	vld.idx.msk [tilespmem:v32+s5+$0x0], $0xffff;
	v29 =	vmul.f32 v12, v29;
	[tilespmem:s0+$0xA180] =	vst v15  }
0xb8: {  	v26 =	vadd.s32 $0x2C0, v2;
	v15 =	vadd.s32 $0x300, v19;
	v19 =	vmul.f32 v24, v40;
	v50 =	vld.idx.msk [tilespmem:v44+s5+$0x0], $0xffff;
	[tilespmem:s20+$0xB980] =	vst v63  }
0xb9: {  	v33 =	vadd.s32 $0x200, v42;
	v37 =	vadd.s32 $0xC0, v42;
	[tilespmem:s2+$0x8980] =	vst v29;
	v29 =	vmul.f32 v43, v6;
	v43 =	vld.idx.msk [tilespmem:v41+s5+$0x0], $0xffff  }
0xba: {  	v36 =	vadd.s32 $0x100, v42;
	v38 =	vadd.s32 $0x140, v42;
	[tilespmem:s22+$0x8980] =	vst v19;
	v19 =	vmul.f32 v45, v0;
	v46 =	vld.idx.msk [tilespmem:v46+s5+$0x0], $0xffff  }
0xbb: {  	v32 =	vadd.s32 $0x1C0, v42;
	v45 =	vadd.s32 $0x140, v7;
	v47 =	vld.idx.msk [tilespmem:v47+s5+$0x0], $0xffff;
	[tilespmem:s31+$0xA180] =	vst v29;
	v48 =	vmul.f32 v48, v4  }
0xbc: {  	v35 =	vadd.s32 $0x280, v42;
	v40 =	vadd.s32 $0x80, v42;
	v53 =	vmul.f32 v49, v1;
	[tilespmem:s14+$0xD980] =	vst v19;
	v44 =	vld.idx.msk [tilespmem:v39+s5+$0x0], $0xffff  }
0xbd: {  	v29 =	vadd.s32 $0x240, v42;
	v39 =	vld.idx.msk [tilespmem:v26+s5+$0x0], $0xffff;
	[tilespmem:s30+$0xC180] =	vst v48;
	v48 =	vadd.s32 $0x80, v14;
	v49 =	vmul.f32 v50, v8  }
0xbe: {  	[tilespmem:s16+$0xD180] =	vst v53;
	v19 =	vadd.s32 $0x300, v42;
	v41 =	vmul.f32 v51, v18;
	v26 =	vadd.s32 $0x2C0, v42;
	v42 =	vld.idx.msk [tilespmem:v52+s5+$0x0], $0xffff  }
.LBB2_4:
0xbf: {  	s25 =	sadd.s32 $0x2, s25;
	v46 =	vmul.f32 v46, v12;
	[tilespmem:s0+$0xA980] =	vst v49;
	v49 =	vld.idx.msk [tilespmem:v16+s5+$0x0], $0xffff;
	v18 =	vmovc v24;
	v16 =	vmov v17;
	v17 =	vmov v25  }
0xc0: {  	s12 =	sand.u32 $0x70, s25;
	p2 =	slt.u32 s25, $0x7E;
	v24 =	vmul.f32 v47, v18;
	v45 =	vld.idx.msk [tilespmem:v45+s5+$0x0], $0xffff;
	v47 =	vadd.s32 $0x300, v2;
	[tilespmem:s18+$0xE980] =	vst v41;
	v2 =	vmovc v5;
	v5 =	vmov v7;
	s18 =	smov.u32 s16  }
0xc1: {  	v25 =	vmov v35;
	v44 =	vmul.f32 v44, v6;
	v7 =	vmov v14;
	s16 =	smov.u32 s20;
	s20 =	smov.u32 s31;
	s31 =	smov.u32 s22;
	v41 =	vld [tilespmem:s12+$0x7880];
	[tilespmem:s2+$0x9180] =	vst v46  }
0xc2: {  	v14 =	vadd.s32 $0x240, v2;
	v35 =	vmul.f32 v39, v0;
	[tilespmem:s31+$0x9180] =	vst v24;
	v24 =	vld.idx.msk [tilespmem:v48+s5+$0x0], $0xffff  }
0xc3: {  	v39 =	vld.idx.msk [tilespmem:v40+s5+$0x0], $0xffff;
	[tilespmem:s20+$0xA980] =	vst v44;
	v40 =	vmul.f32 v43, v3  }
0xc4: {  	v44 =	vadd.s32 $0x180, v5;
	v42 =	vmul.f32 v42, v4;
	v43 =	vld.idx.msk [tilespmem:v31+s5+$0x0], $0xffff;
	[tilespmem:s14+$0xE180] =	vst v35;
	v31 =	vmov v38  }
0xc5: {  	s13 =	sand.u32 $0xE, s25;
	v35 =	vmul.f32 v49, v1;
	[tilespmem:s16+$0xC180] =	vst v40;
	v46 =	vld.idx.msk [tilespmem:v47+s5+$0x0], $0xffff  }
0xc6: {  	s15 =	sshll.u32 s13, $0x7;
	s26 =	sor.u32 s9, s13;
	s13 =	sor.u32 $0x1, s13;
	v40 =	vmul.f32 v45, v8;
	v38 =	vmul.u32 $0x341, v41;
	v41 =	vadd.s32 $0xC0, v7;
	v45 =	vld.idx.msk [tilespmem:v22+s5+$0x0], $0xffff;
	[tilespmem:s30+$0xC980] =	vst v42;
	v22 =	vmovc v27  }
0xc7: {  	s22 =	sor.u32 s12, s15;
	s15 =	sor.u32 s9, s13;
	v27 =	vmov v33;
	v42 =	vld.idx.msk [tilespmem:v14+s5+$0x0], $0xffff;
	[tilespmem:s18+$0xD980] =	vst v35  }
0xc8: {  	v24 =	vmul.f32 v24, v12;
	v35 =	vld [tilespmem:s22+$0x7980];
	v47 =	vadd.s32 s26, v38;
	v14 =	vadd.s32 s15, v38;
	[tilespmem:s0+$0xB180] =	vst v40  }
0xc9: {  	v33 =	vmul.f32 v39, v18;
	v48 =	vadd.s32 $0x40, v47;
	v40 =	vadd.s32 $0x80, v47;
	v39 =	vld.idx.msk [tilespmem:v44+s5+$0x0], $0xffff  }
0xca: {  	s13 =	sshll.u32 s13, $0x7;
	v44 =	vadd.s32 $0xC0, v47;
	v49 =	vadd.s32 $0x100, v47;
	v38 =	vadd.s32 $0x140, v47;
	[tilespmem:s2+$0x9980] =	vst v24;
	v50 =	vld.idx.msk [tilespmem:v11+s5+$0x0], $0xffff;
	v11 =	vmovc v13;
	v13 =	vmovc v21  }
0xcb: {  	v51 =	vadd.s32 $0x280, v2;
	s12 =	sor.u32 s12, s13;
	v43 =	vmul.f32 v43, v6;
	v46 =	vmul.f32 v46, v0;
	[tilespmem:s31+$0x9980] =	vst v33;
	v41 =	vld.idx.msk [tilespmem:v41+s5+$0x0], $0xffff  }
0xcc: {  	v52 =	vadd.s32 $0x180, v47;
	v53 =	vadd.s32 $0x1C0, v47;
	v21 =	vmovc v26;
	v0 =	vmovc v4;
	v33 =	vadd.s32 $0x200, v47;
	v54 =	vld [tilespmem:s12+$0x7980]  }
0xcd: {  	v56 =	vadd.s32 $0x1C0, v5;
	v4 =	vmovc v8;
	v42 =	vmul.f32 v42, v0;
	v24 =	vadd.f32 $1.000000000e+00, v35;
	v55 =	vld.idx.msk [tilespmem:v14+s5+$0x0], $0xffff;
	[tilespmem:s14+$0xE980] =	vst v46;
	s14 =	smov.u32 s30;
	s30 =	smov.u32 s0;
	s0 =	smov.u32 s2  }
0xce: {  	v57 =	vadd.s32 $0x240, v47;
	v8 =	vmovc v12;
	v35 =	vadd.s32 $0x280, v47;
	s2 =	smov.u32 s12;
	v46 =	vld.idx.msk [tilespmem:v47+s5+$0x0], $0xffff;
	[tilespmem:s20+$0xB180] =	vst v43;
	v43 =	vmul.f32 v45, v3  }
0xcf: {  	v58 =	vadd.s32 $0x100, v7;
	v26 =	vadd.s32 $0x2C0, v47;
	v39 =	vmul.f32 v39, v4;
	v45 =	vld.idx.msk [tilespmem:v37+s5+$0x0], $0xffff;
	[tilespmem:s14+$0xD180] =	vst v42;
	v37 =	vmovc v44  }
0xd0: {  	v42 =	vadd.s32 $0x300, v47;
	v44 =	vmul.f32 v50, v1;
	[tilespmem:s16+$0xC980] =	vst v43;
	v43 =	vld.idx.msk [tilespmem:v51+s5+$0x0], $0xffff  }
0xd1: {  	v47 =	vadd.s32 $0x40, v14;
	v41 =	vmul.f32 v41, v8;
	v12 =	vadd.f32 $1.000000000e+00, v54;
	v50 =	vld.idx.msk [tilespmem:v30+s5+$0x0], $0xffff;
	[tilespmem:s30+$0xB980] =	vst v39;
	v30 =	vmovc v34  }
0xd2: {  	v34 =	vmov v52;
	v39 =	vld.idx.msk [tilespmem:v56+s5+$0x0], $0xffff;
	[tilespmem:s18+$0xE180] =	vst v44  }
0xd3: {  	v44 =	vmul.f32 v12, v55;
	[tilespmem:s0+$0xA180] =	vst v41;
	v41 =	vld.idx.msk [tilespmem:v20+s5+$0x0], $0xffff;
	v20 =	vmovc v23;
	v23 =	vmov v29;
	v29 =	vmov v57  }
0xd4: {  	v52 =	vadd.s32 $0x2C0, v2;
	v46 =	vmul.f32 v24, v46;
	v51 =	vld.idx.msk [tilespmem:v58+s5+$0x0], $0xffff  }
0xd5: {  	[tilespmem:s2+$0x8980] =	vst v44;
	v44 =	vmul.f32 v45, v18;
	v54 =	vld.idx.msk [tilespmem:v9+s5+$0x0], $0xffff;
	v9 =	vmovc v10;
	v10 =	vmov v15;
	v15 =	vmov v19  }
0xd6: {  	v55 =	vadd.s32 $0x200, v5;
	v43 =	vmul.f32 v43, v0;
	v19 =	vmov v42;
	[tilespmem:s22+$0x8980] =	vst v46;
	v46 =	vld.idx.msk [tilespmem:v47+s5+$0x0], $0xffff  }
.Ltmp5:
0xd7: {  	v42 =	vmul.f32 v50, v6;
	v47 =	vld.idx.msk [tilespmem:v48+s5+$0x0], $0xffff;
	[tilespmem:s31+$0xA180] =	vst v44;
	(pc) =	sbr.rel @p2 .LBB2_4-.Ltmp5, $4  }
0xd8: {  	v45 =	vadd.s32 $0x140, v7;
	v50 =	vmul.f32 v39, v4;
	v44 =	vld.idx.msk [tilespmem:v36+s5+$0x0], $0xffff;
	[tilespmem:s14+$0xD980] =	vst v43;
	v36 =	vmov v49  }
0xd9: {  	v41 =	vmul.f32 v41, v3;
	[tilespmem:s20+$0xB980] =	vst v42;
	v39 =	vld.idx.msk [tilespmem:v52+s5+$0x0], $0xffff  }
0xda: {  	v48 =	vadd.s32 $0x80, v14;
	v49 =	vmul.f32 v51, v8;
	v43 =	vld.idx.msk [tilespmem:v28+s5+$0x0], $0xffff;
	[tilespmem:s30+$0xC180] =	vst v50;
	v28 =	vmovc v32;
	v32 =	vmov v53  }
0xdb: {  	v42 =	vld.idx.msk [tilespmem:v55+s5+$0x0], $0xffff;
	[tilespmem:s16+$0xD180] =	vst v41;
	v41 =	vmul.f32 v54, v1;
	v1 =	vmovc v3;
	v3 =	vmov v6;
	v6 =	vmov v18  }
0xdc: {  	_ = 	snop  }
0xdd: {  	v18 =	vmul.f32 v46, v12  }
0xde: {  	v51 =	vmul.f32 v47, v24  }
0xdf: {  	[tilespmem:s2+$0x9180] =	vst v18  }
0xe0: {  	[tilespmem:s22+$0x9180] =	vst v51;
	v18 =	vld.idx.msk [tilespmem:v48+s5+$0x0], $0xffff  }
0xe1: {  	v40 =	vld.idx.msk [tilespmem:v40+s5+$0x0], $0xffff;
	_ =	sdelay $0x1  }
0xe2: {  	v52 =	vadd.s32 $0xC0, v14;
	_ =	sdelay $0x1  }
0xe3: {  	v18 =	vmul.f32 v18, v12  }
0xe4: {  	v40 =	vmul.f32 v40, v24  }
0xe5: {  	[tilespmem:s2+$0x9980] =	vst v18  }
0xe6: {  	[tilespmem:s22+$0x9980] =	vst v40;
	v18 =	vld.idx.msk [tilespmem:v52+s5+$0x0], $0xffff  }
0xe7: {  	v37 =	vld.idx.msk [tilespmem:v37+s5+$0x0], $0xffff;
	_ =	sdelay $0x1  }
0xe8: {  	v53 =	vadd.s32 $0x100, v14;
	_ =	sdelay $0x1  }
0xe9: {  	v18 =	vmul.f32 v18, v12  }
0xea: {  	v37 =	vmul.f32 v37, v24  }
0xeb: {  	[tilespmem:s2+$0xA180] =	vst v18  }
0xec: {  	[tilespmem:s22+$0xA180] =	vst v37;
	v18 =	vld.idx.msk [tilespmem:v53+s5+$0x0], $0xffff  }
0xed: {  	v55 =	vmul.f32 v44, v6;
	v36 =	vld.idx.msk [tilespmem:v36+s5+$0x0], $0xffff;
	_ =	sdelay $0x1  }
0xee: {  	v54 =	vadd.s32 $0x140, v14;
	[tilespmem:s31+$0xA980] =	vst v55  }
0xef: {  	v31 =	vld.idx.msk [tilespmem:v31+s5+$0x0], $0xffff  }
0xf0: {  	v18 =	vmul.f32 v18, v12  }
0xf1: {  	[tilespmem:s0+$0xA980] =	vst v49;
	v36 =	vmul.f32 v36, v24  }
0xf2: {  	v56 =	vld.idx.msk [tilespmem:v45+s5+$0x0], $0xffff;
	[tilespmem:s2+$0xA980] =	vst v18  }
0xf3: {  	[tilespmem:s22+$0xA980] =	vst v36;
	v18 =	vld.idx.msk [tilespmem:v54+s5+$0x0], $0xffff  }
0xf4: {  	v31 =	vmul.f32 v31, v6;
	v58 =	vld.idx.msk [tilespmem:v38+s5+$0x0], $0xffff  }
0xf5: {  	v57 =	vadd.s32 $0x180, v7  }
0xf6: {  	v60 =	vadd.s32 $0x180, v14;
	[tilespmem:s31+$0xB180] =	vst v31  }
0xf7: {  	v59 =	vmul.f32 v56, v8;
	v30 =	vld.idx.msk [tilespmem:v30+s5+$0x0], $0xffff  }
0xf8: {  	v18 =	vmul.f32 v18, v12  }
0xf9: {  	[tilespmem:s0+$0xB180] =	vst v59;
	v61 =	vmul.f32 v58, v24  }
0xfa: {  	v36 =	vld.idx.msk [tilespmem:v57+s5+$0x0], $0xffff;
	[tilespmem:s2+$0xB180] =	vst v18  }
0xfb: {  	[tilespmem:s22+$0xB180] =	vst v61;
	v18 =	vld.idx.msk [tilespmem:v60+s5+$0x0], $0xffff  }
0xfc: {  	v30 =	vmul.f32 v30, v6;
	v34 =	vld.idx.msk [tilespmem:v34+s5+$0x0], $0xffff  }
0xfd: {  	v62 =	vadd.s32 $0x1C0, v7  }
0xfe: {  	v63 =	vadd.s32 $0x1C0, v14;
	[tilespmem:s31+$0xB980] =	vst v30  }
0xff: {  	v28 =	vld.idx.msk [tilespmem:v28+s5+$0x0], $0xffff;
	v36 =	vmul.f32 v36, v8  }
0x100: {  	v18 =	vmul.f32 v18, v12  }
0x101: {  	[tilespmem:s0+$0xB980] =	vst v36;
	v38 =	vmul.f32 v34, v24  }
0x102: {  	v31 =	vld.idx.msk [tilespmem:v62+s5+$0x0], $0xffff;
	[tilespmem:s2+$0xB980] =	vst v18  }
0x103: {  	[tilespmem:s22+$0xB980] =	vst v38;
	v18 =	vld.idx.msk [tilespmem:v63+s5+$0x0], $0xffff  }
0x104: {  	v28 =	vmul.f32 v28, v6;
	v32 =	vld.idx.msk [tilespmem:v32+s5+$0x0], $0xffff  }
0x105: {  	v40 =	vadd.s32 $0x200, v7  }
0x106: {  	v44 =	vadd.s32 $0x200, v14;
	v43 =	vmul.f32 v43, v3;
	[tilespmem:s31+$0xC180] =	vst v28  }
0x107: {  	v27 =	vld.idx.msk [tilespmem:v27+s5+$0x0], $0xffff;
	v31 =	vmul.f32 v31, v8  }
0x108: {  	[tilespmem:s20+$0xC180] =	vst v43;
	v18 =	vmul.f32 v18, v12  }
0x109: {  	v22 =	vld.idx.msk [tilespmem:v22+s5+$0x0], $0xffff;
	[tilespmem:s0+$0xC180] =	vst v31;
	v45 =	vmul.f32 v32, v24  }
0x10a: {  	v30 =	vld.idx.msk [tilespmem:v40+s5+$0x0], $0xffff;
	[tilespmem:s2+$0xC180] =	vst v18  }
0x10b: {  	v46 =	vadd.s32 $0x240, v5;
	[tilespmem:s22+$0xC180] =	vst v45;
	v18 =	vld.idx.msk [tilespmem:v44+s5+$0x0], $0xffff  }
0x10c: {  	v51 =	vmul.f32 v27, v6;
	v33 =	vld.idx.msk [tilespmem:v33+s5+$0x0], $0xffff  }
0x10d: {  	v48 =	vadd.s32 $0x240, v7;
	v47 =	vmul.f32 v42, v4  }
0x10e: {  	v50 =	vadd.s32 $0x240, v14;
	v22 =	vmul.f32 v22, v3;
	[tilespmem:s31+$0xC980] =	vst v51  }
0x10f: {  	[tilespmem:s30+$0xC980] =	vst v47;
	v23 =	vld.idx.msk [tilespmem:v23+s5+$0x0], $0xffff;
	v49 =	vmul.f32 v30, v8  }
0x110: {  	[tilespmem:s20+$0xC980] =	vst v22;
	v31 =	vld.idx.msk [tilespmem:v46+s5+$0x0], $0xffff;
	v18 =	vmul.f32 v18, v12  }
0x111: {  	v20 =	vld.idx.msk [tilespmem:v20+s5+$0x0], $0xffff;
	[tilespmem:s0+$0xC980] =	vst v49;
	v53 =	vmul.f32 v33, v24  }
0x112: {  	v52 =	vld.idx.msk [tilespmem:v48+s5+$0x0], $0xffff;
	[tilespmem:s2+$0xC980] =	vst v18  }
0x113: {  	v54 =	vadd.s32 $0x280, v5;
	[tilespmem:s22+$0xC980] =	vst v53;
	v18 =	vld.idx.msk [tilespmem:v50+s5+$0x0], $0xffff  }
0x114: {  	v59 =	vmul.f32 v23, v6;
	v29 =	vld.idx.msk [tilespmem:v29+s5+$0x0], $0xffff  }
0x115: {  	v16 =	vld.idx.msk [tilespmem:v16+s5+$0x0], $0xffff;
	v56 =	vadd.s32 $0x280, v7;
	v55 =	vmul.f32 v31, v4  }
0x116: {  	v20 =	vmul.f32 v20, v3;
	v58 =	vadd.s32 $0x280, v14;
	[tilespmem:s31+$0xD180] =	vst v59  }
0x117: {  	v25 =	vld.idx.msk [tilespmem:v25+s5+$0x0], $0xffff;
	[tilespmem:s30+$0xD180] =	vst v55;
	v57 =	vmul.f32 v52, v8  }
0x118: {  	[tilespmem:s20+$0xD180] =	vst v20;
	v28 =	vld.idx.msk [tilespmem:v54+s5+$0x0], $0xffff;
	v18 =	vmul.f32 v18, v12  }
0x119: {  	v17 =	vld.idx.msk [tilespmem:v17+s5+$0x0], $0xffff;
	[tilespmem:s0+$0xD180] =	vst v57;
	v60 =	vmul.f32 v29, v24  }
0x11a: {  	v16 =	vmul.f32 v16, v1;
	v22 =	vld.idx.msk [tilespmem:v56+s5+$0x0], $0xffff;
	[tilespmem:s2+$0xD180] =	vst v18  }
0x11b: {  	v61 =	vadd.s32 $0x2C0, v5;
	[tilespmem:s22+$0xD180] =	vst v60;
	v18 =	vld.idx.msk [tilespmem:v58+s5+$0x0], $0xffff  }
0x11c: {  	[tilespmem:s16+$0xD980] =	vst v16;
	v37 =	vmul.f32 v25, v6;
	v32 =	vld.idx.msk [tilespmem:v35+s5+$0x0], $0xffff  }
0x11d: {  	[tilespmem:s18+$0xE980] =	vst v41;
	v11 =	vld.idx.msk [tilespmem:v11+s5+$0x0], $0xffff;
	v63 =	vadd.s32 $0x2C0, v7;
	v62 =	vmul.f32 v28, v4  }
0x11e: {  	[tilespmem:s31+$0xD980] =	vst v37;
	v33 =	vmul.f32 v17, v3;
	v35 =	vadd.s32 $0x2C0, v14  }
0x11f: {  	v21 =	vld.idx.msk [tilespmem:v21+s5+$0x0], $0xffff;
	[tilespmem:s30+$0xD980] =	vst v62;
	v34 =	vmul.f32 v22, v8  }
0x120: {  	v36 =	vld.idx.msk [tilespmem:v61+s5+$0x0], $0xffff;
	[tilespmem:s20+$0xD980] =	vst v33;
	v38 =	vmul.f32 v18, v12  }
0x121: {  	v2 =	vadd.s32 $0x300, v2;
	v13 =	vld.idx.msk [tilespmem:v13+s5+$0x0], $0xffff;
	[tilespmem:s0+$0xD980] =	vst v34;
	v41 =	vmul.f32 v32, v24  }
0x122: {  	v11 =	vmul.f32 v11, v1;
	v40 =	vld.idx.msk [tilespmem:v63+s5+$0x0], $0xffff;
	[tilespmem:s2+$0xD980] =	vst v38  }
0x123: {  	v42 =	vmul.f32 v39, v0;
	v43 =	vadd.s32 $0x300, v5;
	[tilespmem:s22+$0xD980] =	vst v41;
	v17 =	vld.idx.msk [tilespmem:v35+s5+$0x0], $0xffff  }
0x124: {  	[tilespmem:s16+$0xE180] =	vst v11;
	v50 =	vmul.f32 v21, v6;
	v46 =	vld.idx.msk [tilespmem:v26+s5+$0x0], $0xffff  }
0x125: {  	[tilespmem:s14+$0xE180] =	vst v42;
	v9 =	vld.idx.msk [tilespmem:v9+s5+$0x0], $0xffff;
	v45 =	vadd.s32 $0x300, v7;
	v44 =	vmul.f32 v36, v4  }
0x126: {  	v2 =	vld.idx.msk [tilespmem:v2+s5+$0x0], $0xffff;
	v49 =	vadd.s32 $0x300, v14;
	[tilespmem:s31+$0xE180] =	vst v50;
	v47 =	vmul.f32 v13, v3  }
0x127: {  	v54 =	vld.idx.msk [tilespmem:v15+s5+$0x0], $0xffff;
	[tilespmem:s30+$0xE180] =	vst v44;
	v48 =	vmul.f32 v40, v8  }
0x128: {  	v5 =	vld.idx.msk [tilespmem:v43+s5+$0x0], $0xffff;
	[tilespmem:s20+$0xE180] =	vst v47;
	v51 =	vmul.f32 v17, v12  }
0x129: {  	v10 =	vld.idx.msk [tilespmem:v10+s5+$0x0], $0xffff;
	[tilespmem:s0+$0xE180] =	vst v48;
	v52 =	vmul.f32 v46, v24  }
0x12a: {  	v55 =	vmul.f32 v9, v1;
	v7 =	vld.idx.msk [tilespmem:v45+s5+$0x0], $0xffff;
	[tilespmem:s2+$0xE180] =	vst v51  }
0x12b: {  	v53 =	vmul.f32 v2, v0;
	[tilespmem:s22+$0xE180] =	vst v52;
	v56 =	vld.idx.msk [tilespmem:v49+s5+$0x0], $0xffff  }
0x12c: {  	[tilespmem:s16+$0xE980] =	vst v55;
	v61 =	vmul.f32 v54, v6;
	v58 =	vld.idx.msk [tilespmem:v19+s5+$0x0], $0xffff  }
0x12d: {  	[tilespmem:s14+$0xE980] =	vst v53;
	v57 =	vmul.f32 v5, v4  }
0x12e: {  	s9 =	sshrl.u32 s9, $0x3;
	s12 =	sshll.u32 s17, $0xE;
	[tilespmem:s31+$0xE980] =	vst v61;
	v59 =	vmul.f32 v10, v3  }
0x12f: {  	s9 =	smul.u32 $0x61C00, s9;
	s12 =	sand.u32 $0x78000, s12;
	[tilespmem:s30+$0xE980] =	vst v57;
	v60 =	vmul.f32 v7, v8  }
0x130: {  	s12 =	sor.u32 s11, s12;
	[tilespmem:s20+$0xE980] =	vst v59;
	v62 =	vmul.f32 v56, v12  }
0x131: {  	[tilespmem:s0+$0xE980] =	vst v60;
	s0 =	sadd.s32 s9, s12;
	v63 =	vmul.f32 v58, v24  }
0x132: {  	s0 =	sshrl.u32 s0, $0x3;
	[tilespmem:s2+$0xE980] =	vst v62  }
0x133: {  	s13 =	simm.s32 $0x8980;
	s0 =	sadd.s32 s4, s0;
	[tilespmem:s22+$0xE980] =	vst v63  }
0x134: {  	[hbm4b:s0+s23] =	stream.strided.scatter [tilespmem:s13], [sflag:$0x5], $0x800, s24, s23, $0x38;
	[tilespmem:$0x1CA00] =	vst v63  }
0x135: {  	s15 =	simm.s32 $0x9180;
	s14 =	sadd.s32 $0x61C00, s0  }
0x136: {  	[hbm4b:s14+s23] =	stream.strided.scatter [tilespmem:s15], [sflag:$0x5], $0x800, s24, s23, $0x38;
	[tilespmem:$0x1CA00] =	vst v63  }
0x137: {  	s18 =	simm.s32 $0x9980;
	s16 =	sadd.s32 $0xC3800, s0  }
0x138: {  	[hbm4b:s16+s23] =	stream.strided.scatter [tilespmem:s18], [sflag:$0x5], $0x800, s24, s23, $0x38;
	[tilespmem:$0x1CA00] =	vst v63  }
0x139: {  	s20 =	sadd.s32 $0x125400, s0;
	s22 =	simm.s32 $0xA180  }
0x13a: {  	[hbm4b:s20+s23] =	stream.strided.scatter [tilespmem:s22], [sflag:$0x5], $0x800, s24, s23, $0x38;
	[tilespmem:$0x1CA00] =	vst v63  }
0x13b: {  	s26 =	simm.s32 $0xA980;
	s25 =	sadd.s32 $0x187000, s0  }
0x13c: {  	[hbm4b:s25+s23] =	stream.strided.scatter [tilespmem:s26], [sflag:$0x5], $0x800, s24, s23, $0x38;
	[tilespmem:$0x1CA00] =	vst v63  }
0x13d: {  	s31 =	simm.s32 $0xB180;
	s30 =	sadd.s32 $0x1E8C00, s0  }
0x13e: {  	[hbm4b:s30+s23] =	stream.strided.scatter [tilespmem:s31], [sflag:$0x5], $0x800, s24, s23, $0x38;
	[tilespmem:$0x1CA00] =	vst v63  }
0x13f: {  	s12 =	simm.s32 $0xB980;
	s9 =	sadd.s32 $0x24A800, s0  }
0x140: {  	[hbm4b:s9+s23] =	stream.strided.scatter [tilespmem:s12], [sflag:$0x5], $0x800, s24, s23, $0x38;
	[tilespmem:$0x1CA00] =	vst v63  }
0x141: {  	s13 =	sadd.s32 $0x2AC400, s0;
	s14 =	simm.s32 $0xC180  }
0x142: {  	[hbm4b:s13+s23] =	stream.strided.scatter [tilespmem:s14], [sflag:$0x5], $0x800, s24, s23, $0x38;
	[tilespmem:$0x1CA00] =	vst v63  }
0x143: {  	s15 =	sadd.s32 $0x30E000, s0;
	s16 =	simm.s32 $0xC980  }
0x144: {  	[hbm4b:s15+s23] =	stream.strided.scatter [tilespmem:s16], [sflag:$0x5], $0x800, s24, s23, $0x38;
	[tilespmem:$0x1CA00] =	vst v63  }
0x145: {  	s18 =	sadd.s32 $0x36FC00, s0;
	s20 =	simm.s32 $0xD180  }
0x146: {  	[hbm4b:s18+s23] =	stream.strided.scatter [tilespmem:s20], [sflag:$0x5], $0x800, s24, s23, $0x38;
	[tilespmem:$0x1CA00] =	vst v63  }
0x147: {  	s22 =	sadd.s32 $0x3D1800, s0;
	s25 =	simm.s32 $0xD980  }
0x148: {  	[hbm4b:s22+s23] =	stream.strided.scatter [tilespmem:s25], [sflag:$0x5], $0x800, s24, s23, $0x38;
	[tilespmem:$0x1CA00] =	vst v63  }
0x149: {  	s26 =	sadd.s32 $0x433400, s0;
	s30 =	simm.s32 $0xE180  }
0x14a: {  	[hbm4b:s26+s23] =	stream.strided.scatter [tilespmem:s30], [sflag:$0x5], $0x800, s24, s23, $0x38;
	[tilespmem:$0x1CA00] =	vst v63  }
0x14b: {  	s0 =	sadd.s32 $0x495000, s0;
	s31 =	simm.s32 $0xE980  }
0x14c: {  	[hbm4b:s0+s23] =	stream.strided.scatter [tilespmem:s31], [sflag:$0x5], $0x800, s24, s23, $0x38;
	[tilespmem:$0x1CA00] =	vst v63  }
.LBB2_6:
0x14d: {  	s0 =	sadd.s32 $0x2, s7  }
0x14e: {  	p2 =	sge.u32 s0, s8  }
0x14f: {  	s2 =	sshll.u32 @!p2 s0, $0x3;
	s0 =	sshll.u32 @!p2 s0, $0x1  }
0x150: {  	s2 =	sand.u32 @!p2 $0x3E0, s2;
	s0 =	sand.u32 @!p2 $0x4, s0  }
0x151: {  	s9 =	simm.s32 @!p2 $0x0;
	s2 =	sor.u32 @!p2 s6, s2;
	s0 =	smul.u32 @!p2 $0x61C00, s0  }
0x152: {  	s12 =	simm.s32 @!p2 $0x7880;
	s7 =	sshll.u32 @!p2 s2, $0x4;
	s2 =	sshll.u32 @!p2 s2, $0xA  }
.Ltmp6:
0x153: {  	s7 =	sadd.s32 @!p2 s1, s7;
	s0 =	sadd.s32 @!p2 s0, s2;
	(pc) =	sbr.rel @p1 .LBB2_10-.Ltmp6, $4  }
0x154: {  	[tilespmem:s12], [sflag:$0x1] =	stream.linear.gather @!p2 [hbm4b:s7+s9], $0x80, $0x38;
	[tilespmem:$0x1CA00] =	vst v63  }
0x155: {  	s2 =	simm.s32 @!p2 $0x400;
	s0 =	sshrl.u32 @!p2 s0, $0x3  }
0x156: {  	s7 =	simm.s32 @!p2 $0x61C00;
	s9 =	simm.s32 @!p2 $0x7980;
	s0 =	sadd.s32 @!p2 s3, s0  }
0x157: {  	[tilespmem:s9], [sflag:$0x3] =	stream.strided.gather @!p2 [hbm4b:s0+s2], $0x800, s7, s2, $0x38;
	[tilespmem:$0x1CA00] =	vst v63  }
0x158: {  	_ =	swait.ge [sflag:s10], $0x80  }
0x159: {  	[sflag:s10] =	ssyncset.done $0x0  }
0x15a: {  	[sflag:s10] =	ssyncadd.s32 $0xFFFFFF80  }
0x15b: {  	_ =	swait.ge [sflag:s21], $0x800  }
0x15c: {  	p1 =	seq.s32 s17, $0x0;
	[sflag:s21] =	ssyncset.done $0x0  }
0x15d: {  	s0 =	simm.s32 @!p1 $0x6;
	[sflag:s21] =	ssyncadd.s32 $0xFFFFF800  }
0x15e: {  	_ =	swait.ge @!p1 [sflag:s0], $0x6800  }
0x15f: {  	s2 =	simm.s32 $0x0;
	[sflag:s0] =	ssyncset.done @!p1 $0x0  }
0x160: {  	s13 =	sand.u32 $0x70, s2;
	[sflag:s0] =	ssyncadd.s32 @!p1 $0xFFFF9800  }
0x161: {  	v0 =	vld [tilespmem:s13+$0x7900];
	_ =	sdelay $0x3  }
0x162: {  	s7 =	sshll.u32 s19, $0x4;
	s2 =	sand.u32 $0xE, s2  }
0x163: {  	s7 =	sand.u32 $0x30, s7;
	s9 =	sor.u32 $0x1, s2;
	v0 =	vmul.u32 $0x341, v0  }
0x164: {  	s12 =	sor.u32 s7, s9  }
0x165: {  	v10 =	vadd.s32 s12, v0  }
0x166: {  	s9 =	sshll.u32 s9, $0x7  }
0x167: {  	s12 =	sor.u32 s13, s9  }
0x168: {  	v1 =	vld [tilespmem:s12+$0x8180]  }
0x169: {  	s14 =	sor.u32 s7, s2  }
0x16a: {  	v9 =	vadd.s32 s14, v0;
	v2 =	vld.idx.msk [tilespmem:v10+s5+$0x0], $0xffff  }
0x16b: {  	s2 =	sshll.u32 s2, $0x7  }
0x16c: {  	s16 =	sor.u32 s13, s2  }
0x16d: {  	v0 =	vadd.s32 $0x40, v10;
	v12 =	vadd.f32 $1.000000000e+00, v1;
	v1 =	vld [tilespmem:s16+$0x8180];
	_ =	sdelay $0x1  }
0x16e: {  	v3 =	vld.idx.msk [tilespmem:v9+s5+$0x0], $0xffff;
	v2 =	vmul.f32 v12, v2;
	_ =	sdelay $0x1  }
0x16f: {  	[tilespmem:s12+$0xF180] =	vst v2  }
0x170: {  	v18 =	vadd.f32 $1.000000000e+00, v1;
	v2 =	vadd.s32 $0x40, v9;
	v0 =	vld.idx.msk [tilespmem:v0+s5+$0x0], $0xffff;
	_ =	sdelay $0x1  }
0x171: {  	v1 =	vmul.f32 v18, v3  }
0x172: {  	v3 =	vadd.s32 $0x80, v10  }
0x173: {  	s15 =	simm.s32 $0x2;
	[tilespmem:s16+$0xF180] =	vst v1  }
0x174: {  	s18 =	sand.u32 $0x70, s15;
	v1 =	vld.idx.msk [tilespmem:v2+s5+$0x0], $0xffff;
	v0 =	vmul.f32 v0, v12  }
0x175: {  	v2 =	vld [tilespmem:s18+$0x7900]  }
0x176: {  	[tilespmem:s12+$0xF980] =	vst v0  }
0x177: {  	v0 =	vld.idx.msk [tilespmem:v3+s5+$0x0], $0xffff  }
0x178: {  	v3 =	vadd.s32 $0x80, v9  }
0x179: {  	s0 =	sand.u32 $0xE, s15  }
0x17a: {  	s19 =	sor.u32 $0x1, s0;
	v4 =	vadd.s32 $0xC0, v10;
	v1 =	vmul.f32 v1, v18;
	v5 =	vmul.u32 $0x341, v2  }
0x17b: {  	s13 =	sor.u32 s7, s19  }
0x17c: {  	s9 =	sshll.u32 s19, $0x7;
	[tilespmem:s16+$0xF980] =	vst v1;
	v2 =	vadd.s32 s13, v5;
	v0 =	vmul.f32 v0, v12  }
0x17d: {  	s9 =	sor.u32 s18, s9;
	v1 =	vld.idx.msk [tilespmem:v3+s5+$0x0], $0xffff  }
0x17e: {  	s20 =	sor.u32 s7, s0;
	[tilespmem:s12+$0x10180] =	vst v0;
	v0 =	vld [tilespmem:s9+$0x8180]  }
0x17f: {  	v13 =	vadd.s32 s20, v5;
	v3 =	vld.idx.msk [tilespmem:v4+s5+$0x0], $0xffff  }
0x180: {  	s0 =	sshll.u32 s0, $0x7;
	v4 =	vadd.s32 $0xC0, v9  }
0x181: {  	s14 =	sor.u32 s18, s0;
	v5 =	vld.idx.msk [tilespmem:v2+s5+$0x0], $0xffff  }
0x182: {  	v6 =	vadd.s32 $0x100, v10;
	v7 =	vld [tilespmem:s14+$0x8180];
	v1 =	vmul.f32 v1, v18;
	_ =	sdelay $0x1  }
0x183: {  	v8 =	vadd.s32 $0x40, v2;
	v11 =	vld.idx.msk [tilespmem:v13+s5+$0x0], $0xffff;
	v0 =	vadd.f32 $1.000000000e+00, v0;
	[tilespmem:s16+$0x10180] =	vst v1;
	v3 =	vmul.f32 v3, v12  }
0x184: {  	v4 =	vld.idx.msk [tilespmem:v4+s5+$0x0], $0xffff  }
0x185: {  	v5 =	vmul.f32 v0, v5;
	[tilespmem:s12+$0x10980] =	vst v3  }
0x186: {  	v1 =	vadd.f32 $1.000000000e+00, v7;
	v3 =	vld.idx.msk [tilespmem:v6+s5+$0x0], $0xffff;
	v6 =	vadd.s32 $0x40, v13  }
0x187: {  	[tilespmem:s9+$0xF180] =	vst v5;
	v5 =	vadd.s32 $0x100, v9  }
0x188: {  	v7 =	vld.idx.msk [tilespmem:v8+s5+$0x0], $0xffff;
	v8 =	vmul.f32 v1, v11  }
0x189: {  	v11 =	vadd.s32 $0x140, v10;
	v4 =	vmul.f32 v4, v18  }
0x18a: {  	[tilespmem:s14+$0xF180] =	vst v8  }
0x18b: {  	s22 =	simm.s32 $0x4;
	v8 =	vadd.s32 $0x80, v2;
	[tilespmem:s16+$0x10980] =	vst v4;
	v3 =	vmul.f32 v3, v12;
	v6 =	vld.idx.msk [tilespmem:v6+s5+$0x0], $0xffff  }
0x18c: {  	s25 =	sand.u32 $0x70, s22;
	v4 =	vld.idx.msk [tilespmem:v5+s5+$0x0], $0xffff  }
0x18d: {  	v5 =	vmul.f32 v7, v0;
	v7 =	vld [tilespmem:s25+$0x7900];
	[tilespmem:s12+$0x11180] =	vst v3  }
0x18e: {  	v3 =	vld.idx.msk [tilespmem:v11+s5+$0x0], $0xffff  }
0x18f: {  	[tilespmem:s9+$0xF980] =	vst v5;
	v5 =	vadd.s32 $0x80, v13  }
0x190: {  	v11 =	vadd.s32 $0x140, v9;
	v8 =	vld.idx.msk [tilespmem:v8+s5+$0x0], $0xffff  }
0x191: {  	v14 =	vadd.s32 $0x180, v10;
	v6 =	vmul.f32 v6, v1  }
0x192: {  	s0 =	sand.u32 $0xE, s22;
	v4 =	vmul.f32 v4, v18  }
0x193: {  	s26 =	sor.u32 $0x1, s0;
	v16 =	vadd.s32 $0xC0, v2;
	[tilespmem:s14+$0xF980] =	vst v6;
	v6 =	vmul.u32 $0x341, v7;
	v3 =	vmul.f32 v3, v12  }
0x194: {  	s15 =	sor.u32 s7, s26;
	[tilespmem:s16+$0x11180] =	vst v4;
	v7 =	vld.idx.msk [tilespmem:v5+s5+$0x0], $0xffff  }
0x195: {  	s18 =	sor.u32 s7, s0;
	s13 =	sshll.u32 s26, $0x7;
	v4 =	vmul.f32 v8, v0;
	v8 =	vld.idx.msk [tilespmem:v11+s5+$0x0], $0xffff;
	v5 =	vadd.s32 s15, v6;
	[tilespmem:s12+$0x11980] =	vst v3  }
0x196: {  	s19 =	sor.u32 s25, s13;
	v15 =	vadd.s32 s18, v6;
	v3 =	vld.idx.msk [tilespmem:v14+s5+$0x0], $0xffff  }
0x197: {  	s0 =	sshll.u32 s0, $0x7;
	[tilespmem:s9+$0x10180] =	vst v4;
	v4 =	vadd.s32 $0xC0, v13;
	v14 =	vld [tilespmem:s19+$0x8180]  }
0x198: {  	v11 =	vadd.s32 $0x180, v9;
	s18 =	sor.u32 s25, s0;
	v6 =	vld.idx.msk [tilespmem:v16+s5+$0x0], $0xffff  }
0x199: {  	v17 =	vadd.s32 $0x1C0, v10;
	v16 =	vld [tilespmem:s18+$0x8180];
	v7 =	vmul.f32 v7, v1  }
0x19a: {  	v8 =	vmul.f32 v8, v18;
	v19 =	vld.idx.msk [tilespmem:v5+s5+$0x0], $0xffff  }
0x19b: {  	v20 =	vadd.s32 $0x100, v2;
	[tilespmem:s14+$0x10180] =	vst v7;
	v7 =	vld.idx.msk [tilespmem:v15+s5+$0x0], $0xffff;
	v3 =	vmul.f32 v3, v12  }
0x19c: {  	[tilespmem:s16+$0x11980] =	vst v8;
	v8 =	vld.idx.msk [tilespmem:v4+s5+$0x0], $0xffff  }
0x19d: {  	v4 =	vadd.f32 $1.000000000e+00, v14;
	v14 =	vadd.s32 $0x40, v5;
	v6 =	vmul.f32 v6, v0;
	v11 =	vld.idx.msk [tilespmem:v11+s5+$0x0], $0xffff;
	[tilespmem:s12+$0x12180] =	vst v3  }
0x19e: {  	v21 =	vadd.s32 $0x40, v15;
	v3 =	vadd.f32 $1.000000000e+00, v16;
	v16 =	vld.idx.msk [tilespmem:v17+s5+$0x0], $0xffff  }
0x19f: {  	v17 =	vadd.s32 $0x100, v13;
	v19 =	vmul.f32 v4, v19;
	[tilespmem:s9+$0x10980] =	vst v6  }
0x1a0: {  	v6 =	vadd.s32 $0x1C0, v9;
	v7 =	vmul.f32 v3, v7;
	v20 =	vld.idx.msk [tilespmem:v20+s5+$0x0], $0xffff  }
0x1a1: {  	[tilespmem:s19+$0xF180] =	vst v19;
	v8 =	vmul.f32 v8, v1;
	v19 =	vadd.s32 $0x200, v10  }
0x1a2: {  	[tilespmem:s18+$0xF180] =	vst v7;
	v7 =	vld.idx.msk [tilespmem:v14+s5+$0x0], $0xffff;
	v11 =	vmul.f32 v11, v18  }
0x1a3: {  	v14 =	vld.idx.msk [tilespmem:v21+s5+$0x0], $0xffff;
	[tilespmem:s14+$0x10980] =	vst v8;
	v8 =	vadd.s32 $0x140, v2;
	v16 =	vmul.f32 v16, v12  }
0x1a4: {  	v17 =	vld.idx.msk [tilespmem:v17+s5+$0x0], $0xffff;
	[tilespmem:s16+$0x12180] =	vst v11  }
0x1a5: {  	s30 =	simm.s32 $0x6;
	v11 =	vadd.s32 $0x80, v5;
	v20 =	vmul.f32 v20, v0;
	v6 =	vld.idx.msk [tilespmem:v6+s5+$0x0], $0xffff;
	[tilespmem:s12+$0x12980] =	vst v16  }
0x1a6: {  	s31 =	sand.u32 $0x70, s30;
	v16 =	vadd.s32 $0x80, v15;
	v19 =	vld.idx.msk [tilespmem:v19+s5+$0x0], $0xffff  }
0x1a7: {  	v7 =	vmul.f32 v7, v4;
	[tilespmem:s9+$0x11180] =	vst v20;
	v20 =	vld [tilespmem:s31+$0x7900]  }
0x1a8: {  	v21 =	vadd.s32 $0x140, v13;
	v14 =	vmul.f32 v14, v3;
	v8 =	vld.idx.msk [tilespmem:v8+s5+$0x0], $0xffff  }
0x1a9: {  	v22 =	vadd.s32 $0x200, v9;
	s0 =	sand.u32 $0xE, s30;
	[tilespmem:s19+$0xF980] =	vst v7  }
0x1aa: {  	s26 =	sshll.u32 s0, $0x7;
	v7 =	vmul.f32 v17, v1;
	v17 =	vadd.s32 $0x240, v10;
	[tilespmem:s18+$0xF980] =	vst v14;
	v11 =	vld.idx.msk [tilespmem:v11+s5+$0x0], $0xffff  }
0x1ab: {  	s20 =	sor.u32 s31, s26;
	v6 =	vmul.f32 v6, v18;
	v14 =	vld.idx.msk [tilespmem:v16+s5+$0x0], $0xffff;
	v16 =	vadd.s32 $0x180, v2  }
0x1ac: {  	v23 =	vld [tilespmem:s20+$0x8180];
	[tilespmem:s14+$0x11180] =	vst v7;
	v7 =	vmul.f32 v19, v12  }
0x1ad: {  	s25 =	sor.u32 $0x1, s0;
	s0 =	sor.u32 s7, s0;
	v21 =	vld.idx.msk [tilespmem:v21+s5+$0x0], $0xffff;
	[tilespmem:s16+$0x12980] =	vst v6;
	v6 =	vmul.u32 $0x341, v20;
	v8 =	vmul.f32 v8, v0  }
0x1ae: {  	s22 =	sor.u32 s7, s25;
	s30 =	sshll.u32 s25, $0x7;
	s25 =	simm.s32 $0x8;
	v20 =	vadd.s32 $0xC0, v5;
	v22 =	vld.idx.msk [tilespmem:v22+s5+$0x0], $0xffff;
	[tilespmem:s12+$0x13180] =	vst v7  }
0x1af: {  	v7 =	vadd.s32 s22, v6;
	v19 =	vadd.s32 s0, v6;
	s0 =	sor.u32 s31, s30;
	s31 =	sand.u32 $0xE, s25;
	v17 =	vld.idx.msk [tilespmem:v17+s5+$0x0], $0xffff;
	[tilespmem:s9+$0x11980] =	vst v8  }
0x1b0: {  	s2 =	sand.u32 $0x70, s25;
	v6 =	vmul.f32 v11, v4;
	s22 =	sshll.u32 s31, $0x7;
	v11 =	vld.idx.msk [tilespmem:v16+s5+$0x0], $0xffff  }
0x1b1: {  	v8 =	vadd.s32 $0xC0, v15;
	v16 =	vld [tilespmem:s0+$0x8180];
	s22 =	sor.u32 s2, s22  }
0x1b2: {  	[tilespmem:s19+$0x10180] =	vst v6;
	v6 =	vadd.s32 $0x280, v10;
	v34 =	vld [tilespmem:s22+$0x8180]  }
0x1b3: {  	v24 =	vadd.s32 $0x180, v13;
	v14 =	vmul.f32 v14, v3;
	v20 =	vld.idx.msk [tilespmem:v20+s5+$0x0], $0xffff  }
0x1b4: {  	v26 =	vadd.s32 $0x1C0, v2;
	v25 =	vld.idx.msk [tilespmem:v7+s5+$0x0], $0xffff;
	v17 =	vmul.f32 v17, v12  }
0x1b5: {  	v27 =	vadd.s32 $0x240, v9;
	[tilespmem:s18+$0x10180] =	vst v14;
	v14 =	vmul.f32 v21, v1;
	v21 =	vld.idx.msk [tilespmem:v19+s5+$0x0], $0xffff  }
0x1b6: {  	v29 =	vadd.s32 $0x100, v5;
	v28 =	vld.idx.msk [tilespmem:v8+s5+$0x0], $0xffff;
	v11 =	vmul.f32 v11, v0;
	[tilespmem:s12+$0x13980] =	vst v17  }
0x1b7: {  	[tilespmem:s14+$0x11980] =	vst v14;
	v14 =	vmul.f32 v22, v18;
	v8 =	vadd.f32 $1.000000000e+00, v16;
	v16 =	vadd.s32 $0x40, v7;
	v17 =	vld.idx.msk [tilespmem:v6+s5+$0x0], $0xffff  }
0x1b8: {  	v22 =	vadd.s32 $0x40, v19;
	v6 =	vadd.f32 $1.000000000e+00, v23;
	v20 =	vmul.f32 v20, v4;
	v23 =	vld.idx.msk [tilespmem:v24+s5+$0x0], $0xffff;
	[tilespmem:s9+$0x12180] =	vst v11  }
0x1b9: {  	[tilespmem:s16+$0x13180] =	vst v14;
	v11 =	vadd.s32 $0x100, v15;
	v14 =	vld.idx.msk [tilespmem:v26+s5+$0x0], $0xffff;
	v24 =	vmul.f32 v8, v25  }
0x1ba: {  	v25 =	vadd.s32 $0x2C0, v10;
	[tilespmem:s19+$0x10980] =	vst v20;
	v20 =	vld.idx.msk [tilespmem:v27+s5+$0x0], $0xffff;
	v21 =	vmul.f32 v6, v21  }
0x1bb: {  	v26 =	vadd.s32 $0x1C0, v13;
	v27 =	vld.idx.msk [tilespmem:v29+s5+$0x0], $0xffff;
	[tilespmem:s0+$0xF180] =	vst v24;
	v24 =	vmul.f32 v28, v3  }
0x1bc: {  	[tilespmem:s20+$0xF180] =	vst v21;
	v16 =	vld.idx.msk [tilespmem:v16+s5+$0x0], $0xffff;
	v21 =	vadd.s32 $0x200, v2;
	v17 =	vmul.f32 v17, v12  }
0x1bd: {  	v28 =	vadd.s32 $0x280, v9;
	v22 =	vld.idx.msk [tilespmem:v22+s5+$0x0], $0xffff;
	[tilespmem:s18+$0x10980] =	vst v24;
	v23 =	vmul.f32 v23, v1  }
0x1be: {  	v24 =	vadd.s32 $0x140, v5;
	v11 =	vld.idx.msk [tilespmem:v11+s5+$0x0], $0xffff;
	v14 =	vmul.f32 v14, v0;
	[tilespmem:s12+$0x14180] =	vst v17  }
0x1bf: {  	[tilespmem:s14+$0x12180] =	vst v23;
	v17 =	vmul.f32 v20, v18;
	v20 =	vld.idx.msk [tilespmem:v25+s5+$0x0], $0xffff  }
0x1c0: {  	v23 =	vadd.s32 $0x80, v7;
	v25 =	vmul.f32 v27, v4;
	v26 =	vld.idx.msk [tilespmem:v26+s5+$0x0], $0xffff;
	[tilespmem:s9+$0x12980] =	vst v14  }
0x1c1: {  	v21 =	vld.idx.msk [tilespmem:v21+s5+$0x0], $0xffff;
	[tilespmem:s16+$0x13980] =	vst v17;
	v17 =	vadd.s32 $0x140, v15;
	v16 =	vmul.f32 v16, v8  }
0x1c2: {  	v14 =	vadd.s32 $0x80, v19;
	[tilespmem:s19+$0x11180] =	vst v25;
	v25 =	vld.idx.msk [tilespmem:v28+s5+$0x0], $0xffff;
	v22 =	vmul.f32 v22, v6  }
0x1c3: {  	v10 =	vadd.s32 $0x300, v10;
	v24 =	vld.idx.msk [tilespmem:v24+s5+$0x0], $0xffff;
	[tilespmem:s0+$0xF980] =	vst v16;
	v11 =	vmul.f32 v11, v3  }
0x1c4: {  	v32 =	vadd.s32 $0x300, v9;
	v27 =	vadd.s32 $0x200, v13;
	v28 =	vld [tilespmem:s2+$0x7900];
	[tilespmem:s20+$0xF980] =	vst v22  }
0x1c5: {  	v33 =	vadd.s32 $0x240, v13;
	v22 =	vld.idx.msk [tilespmem:v23+s5+$0x0], $0xffff;
	v23 =	vadd.s32 $0x240, v2;
	v16 =	vmul.f32 v20, v12;
	[tilespmem:s18+$0x11180] =	vst v11  }
0x1c6: {  	v35 =	vadd.s32 $0x180, v15;
	v11 =	vmul.f32 v26, v1;
	v26 =	vld.idx.msk [tilespmem:v17+s5+$0x0], $0xffff;
	v17 =	vadd.s32 $0x180, v5  }
0x1c7: {  	v41 =	vadd.s32 $0x1C0, v15;
	v29 =	vld.idx.msk [tilespmem:v14+s5+$0x0], $0xffff;
	v14 =	vmul.f32 v21, v0;
	v21 =	vadd.s32 $0x2C0, v9;
	[tilespmem:s12+$0x14980] =	vst v16  }
0x1c8: {  	v9 =	vadd.s32 $0x300, v13;
	[tilespmem:s14+$0x12980] =	vst v11;
	v16 =	vadd.s32 $0x280, v13;
	v30 =	vld.idx.msk [tilespmem:v10+s5+$0x0], $0xffff;
	v20 =	vmul.f32 v24, v4  }
0x1c9: {  	s26 =	sor.u32 $0x1, s31;
	v25 =	vmul.f32 v25, v18;
	v10 =	vmul.u32 $0x341, v28;
	v28 =	vadd.s32 $0xC0, v7;
	v24 =	vld.idx.msk [tilespmem:v27+s5+$0x0], $0xffff;
	[tilespmem:s9+$0x13180] =	vst v14  }
0x1ca: {  	s13 =	sor.u32 s7, s31;
	s30 =	sor.u32 s7, s26;
	v11 =	vadd.s32 $0x2C0, v13;
	v27 =	vadd.s32 $0xC0, v19;
	v23 =	vld.idx.msk [tilespmem:v23+s5+$0x0], $0xffff;
	v13 =	vmul.f32 v22, v8;
	[tilespmem:s19+$0x11980] =	vst v20  }
0x1cb: {  	s31 =	sshll.u32 s26, $0x7;
	[tilespmem:s16+$0x14180] =	vst v25;
	v22 =	vadd.s32 $0x200, v15;
	v14 =	vadd.s32 s30, v10;
	v42 =	vadd.s32 s13, v10;
	v25 =	vld.idx.msk [tilespmem:v17+s5+$0x0], $0xffff  }
0x1cc: {  	s2 =	sor.u32 s2, s31;
	v20 =	vadd.s32 $0x240, v15;
	v29 =	vmul.f32 v29, v6;
	v10 =	vadd.s32 $0x300, v15;
	v21 =	vld.idx.msk [tilespmem:v21+s5+$0x0], $0xffff  }
0x1cd: {  	[tilespmem:s0+$0x10180] =	vst v13;
	v17 =	vadd.s32 $0x280, v15;
	v13 =	vadd.s32 $0x2C0, v15;
	v15 =	vld [tilespmem:s2+$0x8180];
	v26 =	vmul.f32 v26, v3  }
0x1ce: {  	v37 =	vadd.s32 $0x280, v2;
	[tilespmem:s20+$0x10180] =	vst v29;
	v36 =	vld.idx.msk [tilespmem:v28+s5+$0x0], $0xffff  }
0x1cf: {  	v38 =	vadd.s32 $0x1C0, v5;
	v52 =	vadd.s32 $0x200, v5;
	v12 =	vmul.f32 v30, v12;
	v43 =	vld.idx.msk [tilespmem:v27+s5+$0x0], $0xffff;
	[tilespmem:s18+$0x11980] =	vst v26  }
0x1d0: {  	v39 =	vadd.s32 $0x100, v19;
	v31 =	vadd.s32 $0x140, v19;
	v26 =	vmul.f32 v24, v1;
	v35 =	vld.idx.msk [tilespmem:v35+s5+$0x0], $0xffff  }
0x1d1: {  	v44 =	vadd.s32 $0x100, v7;
	v46 =	vadd.s32 $0x40, v14;
	v23 =	vmul.f32 v23, v0;
	v29 =	vld.idx.msk [tilespmem:v14+s5+$0x0], $0xffff;
	[tilespmem:s12+$0x15180] =	vst v12  }
0x1d2: {  	v47 =	vadd.s32 $0x40, v42;
	v30 =	vadd.s32 $0x180, v19;
	v40 =	vld.idx.msk [tilespmem:v42+s5+$0x0], $0xffff;
	[tilespmem:s14+$0x13180] =	vst v26;
	v25 =	vmul.f32 v25, v4  }
0x1d3: {  	v28 =	vadd.s32 $0x1C0, v19;
	v27 =	vadd.s32 $0x200, v19;
	[tilespmem:s9+$0x13980] =	vst v23;
	v26 =	vmul.f32 v21, v18;
	v49 =	vld.idx.msk [tilespmem:v33+s5+$0x0], $0xffff  }
0x1d4: {  	v24 =	vadd.f32 $1.000000000e+00, v34;
	v12 =	vadd.f32 $1.000000000e+00, v15;
	v45 =	vld.idx.msk [tilespmem:v37+s5+$0x0], $0xffff;
	v15 =	vmul.f32 v36, v8;
	[tilespmem:s19+$0x12180] =	vst v25  }
0x1d5: {  	v34 =	vadd.s32 $0x180, v42;
	v23 =	vadd.s32 $0x240, v19;
	[tilespmem:s16+$0x14980] =	vst v26;
	v48 =	vld.idx.msk [tilespmem:v38+s5+$0x0], $0xffff;
	v63 =	vmul.f32 v35, v3  }
0x1d6: {  	v21 =	vadd.s32 $0x2C0, v19;
	v25 =	vadd.s32 $0x280, v19;
	v51 =	vld.idx.msk [tilespmem:v32+s5+$0x0], $0xffff;
	v29 =	vmul.f32 v12, v29;
	[tilespmem:s0+$0x10980] =	vst v15  }
0x1d7: {  	v26 =	vadd.s32 $0x2C0, v2;
	v15 =	vadd.s32 $0x300, v19;
	v19 =	vmul.f32 v24, v40;
	v50 =	vld.idx.msk [tilespmem:v44+s5+$0x0], $0xffff;
	[tilespmem:s18+$0x12180] =	vst v63  }
0x1d8: {  	v33 =	vadd.s32 $0x200, v42;
	v37 =	vadd.s32 $0xC0, v42;
	[tilespmem:s2+$0xF180] =	vst v29;
	v29 =	vmul.f32 v43, v6;
	v43 =	vld.idx.msk [tilespmem:v41+s5+$0x0], $0xffff  }
0x1d9: {  	v36 =	vadd.s32 $0x100, v42;
	v38 =	vadd.s32 $0x140, v42;
	[tilespmem:s22+$0xF180] =	vst v19;
	v19 =	vmul.f32 v45, v0;
	v46 =	vld.idx.msk [tilespmem:v46+s5+$0x0], $0xffff  }
0x1da: {  	v32 =	vadd.s32 $0x1C0, v42;
	v45 =	vadd.s32 $0x140, v7;
	v47 =	vld.idx.msk [tilespmem:v47+s5+$0x0], $0xffff;
	[tilespmem:s20+$0x10980] =	vst v29;
	v48 =	vmul.f32 v48, v4  }
0x1db: {  	v35 =	vadd.s32 $0x280, v42;
	v40 =	vadd.s32 $0x80, v42;
	v53 =	vmul.f32 v49, v1;
	[tilespmem:s9+$0x14180] =	vst v19;
	v44 =	vld.idx.msk [tilespmem:v39+s5+$0x0], $0xffff  }
0x1dc: {  	v29 =	vadd.s32 $0x240, v42;
	v39 =	vld.idx.msk [tilespmem:v26+s5+$0x0], $0xffff;
	[tilespmem:s19+$0x12980] =	vst v48;
	v48 =	vadd.s32 $0x80, v14;
	v49 =	vmul.f32 v50, v8  }
0x1dd: {  	[tilespmem:s14+$0x13980] =	vst v53;
	v19 =	vadd.s32 $0x300, v42;
	v41 =	vmul.f32 v51, v18;
	v26 =	vadd.s32 $0x2C0, v42;
	v42 =	vld.idx.msk [tilespmem:v52+s5+$0x0], $0xffff  }
.LBB2_8:
0x1de: {  	s25 =	sadd.s32 $0x2, s25;
	v46 =	vmul.f32 v46, v12;
	[tilespmem:s0+$0x11180] =	vst v49;
	v49 =	vld.idx.msk [tilespmem:v16+s5+$0x0], $0xffff;
	v18 =	vmovc v24;
	v16 =	vmov v17;
	v17 =	vmov v25  }
0x1df: {  	s12 =	sand.u32 $0x70, s25;
	p1 =	slt.u32 s25, $0x7E;
	v24 =	vmul.f32 v47, v18;
	v45 =	vld.idx.msk [tilespmem:v45+s5+$0x0], $0xffff;
	v47 =	vadd.s32 $0x300, v2;
	[tilespmem:s16+$0x15180] =	vst v41;
	v2 =	vmovc v5;
	v5 =	vmov v7;
	s16 =	smov.u32 s14  }
0x1e0: {  	v25 =	vmov v35;
	v44 =	vmul.f32 v44, v6;
	v7 =	vmov v14;
	s14 =	smov.u32 s18;
	s18 =	smov.u32 s20;
	s20 =	smov.u32 s22;
	v41 =	vld [tilespmem:s12+$0x7900];
	[tilespmem:s2+$0xF980] =	vst v46  }
0x1e1: {  	v14 =	vadd.s32 $0x240, v2;
	v35 =	vmul.f32 v39, v0;
	[tilespmem:s20+$0xF980] =	vst v24;
	v24 =	vld.idx.msk [tilespmem:v48+s5+$0x0], $0xffff  }
0x1e2: {  	v39 =	vld.idx.msk [tilespmem:v40+s5+$0x0], $0xffff;
	[tilespmem:s18+$0x11180] =	vst v44;
	v40 =	vmul.f32 v43, v3  }
0x1e3: {  	v44 =	vadd.s32 $0x180, v5;
	v42 =	vmul.f32 v42, v4;
	v43 =	vld.idx.msk [tilespmem:v31+s5+$0x0], $0xffff;
	[tilespmem:s9+$0x14980] =	vst v35;
	v31 =	vmov v38  }
0x1e4: {  	s13 =	sand.u32 $0xE, s25;
	v35 =	vmul.f32 v49, v1;
	[tilespmem:s14+$0x12980] =	vst v40;
	v46 =	vld.idx.msk [tilespmem:v47+s5+$0x0], $0xffff  }
0x1e5: {  	s15 =	sshll.u32 s13, $0x7;
	s26 =	sor.u32 s7, s13;
	s13 =	sor.u32 $0x1, s13;
	v40 =	vmul.f32 v45, v8;
	v38 =	vmul.u32 $0x341, v41;
	v41 =	vadd.s32 $0xC0, v7;
	v45 =	vld.idx.msk [tilespmem:v22+s5+$0x0], $0xffff;
	[tilespmem:s19+$0x13180] =	vst v42;
	v22 =	vmovc v27  }
0x1e6: {  	s22 =	sor.u32 s12, s15;
	s15 =	sor.u32 s7, s13;
	v27 =	vmov v33;
	v42 =	vld.idx.msk [tilespmem:v14+s5+$0x0], $0xffff;
	[tilespmem:s16+$0x14180] =	vst v35  }
0x1e7: {  	v24 =	vmul.f32 v24, v12;
	v35 =	vld [tilespmem:s22+$0x8180];
	v47 =	vadd.s32 s26, v38;
	v14 =	vadd.s32 s15, v38;
	[tilespmem:s0+$0x11980] =	vst v40  }
0x1e8: {  	v33 =	vmul.f32 v39, v18;
	v48 =	vadd.s32 $0x40, v47;
	v40 =	vadd.s32 $0x80, v47;
	v39 =	vld.idx.msk [tilespmem:v44+s5+$0x0], $0xffff  }
0x1e9: {  	s13 =	sshll.u32 s13, $0x7;
	v44 =	vadd.s32 $0xC0, v47;
	v49 =	vadd.s32 $0x100, v47;
	v38 =	vadd.s32 $0x140, v47;
	[tilespmem:s2+$0x10180] =	vst v24;
	v50 =	vld.idx.msk [tilespmem:v11+s5+$0x0], $0xffff;
	v11 =	vmovc v13;
	v13 =	vmovc v21  }
0x1ea: {  	v51 =	vadd.s32 $0x280, v2;
	s12 =	sor.u32 s12, s13;
	v43 =	vmul.f32 v43, v6;
	v46 =	vmul.f32 v46, v0;
	[tilespmem:s20+$0x10180] =	vst v33;
	v41 =	vld.idx.msk [tilespmem:v41+s5+$0x0], $0xffff  }
0x1eb: {  	v52 =	vadd.s32 $0x180, v47;
	v53 =	vadd.s32 $0x1C0, v47;
	v21 =	vmovc v26;
	v0 =	vmovc v4;
	v33 =	vadd.s32 $0x200, v47;
	v54 =	vld [tilespmem:s12+$0x8180]  }
0x1ec: {  	v56 =	vadd.s32 $0x1C0, v5;
	v4 =	vmovc v8;
	v42 =	vmul.f32 v42, v0;
	v24 =	vadd.f32 $1.000000000e+00, v35;
	v55 =	vld.idx.msk [tilespmem:v14+s5+$0x0], $0xffff;
	[tilespmem:s9+$0x15180] =	vst v46;
	s9 =	smov.u32 s19;
	s19 =	smov.u32 s0;
	s0 =	smov.u32 s2  }
0x1ed: {  	v57 =	vadd.s32 $0x240, v47;
	v8 =	vmovc v12;
	v35 =	vadd.s32 $0x280, v47;
	s2 =	smov.u32 s12;
	v46 =	vld.idx.msk [tilespmem:v47+s5+$0x0], $0xffff;
	[tilespmem:s18+$0x11980] =	vst v43;
	v43 =	vmul.f32 v45, v3  }
0x1ee: {  	v58 =	vadd.s32 $0x100, v7;
	v26 =	vadd.s32 $0x2C0, v47;
	v39 =	vmul.f32 v39, v4;
	v45 =	vld.idx.msk [tilespmem:v37+s5+$0x0], $0xffff;
	[tilespmem:s9+$0x13980] =	vst v42;
	v37 =	vmovc v44  }
0x1ef: {  	v42 =	vadd.s32 $0x300, v47;
	v44 =	vmul.f32 v50, v1;
	[tilespmem:s14+$0x13180] =	vst v43;
	v43 =	vld.idx.msk [tilespmem:v51+s5+$0x0], $0xffff  }
0x1f0: {  	v47 =	vadd.s32 $0x40, v14;
	v41 =	vmul.f32 v41, v8;
	v12 =	vadd.f32 $1.000000000e+00, v54;
	v50 =	vld.idx.msk [tilespmem:v30+s5+$0x0], $0xffff;
	[tilespmem:s19+$0x12180] =	vst v39;
	v30 =	vmovc v34  }
0x1f1: {  	v34 =	vmov v52;
	v39 =	vld.idx.msk [tilespmem:v56+s5+$0x0], $0xffff;
	[tilespmem:s16+$0x14980] =	vst v44  }
0x1f2: {  	v44 =	vmul.f32 v12, v55;
	[tilespmem:s0+$0x10980] =	vst v41;
	v41 =	vld.idx.msk [tilespmem:v20+s5+$0x0], $0xffff;
	v20 =	vmovc v23;
	v23 =	vmov v29;
	v29 =	vmov v57  }
0x1f3: {  	v52 =	vadd.s32 $0x2C0, v2;
	v46 =	vmul.f32 v24, v46;
	v51 =	vld.idx.msk [tilespmem:v58+s5+$0x0], $0xffff  }
0x1f4: {  	[tilespmem:s2+$0xF180] =	vst v44;
	v44 =	vmul.f32 v45, v18;
	v54 =	vld.idx.msk [tilespmem:v9+s5+$0x0], $0xffff;
	v9 =	vmovc v10;
	v10 =	vmov v15;
	v15 =	vmov v19  }
0x1f5: {  	v55 =	vadd.s32 $0x200, v5;
	v43 =	vmul.f32 v43, v0;
	v19 =	vmov v42;
	[tilespmem:s22+$0xF180] =	vst v46;
	v46 =	vld.idx.msk [tilespmem:v47+s5+$0x0], $0xffff  }
.Ltmp7:
0x1f6: {  	v42 =	vmul.f32 v50, v6;
	v47 =	vld.idx.msk [tilespmem:v48+s5+$0x0], $0xffff;
	[tilespmem:s20+$0x10980] =	vst v44;
	(pc) =	sbr.rel @p1 .LBB2_8-.Ltmp7, $4  }
0x1f7: {  	v45 =	vadd.s32 $0x140, v7;
	v50 =	vmul.f32 v39, v4;
	v44 =	vld.idx.msk [tilespmem:v36+s5+$0x0], $0xffff;
	[tilespmem:s9+$0x14180] =	vst v43;
	v36 =	vmov v49  }
0x1f8: {  	v41 =	vmul.f32 v41, v3;
	[tilespmem:s18+$0x12180] =	vst v42;
	v39 =	vld.idx.msk [tilespmem:v52+s5+$0x0], $0xffff  }
0x1f9: {  	v48 =	vadd.s32 $0x80, v14;
	v49 =	vmul.f32 v51, v8;
	v43 =	vld.idx.msk [tilespmem:v28+s5+$0x0], $0xffff;
	[tilespmem:s19+$0x12980] =	vst v50;
	v28 =	vmovc v32;
	v32 =	vmov v53  }
0x1fa: {  	v42 =	vld.idx.msk [tilespmem:v55+s5+$0x0], $0xffff;
	[tilespmem:s14+$0x13980] =	vst v41;
	v41 =	vmul.f32 v54, v1;
	v1 =	vmovc v3;
	v3 =	vmov v6;
	v6 =	vmov v18  }
0x1fb: {  	_ = 	snop  }
0x1fc: {  	v18 =	vmul.f32 v46, v12  }
0x1fd: {  	v51 =	vmul.f32 v47, v24  }
0x1fe: {  	[tilespmem:s2+$0xF980] =	vst v18  }
0x1ff: {  	[tilespmem:s22+$0xF980] =	vst v51;
	v18 =	vld.idx.msk [tilespmem:v48+s5+$0x0], $0xffff  }
0x200: {  	v40 =	vld.idx.msk [tilespmem:v40+s5+$0x0], $0xffff;
	_ =	sdelay $0x1  }
0x201: {  	v52 =	vadd.s32 $0xC0, v14;
	_ =	sdelay $0x1  }
0x202: {  	v18 =	vmul.f32 v18, v12  }
0x203: {  	v40 =	vmul.f32 v40, v24  }
0x204: {  	[tilespmem:s2+$0x10180] =	vst v18  }
0x205: {  	[tilespmem:s22+$0x10180] =	vst v40;
	v18 =	vld.idx.msk [tilespmem:v52+s5+$0x0], $0xffff  }
0x206: {  	v37 =	vld.idx.msk [tilespmem:v37+s5+$0x0], $0xffff;
	_ =	sdelay $0x1  }
0x207: {  	v53 =	vadd.s32 $0x100, v14;
	_ =	sdelay $0x1  }
0x208: {  	v18 =	vmul.f32 v18, v12  }
0x209: {  	v37 =	vmul.f32 v37, v24  }
0x20a: {  	[tilespmem:s2+$0x10980] =	vst v18  }
0x20b: {  	[tilespmem:s22+$0x10980] =	vst v37;
	v18 =	vld.idx.msk [tilespmem:v53+s5+$0x0], $0xffff  }
0x20c: {  	v55 =	vmul.f32 v44, v6;
	v36 =	vld.idx.msk [tilespmem:v36+s5+$0x0], $0xffff;
	_ =	sdelay $0x1  }
0x20d: {  	v54 =	vadd.s32 $0x140, v14;
	[tilespmem:s20+$0x11180] =	vst v55  }
0x20e: {  	v31 =	vld.idx.msk [tilespmem:v31+s5+$0x0], $0xffff  }
0x20f: {  	v18 =	vmul.f32 v18, v12  }
0x210: {  	[tilespmem:s0+$0x11180] =	vst v49;
	v36 =	vmul.f32 v36, v24  }
0x211: {  	v56 =	vld.idx.msk [tilespmem:v45+s5+$0x0], $0xffff;
	[tilespmem:s2+$0x11180] =	vst v18  }
0x212: {  	[tilespmem:s22+$0x11180] =	vst v36;
	v18 =	vld.idx.msk [tilespmem:v54+s5+$0x0], $0xffff  }
0x213: {  	v31 =	vmul.f32 v31, v6;
	v58 =	vld.idx.msk [tilespmem:v38+s5+$0x0], $0xffff  }
0x214: {  	v57 =	vadd.s32 $0x180, v7  }
0x215: {  	v60 =	vadd.s32 $0x180, v14;
	[tilespmem:s20+$0x11980] =	vst v31  }
0x216: {  	v59 =	vmul.f32 v56, v8;
	v30 =	vld.idx.msk [tilespmem:v30+s5+$0x0], $0xffff  }
0x217: {  	v18 =	vmul.f32 v18, v12  }
0x218: {  	[tilespmem:s0+$0x11980] =	vst v59;
	v61 =	vmul.f32 v58, v24  }
0x219: {  	v36 =	vld.idx.msk [tilespmem:v57+s5+$0x0], $0xffff;
	[tilespmem:s2+$0x11980] =	vst v18  }
0x21a: {  	[tilespmem:s22+$0x11980] =	vst v61;
	v18 =	vld.idx.msk [tilespmem:v60+s5+$0x0], $0xffff  }
0x21b: {  	v30 =	vmul.f32 v30, v6;
	v34 =	vld.idx.msk [tilespmem:v34+s5+$0x0], $0xffff  }
0x21c: {  	v62 =	vadd.s32 $0x1C0, v7  }
0x21d: {  	v63 =	vadd.s32 $0x1C0, v14;
	[tilespmem:s20+$0x12180] =	vst v30  }
0x21e: {  	v28 =	vld.idx.msk [tilespmem:v28+s5+$0x0], $0xffff;
	v36 =	vmul.f32 v36, v8  }
0x21f: {  	v18 =	vmul.f32 v18, v12  }
0x220: {  	[tilespmem:s0+$0x12180] =	vst v36;
	v38 =	vmul.f32 v34, v24  }
0x221: {  	v31 =	vld.idx.msk [tilespmem:v62+s5+$0x0], $0xffff;
	[tilespmem:s2+$0x12180] =	vst v18  }
0x222: {  	[tilespmem:s22+$0x12180] =	vst v38;
	v18 =	vld.idx.msk [tilespmem:v63+s5+$0x0], $0xffff  }
0x223: {  	v28 =	vmul.f32 v28, v6;
	v32 =	vld.idx.msk [tilespmem:v32+s5+$0x0], $0xffff  }
0x224: {  	v40 =	vadd.s32 $0x200, v7  }
0x225: {  	v44 =	vadd.s32 $0x200, v14;
	v43 =	vmul.f32 v43, v3;
	[tilespmem:s20+$0x12980] =	vst v28  }
0x226: {  	v27 =	vld.idx.msk [tilespmem:v27+s5+$0x0], $0xffff;
	v31 =	vmul.f32 v31, v8  }
0x227: {  	[tilespmem:s18+$0x12980] =	vst v43;
	v18 =	vmul.f32 v18, v12  }
0x228: {  	v22 =	vld.idx.msk [tilespmem:v22+s5+$0x0], $0xffff;
	[tilespmem:s0+$0x12980] =	vst v31;
	v45 =	vmul.f32 v32, v24  }
0x229: {  	v30 =	vld.idx.msk [tilespmem:v40+s5+$0x0], $0xffff;
	[tilespmem:s2+$0x12980] =	vst v18  }
0x22a: {  	v46 =	vadd.s32 $0x240, v5;
	[tilespmem:s22+$0x12980] =	vst v45;
	v18 =	vld.idx.msk [tilespmem:v44+s5+$0x0], $0xffff  }
0x22b: {  	v51 =	vmul.f32 v27, v6;
	v33 =	vld.idx.msk [tilespmem:v33+s5+$0x0], $0xffff  }
0x22c: {  	v48 =	vadd.s32 $0x240, v7;
	v47 =	vmul.f32 v42, v4  }
0x22d: {  	v50 =	vadd.s32 $0x240, v14;
	v22 =	vmul.f32 v22, v3;
	[tilespmem:s20+$0x13180] =	vst v51  }
0x22e: {  	[tilespmem:s19+$0x13180] =	vst v47;
	v23 =	vld.idx.msk [tilespmem:v23+s5+$0x0], $0xffff;
	v49 =	vmul.f32 v30, v8  }
0x22f: {  	[tilespmem:s18+$0x13180] =	vst v22;
	v31 =	vld.idx.msk [tilespmem:v46+s5+$0x0], $0xffff;
	v18 =	vmul.f32 v18, v12  }
0x230: {  	v20 =	vld.idx.msk [tilespmem:v20+s5+$0x0], $0xffff;
	[tilespmem:s0+$0x13180] =	vst v49;
	v53 =	vmul.f32 v33, v24  }
0x231: {  	v52 =	vld.idx.msk [tilespmem:v48+s5+$0x0], $0xffff;
	[tilespmem:s2+$0x13180] =	vst v18  }
0x232: {  	v54 =	vadd.s32 $0x280, v5;
	[tilespmem:s22+$0x13180] =	vst v53;
	v18 =	vld.idx.msk [tilespmem:v50+s5+$0x0], $0xffff  }
0x233: {  	v59 =	vmul.f32 v23, v6;
	v29 =	vld.idx.msk [tilespmem:v29+s5+$0x0], $0xffff  }
0x234: {  	v16 =	vld.idx.msk [tilespmem:v16+s5+$0x0], $0xffff;
	v56 =	vadd.s32 $0x280, v7;
	v55 =	vmul.f32 v31, v4  }
0x235: {  	v20 =	vmul.f32 v20, v3;
	v58 =	vadd.s32 $0x280, v14;
	[tilespmem:s20+$0x13980] =	vst v59  }
0x236: {  	v25 =	vld.idx.msk [tilespmem:v25+s5+$0x0], $0xffff;
	[tilespmem:s19+$0x13980] =	vst v55;
	v57 =	vmul.f32 v52, v8  }
0x237: {  	[tilespmem:s18+$0x13980] =	vst v20;
	v28 =	vld.idx.msk [tilespmem:v54+s5+$0x0], $0xffff;
	v18 =	vmul.f32 v18, v12  }
0x238: {  	v17 =	vld.idx.msk [tilespmem:v17+s5+$0x0], $0xffff;
	[tilespmem:s0+$0x13980] =	vst v57;
	v60 =	vmul.f32 v29, v24  }
0x239: {  	v16 =	vmul.f32 v16, v1;
	v22 =	vld.idx.msk [tilespmem:v56+s5+$0x0], $0xffff;
	[tilespmem:s2+$0x13980] =	vst v18  }
0x23a: {  	v61 =	vadd.s32 $0x2C0, v5;
	[tilespmem:s22+$0x13980] =	vst v60;
	v18 =	vld.idx.msk [tilespmem:v58+s5+$0x0], $0xffff  }
0x23b: {  	[tilespmem:s14+$0x14180] =	vst v16;
	v37 =	vmul.f32 v25, v6;
	v32 =	vld.idx.msk [tilespmem:v35+s5+$0x0], $0xffff  }
0x23c: {  	[tilespmem:s16+$0x15180] =	vst v41;
	v11 =	vld.idx.msk [tilespmem:v11+s5+$0x0], $0xffff;
	v63 =	vadd.s32 $0x2C0, v7;
	v62 =	vmul.f32 v28, v4  }
0x23d: {  	[tilespmem:s20+$0x14180] =	vst v37;
	v33 =	vmul.f32 v17, v3;
	v35 =	vadd.s32 $0x2C0, v14  }
0x23e: {  	v21 =	vld.idx.msk [tilespmem:v21+s5+$0x0], $0xffff;
	[tilespmem:s19+$0x14180] =	vst v62;
	v34 =	vmul.f32 v22, v8  }
0x23f: {  	v36 =	vld.idx.msk [tilespmem:v61+s5+$0x0], $0xffff;
	[tilespmem:s18+$0x14180] =	vst v33;
	v38 =	vmul.f32 v18, v12  }
0x240: {  	v2 =	vadd.s32 $0x300, v2;
	v13 =	vld.idx.msk [tilespmem:v13+s5+$0x0], $0xffff;
	[tilespmem:s0+$0x14180] =	vst v34;
	v41 =	vmul.f32 v32, v24  }
0x241: {  	v11 =	vmul.f32 v11, v1;
	v40 =	vld.idx.msk [tilespmem:v63+s5+$0x0], $0xffff;
	[tilespmem:s2+$0x14180] =	vst v38  }
0x242: {  	v42 =	vmul.f32 v39, v0;
	v43 =	vadd.s32 $0x300, v5;
	[tilespmem:s22+$0x14180] =	vst v41;
	v17 =	vld.idx.msk [tilespmem:v35+s5+$0x0], $0xffff  }
0x243: {  	[tilespmem:s14+$0x14980] =	vst v11;
	v50 =	vmul.f32 v21, v6;
	v46 =	vld.idx.msk [tilespmem:v26+s5+$0x0], $0xffff  }
0x244: {  	[tilespmem:s9+$0x14980] =	vst v42;
	v9 =	vld.idx.msk [tilespmem:v9+s5+$0x0], $0xffff;
	v45 =	vadd.s32 $0x300, v7;
	v44 =	vmul.f32 v36, v4  }
0x245: {  	v2 =	vld.idx.msk [tilespmem:v2+s5+$0x0], $0xffff;
	v49 =	vadd.s32 $0x300, v14;
	[tilespmem:s20+$0x14980] =	vst v50;
	v47 =	vmul.f32 v13, v3  }
0x246: {  	v54 =	vld.idx.msk [tilespmem:v15+s5+$0x0], $0xffff;
	[tilespmem:s19+$0x14980] =	vst v44;
	v48 =	vmul.f32 v40, v8  }
0x247: {  	v5 =	vld.idx.msk [tilespmem:v43+s5+$0x0], $0xffff;
	[tilespmem:s18+$0x14980] =	vst v47;
	v51 =	vmul.f32 v17, v12  }
0x248: {  	v10 =	vld.idx.msk [tilespmem:v10+s5+$0x0], $0xffff;
	[tilespmem:s0+$0x14980] =	vst v48;
	v52 =	vmul.f32 v46, v24  }
0x249: {  	v55 =	vmul.f32 v9, v1;
	v7 =	vld.idx.msk [tilespmem:v45+s5+$0x0], $0xffff;
	[tilespmem:s2+$0x14980] =	vst v51  }
0x24a: {  	v53 =	vmul.f32 v2, v0;
	[tilespmem:s22+$0x14980] =	vst v52;
	v56 =	vld.idx.msk [tilespmem:v49+s5+$0x0], $0xffff  }
0x24b: {  	[tilespmem:s14+$0x15180] =	vst v55;
	v61 =	vmul.f32 v54, v6;
	v58 =	vld.idx.msk [tilespmem:v19+s5+$0x0], $0xffff  }
0x24c: {  	[tilespmem:s9+$0x15180] =	vst v53;
	v57 =	vmul.f32 v5, v4  }
0x24d: {  	s7 =	sshrl.u32 s7, $0x3;
	s14 =	sshll.u32 s17, $0xE;
	[tilespmem:s20+$0x15180] =	vst v61;
	v59 =	vmul.f32 v10, v3  }
0x24e: {  	s7 =	smul.u32 $0x61C00, s7;
	s9 =	sand.u32 $0x78000, s14;
	[tilespmem:s19+$0x15180] =	vst v57;
	v60 =	vmul.f32 v7, v8  }
0x24f: {  	s15 =	sor.u32 s11, s9;
	[tilespmem:s18+$0x15180] =	vst v59;
	v62 =	vmul.f32 v56, v12  }
0x250: {  	[tilespmem:s0+$0x15180] =	vst v60;
	s0 =	sadd.s32 s7, s15;
	v63 =	vmul.f32 v58, v24  }
0x251: {  	s0 =	sshrl.u32 s0, $0x3;
	[tilespmem:s2+$0x15180] =	vst v62  }
0x252: {  	s16 =	simm.s32 $0xF180;
	s0 =	sadd.s32 s4, s0;
	[tilespmem:s22+$0x15180] =	vst v63  }
0x253: {  	[hbm4b:s0+s23] =	stream.strided.scatter [tilespmem:s16], [sflag:$0x6], $0x800, s24, s23, $0x38;
	[tilespmem:$0x1CA00] =	vst v63  }
0x254: {  	s19 =	simm.s32 $0xF980;
	s18 =	sadd.s32 $0x61C00, s0  }
0x255: {  	[hbm4b:s18+s23] =	stream.strided.scatter [tilespmem:s19], [sflag:$0x6], $0x800, s24, s23, $0x38;
	[tilespmem:$0x1CA00] =	vst v63  }
0x256: {  	s20 =	sadd.s32 $0xC3800, s0;
	s22 =	simm.s32 $0x10180  }
0x257: {  	[hbm4b:s20+s23] =	stream.strided.scatter [tilespmem:s22], [sflag:$0x6], $0x800, s24, s23, $0x38;
	[tilespmem:$0x1CA00] =	vst v63  }
0x258: {  	s26 =	simm.s32 $0x10980;
	s25 =	sadd.s32 $0x125400, s0  }
0x259: {  	[hbm4b:s25+s23] =	stream.strided.scatter [tilespmem:s26], [sflag:$0x6], $0x800, s24, s23, $0x38;
	[tilespmem:$0x1CA00] =	vst v63  }
0x25a: {  	s31 =	simm.s32 $0x11180;
	s30 =	sadd.s32 $0x187000, s0  }
0x25b: {  	[hbm4b:s30+s23] =	stream.strided.scatter [tilespmem:s31], [sflag:$0x6], $0x800, s24, s23, $0x38;
	[tilespmem:$0x1CA00] =	vst v63  }
0x25c: {  	s9 =	simm.s32 $0x11980;
	s7 =	sadd.s32 $0x1E8C00, s0  }
0x25d: {  	[hbm4b:s7+s23] =	stream.strided.scatter [tilespmem:s9], [sflag:$0x6], $0x800, s24, s23, $0x38;
	[tilespmem:$0x1CA00] =	vst v63  }
0x25e: {  	s13 =	simm.s32 $0x12180;
	s12 =	sadd.s32 $0x24A800, s0  }
0x25f: {  	[hbm4b:s12+s23] =	stream.strided.scatter [tilespmem:s13], [sflag:$0x6], $0x800, s24, s23, $0x38;
	[tilespmem:$0x1CA00] =	vst v63  }
0x260: {  	s15 =	simm.s32 $0x12980;
	s14 =	sadd.s32 $0x2AC400, s0  }
0x261: {  	[hbm4b:s14+s23] =	stream.strided.scatter [tilespmem:s15], [sflag:$0x6], $0x800, s24, s23, $0x38;
	[tilespmem:$0x1CA00] =	vst v63  }
0x262: {  	s16 =	sadd.s32 $0x30E000, s0;
	s18 =	simm.s32 $0x13180  }
0x263: {  	[hbm4b:s16+s23] =	stream.strided.scatter [tilespmem:s18], [sflag:$0x6], $0x800, s24, s23, $0x38;
	[tilespmem:$0x1CA00] =	vst v63  }
0x264: {  	s19 =	sadd.s32 $0x36FC00, s0;
	s20 =	simm.s32 $0x13980  }
0x265: {  	[hbm4b:s19+s23] =	stream.strided.scatter [tilespmem:s20], [sflag:$0x6], $0x800, s24, s23, $0x38;
	[tilespmem:$0x1CA00] =	vst v63  }
0x266: {  	s22 =	sadd.s32 $0x3D1800, s0;
	s25 =	simm.s32 $0x14180  }
0x267: {  	[hbm4b:s22+s23] =	stream.strided.scatter [tilespmem:s25], [sflag:$0x6], $0x800, s24, s23, $0x38;
	[tilespmem:$0x1CA00] =	vst v63  }
.Ltmp8:
0x268: {  	_ = 	snop;
	(pc) =	sbr.rel .LBB2_10-.Ltmp8, $4  }
0x269: {  	s26 =	sadd.s32 $0x433400, s0;
	s30 =	simm.s32 $0x14980  }
0x26a: {  	[hbm4b:s26+s23] =	stream.strided.scatter [tilespmem:s30], [sflag:$0x6], $0x800, s24, s23, $0x38;
	[tilespmem:$0x1CA00] =	vst v63  }
0x26b: {  	s0 =	sadd.s32 $0x495000, s0;
	s31 =	simm.s32 $0x15180  }
0x26c: {  	[hbm4b:s0+s23] =	stream.strided.scatter [tilespmem:s31], [sflag:$0x6], $0x800, s24, s23, $0x38;
	[tilespmem:$0x1CA00] =	vst v63  }
.LBB2_11:
0x26d: {  	s0 =	simm.s32 $0x5  }
0x26e: {  	_ =	swait.ge [sflag:s0], $0x6800  }
.Ltmp9:
0x26f: {  	[sflag:s0] =	ssyncset.done $0x0;
	(pc) =	sbr.rel @p0 .LBB2_21-.Ltmp9, $4  }
0x270: {  	s31 =	simm.s32 $0x6;
	[sflag:s0] =	ssyncadd.s32 $0xFFFF9800  }
0x271: {  	_ =	swait.ge [sflag:s31], $0x6800  }
0x272: {  	[sflag:s31] =	ssyncset.done $0x0  }
0x273: {  	s18 =	simm.s32 $0x7;
	s2 =	rddreg [dreg:$0x12];
	[sflag:s31] =	ssyncadd.s32 $0xFFFF9800  }
0x274: {  	s0 =	rddreg [dreg:$0x8];
	s2 =	simm.s32 $0x15980  }
0x275: {  	[tilespmem:s2], [sflag:$0x7] =	stream.linear.gather [hbm4b:s0+s5], $0x50, $0x38;
	[tilespmem:$0x1CA00] =	vst v63  }
0x276: {  	_ =	swait.ge [sflag:s18], $0x50  }
0x277: {  	[sflag:s18] =	ssyncset.done $0x0  }
0x278: {  	s31 =	simm.s32 $0x15A00;
	s30 =	rddreg [dreg:$0x9];
	[sflag:s18] =	ssyncadd.s32 $0xFFFFFFB0  }
0x279: {  	[tilespmem:s31], [sflag:$0x7] =	stream.strided.gather [hbm4b:s30+s23], $0x800, s24, s23, $0x38;
	[tilespmem:$0x1CA00] =	vst v63  }
0x27a: {  	_ =	swait.ge [sflag:s18], $0x800  }
0x27b: {  	s7 =	simm.s32 $0x0;
	[sflag:s18] =	ssyncset.done $0x0  }
0x27c: {  	s9 =	sand.u32 $0x70, s7;
	[sflag:s18] =	ssyncadd.s32 $0xFFFFF800  }
0x27d: {  	v0 =	vld [tilespmem:s9+$0x15980];
	_ =	sdelay $0x4  }
0x27e: {  	s0 =	sand.u32 $0xE, s7;
	v0 =	vmul.u32 $0x341, v0  }
0x27f: {  	s7 =	sor.u32 $0x1, s0  }
0x280: {  	v10 =	vadd.s32 s7, v0;
	s7 =	sshll.u32 s7, $0x7  }
0x281: {  	s20 =	sor.u32 s9, s7  }
0x282: {  	v1 =	vld [tilespmem:s20+$0x15A00];
	_ =	sdelay $0x1  }
0x283: {  	v9 =	vadd.s32 s0, v0  }
0x284: {  	s0 =	sshll.u32 s0, $0x7;
	v2 =	vld.idx.msk [tilespmem:v10+s5+$0x0], $0xffff  }
0x285: {  	s14 =	sor.u32 s9, s0  }
0x286: {  	v12 =	vadd.f32 $1.000000000e+00, v1;
	v1 =	vld [tilespmem:s14+$0x15A00]  }
0x287: {  	v0 =	vadd.s32 $0x40, v10  }
0x288: {  	v3 =	vld.idx.msk [tilespmem:v9+s5+$0x0], $0xffff  }
0x289: {  	v2 =	vmul.f32 v12, v2;
	_ =	sdelay $0x1  }
0x28a: {  	[tilespmem:s20+$0x16200] =	vst v2;
	v2 =	vadd.s32 $0x40, v9;
	v19 =	vadd.f32 $1.000000000e+00, v1  }
0x28b: {  	v0 =	vld.idx.msk [tilespmem:v0+s5+$0x0], $0xffff  }
0x28c: {  	v1 =	vmul.f32 v19, v3;
	_ =	sdelay $0x1  }
0x28d: {  	s12 =	simm.s32 $0x2;
	v3 =	vadd.s32 $0x80, v10;
	[tilespmem:s14+$0x16200] =	vst v1  }
0x28e: {  	s13 =	sand.u32 $0x70, s12;
	v1 =	vld.idx.msk [tilespmem:v2+s5+$0x0], $0xffff  }
0x28f: {  	v2 =	vld [tilespmem:s13+$0x15980];
	v0 =	vmul.f32 v0, v12;
	_ =	sdelay $0x1  }
0x290: {  	[tilespmem:s20+$0x16A00] =	vst v0  }
0x291: {  	v0 =	vld.idx.msk [tilespmem:v3+s5+$0x0], $0xffff  }
0x292: {  	v3 =	vadd.s32 $0x80, v9  }
0x293: {  	s0 =	sand.u32 $0xE, s12;
	v5 =	vmul.u32 $0x341, v2  }
0x294: {  	v4 =	vadd.s32 $0xC0, v10;
	s15 =	sor.u32 $0x1, s0;
	v1 =	vmul.f32 v1, v19  }
0x295: {  	v2 =	vadd.s32 s15, v5  }
0x296: {  	s7 =	sshll.u32 s15, $0x7;
	[tilespmem:s14+$0x16A00] =	vst v1;
	v0 =	vmul.f32 v0, v12  }
0x297: {  	s7 =	sor.u32 s13, s7;
	v1 =	vld.idx.msk [tilespmem:v3+s5+$0x0], $0xffff  }
0x298: {  	[tilespmem:s20+$0x17200] =	vst v0;
	v0 =	vld [tilespmem:s7+$0x15A00]  }
0x299: {  	v13 =	vadd.s32 s0, v5;
	v3 =	vld.idx.msk [tilespmem:v4+s5+$0x0], $0xffff  }
0x29a: {  	s0 =	sshll.u32 s0, $0x7;
	v4 =	vadd.s32 $0xC0, v9;
	v5 =	vld.idx.msk [tilespmem:v2+s5+$0x0], $0xffff  }
0x29b: {  	s9 =	sor.u32 s13, s0  }
0x29c: {  	v6 =	vadd.s32 $0x100, v10;
	v7 =	vld [tilespmem:s9+$0x15A00];
	v1 =	vmul.f32 v1, v19  }
0x29d: {  	v8 =	vadd.s32 $0x40, v2;
	v0 =	vadd.f32 $1.000000000e+00, v0  }
0x29e: {  	v11 =	vld.idx.msk [tilespmem:v13+s5+$0x0], $0xffff;
	[tilespmem:s14+$0x17200] =	vst v1;
	v3 =	vmul.f32 v3, v12  }
0x29f: {  	v4 =	vld.idx.msk [tilespmem:v4+s5+$0x0], $0xffff;
	v5 =	vmul.f32 v0, v5  }
0x2a0: {  	[tilespmem:s20+$0x17A00] =	vst v3  }
0x2a1: {  	v1 =	vadd.f32 $1.000000000e+00, v7;
	v3 =	vld.idx.msk [tilespmem:v6+s5+$0x0], $0xffff;
	v6 =	vadd.s32 $0x40, v13;
	[tilespmem:s7+$0x16200] =	vst v5  }
0x2a2: {  	v5 =	vadd.s32 $0x100, v9;
	v7 =	vld.idx.msk [tilespmem:v8+s5+$0x0], $0xffff  }
0x2a3: {  	v8 =	vmul.f32 v1, v11  }
0x2a4: {  	v11 =	vadd.s32 $0x140, v10;
	v4 =	vmul.f32 v4, v19  }
0x2a5: {  	[tilespmem:s9+$0x16200] =	vst v8;
	v8 =	vadd.s32 $0x80, v2  }
0x2a6: {  	s16 =	simm.s32 $0x4;
	[tilespmem:s14+$0x17A00] =	vst v4;
	v3 =	vmul.f32 v3, v12;
	v6 =	vld.idx.msk [tilespmem:v6+s5+$0x0], $0xffff  }
0x2a7: {  	s17 =	sand.u32 $0x70, s16;
	v4 =	vld.idx.msk [tilespmem:v5+s5+$0x0], $0xffff;
	v5 =	vmul.f32 v7, v0  }
0x2a8: {  	v7 =	vld [tilespmem:s17+$0x15980];
	[tilespmem:s20+$0x18200] =	vst v3  }
0x2a9: {  	v3 =	vld.idx.msk [tilespmem:v11+s5+$0x0], $0xffff;
	[tilespmem:s7+$0x16A00] =	vst v5  }
0x2aa: {  	v5 =	vadd.s32 $0x80, v13;
	v8 =	vld.idx.msk [tilespmem:v8+s5+$0x0], $0xffff  }
0x2ab: {  	v11 =	vadd.s32 $0x140, v9  }
0x2ac: {  	v14 =	vadd.s32 $0x180, v10;
	v6 =	vmul.f32 v6, v1  }
0x2ad: {  	v16 =	vadd.s32 $0xC0, v2;
	v4 =	vmul.f32 v4, v19  }
0x2ae: {  	s0 =	sand.u32 $0xE, s16;
	[tilespmem:s9+$0x16A00] =	vst v6;
	v6 =	vmul.u32 $0x341, v7;
	v3 =	vmul.f32 v3, v12  }
0x2af: {  	s12 =	sor.u32 $0x1, s0;
	[tilespmem:s14+$0x18200] =	vst v4;
	v7 =	vld.idx.msk [tilespmem:v5+s5+$0x0], $0xffff;
	v4 =	vmul.f32 v8, v0  }
0x2b0: {  	v8 =	vld.idx.msk [tilespmem:v11+s5+$0x0], $0xffff;
	v5 =	vadd.s32 s12, v6;
	[tilespmem:s20+$0x18A00] =	vst v3  }
0x2b1: {  	v15 =	vadd.s32 s0, v6;
	s12 =	sshll.u32 s12, $0x7;
	v3 =	vld.idx.msk [tilespmem:v14+s5+$0x0], $0xffff;
	[tilespmem:s7+$0x17200] =	vst v4  }
0x2b2: {  	s0 =	sshll.u32 s0, $0x7;
	s16 =	sor.u32 s17, s12;
	v4 =	vadd.s32 $0xC0, v13;
	v6 =	vld.idx.msk [tilespmem:v16+s5+$0x0], $0xffff  }
0x2b3: {  	v11 =	vadd.s32 $0x180, v9;
	s17 =	sor.u32 s17, s0;
	v14 =	vld [tilespmem:s16+$0x15A00]  }
0x2b4: {  	v17 =	vadd.s32 $0x1C0, v10;
	v16 =	vld [tilespmem:s17+$0x15A00];
	v7 =	vmul.f32 v7, v1  }
0x2b5: {  	v20 =	vadd.s32 $0x100, v2;
	v8 =	vmul.f32 v8, v19;
	v18 =	vld.idx.msk [tilespmem:v5+s5+$0x0], $0xffff  }
0x2b6: {  	[tilespmem:s9+$0x17200] =	vst v7;
	v7 =	vld.idx.msk [tilespmem:v15+s5+$0x0], $0xffff;
	v21 =	vmul.f32 v3, v12  }
0x2b7: {  	[tilespmem:s14+$0x18A00] =	vst v8;
	v8 =	vld.idx.msk [tilespmem:v4+s5+$0x0], $0xffff;
	v6 =	vmul.f32 v6, v0  }
0x2b8: {  	v3 =	vadd.f32 $1.000000000e+00, v14;
	v14 =	vadd.s32 $0x40, v5;
	v11 =	vld.idx.msk [tilespmem:v11+s5+$0x0], $0xffff;
	[tilespmem:s20+$0x19200] =	vst v21  }
0x2b9: {  	v4 =	vadd.f32 $1.000000000e+00, v16;
	v21 =	vadd.s32 $0x40, v15;
	v16 =	vld.idx.msk [tilespmem:v17+s5+$0x0], $0xffff;
	[tilespmem:s7+$0x17A00] =	vst v6  }
0x2ba: {  	v6 =	vadd.s32 $0x100, v13;
	v17 =	vmul.f32 v3, v18;
	v18 =	vld.idx.msk [tilespmem:v20+s5+$0x0], $0xffff  }
0x2bb: {  	v20 =	vadd.s32 $0x1C0, v9;
	v7 =	vmul.f32 v4, v7  }
0x2bc: {  	[tilespmem:s16+$0x16200] =	vst v17;
	v8 =	vmul.f32 v8, v1;
	v17 =	vadd.s32 $0x200, v10  }
0x2bd: {  	[tilespmem:s17+$0x16200] =	vst v7;
	v7 =	vld.idx.msk [tilespmem:v14+s5+$0x0], $0xffff;
	v11 =	vmul.f32 v11, v19  }
0x2be: {  	v14 =	vadd.s32 $0x140, v2;
	v21 =	vld.idx.msk [tilespmem:v21+s5+$0x0], $0xffff;
	[tilespmem:s9+$0x17A00] =	vst v8;
	v8 =	vmul.f32 v16, v12  }
0x2bf: {  	v6 =	vld.idx.msk [tilespmem:v6+s5+$0x0], $0xffff;
	[tilespmem:s14+$0x19200] =	vst v11;
	v11 =	vmul.f32 v18, v0  }
0x2c0: {  	s18 =	simm.s32 $0x6;
	v16 =	vld.idx.msk [tilespmem:v20+s5+$0x0], $0xffff;
	[tilespmem:s20+$0x19A00] =	vst v8;
	v8 =	vadd.s32 $0x80, v5  }
0x2c1: {  	s19 =	sand.u32 $0x70, s18;
	v17 =	vld.idx.msk [tilespmem:v17+s5+$0x0], $0xffff;
	[tilespmem:s7+$0x18200] =	vst v11;
	v11 =	vadd.s32 $0x80, v15  }
0x2c2: {  	v18 =	vadd.s32 $0x140, v13;
	v20 =	vld [tilespmem:s19+$0x15980];
	v7 =	vmul.f32 v7, v3  }
0x2c3: {  	v22 =	vadd.s32 $0x200, v9;
	v14 =	vld.idx.msk [tilespmem:v14+s5+$0x0], $0xffff;
	v21 =	vmul.f32 v21, v4  }
0x2c4: {  	[tilespmem:s16+$0x16A00] =	vst v7;
	v6 =	vmul.f32 v6, v1;
	v7 =	vadd.s32 $0x240, v10  }
0x2c5: {  	[tilespmem:s17+$0x16A00] =	vst v21;
	v16 =	vmul.f32 v16, v19;
	v8 =	vld.idx.msk [tilespmem:v8+s5+$0x0], $0xffff  }
0x2c6: {  	s0 =	sand.u32 $0xE, s18;
	v21 =	vadd.s32 $0x180, v2;
	[tilespmem:s9+$0x18200] =	vst v6;
	v11 =	vld.idx.msk [tilespmem:v11+s5+$0x0], $0xffff;
	v6 =	vmul.f32 v17, v12  }
0x2c7: {  	s22 =	sor.u32 $0x1, s0;
	v17 =	vld.idx.msk [tilespmem:v18+s5+$0x0], $0xffff;
	[tilespmem:s14+$0x19A00] =	vst v16;
	v16 =	vmul.u32 $0x341, v20  }
0x2c8: {  	s25 =	sshll.u32 s22, $0x7;
	v18 =	vadd.s32 $0xC0, v5;
	v14 =	vmul.f32 v14, v0;
	v22 =	vld.idx.msk [tilespmem:v22+s5+$0x0], $0xffff;
	[tilespmem:s20+$0x1A200] =	vst v6  }
0x2c9: {  	s13 =	sshll.u32 s0, $0x7;
	v20 =	vadd.s32 s0, v16;
	s0 =	sor.u32 s19, s25;
	v6 =	vld.idx.msk [tilespmem:v7+s5+$0x0], $0xffff  }
0x2ca: {  	v7 =	vadd.s32 s22, v16;
	[tilespmem:s7+$0x18A00] =	vst v14;
	v23 =	vld [tilespmem:s0+$0x15A00];
	v8 =	vmul.f32 v8, v3  }
0x2cb: {  	s18 =	sor.u32 s19, s13;
	v16 =	vadd.s32 $0xC0, v15;
	v14 =	vld.idx.msk [tilespmem:v21+s5+$0x0], $0xffff  }
0x2cc: {  	v24 =	vadd.s32 $0x180, v13;
	v21 =	vld [tilespmem:s18+$0x15A00];
	v11 =	vmul.f32 v11, v4;
	[tilespmem:s16+$0x17200] =	vst v8  }
0x2cd: {  	v8 =	vadd.s32 $0x280, v10;
	v18 =	vld.idx.msk [tilespmem:v18+s5+$0x0], $0xffff  }
0x2ce: {  	[tilespmem:s17+$0x17200] =	vst v11;
	v11 =	vmul.f32 v17, v1;
	v17 =	vld.idx.msk [tilespmem:v20+s5+$0x0], $0xffff  }
0x2cf: {  	v26 =	vadd.s32 $0x1C0, v2;
	s12 =	simm.s32 $0x8;
	v25 =	vld.idx.msk [tilespmem:v7+s5+$0x0], $0xffff;
	v6 =	vmul.f32 v6, v12  }
0x2d0: {  	v27 =	vadd.s32 $0x240, v9;
	s30 =	sand.u32 $0xE, s12;
	v22 =	vmul.f32 v22, v19;
	v16 =	vld.idx.msk [tilespmem:v16+s5+$0x0], $0xffff;
	[tilespmem:s9+$0x18A00] =	vst v11  }
0x2d1: {  	v28 =	vadd.s32 $0x100, v5;
	s26 =	sand.u32 $0x70, s12;
	s19 =	sshll.u32 s30, $0x7;
	v14 =	vmul.f32 v14, v0;
	[tilespmem:s20+$0x1AA00] =	vst v6;
	v6 =	vadd.f32 $1.000000000e+00, v21;
	v21 =	vld.idx.msk [tilespmem:v24+s5+$0x0], $0xffff  }
0x2d2: {  	s19 =	sor.u32 s26, s19;
	[tilespmem:s14+$0x1A200] =	vst v22;
	v11 =	vld.idx.msk [tilespmem:v8+s5+$0x0], $0xffff;
	v8 =	vadd.f32 $1.000000000e+00, v23;
	v23 =	vadd.s32 $0x40, v7;
	v18 =	vmul.f32 v18, v3  }
0x2d3: {  	v36 =	vld [tilespmem:s19+$0x15A00];
	[tilespmem:s7+$0x19200] =	vst v14;
	v14 =	vadd.s32 $0x100, v15;
	v17 =	vmul.f32 v6, v17  }
0x2d4: {  	v29 =	vadd.s32 $0x40, v20;
	v22 =	vld.idx.msk [tilespmem:v26+s5+$0x0], $0xffff;
	v24 =	vmul.f32 v8, v25;
	[tilespmem:s16+$0x17A00] =	vst v18  }
0x2d5: {  	v26 =	vadd.s32 $0x1C0, v13;
	v16 =	vmul.f32 v16, v4;
	v18 =	vld.idx.msk [tilespmem:v27+s5+$0x0], $0xffff;
	[tilespmem:s18+$0x16200] =	vst v17  }
0x2d6: {  	v25 =	vadd.s32 $0x2C0, v10;
	v27 =	vld.idx.msk [tilespmem:v28+s5+$0x0], $0xffff;
	[tilespmem:s0+$0x16200] =	vst v24  }
0x2d7: {  	[tilespmem:s17+$0x17A00] =	vst v16;
	v16 =	vmul.f32 v21, v1;
	v17 =	vld.idx.msk [tilespmem:v23+s5+$0x0], $0xffff;
	v23 =	vadd.s32 $0x200, v2  }
0x2d8: {  	v24 =	vadd.s32 $0x280, v9;
	v11 =	vmul.f32 v11, v12;
	v14 =	vld.idx.msk [tilespmem:v14+s5+$0x0], $0xffff  }
0x2d9: {  	v28 =	vld.idx.msk [tilespmem:v29+s5+$0x0], $0xffff;
	v22 =	vmul.f32 v22, v0;
	[tilespmem:s9+$0x19200] =	vst v16  }
0x2da: {  	v21 =	vadd.s32 $0x140, v5;
	[tilespmem:s20+$0x1B200] =	vst v11;
	v26 =	vld.idx.msk [tilespmem:v26+s5+$0x0], $0xffff;
	v11 =	vmul.f32 v18, v19  }
0x2db: {  	v16 =	vld.idx.msk [tilespmem:v25+s5+$0x0], $0xffff;
	v18 =	vadd.s32 $0x80, v7;
	[tilespmem:s7+$0x19A00] =	vst v22;
	v25 =	vmul.f32 v27, v3  }
0x2dc: {  	v22 =	vadd.s32 $0x80, v20;
	v23 =	vld.idx.msk [tilespmem:v23+s5+$0x0], $0xffff;
	[tilespmem:s14+$0x1AA00] =	vst v11;
	v17 =	vmul.f32 v17, v8  }
0x2dd: {  	v11 =	vadd.s32 $0x140, v15;
	v14 =	vmul.f32 v14, v4;
	[tilespmem:s16+$0x18200] =	vst v25;
	v24 =	vld.idx.msk [tilespmem:v24+s5+$0x0], $0xffff  }
0x2de: {  	v27 =	vadd.s32 $0x200, v13;
	v25 =	vmul.f32 v28, v6;
	v28 =	vld [tilespmem:s26+$0x15980];
	[tilespmem:s0+$0x16A00] =	vst v17  }
0x2df: {  	v10 =	vadd.s32 $0x300, v10;
	v21 =	vld.idx.msk [tilespmem:v21+s5+$0x0], $0xffff;
	[tilespmem:s17+$0x18200] =	vst v14  }
0x2e0: {  	v32 =	vadd.s32 $0x300, v9;
	v14 =	vmul.f32 v26, v1;
	[tilespmem:s18+$0x16A00] =	vst v25;
	v17 =	vld.idx.msk [tilespmem:v18+s5+$0x0], $0xffff;
	v18 =	vadd.s32 $0x240, v2  }
0x2e1: {  	v33 =	vadd.s32 $0x240, v13;
	v16 =	vmul.f32 v16, v12;
	v25 =	vadd.s32 $0x2C0, v9;
	v22 =	vld.idx.msk [tilespmem:v22+s5+$0x0], $0xffff  }
0x2e2: {  	v38 =	vadd.s32 $0x280, v2;
	v29 =	vadd.s32 $0x180, v5;
	[tilespmem:s9+$0x19A00] =	vst v14;
	v26 =	vld.idx.msk [tilespmem:v11+s5+$0x0], $0xffff;
	v11 =	vmul.f32 v23, v0  }
0x2e3: {  	v41 =	vadd.s32 $0x1C0, v15;
	v14 =	vadd.s32 $0xC0, v7;
	[tilespmem:s20+$0x1BA00] =	vst v16;
	v27 =	vld.idx.msk [tilespmem:v27+s5+$0x0], $0xffff;
	v9 =	vmul.f32 v24, v19  }
0x2e4: {  	v35 =	vadd.s32 $0xC0, v20;
	v24 =	vld.idx.msk [tilespmem:v10+s5+$0x0], $0xffff;
	v10 =	vmul.u32 $0x341, v28;
	v21 =	vmul.f32 v21, v3;
	[tilespmem:s7+$0x1A200] =	vst v11  }
0x2e5: {  	s15 =	sor.u32 $0x1, s30;
	v16 =	vadd.s32 $0x280, v13;
	v23 =	vadd.s32 $0x200, v15;
	v18 =	vld.idx.msk [tilespmem:v18+s5+$0x0], $0xffff;
	[tilespmem:s14+$0x1B200] =	vst v9;
	v17 =	vmul.f32 v17, v8  }
0x2e6: {  	v11 =	vadd.s32 $0x2C0, v13;
	v9 =	vadd.s32 $0x300, v13;
	v13 =	vadd.s32 s15, v10;
	[tilespmem:s16+$0x18A00] =	vst v21;
	v34 =	vld.idx.msk [tilespmem:v25+s5+$0x0], $0xffff  }
0x2e7: {  	s31 =	sshll.u32 s15, $0x7;
	v42 =	vadd.s32 s30, v10;
	v10 =	vadd.s32 $0x300, v15;
	v22 =	vmul.f32 v22, v6;
	v29 =	vld.idx.msk [tilespmem:v29+s5+$0x0], $0xffff;
	[tilespmem:s0+$0x17200] =	vst v17  }
0x2e8: {  	s2 =	sor.u32 s26, s31;
	v25 =	vadd.s32 $0x180, v15;
	v21 =	vadd.s32 $0x240, v15;
	v43 =	vmul.f32 v26, v4;
	v37 =	vld.idx.msk [tilespmem:v14+s5+$0x0], $0xffff  }
0x2e9: {  	v17 =	vadd.s32 $0x280, v15;
	v14 =	vadd.s32 $0x2C0, v15;
	v12 =	vmul.f32 v24, v12;
	v15 =	vld [tilespmem:s2+$0x15A00];
	[tilespmem:s18+$0x17200] =	vst v22  }
0x2ea: {  	v62 =	vadd.s32 $0x2C0, v2;
	v39 =	vadd.s32 $0x100, v20;
	v35 =	vld.idx.msk [tilespmem:v35+s5+$0x0], $0xffff;
	[tilespmem:s17+$0x18A00] =	vst v43;
	v18 =	vmul.f32 v18, v0  }
0x2eb: {  	v31 =	vadd.s32 $0x140, v20;
	v22 =	vadd.s32 $0x1C0, v5;
	v40 =	vld.idx.msk [tilespmem:v13+s5+$0x0], $0xffff;
	[tilespmem:s20+$0x1C200] =	vst v12;
	v34 =	vmul.f32 v34, v19  }
0x2ec: {  	v30 =	vadd.s32 $0x180, v20;
	v45 =	vadd.s32 $0x100, v7;
	v44 =	vld.idx.msk [tilespmem:v42+s5+$0x0], $0xffff;
	v29 =	vmul.f32 v29, v3;
	[tilespmem:s7+$0x1AA00] =	vst v18  }
0x2ed: {  	v28 =	vadd.s32 $0x1C0, v20;
	v59 =	vadd.s32 $0x40, v13;
	v60 =	vld.idx.msk [tilespmem:v25+s5+$0x0], $0xffff;
	v18 =	vmul.f32 v27, v1;
	[tilespmem:s14+$0x1BA00] =	vst v34  }
0x2ee: {  	v26 =	vadd.s32 $0x200, v20;
	v27 =	vld.idx.msk [tilespmem:v38+s5+$0x0], $0xffff;
	v12 =	vadd.f32 $1.000000000e+00, v15;
	v15 =	vmul.f32 v37, v8;
	[tilespmem:s16+$0x19200] =	vst v29  }
0x2ef: {  	v24 =	vadd.s32 $0x240, v20;
	v25 =	vadd.f32 $1.000000000e+00, v36;
	[tilespmem:s9+$0x1A200] =	vst v18;
	v63 =	vmul.f32 v35, v6;
	v50 =	vld.idx.msk [tilespmem:v32+s5+$0x0], $0xffff  }
0x2f0: {  	v29 =	vadd.s32 $0x40, v42;
	v18 =	vadd.s32 $0x2C0, v20;
	v61 =	vld.idx.msk [tilespmem:v22+s5+$0x0], $0xffff;
	v46 =	vmul.f32 v12, v40;
	[tilespmem:s0+$0x17A00] =	vst v15  }
0x2f1: {  	v22 =	vadd.s32 $0x280, v20;
	v48 =	vld.idx.msk [tilespmem:v33+s5+$0x0], $0xffff;
	v15 =	vadd.s32 $0x300, v20;
	v20 =	vmul.f32 v25, v44;
	[tilespmem:s18+$0x17A00] =	vst v63  }
0x2f2: {  	v51 =	vadd.s32 $0x200, v5;
	v36 =	vadd.s32 $0xC0, v42;
	v49 =	vld.idx.msk [tilespmem:v45+s5+$0x0], $0xffff;
	[tilespmem:s2+$0x16200] =	vst v46  }
0x2f3: {  	v38 =	vadd.s32 $0x140, v42;
	v34 =	vadd.s32 $0x200, v42;
	[tilespmem:s19+$0x16200] =	vst v20;
	v44 =	vld.idx.msk [tilespmem:v39+s5+$0x0], $0xffff;
	v20 =	vmul.f32 v27, v0  }
0x2f4: {  	v37 =	vadd.s32 $0x280, v42;
	v35 =	vadd.s32 $0x100, v42;
	v46 =	vld.idx.msk [tilespmem:v59+s5+$0x0], $0xffff;
	v27 =	vmul.f32 v60, v4  }
0x2f5: {  	v32 =	vadd.s32 $0x1C0, v42;
	v45 =	vadd.s32 $0x140, v7;
	v47 =	vld.idx.msk [tilespmem:v29+s5+$0x0], $0xffff;
	v52 =	vmul.f32 v61, v3;
	[tilespmem:s7+$0x1B200] =	vst v20  }
0x2f6: {  	v40 =	vadd.s32 $0x80, v42;
	v33 =	vadd.s32 $0x180, v42;
	[tilespmem:s17+$0x19200] =	vst v27;
	v53 =	vmul.f32 v48, v1;
	v39 =	vld.idx.msk [tilespmem:v62+s5+$0x0], $0xffff  }
0x2f7: {  	v29 =	vadd.s32 $0x240, v42;
	v48 =	vadd.s32 $0x80, v13;
	v43 =	vld.idx.msk [tilespmem:v41+s5+$0x0], $0xffff;
	v49 =	vmul.f32 v49, v8;
	[tilespmem:s16+$0x19A00] =	vst v52  }
0x2f8: {  	v27 =	vadd.s32 $0x2C0, v42;
	v20 =	vadd.s32 $0x300, v42;
	v41 =	vmul.f32 v50, v19;
	[tilespmem:s9+$0x1AA00] =	vst v53;
	v42 =	vld.idx.msk [tilespmem:v51+s5+$0x0], $0xffff  }
.LBB2_13:
0x2f9: {  	s12 =	sadd.s32 $0x2, s12;
	v50 =	vmul.f32 v46, v12;
	[tilespmem:s0+$0x18200] =	vst v49;
	v46 =	vld.idx.msk [tilespmem:v16+s5+$0x0], $0xffff;
	v16 =	vmovc v17;
	v17 =	vmov v22;
	v22 =	vmov v37  }
0x2fa: {  	v37 =	vmul.f32 v47, v25;
	v47 =	vadd.s32 $0x300, v2;
	v2 =	vmovc v5;
	v5 =	vmov v7;
	s20 =	sand.u32 $0x70, s12;
	p1 =	slt.u32 s12, $0x4E;
	v45 =	vld.idx.msk [tilespmem:v45+s5+$0x0], $0xffff;
	[tilespmem:s14+$0x1C200] =	vst v41;
	s14 =	smov.u32 s9  }
0x2fb: {  	v7 =	vmov v13;
	v19 =	vmov v25;
	v44 =	vmul.f32 v44, v6;
	s9 =	smov.u32 s17;
	s17 =	smov.u32 s18;
	s18 =	smov.u32 s19;
	v41 =	vld [tilespmem:s20+$0x15980];
	[tilespmem:s2+$0x16A00] =	vst v50  }
0x2fc: {  	v13 =	vadd.s32 $0x240, v2;
	[tilespmem:s18+$0x16A00] =	vst v37;
	v25 =	vld.idx.msk [tilespmem:v48+s5+$0x0], $0xffff;
	v37 =	vmul.f32 v39, v0  }
0x2fd: {  	v39 =	vld.idx.msk [tilespmem:v40+s5+$0x0], $0xffff;
	[tilespmem:s17+$0x18200] =	vst v44;
	v40 =	vmul.f32 v43, v4  }
0x2fe: {  	v44 =	vadd.s32 $0x180, v5;
	v42 =	vmul.f32 v42, v3;
	v43 =	vld.idx.msk [tilespmem:v31+s5+$0x0], $0xffff;
	[tilespmem:s7+$0x1BA00] =	vst v37;
	v31 =	vmov v38  }
0x2ff: {  	v37 =	vmul.f32 v46, v1;
	[tilespmem:s9+$0x19A00] =	vst v40;
	v46 =	vld.idx.msk [tilespmem:v47+s5+$0x0], $0xffff  }
0x300: {  	s13 =	sand.u32 $0xE, s12;
	v40 =	vmul.f32 v45, v8;
	v38 =	vmul.u32 $0x341, v41;
	v41 =	vadd.s32 $0xC0, v7;
	v45 =	vld.idx.msk [tilespmem:v23+s5+$0x0], $0xffff;
	[tilespmem:s16+$0x1A200] =	vst v42;
	v23 =	vmovc v26  }
0x301: {  	s15 =	sshll.u32 s13, $0x7;
	s22 =	sor.u32 $0x1, s13;
	v26 =	vmov v34;
	v42 =	vld.idx.msk [tilespmem:v13+s5+$0x0], $0xffff;
	[tilespmem:s14+$0x1B200] =	vst v37  }
0x302: {  	s19 =	sor.u32 s20, s15;
	v25 =	vmul.f32 v25, v12;
	v47 =	vadd.s32 s13, v38;
	v13 =	vadd.s32 s22, v38;
	[tilespmem:s0+$0x18A00] =	vst v40;
	v48 =	vld.idx.msk [tilespmem:v11+s5+$0x0], $0xffff;
	v11 =	vmovc v14  }
0x303: {  	v34 =	vmul.f32 v39, v19;
	v14 =	vmovc v18;
	v18 =	vmovc v27;
	v49 =	vadd.s32 $0x40, v47;
	v40 =	vadd.s32 $0x80, v47;
	v39 =	vld.idx.msk [tilespmem:v44+s5+$0x0], $0xffff  }
0x304: {  	s13 =	sshll.u32 s22, $0x7;
	v50 =	vadd.s32 $0xC0, v47;
	v51 =	vadd.s32 $0x100, v47;
	v38 =	vadd.s32 $0x140, v47;
	v44 =	vld [tilespmem:s19+$0x15A00];
	[tilespmem:s2+$0x17200] =	vst v25  }
0x305: {  	s13 =	sor.u32 s20, s13;
	v25 =	vmul.f32 v43, v6;
	v43 =	vadd.s32 $0x280, v2;
	v27 =	vmul.f32 v46, v0;
	[tilespmem:s18+$0x17200] =	vst v34;
	v41 =	vld.idx.msk [tilespmem:v41+s5+$0x0], $0xffff  }
0x306: {  	v52 =	vadd.s32 $0x1C0, v47;
	v46 =	vadd.s32 $0x180, v47;
	v0 =	vmovc v3;
	v3 =	vmovc v8;
	v34 =	vadd.s32 $0x200, v47;
	v53 =	vld [tilespmem:s13+$0x15A00]  }
0x307: {  	v55 =	vadd.s32 $0x1C0, v5;
	v45 =	vmul.f32 v45, v4;
	v42 =	vmul.f32 v42, v0;
	v54 =	vld.idx.msk [tilespmem:v13+s5+$0x0], $0xffff;
	[tilespmem:s7+$0x1C200] =	vst v27;
	s7 =	smov.u32 s16;
	s16 =	smov.u32 s0;
	s0 =	smov.u32 s2  }
0x308: {  	v57 =	vadd.s32 $0x240, v47;
	v37 =	vadd.s32 $0x280, v47;
	v8 =	vmovc v12;
	v27 =	vadd.s32 $0x2C0, v47;
	s2 =	smov.u32 s13;
	v56 =	vld.idx.msk [tilespmem:v47+s5+$0x0], $0xffff;
	[tilespmem:s17+$0x18A00] =	vst v25  }
0x309: {  	v58 =	vadd.s32 $0x100, v7;
	v39 =	vmul.f32 v39, v3;
	v25 =	vadd.f32 $1.000000000e+00, v44;
	v44 =	vld.idx.msk [tilespmem:v36+s5+$0x0], $0xffff;
	[tilespmem:s7+$0x1AA00] =	vst v42;
	v36 =	vmovc v50  }
0x30a: {  	v42 =	vadd.s32 $0x300, v47;
	[tilespmem:s9+$0x1A200] =	vst v45;
	v43 =	vld.idx.msk [tilespmem:v43+s5+$0x0], $0xffff;
	v45 =	vmul.f32 v48, v1  }
0x30b: {  	v47 =	vadd.s32 $0x40, v13;
	v41 =	vmul.f32 v41, v8;
	v12 =	vadd.f32 $1.000000000e+00, v53;
	v48 =	vld.idx.msk [tilespmem:v30+s5+$0x0], $0xffff;
	[tilespmem:s16+$0x19200] =	vst v39;
	v30 =	vmovc v33  }
0x30c: {  	v33 =	vmov v46;
	v39 =	vld.idx.msk [tilespmem:v55+s5+$0x0], $0xffff;
	[tilespmem:s14+$0x1BA00] =	vst v45  }
0x30d: {  	v45 =	vmul.f32 v12, v54;
	[tilespmem:s0+$0x17A00] =	vst v41;
	v41 =	vld.idx.msk [tilespmem:v21+s5+$0x0], $0xffff;
	v21 =	vmovc v24;
	v24 =	vmov v29;
	v29 =	vmov v57  }
0x30e: {  	v53 =	vadd.s32 $0x2C0, v2;
	v46 =	vmul.f32 v25, v56;
	v50 =	vld.idx.msk [tilespmem:v58+s5+$0x0], $0xffff  }
0x30f: {  	v44 =	vmul.f32 v44, v19;
	[tilespmem:s2+$0x16200] =	vst v45;
	v54 =	vld.idx.msk [tilespmem:v9+s5+$0x0], $0xffff;
	v9 =	vmovc v10;
	v10 =	vmov v15;
	v15 =	vmov v20  }
0x310: {  	v55 =	vadd.s32 $0x200, v5;
	v43 =	vmul.f32 v43, v0;
	v20 =	vmov v42;
	[tilespmem:s19+$0x16200] =	vst v46;
	v46 =	vld.idx.msk [tilespmem:v47+s5+$0x0], $0xffff  }
.Ltmp10:
0x311: {  	v42 =	vmul.f32 v48, v6;
	v47 =	vld.idx.msk [tilespmem:v49+s5+$0x0], $0xffff;
	[tilespmem:s18+$0x17A00] =	vst v44;
	(pc) =	sbr.rel @p1 .LBB2_13-.Ltmp10, $4  }
0x312: {  	v45 =	vadd.s32 $0x140, v7;
	v56 =	vmul.f32 v39, v3;
	v44 =	vld.idx.msk [tilespmem:v35+s5+$0x0], $0xffff;
	[tilespmem:s7+$0x1B200] =	vst v43;
	v35 =	vmov v51  }
0x313: {  	v41 =	vmul.f32 v41, v4;
	[tilespmem:s17+$0x19200] =	vst v42;
	v39 =	vld.idx.msk [tilespmem:v53+s5+$0x0], $0xffff  }
0x314: {  	v48 =	vadd.s32 $0x80, v13;
	v49 =	vmul.f32 v50, v8;
	v43 =	vld.idx.msk [tilespmem:v28+s5+$0x0], $0xffff;
	[tilespmem:s16+$0x19A00] =	vst v56;
	v28 =	vmovc v32;
	v32 =	vmov v52  }
0x315: {  	v42 =	vld.idx.msk [tilespmem:v55+s5+$0x0], $0xffff;
	[tilespmem:s9+$0x1AA00] =	vst v41;
	v41 =	vmul.f32 v54, v1;
	v1 =	vmovc v4;
	v4 =	vmov v6;
	v6 =	vmov v19  }
0x316: {  	_ = 	snop  }
0x317: {  	v19 =	vmul.f32 v46, v12  }
0x318: {  	v56 =	vmul.f32 v47, v25  }
0x319: {  	[tilespmem:s2+$0x16A00] =	vst v19  }
0x31a: {  	[tilespmem:s19+$0x16A00] =	vst v56;
	v19 =	vld.idx.msk [tilespmem:v48+s5+$0x0], $0xffff  }
0x31b: {  	v40 =	vld.idx.msk [tilespmem:v40+s5+$0x0], $0xffff;
	_ =	sdelay $0x1  }
0x31c: {  	v57 =	vadd.s32 $0xC0, v13;
	_ =	sdelay $0x1  }
0x31d: {  	v19 =	vmul.f32 v19, v12  }
0x31e: {  	v40 =	vmul.f32 v40, v25  }
0x31f: {  	[tilespmem:s2+$0x17200] =	vst v19  }
0x320: {  	[tilespmem:s19+$0x17200] =	vst v40;
	v19 =	vld.idx.msk [tilespmem:v57+s5+$0x0], $0xffff  }
0x321: {  	v36 =	vld.idx.msk [tilespmem:v36+s5+$0x0], $0xffff;
	_ =	sdelay $0x1  }
0x322: {  	v58 =	vadd.s32 $0x100, v13;
	_ =	sdelay $0x1  }
0x323: {  	v19 =	vmul.f32 v19, v12  }
0x324: {  	v36 =	vmul.f32 v36, v25  }
0x325: {  	[tilespmem:s2+$0x17A00] =	vst v19  }
0x326: {  	[tilespmem:s19+$0x17A00] =	vst v36;
	v19 =	vld.idx.msk [tilespmem:v58+s5+$0x0], $0xffff  }
0x327: {  	v35 =	vld.idx.msk [tilespmem:v35+s5+$0x0], $0xffff;
	_ =	sdelay $0x1  }
0x328: {  	v59 =	vadd.s32 $0x140, v13  }
0x329: {  	v60 =	vmul.f32 v44, v6  }
0x32a: {  	[tilespmem:s0+$0x18200] =	vst v49;
	v19 =	vmul.f32 v19, v12  }
0x32b: {  	v61 =	vld.idx.msk [tilespmem:v45+s5+$0x0], $0xffff;
	[tilespmem:s18+$0x18200] =	vst v60;
	v35 =	vmul.f32 v35, v25  }
0x32c: {  	v31 =	vld.idx.msk [tilespmem:v31+s5+$0x0], $0xffff;
	[tilespmem:s2+$0x18200] =	vst v19  }
0x32d: {  	[tilespmem:s19+$0x18200] =	vst v35;
	v19 =	vld.idx.msk [tilespmem:v59+s5+$0x0], $0xffff  }
0x32e: {  	v62 =	vadd.s32 $0x180, v7;
	v63 =	vld.idx.msk [tilespmem:v38+s5+$0x0], $0xffff;
	_ =	sdelay $0x1  }
0x32f: {  	v46 =	vadd.s32 $0x180, v13;
	v45 =	vmul.f32 v61, v8  }
0x330: {  	v31 =	vmul.f32 v31, v6  }
0x331: {  	[tilespmem:s0+$0x18A00] =	vst v45;
	v19 =	vmul.f32 v19, v12  }
0x332: {  	[tilespmem:s18+$0x18A00] =	vst v31;
	v35 =	vld.idx.msk [tilespmem:v62+s5+$0x0], $0xffff;
	v31 =	vmul.f32 v63, v25  }
0x333: {  	v30 =	vld.idx.msk [tilespmem:v30+s5+$0x0], $0xffff;
	[tilespmem:s2+$0x18A00] =	vst v19  }
0x334: {  	[tilespmem:s19+$0x18A00] =	vst v31;
	v19 =	vld.idx.msk [tilespmem:v46+s5+$0x0], $0xffff  }
0x335: {  	v31 =	vadd.s32 $0x1C0, v7;
	v33 =	vld.idx.msk [tilespmem:v33+s5+$0x0], $0xffff;
	_ =	sdelay $0x1  }
0x336: {  	v47 =	vadd.s32 $0x1C0, v13;
	v35 =	vmul.f32 v35, v8  }
0x337: {  	v30 =	vmul.f32 v30, v6  }
0x338: {  	[tilespmem:s0+$0x19200] =	vst v35;
	v19 =	vmul.f32 v19, v12  }
0x339: {  	[tilespmem:s18+$0x19200] =	vst v30;
	v31 =	vld.idx.msk [tilespmem:v31+s5+$0x0], $0xffff;
	v30 =	vmul.f32 v33, v25  }
0x33a: {  	v28 =	vld.idx.msk [tilespmem:v28+s5+$0x0], $0xffff;
	[tilespmem:s2+$0x19200] =	vst v19  }
0x33b: {  	[tilespmem:s19+$0x19200] =	vst v30;
	v19 =	vld.idx.msk [tilespmem:v47+s5+$0x0], $0xffff  }
0x33c: {  	v30 =	vadd.s32 $0x200, v7;
	v32 =	vld.idx.msk [tilespmem:v32+s5+$0x0], $0xffff  }
0x33d: {  	v48 =	vmul.f32 v43, v4  }
0x33e: {  	v49 =	vadd.s32 $0x200, v13;
	v31 =	vmul.f32 v31, v8  }
0x33f: {  	[tilespmem:s17+$0x19A00] =	vst v48;
	v28 =	vmul.f32 v28, v6  }
0x340: {  	v23 =	vld.idx.msk [tilespmem:v23+s5+$0x0], $0xffff;
	[tilespmem:s0+$0x19A00] =	vst v31;
	v19 =	vmul.f32 v19, v12  }
0x341: {  	[tilespmem:s18+$0x19A00] =	vst v28;
	v30 =	vld.idx.msk [tilespmem:v30+s5+$0x0], $0xffff;
	v28 =	vmul.f32 v32, v25  }
0x342: {  	v26 =	vld.idx.msk [tilespmem:v26+s5+$0x0], $0xffff;
	v31 =	vadd.s32 $0x240, v5;
	[tilespmem:s2+$0x19A00] =	vst v19  }
0x343: {  	[tilespmem:s19+$0x19A00] =	vst v28;
	v19 =	vld.idx.msk [tilespmem:v49+s5+$0x0], $0xffff  }
0x344: {  	v50 =	vadd.s32 $0x240, v7;
	v28 =	vmul.f32 v42, v3;
	v51 =	vld.idx.msk [tilespmem:v34+s5+$0x0], $0xffff  }
0x345: {  	v23 =	vmul.f32 v23, v4  }
0x346: {  	[tilespmem:s16+$0x1A200] =	vst v28;
	v28 =	vmul.f32 v30, v8;
	v30 =	vadd.s32 $0x240, v13  }
0x347: {  	[tilespmem:s17+$0x1A200] =	vst v23;
	v23 =	vmul.f32 v26, v6;
	v31 =	vld.idx.msk [tilespmem:v31+s5+$0x0], $0xffff  }
0x348: {  	v21 =	vld.idx.msk [tilespmem:v21+s5+$0x0], $0xffff;
	[tilespmem:s0+$0x1A200] =	vst v28;
	v19 =	vmul.f32 v19, v12  }
0x349: {  	[tilespmem:s18+$0x1A200] =	vst v23;
	v26 =	vld.idx.msk [tilespmem:v50+s5+$0x0], $0xffff;
	v23 =	vmul.f32 v51, v25  }
0x34a: {  	v24 =	vld.idx.msk [tilespmem:v24+s5+$0x0], $0xffff;
	v28 =	vadd.s32 $0x280, v5;
	[tilespmem:s2+$0x1A200] =	vst v19  }
0x34b: {  	[tilespmem:s19+$0x1A200] =	vst v23;
	v19 =	vld.idx.msk [tilespmem:v30+s5+$0x0], $0xffff  }
0x34c: {  	v23 =	vmul.f32 v31, v3;
	v30 =	vadd.s32 $0x280, v7;
	v29 =	vld.idx.msk [tilespmem:v29+s5+$0x0], $0xffff  }
0x34d: {  	v21 =	vmul.f32 v21, v4  }
0x34e: {  	v16 =	vld.idx.msk [tilespmem:v16+s5+$0x0], $0xffff;
	[tilespmem:s16+$0x1AA00] =	vst v23;
	v23 =	vmul.f32 v26, v8;
	v26 =	vadd.s32 $0x280, v13  }
0x34f: {  	[tilespmem:s17+$0x1AA00] =	vst v21;
	v21 =	vmul.f32 v24, v6;
	v28 =	vld.idx.msk [tilespmem:v28+s5+$0x0], $0xffff  }
0x350: {  	v17 =	vld.idx.msk [tilespmem:v17+s5+$0x0], $0xffff;
	[tilespmem:s0+$0x1AA00] =	vst v23;
	v19 =	vmul.f32 v19, v12  }
0x351: {  	[tilespmem:s18+$0x1AA00] =	vst v21;
	v23 =	vld.idx.msk [tilespmem:v30+s5+$0x0], $0xffff;
	v21 =	vmul.f32 v29, v25  }
0x352: {  	v24 =	vadd.s32 $0x2C0, v5;
	v22 =	vld.idx.msk [tilespmem:v22+s5+$0x0], $0xffff;
	[tilespmem:s2+$0x1AA00] =	vst v19  }
0x353: {  	v16 =	vmul.f32 v16, v1;
	[tilespmem:s19+$0x1AA00] =	vst v21;
	v19 =	vld.idx.msk [tilespmem:v26+s5+$0x0], $0xffff  }
0x354: {  	[tilespmem:s14+$0x1C200] =	vst v41;
	v21 =	vmul.f32 v28, v3;
	v26 =	vadd.s32 $0x2C0, v7;
	v28 =	vld.idx.msk [tilespmem:v37+s5+$0x0], $0xffff  }
0x355: {  	[tilespmem:s9+$0x1B200] =	vst v16;
	v16 =	vmul.f32 v17, v4  }
0x356: {  	v11 =	vld.idx.msk [tilespmem:v11+s5+$0x0], $0xffff;
	[tilespmem:s16+$0x1B200] =	vst v21;
	v21 =	vadd.s32 $0x2C0, v13;
	v17 =	vmul.f32 v23, v8  }
0x357: {  	[tilespmem:s17+$0x1B200] =	vst v16;
	v16 =	vmul.f32 v22, v6;
	v23 =	vld.idx.msk [tilespmem:v24+s5+$0x0], $0xffff  }
0x358: {  	v2 =	vadd.s32 $0x300, v2;
	v14 =	vld.idx.msk [tilespmem:v14+s5+$0x0], $0xffff;
	[tilespmem:s0+$0x1B200] =	vst v17;
	v17 =	vmul.f32 v19, v12  }
0x359: {  	[tilespmem:s18+$0x1B200] =	vst v16;
	v19 =	vld.idx.msk [tilespmem:v26+s5+$0x0], $0xffff;
	v16 =	vmul.f32 v28, v25  }
0x35a: {  	v22 =	vmul.f32 v39, v0;
	v18 =	vld.idx.msk [tilespmem:v18+s5+$0x0], $0xffff;
	v5 =	vadd.s32 $0x300, v5;
	[tilespmem:s2+$0x1B200] =	vst v17  }
0x35b: {  	v11 =	vmul.f32 v11, v1;
	[tilespmem:s19+$0x1B200] =	vst v16;
	v17 =	vld.idx.msk [tilespmem:v21+s5+$0x0], $0xffff  }
0x35c: {  	[tilespmem:s7+$0x1BA00] =	vst v22;
	v7 =	vadd.s32 $0x300, v7;
	v16 =	vmul.f32 v23, v3;
	v21 =	vld.idx.msk [tilespmem:v27+s5+$0x0], $0xffff  }
0x35d: {  	[tilespmem:s9+$0x1BA00] =	vst v11;
	v11 =	vmul.f32 v14, v4;
	v2 =	vld.idx.msk [tilespmem:v2+s5+$0x0], $0xffff  }
0x35e: {  	v9 =	vld.idx.msk [tilespmem:v9+s5+$0x0], $0xffff;
	v13 =	vadd.s32 $0x300, v13;
	[tilespmem:s16+$0x1BA00] =	vst v16;
	v14 =	vmul.f32 v19, v8  }
0x35f: {  	[tilespmem:s17+$0x1BA00] =	vst v11;
	v11 =	vmul.f32 v18, v6;
	v5 =	vld.idx.msk [tilespmem:v5+s5+$0x0], $0xffff  }
0x360: {  	v10 =	vld.idx.msk [tilespmem:v10+s5+$0x0], $0xffff;
	[tilespmem:s0+$0x1BA00] =	vst v14;
	v14 =	vmul.f32 v17, v12  }
0x361: {  	[tilespmem:s18+$0x1BA00] =	vst v11;
	v7 =	vld.idx.msk [tilespmem:v7+s5+$0x0], $0xffff;
	v11 =	vmul.f32 v21, v25  }
0x362: {  	v0 =	vmul.f32 v2, v0;
	v2 =	vld.idx.msk [tilespmem:v15+s5+$0x0], $0xffff;
	[tilespmem:s2+$0x1BA00] =	vst v14  }
0x363: {  	v1 =	vmul.f32 v9, v1;
	[tilespmem:s19+$0x1BA00] =	vst v11;
	v9 =	vld.idx.msk [tilespmem:v13+s5+$0x0], $0xffff  }
0x364: {  	[tilespmem:s7+$0x1C200] =	vst v0;
	v0 =	vmul.f32 v5, v3;
	v3 =	vld.idx.msk [tilespmem:v20+s5+$0x0], $0xffff  }
0x365: {  	[tilespmem:s9+$0x1C200] =	vst v1;
	v1 =	vmul.f32 v10, v4  }
0x366: {  	[tilespmem:s16+$0x1C200] =	vst v0;
	v0 =	vmul.f32 v7, v8  }
0x367: {  	[tilespmem:s17+$0x1C200] =	vst v1;
	v1 =	vmul.f32 v2, v6  }
0x368: {  	[tilespmem:s0+$0x1C200] =	vst v0;
	v0 =	vmul.f32 v9, v12  }
0x369: {  	[tilespmem:s18+$0x1C200] =	vst v1;
	v1 =	vmul.f32 v3, v25  }
0x36a: {  	[tilespmem:s2+$0x1C200] =	vst v0  }
0x36b: {  	[tilespmem:s19+$0x1C200] =	vst v1  }
0x36c: {  	s19 =	simm.s32 $0x16200;
	s2 =	rddreg [dreg:$0xa]  }
0x36d: {  	[hbm4b:s2+s23] =	stream.strided.scatter [tilespmem:s19], [sflag:$0x7], $0x800, s24, s23, $0x38;
	[tilespmem:$0x1CA00] =	vst v63  }
0x36e: {  	s31 =	simm.s32 $0x16A00;
	s30 =	sadd.s32 $0x61C00, s2  }
0x36f: {  	[hbm4b:s30+s23] =	stream.strided.scatter [tilespmem:s31], [sflag:$0x7], $0x800, s24, s23, $0x38;
	[tilespmem:$0x1CA00] =	vst v63  }
0x370: {  	s12 =	simm.s32 $0x17200;
	s9 =	sadd.s32 $0xC3800, s2  }
0x371: {  	[hbm4b:s9+s23] =	stream.strided.scatter [tilespmem:s12], [sflag:$0x7], $0x800, s24, s23, $0x38;
	[tilespmem:$0x1CA00] =	vst v63  }
0x372: {  	s14 =	simm.s32 $0x17A00;
	s13 =	sadd.s32 $0x125400, s2  }
0x373: {  	[hbm4b:s13+s23] =	stream.strided.scatter [tilespmem:s14], [sflag:$0x7], $0x800, s24, s23, $0x38;
	[tilespmem:$0x1CA00] =	vst v63  }
0x374: {  	s16 =	simm.s32 $0x18200;
	s15 =	sadd.s32 $0x187000, s2  }
0x375: {  	[hbm4b:s15+s23] =	stream.strided.scatter [tilespmem:s16], [sflag:$0x7], $0x800, s24, s23, $0x38;
	[tilespmem:$0x1CA00] =	vst v63  }
0x376: {  	s18 =	simm.s32 $0x18A00;
	s17 =	sadd.s32 $0x1E8C00, s2  }
0x377: {  	[hbm4b:s17+s23] =	stream.strided.scatter [tilespmem:s18], [sflag:$0x7], $0x800, s24, s23, $0x38;
	[tilespmem:$0x1CA00] =	vst v63  }
0x378: {  	s22 =	simm.s32 $0x19200;
	s20 =	sadd.s32 $0x24A800, s2  }
0x379: {  	[hbm4b:s20+s23] =	stream.strided.scatter [tilespmem:s22], [sflag:$0x7], $0x800, s24, s23, $0x38;
	[tilespmem:$0x1CA00] =	vst v63  }
0x37a: {  	s26 =	simm.s32 $0x19A00;
	s25 =	sadd.s32 $0x2AC400, s2  }
0x37b: {  	[hbm4b:s25+s23] =	stream.strided.scatter [tilespmem:s26], [sflag:$0x7], $0x800, s24, s23, $0x38;
	[tilespmem:$0x1CA00] =	vst v63  }
0x37c: {  	s30 =	sadd.s32 $0x30E000, s2;
	s31 =	simm.s32 $0x1A200  }
0x37d: {  	[hbm4b:s30+s23] =	stream.strided.scatter [tilespmem:s31], [sflag:$0x7], $0x800, s24, s23, $0x38;
	[tilespmem:$0x1CA00] =	vst v63  }
0x37e: {  	s9 =	sadd.s32 $0x36FC00, s2;
	s12 =	simm.s32 $0x1AA00  }
0x37f: {  	[hbm4b:s9+s23] =	stream.strided.scatter [tilespmem:s12], [sflag:$0x7], $0x800, s24, s23, $0x38;
	[tilespmem:$0x1CA00] =	vst v63  }
0x380: {  	s13 =	sadd.s32 $0x3D1800, s2;
	s14 =	simm.s32 $0x1B200  }
0x381: {  	[hbm4b:s13+s23] =	stream.strided.scatter [tilespmem:s14], [sflag:$0x7], $0x800, s24, s23, $0x38;
	[tilespmem:$0x1CA00] =	vst v63  }
0x382: {  	s15 =	sadd.s32 $0x433400, s2;
	s16 =	simm.s32 $0x1BA00  }
0x383: {  	[hbm4b:s15+s23] =	stream.strided.scatter [tilespmem:s16], [sflag:$0x7], $0x800, s24, s23, $0x38;
	[tilespmem:$0x1CA00] =	vst v63  }
0x384: {  	s17 =	sadd.s32 $0x495000, s2;
	s18 =	simm.s32 $0x1C200  }
0x385: {  	[hbm4b:s17+s23] =	stream.strided.scatter [tilespmem:s18], [sflag:$0x7], $0x800, s24, s23, $0x38;
	[tilespmem:$0x1CA00] =	vst v63  }
0x386: {  	s18 =	simm.s32 $0x7  }
0x387: {  	_ =	swait.ge [sflag:s18], $0x6800  }
0x388: {  	[sflag:s18] =	ssyncset.done $0x0  }
0x389: {  	s22 =	simm.s32 $0x15A00;
	s20 =	rddreg [dreg:$0xb];
	[sflag:s18] =	ssyncadd.s32 $0xFFFF9800  }
0x38a: {  	[tilespmem:s22], [sflag:$0x7] =	stream.strided.gather [hbm4b:s20+s23], $0x800, s24, s23, $0x38;
	[tilespmem:$0x1CA00] =	vst v63  }
0x38b: {  	_ =	swait.ge [sflag:s18], $0x800  }
0x38c: {  	s25 =	simm.s32 $0x0;
	[sflag:s18] =	ssyncset.done $0x0  }
0x38d: {  	s26 =	sand.u32 $0x70, s25;
	[sflag:s18] =	ssyncadd.s32 $0xFFFFF800  }
0x38e: {  	v0 =	vld [tilespmem:s26+$0x15980];
	_ =	sdelay $0x4  }
0x38f: {  	s0 =	sand.u32 $0xE, s25;
	v0 =	vmul.u32 $0x341, v0  }
0x390: {  	s30 =	sor.u32 $0x11, s0  }
0x391: {  	v11 =	vadd.s32 s30, v0  }
0x392: {  	s31 =	sshll.u32 s0, $0x7  }
0x393: {  	s7 =	sor.u32 s26, s31  }
0x394: {  	v1 =	vld [tilespmem:s7+$0x15A80];
	_ =	sdelay $0x1  }
0x395: {  	s0 =	sor.u32 $0x10, s0;
	v2 =	vld.idx.msk [tilespmem:v11+s5+$0x0], $0xffff  }
0x396: {  	v10 =	vadd.s32 s0, v0;
	_ =	sdelay $0x1  }
0x397: {  	v13 =	vadd.f32 $1.000000000e+00, v1;
	v0 =	vadd.s32 $0x40, v11  }
0x398: {  	v1 =	vld [tilespmem:s7+$0x15A00]  }
0x399: {  	v2 =	vmul.f32 v13, v2  }
0x39a: {  	v3 =	vld.idx.msk [tilespmem:v10+s5+$0x0], $0xffff  }
0x39b: {  	[tilespmem:s7+$0x16280] =	vst v2  }
0x39c: {  	v2 =	vld.idx.msk [tilespmem:v0+s5+$0x0], $0xffff  }
0x39d: {  	v4 =	vadd.s32 $0x40, v10;
	v0 =	vadd.f32 $1.000000000e+00, v1;
	_ =	sdelay $0x1  }
0x39e: {  	s9 =	simm.s32 $0x2;
	v1 =	vmul.f32 v0, v3;
	v3 =	vadd.s32 $0x80, v11  }
0x39f: {  	s12 =	sand.u32 $0x70, s9  }
0x3a0: {  	[tilespmem:s7+$0x16200] =	vst v1;
	v1 =	vmul.f32 v2, v13;
	v2 =	vld [tilespmem:s12+$0x15980]  }
0x3a1: {  	v4 =	vld.idx.msk [tilespmem:v4+s5+$0x0], $0xffff  }
0x3a2: {  	[tilespmem:s7+$0x16A80] =	vst v1  }
0x3a3: {  	v1 =	vld.idx.msk [tilespmem:v3+s5+$0x0], $0xffff  }
0x3a4: {  	v5 =	vadd.s32 $0x80, v10;
	_ =	sdelay $0x1  }
0x3a5: {  	s0 =	sand.u32 $0xE, s9;
	v6 =	vadd.s32 $0xC0, v11;
	v2 =	vmul.u32 $0x341, v2;
	v4 =	vmul.f32 v4, v0  }
0x3a6: {  	s13 =	sor.u32 $0x11, s0  }
0x3a7: {  	s14 =	sshll.u32 s0, $0x7;
	v3 =	vadd.s32 s13, v2;
	[tilespmem:s7+$0x16A00] =	vst v4;
	v1 =	vmul.f32 v1, v13  }
0x3a8: {  	s9 =	sor.u32 s12, s14;
	v4 =	vld.idx.msk [tilespmem:v5+s5+$0x0], $0xffff  }
0x3a9: {  	s0 =	sor.u32 $0x10, s0;
	[tilespmem:s7+$0x17280] =	vst v1;
	v1 =	vld [tilespmem:s9+$0x15A80]  }
0x3aa: {  	v12 =	vadd.s32 s0, v2;
	v5 =	vld.idx.msk [tilespmem:v6+s5+$0x0], $0xffff  }
0x3ab: {  	v6 =	vadd.s32 $0xC0, v10  }
0x3ac: {  	v7 =	vld.idx.msk [tilespmem:v3+s5+$0x0], $0xffff  }
0x3ad: {  	v9 =	vadd.s32 $0x100, v11;
	v8 =	vld [tilespmem:s9+$0x15A00];
	v4 =	vmul.f32 v4, v0;
	_ =	sdelay $0x1  }
0x3ae: {  	v2 =	vadd.f32 $1.000000000e+00, v1;
	[tilespmem:s7+$0x17200] =	vst v4;
	v4 =	vld.idx.msk [tilespmem:v12+s5+$0x0], $0xffff;
	v1 =	vmul.f32 v5, v13  }
0x3af: {  	v14 =	vadd.s32 $0x40, v3;
	v5 =	vld.idx.msk [tilespmem:v6+s5+$0x0], $0xffff  }
0x3b0: {  	v6 =	vmul.f32 v2, v7;
	[tilespmem:s7+$0x17A80] =	vst v1  }
0x3b1: {  	v7 =	vadd.s32 $0x40, v12;
	v1 =	vadd.f32 $1.000000000e+00, v8;
	v8 =	vld.idx.msk [tilespmem:v9+s5+$0x0], $0xffff  }
0x3b2: {  	[tilespmem:s9+$0x16280] =	vst v6;
	v6 =	vadd.s32 $0x100, v10  }
0x3b3: {  	v4 =	vmul.f32 v1, v4  }
0x3b4: {  	v9 =	vld.idx.msk [tilespmem:v14+s5+$0x0], $0xffff;
	v14 =	vadd.s32 $0x140, v11;
	v5 =	vmul.f32 v5, v0  }
0x3b5: {  	[tilespmem:s9+$0x16200] =	vst v4  }
0x3b6: {  	s15 =	simm.s32 $0x4;
	v7 =	vld.idx.msk [tilespmem:v7+s5+$0x0], $0xffff;
	[tilespmem:s7+$0x17A00] =	vst v5;
	v5 =	vmul.f32 v8, v13  }
0x3b7: {  	s16 =	sand.u32 $0x70, s15;
	v4 =	vadd.s32 $0x80, v3;
	v6 =	vld.idx.msk [tilespmem:v6+s5+$0x0], $0xffff  }
0x3b8: {  	[tilespmem:s7+$0x18280] =	vst v5;
	v5 =	vld [tilespmem:s16+$0x15980]  }
0x3b9: {  	v8 =	vmul.f32 v9, v2;
	v9 =	vld.idx.msk [tilespmem:v14+s5+$0x0], $0xffff;
	_ =	sdelay $0x1  }
0x3ba: {  	[tilespmem:s9+$0x16A80] =	vst v8;
	v8 =	vadd.s32 $0x80, v12  }
0x3bb: {  	v15 =	vadd.s32 $0x180, v11;
	s0 =	sand.u32 $0xE, s15;
	v4 =	vld.idx.msk [tilespmem:v4+s5+$0x0], $0xffff;
	v7 =	vmul.f32 v7, v1  }
0x3bc: {  	s12 =	sor.u32 $0x11, s0;
	s17 =	sor.u32 $0x10, s0;
	s0 =	sshll.u32 s0, $0x7;
	v14 =	vadd.s32 $0x140, v10;
	v6 =	vmul.f32 v6, v0  }
0x3bd: {  	s14 =	sor.u32 s16, s0;
	[tilespmem:s9+$0x16A00] =	vst v7;
	v5 =	vmul.u32 $0x341, v5;
	v7 =	vmul.f32 v9, v13  }
0x3be: {  	v17 =	vadd.s32 $0xC0, v3;
	v19 =	vld [tilespmem:s14+$0x15A00];
	[tilespmem:s7+$0x18200] =	vst v6  }
0x3bf: {  	v8 =	vld.idx.msk [tilespmem:v8+s5+$0x0], $0xffff;
	v6 =	vadd.s32 s12, v5;
	[tilespmem:s7+$0x18A80] =	vst v7  }
0x3c0: {  	v4 =	vmul.f32 v4, v2;
	v7 =	vld.idx.msk [tilespmem:v15+s5+$0x0], $0xffff  }
0x3c1: {  	v9 =	vld.idx.msk [tilespmem:v14+s5+$0x0], $0xffff;
	v16 =	vadd.s32 s17, v5  }
0x3c2: {  	v14 =	vadd.s32 $0xC0, v12;
	[tilespmem:s9+$0x17280] =	vst v4;
	v4 =	vld [tilespmem:s14+$0x15A80]  }
0x3c3: {  	v5 =	vld.idx.msk [tilespmem:v17+s5+$0x0], $0xffff;
	v17 =	vadd.s32 $0x1C0, v11  }
0x3c4: {  	v18 =	vadd.s32 $0x180, v10;
	v8 =	vmul.f32 v8, v1;
	v15 =	vld.idx.msk [tilespmem:v6+s5+$0x0], $0xffff  }
0x3c5: {  	v7 =	vmul.f32 v7, v13  }
0x3c6: {  	v20 =	vadd.s32 $0x100, v3;
	[tilespmem:s9+$0x17200] =	vst v8;
	v8 =	vmul.f32 v9, v0;
	v9 =	vld.idx.msk [tilespmem:v16+s5+$0x0], $0xffff  }
0x3c7: {  	v21 =	vadd.s32 $0x40, v6;
	v4 =	vadd.f32 $1.000000000e+00, v4;
	v14 =	vld.idx.msk [tilespmem:v14+s5+$0x0], $0xffff;
	[tilespmem:s7+$0x19280] =	vst v7  }
0x3c8: {  	v22 =	vmul.f32 v5, v2;
	[tilespmem:s7+$0x18A00] =	vst v8;
	v7 =	vld.idx.msk [tilespmem:v17+s5+$0x0], $0xffff  }
0x3c9: {  	v8 =	vadd.s32 $0x40, v16;
	v5 =	vadd.f32 $1.000000000e+00, v19;
	v15 =	vmul.f32 v4, v15;
	v17 =	vld.idx.msk [tilespmem:v18+s5+$0x0], $0xffff  }
0x3ca: {  	[tilespmem:s9+$0x17A80] =	vst v22;
	v18 =	vadd.s32 $0x100, v12  }
0x3cb: {  	v19 =	vld.idx.msk [tilespmem:v20+s5+$0x0], $0xffff;
	v9 =	vmul.f32 v5, v9;
	[tilespmem:s14+$0x16280] =	vst v15;
	v15 =	vadd.s32 $0x200, v11  }
0x3cc: {  	v20 =	vadd.s32 $0x1C0, v10;
	v14 =	vmul.f32 v14, v1;
	v21 =	vld.idx.msk [tilespmem:v21+s5+$0x0], $0xffff  }
0x3cd: {  	[tilespmem:s14+$0x16200] =	vst v9;
	v7 =	vmul.f32 v7, v13  }
0x3ce: {  	v9 =	vadd.s32 $0x140, v3;
	v8 =	vld.idx.msk [tilespmem:v8+s5+$0x0], $0xffff;
	[tilespmem:s9+$0x17A00] =	vst v14;
	v14 =	vmul.f32 v17, v0  }
0x3cf: {  	v17 =	vadd.s32 $0x80, v6;
	v18 =	vld.idx.msk [tilespmem:v18+s5+$0x0], $0xffff;
	[tilespmem:s7+$0x19A80] =	vst v7  }
0x3d0: {  	s20 =	simm.s32 $0x6;
	v19 =	vmul.f32 v19, v2;
	[tilespmem:s7+$0x19200] =	vst v14;
	v7 =	vld.idx.msk [tilespmem:v15+s5+$0x0], $0xffff  }
0x3d1: {  	s22 =	sand.u32 $0x70, s20;
	v14 =	vmul.f32 v21, v4;
	v15 =	vld.idx.msk [tilespmem:v20+s5+$0x0], $0xffff  }
0x3d2: {  	[tilespmem:s9+$0x18280] =	vst v19;
	v19 =	vadd.s32 $0x80, v16;
	v21 =	vld [tilespmem:s22+$0x15980]  }
0x3d3: {  	s0 =	sand.u32 $0xE, s20;
	v20 =	vadd.s32 $0x140, v12;
	v9 =	vld.idx.msk [tilespmem:v9+s5+$0x0], $0xffff;
	[tilespmem:s14+$0x16A80] =	vst v14  }
0x3d4: {  	s25 =	sor.u32 $0x11, s0;
	s13 =	sor.u32 $0x10, s0;
	s0 =	sshll.u32 s0, $0x7;
	v8 =	vmul.f32 v8, v5;
	v14 =	vld.idx.msk [tilespmem:v17+s5+$0x0], $0xffff;
	v17 =	vadd.s32 $0x240, v11  }
0x3d5: {  	s0 =	sor.u32 s22, s0;
	v22 =	vadd.s32 $0x200, v10;
	v18 =	vmul.f32 v18, v1  }
0x3d6: {  	v24 =	vld [tilespmem:s0+$0x15A00];
	[tilespmem:s14+$0x16A00] =	vst v8;
	v8 =	vadd.s32 $0x180, v3;
	v7 =	vmul.f32 v7, v13  }
0x3d7: {  	[tilespmem:s9+$0x18200] =	vst v18;
	v19 =	vld.idx.msk [tilespmem:v19+s5+$0x0], $0xffff;
	v15 =	vmul.f32 v15, v0  }
0x3d8: {  	v23 =	vadd.s32 $0xC0, v6;
	v18 =	vmul.u32 $0x341, v21;
	v20 =	vld.idx.msk [tilespmem:v20+s5+$0x0], $0xffff;
	v21 =	vmul.f32 v9, v2;
	[tilespmem:s7+$0x1A280] =	vst v7  }
0x3d9: {  	[tilespmem:s7+$0x19A00] =	vst v15;
	v7 =	vld.idx.msk [tilespmem:v17+s5+$0x0], $0xffff  }
0x3da: {  	s2 =	simm.s32 $0x8;
	v9 =	vadd.s32 s25, v18;
	v14 =	vmul.f32 v14, v4;
	[tilespmem:s9+$0x18A80] =	vst v21;
	v15 =	vld.idx.msk [tilespmem:v22+s5+$0x0], $0xffff  }
0x3db: {  	s30 =	sand.u32 $0xE, s2;
	v18 =	vadd.s32 s13, v18;
	v8 =	vld.idx.msk [tilespmem:v8+s5+$0x0], $0xffff  }
0x3dc: {  	s26 =	sand.u32 $0x70, s2;
	s13 =	sshll.u32 s30, $0x7;
	v21 =	vadd.s32 $0xC0, v16;
	v22 =	vld [tilespmem:s0+$0x15A80];
	[tilespmem:s14+$0x17280] =	vst v14  }
0x3dd: {  	v17 =	vadd.s32 $0x280, v11;
	s16 =	sor.u32 s26, s13;
	v14 =	vld.idx.msk [tilespmem:v23+s5+$0x0], $0xffff  }
0x3de: {  	v60 =	vld [tilespmem:s16+$0x15A80];
	v19 =	vmul.f32 v19, v5;
	v23 =	vadd.s32 $0x1C0, v3  }
0x3df: {  	v25 =	vadd.s32 $0x180, v12;
	v26 =	vld.idx.msk [tilespmem:v9+s5+$0x0], $0xffff;
	v7 =	vmul.f32 v7, v13  }
0x3e0: {  	v28 =	vadd.s32 $0x100, v6;
	v27 =	vld.idx.msk [tilespmem:v18+s5+$0x0], $0xffff;
	[tilespmem:s14+$0x17200] =	vst v19;
	v29 =	vmul.f32 v8, v2  }
0x3e1: {  	v30 =	vadd.s32 $0x240, v10;
	[tilespmem:s7+$0x1AA80] =	vst v7;
	v7 =	vmul.f32 v20, v1;
	v20 =	vld.idx.msk [tilespmem:v21+s5+$0x0], $0xffff  }
0x3e2: {  	v8 =	vadd.f32 $1.000000000e+00, v22;
	v17 =	vld.idx.msk [tilespmem:v17+s5+$0x0], $0xffff;
	v14 =	vmul.f32 v14, v4;
	[tilespmem:s9+$0x19280] =	vst v29  }
0x3e3: {  	v19 =	vadd.s32 $0x40, v9;
	v15 =	vmul.f32 v15, v0;
	[tilespmem:s9+$0x18A00] =	vst v7;
	v22 =	vld.idx.msk [tilespmem:v23+s5+$0x0], $0xffff  }
0x3e4: {  	v21 =	vadd.s32 $0x40, v18;
	v7 =	vadd.f32 $1.000000000e+00, v24;
	v23 =	vmul.f32 v8, v26;
	[tilespmem:s14+$0x17A80] =	vst v14;
	v14 =	vld.idx.msk [tilespmem:v25+s5+$0x0], $0xffff  }
0x3e5: {  	[tilespmem:s7+$0x1A200] =	vst v15;
	v24 =	vadd.s32 $0x2C0, v11;
	v15 =	vld.idx.msk [tilespmem:v28+s5+$0x0], $0xffff  }
0x3e6: {  	v26 =	vadd.s32 $0x100, v16;
	v25 =	vmul.f32 v7, v27;
	[tilespmem:s0+$0x16280] =	vst v23;
	v23 =	vld.idx.msk [tilespmem:v30+s5+$0x0], $0xffff  }
0x3e7: {  	v27 =	vadd.s32 $0x200, v3;
	v28 =	vld [tilespmem:s26+$0x15980];
	v17 =	vmul.f32 v17, v13  }
0x3e8: {  	v19 =	vld.idx.msk [tilespmem:v19+s5+$0x0], $0xffff;
	v20 =	vmul.f32 v20, v5;
	[tilespmem:s0+$0x16200] =	vst v25;
	v25 =	vadd.s32 $0x1C0, v12  }
0x3e9: {  	v21 =	vld.idx.msk [tilespmem:v21+s5+$0x0], $0xffff;
	v22 =	vmul.f32 v22, v2;
	[tilespmem:s7+$0x1B280] =	vst v17;
	v17 =	vadd.s32 $0x140, v6  }
0x3ea: {  	v29 =	vadd.s32 $0x280, v10;
	[tilespmem:s14+$0x17A00] =	vst v20;
	v14 =	vmul.f32 v14, v1;
	v24 =	vld.idx.msk [tilespmem:v24+s5+$0x0], $0xffff  }
0x3eb: {  	v20 =	vadd.s32 $0x80, v9;
	v26 =	vld.idx.msk [tilespmem:v26+s5+$0x0], $0xffff;
	v15 =	vmul.f32 v15, v4;
	[tilespmem:s9+$0x19A80] =	vst v22  }
0x3ec: {  	v22 =	vadd.s32 $0x80, v18;
	v23 =	vmul.f32 v23, v0;
	[tilespmem:s9+$0x19200] =	vst v14;
	v14 =	vld.idx.msk [tilespmem:v27+s5+$0x0], $0xffff  }
0x3ed: {  	v34 =	vadd.s32 $0x2C0, v10;
	v11 =	vadd.s32 $0x300, v11;
	v19 =	vmul.f32 v19, v8;
	[tilespmem:s14+$0x18280] =	vst v15;
	v15 =	vld.idx.msk [tilespmem:v25+s5+$0x0], $0xffff  }
0x3ee: {  	v35 =	vadd.s32 $0x240, v12;
	v25 =	vadd.s32 $0x140, v16;
	[tilespmem:s7+$0x1AA00] =	vst v23;
	v21 =	vmul.f32 v21, v7;
	v17 =	vld.idx.msk [tilespmem:v17+s5+$0x0], $0xffff  }
0x3ef: {  	v54 =	vadd.s32 $0x280, v3;
	v23 =	vadd.s32 $0x240, v3;
	[tilespmem:s0+$0x16A80] =	vst v19;
	v31 =	vld.idx.msk [tilespmem:v29+s5+$0x0], $0xffff;
	v19 =	vmul.f32 v24, v13  }
0x3f0: {  	v27 =	vadd.s32 $0x200, v12;
	v20 =	vld.idx.msk [tilespmem:v20+s5+$0x0], $0xffff;
	v24 =	vmul.u32 $0x341, v28;
	[tilespmem:s0+$0x16A00] =	vst v21;
	v21 =	vmul.f32 v26, v5  }
0x3f1: {  	s31 =	sor.u32 $0x11, s30;
	s15 =	sor.u32 $0x10, s30;
	v36 =	vadd.s32 $0x180, v16;
	v30 =	vadd.s32 $0x180, v6;
	v29 =	vld.idx.msk [tilespmem:v22+s5+$0x0], $0xffff;
	v22 =	vmul.f32 v14, v2;
	[tilespmem:s7+$0x1BA80] =	vst v19  }
0x3f2: {  	v44 =	vadd.s32 s15, v24;
	v14 =	vadd.s32 s31, v24;
	[tilespmem:s14+$0x18200] =	vst v21;
	v15 =	vmul.f32 v15, v1;
	v24 =	vld.idx.msk [tilespmem:v11+s5+$0x0], $0xffff  }
0x3f3: {  	v62 =	vadd.s32 $0x1C0, v6;
	v52 =	vadd.s32 $0xC0, v9;
	v25 =	vld.idx.msk [tilespmem:v25+s5+$0x0], $0xffff;
	[tilespmem:s9+$0x1A280] =	vst v22;
	v17 =	vmul.f32 v17, v4  }
0x3f4: {  	v55 =	vadd.s32 $0xC0, v18;
	v45 =	vadd.s32 $0x100, v18;
	v31 =	vmul.f32 v31, v0;
	[tilespmem:s9+$0x19A00] =	vst v15;
	v23 =	vld.idx.msk [tilespmem:v23+s5+$0x0], $0xffff  }
0x3f5: {  	v33 =	vadd.s32 $0x140, v18;
	v28 =	vadd.s32 $0x1C0, v16;
	v20 =	vmul.f32 v20, v8;
	v53 =	vld.idx.msk [tilespmem:v27+s5+$0x0], $0xffff;
	[tilespmem:s14+$0x18A80] =	vst v17  }
0x3f6: {  	v26 =	vadd.s32 $0x200, v16;
	v19 =	vadd.s32 $0x280, v12;
	v21 =	vadd.s32 $0x280, v16;
	[tilespmem:s7+$0x1B200] =	vst v31;
	v27 =	vld.idx.msk [tilespmem:v30+s5+$0x0], $0xffff  }
0x3f7: {  	v11 =	vadd.s32 $0x300, v12;
	v22 =	vadd.s32 $0x240, v16;
	v15 =	vadd.s32 $0x2C0, v12;
	[tilespmem:s0+$0x17280] =	vst v20;
	v43 =	vld.idx.msk [tilespmem:v34+s5+$0x0], $0xffff  }
0x3f8: {  	v12 =	vadd.s32 $0x300, v16;
	v17 =	vadd.s32 $0x2C0, v16;
	v16 =	vmul.f32 v29, v7;
	v20 =	vld.idx.msk [tilespmem:v52+s5+$0x0], $0xffff  }
0x3f9: {  	v32 =	vadd.s32 $0x180, v18;
	v56 =	vadd.s32 $0x100, v9;
	v13 =	vmul.f32 v24, v13;
	v24 =	vld [tilespmem:s16+$0x15A00]  }
0x3fa: {  	v48 =	vadd.s32 $0x140, v9;
	v10 =	vadd.s32 $0x300, v10;
	v61 =	vld.idx.msk [tilespmem:v14+s5+$0x0], $0xffff;
	[tilespmem:s0+$0x17200] =	vst v16;
	v23 =	vmul.f32 v23, v2  }
0x3fb: {  	v59 =	vadd.s32 $0x40, v14;
	v51 =	vadd.s32 $0x40, v44;
	v63 =	vld.idx.msk [tilespmem:v44+s5+$0x0], $0xffff;
	[tilespmem:s7+$0x1C280] =	vst v13;
	v57 =	vmul.f32 v27, v4  }
0x3fc: {  	v40 =	vadd.s32 $0x80, v44;
	v38 =	vadd.s32 $0xC0, v44;
	v25 =	vmul.f32 v25, v5;
	v50 =	vld.idx.msk [tilespmem:v55+s5+$0x0], $0xffff;
	[tilespmem:s9+$0x1AA80] =	vst v23  }
0x3fd: {  	v37 =	vadd.s32 $0x100, v44;
	v16 =	vadd.f32 $1.000000000e+00, v60;
	v58 =	vld.idx.msk [tilespmem:v54+s5+$0x0], $0xffff;
	v60 =	vmul.f32 v20, v8;
	[tilespmem:s14+$0x19280] =	vst v57  }
0x3fe: {  	v39 =	vadd.s32 $0x140, v44;
	[tilespmem:s14+$0x18A00] =	vst v25;
	v25 =	vmul.f32 v53, v1;
	v13 =	vadd.f32 $1.000000000e+00, v24;
	v42 =	vld.idx.msk [tilespmem:v62+s5+$0x0], $0xffff  }
0x3ff: {  	v41 =	vadd.s32 $0x1C0, v44;
	v31 =	vadd.s32 $0x240, v44;
	v52 =	vld.idx.msk [tilespmem:v36+s5+$0x0], $0xffff;
	v24 =	vmul.f32 v16, v61;
	[tilespmem:s0+$0x17A80] =	vst v60  }
0x400: {  	v29 =	vadd.s32 $0x200, v18;
	[tilespmem:s9+$0x1A200] =	vst v25;
	v25 =	vadd.s32 $0x2C0, v3;
	v53 =	vld.idx.msk [tilespmem:v56+s5+$0x0], $0xffff;
	v61 =	vmul.f32 v13, v63  }
0x401: {  	v34 =	vadd.s32 $0x200, v44;
	v55 =	vadd.s32 $0x200, v6;
	v54 =	vld.idx.msk [tilespmem:v35+s5+$0x0], $0xffff;
	[tilespmem:s16+$0x16280] =	vst v24;
	v62 =	vmul.f32 v50, v7  }
0x402: {  	v30 =	vadd.s32 $0x1C0, v18;
	v23 =	vadd.s32 $0x280, v18;
	v47 =	vld.idx.msk [tilespmem:v59+s5+$0x0], $0xffff;
	v24 =	vmul.f32 v58, v2;
	[tilespmem:s16+$0x16200] =	vst v61  }
0x403: {  	v36 =	vadd.s32 $0x180, v44;
	v27 =	vadd.s32 $0x240, v18;
	[tilespmem:s0+$0x17A00] =	vst v62;
	v49 =	vld.idx.msk [tilespmem:v51+s5+$0x0], $0xffff;
	v63 =	vmul.f32 v42, v4  }
0x404: {  	v20 =	vadd.s32 $0x2C0, v18;
	v18 =	vadd.s32 $0x300, v18;
	v52 =	vmul.f32 v52, v5;
	v46 =	vld.idx.msk [tilespmem:v45+s5+$0x0], $0xffff;
	[tilespmem:s9+$0x1B280] =	vst v24  }
0x405: {  	v35 =	vadd.s32 $0x280, v44;
	v50 =	vadd.s32 $0x80, v14;
	v42 =	vld.idx.msk [tilespmem:v25+s5+$0x0], $0xffff;
	v51 =	vmul.f32 v53, v8;
	[tilespmem:s14+$0x19A80] =	vst v63  }
0x406: {  	[tilespmem:s14+$0x19200] =	vst v52;
	v45 =	vmul.f32 v54, v1;
	v24 =	vadd.s32 $0x300, v44;
	v25 =	vadd.s32 $0x2C0, v44;
	v44 =	vld.idx.msk [tilespmem:v55+s5+$0x0], $0xffff  }
.LBB2_15:
0x407: {  	s2 =	sadd.s32 $0x2, s2;
	v47 =	vmul.f32 v47, v16;
	[tilespmem:s0+$0x18280] =	vst v51;
	v51 =	vld.idx.msk [tilespmem:v28+s5+$0x0], $0xffff;
	v28 =	vmov v30;
	v30 =	vmov v41  }
0x408: {  	v43 =	vmul.f32 v43, v0;
	s12 =	sand.u32 $0x70, s2;
	p1 =	slt.u32 s2, $0x4E;
	v41 =	vld.idx.msk [tilespmem:v48+s5+$0x0], $0xffff;
	[tilespmem:s9+$0x1AA00] =	vst v45;
	v45 =	vadd.s32 $0x300, v3;
	v3 =	vmovc v6;
	v6 =	vmov v9  }
0x409: {  	v49 =	vmul.f32 v49, v13;
	v9 =	vmov v14;
	v48 =	vld [tilespmem:s12+$0x15980];
	[tilespmem:s16+$0x16A80] =	vst v47  }
0x40a: {  	v14 =	vadd.s32 $0x240, v3;
	v42 =	vmul.f32 v42, v2;
	v47 =	vld.idx.msk [tilespmem:v50+s5+$0x0], $0xffff;
	[tilespmem:s7+$0x1BA00] =	vst v43  }
0x40b: {  	v43 =	vmul.f32 v46, v7;
	[tilespmem:s16+$0x16A00] =	vst v49;
	v46 =	vld.idx.msk [tilespmem:v19+s5+$0x0], $0xffff;
	v19 =	vmovc v21;
	v21 =	vmov v23;
	v23 =	vmov v35  }
0x40c: {  	v49 =	vadd.s32 $0x180, v6;
	v35 =	vld.idx.msk [tilespmem:v40+s5+$0x0], $0xffff;
	v40 =	vmul.f32 v44, v4;
	[tilespmem:s9+$0x1BA80] =	vst v42  }
0x40d: {  	v42 =	vmul.f32 v51, v5;
	[tilespmem:s0+$0x18200] =	vst v43;
	v43 =	vld.idx.msk [tilespmem:v45+s5+$0x0], $0xffff  }
0x40e: {  	s13 =	sand.u32 $0xE, s2;
	v45 =	vadd.s32 $0xC0, v9;
	v41 =	vmul.f32 v41, v8;
	v44 =	vmul.u32 $0x341, v48;
	v48 =	vld.idx.msk [tilespmem:v33+s5+$0x0], $0xffff;
	[tilespmem:s14+$0x1A280] =	vst v40;
	v33 =	vmovc v39  }
0x40f: {  	s15 =	sor.u32 $0x10, s13;
	s17 =	sor.u32 $0x11, s13;
	[tilespmem:s14+$0x19A00] =	vst v42;
	v42 =	vld.idx.msk [tilespmem:v14+s5+$0x0], $0xffff  }
0x410: {  	v50 =	vadd.s32 s15, v44;
	v14 =	vadd.s32 s17, v44;
	v44 =	vmul.f32 v47, v16;
	[tilespmem:s0+$0x18A80] =	vst v41;
	v47 =	vld.idx.msk [tilespmem:v26+s5+$0x0], $0xffff;
	v26 =	vmovc v29  }
0x411: {  	v29 =	vmovc v34;
	v51 =	vadd.s32 $0x40, v50;
	v40 =	vadd.s32 $0x80, v50;
	v52 =	vadd.s32 $0xC0, v50;
	v49 =	vld.idx.msk [tilespmem:v49+s5+$0x0], $0xffff  }
0x412: {  	s13 =	sshll.u32 s13, $0x7;
	v53 =	vadd.s32 $0x100, v50;
	v39 =	vadd.s32 $0x140, v50;
	v35 =	vmul.f32 v35, v13;
	[tilespmem:s16+$0x17280] =	vst v44;
	v44 =	vld.idx.msk [tilespmem:v10+s5+$0x0], $0xffff;
	v10 =	vmovc v11  }
0x413: {  	v55 =	vadd.s32 $0x280, v3;
	s12 =	sor.u32 s12, s13;
	v54 =	vadd.s32 $0x180, v50;
	v43 =	vmul.f32 v43, v2;
	v11 =	vmovc v12;
	v12 =	vmovc v18;
	v45 =	vld.idx.msk [tilespmem:v45+s5+$0x0], $0xffff  }
0x414: {  	v41 =	vadd.s32 $0x1C0, v50;
	v34 =	vadd.s32 $0x200, v50;
	v18 =	vmovc v24;
	v2 =	vmovc v4;
	v48 =	vmul.f32 v48, v7;
	v56 =	vld [tilespmem:s12+$0x15A80];
	[tilespmem:s16+$0x17200] =	vst v35  }
0x415: {  	v59 =	vadd.s32 $0x1C0, v6;
	v57 =	vadd.s32 $0x240, v50;
	v4 =	vmovc v8;
	v24 =	vmul.f32 v42, v2;
	v58 =	vld.idx.msk [tilespmem:v14+s5+$0x0], $0xffff;
	[tilespmem:s9+$0x1C280] =	vst v43  }
0x416: {  	v46 =	vmul.f32 v46, v1;
	v8 =	vmovc v16;
	v35 =	vadd.s32 $0x280, v50;
	v43 =	vmul.f32 v47, v5;
	v42 =	vld [tilespmem:s12+$0x15A00];
	[tilespmem:s0+$0x18A00] =	vst v48  }
0x417: {  	v60 =	vadd.s32 $0x2C0, v50;
	v48 =	vadd.s32 $0x100, v9;
	v49 =	vmul.f32 v49, v4;
	v47 =	vld.idx.msk [tilespmem:v50+s5+$0x0], $0xffff;
	[tilespmem:s14+$0x1AA80] =	vst v24  }
0x418: {  	v24 =	vadd.s32 $0x300, v50;
	v44 =	vmul.f32 v44, v0;
	v0 =	vmovc v1;
	v1 =	vmov v5;
	[tilespmem:s14+$0x1A200] =	vst v43;
	v43 =	vld.idx.msk [tilespmem:v55+s5+$0x0], $0xffff  }
0x419: {  	v50 =	vadd.s32 $0x40, v14;
	v45 =	vmul.f32 v45, v8;
	v16 =	vadd.f32 $1.000000000e+00, v56;
	v55 =	vld.idx.msk [tilespmem:v38+s5+$0x0], $0xffff;
	[tilespmem:s0+$0x19280] =	vst v49;
	v38 =	vmovc v52  }
0x41a: {  	v5 =	vmov v7;
	v7 =	vmov v13;
	v52 =	vld.idx.msk [tilespmem:v59+s5+$0x0], $0xffff;
	[tilespmem:s9+$0x1B200] =	vst v46  }
0x41b: {  	v13 =	vadd.f32 $1.000000000e+00, v42;
	v42 =	vmul.f32 v16, v58;
	[tilespmem:s16+$0x17A80] =	vst v45;
	v45 =	vld.idx.msk [tilespmem:v32+s5+$0x0], $0xffff;
	v32 =	vmovc v36;
	v36 =	vmov v54  }
0x41c: {  	v46 =	vadd.s32 $0x2C0, v3;
	v54 =	vld.idx.msk [tilespmem:v48+s5+$0x0], $0xffff;
	[tilespmem:s7+$0x1C200] =	vst v44;
	s7 =	smov.u32 s9;
	s9 =	smov.u32 s14;
	s14 =	smov.u32 s0  }
0x41d: {  	s0 =	smov.u32 s16;
	s16 =	smov.u32 s12;
	v44 =	vmul.f32 v13, v47;
	[tilespmem:s12+$0x16280] =	vst v42;
	v56 =	vld.idx.msk [tilespmem:v22+s5+$0x0], $0xffff;
	v22 =	vmovc v27;
	v27 =	vmov v31;
	v31 =	vmov v57  }
0x41e: {  	v57 =	vadd.s32 $0x200, v6;
	v42 =	vmul.f32 v43, v2;
	v47 =	vld.idx.msk [tilespmem:v50+s5+$0x0], $0xffff  }
.Ltmp11:
0x41f: {  	[tilespmem:s16+$0x16200] =	vst v44;
	v44 =	vmul.f32 v55, v7;
	v43 =	vld.idx.msk [tilespmem:v15+s5+$0x0], $0xffff;
	v15 =	vmovc v17;
	v17 =	vmov v20;
	v20 =	vmov v25;
	(pc) =	sbr.rel @p1 .LBB2_15-.Ltmp11, $4  }
0x420: {  	v48 =	vadd.s32 $0x140, v9;
	v52 =	vmul.f32 v52, v4;
	v25 =	vmov v60;
	v49 =	vld.idx.msk [tilespmem:v51+s5+$0x0], $0xffff;
	[tilespmem:s9+$0x1B280] =	vst v42  }
0x421: {  	[tilespmem:s0+$0x17A00] =	vst v44;
	v44 =	vmul.f32 v45, v5;
	v42 =	vld.idx.msk [tilespmem:v46+s5+$0x0], $0xffff  }
0x422: {  	v50 =	vadd.s32 $0x80, v14;
	v51 =	vmul.f32 v54, v8;
	v46 =	vld.idx.msk [tilespmem:v37+s5+$0x0], $0xffff;
	[tilespmem:s14+$0x19A80] =	vst v52;
	v37 =	vmov v53  }
0x423: {  	v45 =	vmul.f32 v56, v1;
	[tilespmem:s14+$0x19200] =	vst v44;
	v44 =	vld.idx.msk [tilespmem:v57+s5+$0x0], $0xffff  }
0x424: {  	_ = 	snop  }
0x425: {  	v47 =	vmul.f32 v47, v16;
	_ =	sdelay $0x1  }
0x426: {  	v49 =	vmul.f32 v49, v13;
	[tilespmem:s16+$0x16A80] =	vst v47  }
0x427: {  	v47 =	vld.idx.msk [tilespmem:v50+s5+$0x0], $0xffff  }
0x428: {  	[tilespmem:s16+$0x16A00] =	vst v49  }
0x429: {  	v40 =	vld.idx.msk [tilespmem:v40+s5+$0x0], $0xffff  }
0x42a: {  	v53 =	vadd.s32 $0xC0, v14;
	_ =	sdelay $0x1  }
0x42b: {  	v47 =	vmul.f32 v47, v16;
	_ =	sdelay $0x1  }
0x42c: {  	v40 =	vmul.f32 v40, v13;
	[tilespmem:s16+$0x17280] =	vst v47  }
0x42d: {  	v47 =	vld.idx.msk [tilespmem:v53+s5+$0x0], $0xffff  }
0x42e: {  	[tilespmem:s16+$0x17200] =	vst v40  }
0x42f: {  	v38 =	vld.idx.msk [tilespmem:v38+s5+$0x0], $0xffff  }
0x430: {  	v54 =	vadd.s32 $0x100, v14;
	_ =	sdelay $0x1  }
0x431: {  	v47 =	vmul.f32 v47, v16;
	_ =	sdelay $0x1  }
0x432: {  	v38 =	vmul.f32 v38, v13;
	[tilespmem:s16+$0x17A80] =	vst v47  }
0x433: {  	v40 =	vld.idx.msk [tilespmem:v54+s5+$0x0], $0xffff  }
0x434: {  	[tilespmem:s16+$0x17A00] =	vst v38  }
0x435: {  	v37 =	vld.idx.msk [tilespmem:v37+s5+$0x0], $0xffff  }
0x436: {  	v55 =	vadd.s32 $0x140, v14;
	_ =	sdelay $0x1  }
0x437: {  	[tilespmem:s0+$0x18280] =	vst v51;
	v40 =	vmul.f32 v40, v16  }
0x438: {  	v56 =	vld.idx.msk [tilespmem:v48+s5+$0x0], $0xffff;
	v46 =	vmul.f32 v46, v7  }
0x439: {  	v37 =	vmul.f32 v37, v13;
	[tilespmem:s16+$0x18280] =	vst v40  }
0x43a: {  	[tilespmem:s0+$0x18200] =	vst v46;
	v38 =	vld.idx.msk [tilespmem:v55+s5+$0x0], $0xffff  }
0x43b: {  	v57 =	vadd.s32 $0x180, v9;
	v33 =	vld.idx.msk [tilespmem:v33+s5+$0x0], $0xffff;
	[tilespmem:s16+$0x18200] =	vst v37  }
0x43c: {  	v37 =	vld.idx.msk [tilespmem:v39+s5+$0x0], $0xffff  }
0x43d: {  	v59 =	vadd.s32 $0x180, v14;
	v58 =	vmul.f32 v56, v8;
	_ =	sdelay $0x1  }
0x43e: {  	[tilespmem:s0+$0x18A80] =	vst v58;
	v38 =	vmul.f32 v38, v16  }
0x43f: {  	v33 =	vmul.f32 v33, v7;
	v39 =	vld.idx.msk [tilespmem:v57+s5+$0x0], $0xffff  }
0x440: {  	v37 =	vmul.f32 v37, v13;
	[tilespmem:s16+$0x18A80] =	vst v38  }
0x441: {  	[tilespmem:s0+$0x18A00] =	vst v33;
	v60 =	vld.idx.msk [tilespmem:v59+s5+$0x0], $0xffff  }
0x442: {  	v61 =	vadd.s32 $0x1C0, v9;
	v32 =	vld.idx.msk [tilespmem:v32+s5+$0x0], $0xffff;
	[tilespmem:s16+$0x18A00] =	vst v37  }
0x443: {  	v36 =	vld.idx.msk [tilespmem:v36+s5+$0x0], $0xffff  }
0x444: {  	v63 =	vadd.s32 $0x1C0, v14;
	v62 =	vmul.f32 v39, v8;
	_ =	sdelay $0x1  }
0x445: {  	[tilespmem:s0+$0x19280] =	vst v62;
	v33 =	vmul.f32 v60, v16  }
0x446: {  	v32 =	vmul.f32 v32, v7;
	v37 =	vld.idx.msk [tilespmem:v61+s5+$0x0], $0xffff  }
0x447: {  	v28 =	vld.idx.msk [tilespmem:v28+s5+$0x0], $0xffff;
	v46 =	vmul.f32 v36, v13;
	[tilespmem:s16+$0x19280] =	vst v33  }
0x448: {  	[tilespmem:s0+$0x19200] =	vst v32;
	v47 =	vld.idx.msk [tilespmem:v63+s5+$0x0], $0xffff  }
0x449: {  	v48 =	vadd.s32 $0x200, v9;
	v30 =	vld.idx.msk [tilespmem:v30+s5+$0x0], $0xffff;
	[tilespmem:s16+$0x19200] =	vst v46  }
0x44a: {  	v33 =	vld.idx.msk [tilespmem:v41+s5+$0x0], $0xffff  }
0x44b: {  	v49 =	vadd.s32 $0x200, v14;
	v37 =	vmul.f32 v37, v8  }
0x44c: {  	v28 =	vmul.f32 v28, v5  }
0x44d: {  	[tilespmem:s0+$0x19A80] =	vst v37;
	v32 =	vmul.f32 v47, v16  }
0x44e: {  	[tilespmem:s14+$0x19A00] =	vst v28;
	v30 =	vmul.f32 v30, v7;
	v28 =	vld.idx.msk [tilespmem:v48+s5+$0x0], $0xffff  }
0x44f: {  	v50 =	vadd.s32 $0x240, v6;
	v26 =	vld.idx.msk [tilespmem:v26+s5+$0x0], $0xffff;
	v51 =	vmul.f32 v33, v13;
	[tilespmem:s16+$0x19A80] =	vst v32  }
0x450: {  	[tilespmem:s0+$0x19A00] =	vst v30;
	v30 =	vld.idx.msk [tilespmem:v49+s5+$0x0], $0xffff  }
0x451: {  	v52 =	vmul.f32 v44, v4;
	v53 =	vadd.s32 $0x240, v9;
	v29 =	vld.idx.msk [tilespmem:v29+s5+$0x0], $0xffff;
	[tilespmem:s16+$0x19A00] =	vst v51  }
0x452: {  	v32 =	vld.idx.msk [tilespmem:v34+s5+$0x0], $0xffff  }
0x453: {  	[tilespmem:s14+$0x1A280] =	vst v52;
	v54 =	vadd.s32 $0x240, v14;
	v28 =	vmul.f32 v28, v8  }
0x454: {  	v26 =	vmul.f32 v26, v5;
	v55 =	vld.idx.msk [tilespmem:v50+s5+$0x0], $0xffff  }
0x455: {  	[tilespmem:s0+$0x1A280] =	vst v28;
	v28 =	vmul.f32 v30, v16  }
0x456: {  	[tilespmem:s14+$0x1A200] =	vst v26;
	v29 =	vmul.f32 v29, v7;
	v26 =	vld.idx.msk [tilespmem:v53+s5+$0x0], $0xffff  }
0x457: {  	v22 =	vld.idx.msk [tilespmem:v22+s5+$0x0], $0xffff;
	v30 =	vadd.s32 $0x280, v6;
	[tilespmem:s16+$0x1A280] =	vst v28;
	v28 =	vmul.f32 v32, v13  }
0x458: {  	[tilespmem:s0+$0x1A200] =	vst v29;
	v29 =	vld.idx.msk [tilespmem:v54+s5+$0x0], $0xffff  }
0x459: {  	v57 =	vadd.s32 $0x280, v9;
	v56 =	vmul.f32 v55, v4;
	v27 =	vld.idx.msk [tilespmem:v27+s5+$0x0], $0xffff;
	[tilespmem:s16+$0x1A200] =	vst v28  }
0x45a: {  	[tilespmem:s9+$0x1AA00] =	vst v45;
	v28 =	vmul.f32 v43, v0;
	v31 =	vld.idx.msk [tilespmem:v31+s5+$0x0], $0xffff  }
0x45b: {  	v58 =	vadd.s32 $0x280, v14;
	[tilespmem:s14+$0x1AA80] =	vst v56;
	v26 =	vmul.f32 v26, v8  }
0x45c: {  	v22 =	vmul.f32 v22, v5;
	[tilespmem:s7+$0x1BA00] =	vst v28;
	v28 =	vld.idx.msk [tilespmem:v30+s5+$0x0], $0xffff  }
0x45d: {  	v19 =	vld.idx.msk [tilespmem:v19+s5+$0x0], $0xffff;
	[tilespmem:s0+$0x1AA80] =	vst v26;
	v26 =	vmul.f32 v29, v16  }
0x45e: {  	v3 =	vadd.s32 $0x300, v3;
	[tilespmem:s14+$0x1AA00] =	vst v22;
	v27 =	vmul.f32 v27, v7;
	v22 =	vld.idx.msk [tilespmem:v57+s5+$0x0], $0xffff  }
0x45f: {  	v21 =	vld.idx.msk [tilespmem:v21+s5+$0x0], $0xffff;
	v29 =	vadd.s32 $0x2C0, v6;
	[tilespmem:s16+$0x1AA80] =	vst v26;
	v26 =	vmul.f32 v31, v13  }
0x460: {  	[tilespmem:s0+$0x1AA00] =	vst v27;
	v30 =	vmul.f32 v42, v2;
	v27 =	vld.idx.msk [tilespmem:v58+s5+$0x0], $0xffff  }
0x461: {  	v23 =	vld.idx.msk [tilespmem:v23+s5+$0x0], $0xffff;
	v31 =	vadd.s32 $0x2C0, v9;
	v28 =	vmul.f32 v28, v4;
	[tilespmem:s16+$0x1AA00] =	vst v26  }
0x462: {  	v19 =	vmul.f32 v19, v1;
	[tilespmem:s9+$0x1BA80] =	vst v30;
	v26 =	vld.idx.msk [tilespmem:v35+s5+$0x0], $0xffff  }
0x463: {  	v3 =	vld.idx.msk [tilespmem:v3+s5+$0x0], $0xffff;
	v22 =	vmul.f32 v22, v8;
	[tilespmem:s14+$0x1B280] =	vst v28;
	v28 =	vadd.s32 $0x2C0, v14  }
0x464: {  	[tilespmem:s9+$0x1B200] =	vst v19;
	v21 =	vmul.f32 v21, v5;
	v19 =	vld.idx.msk [tilespmem:v29+s5+$0x0], $0xffff  }
0x465: {  	v15 =	vld.idx.msk [tilespmem:v15+s5+$0x0], $0xffff;
	[tilespmem:s0+$0x1B280] =	vst v22;
	v22 =	vmul.f32 v27, v16  }
0x466: {  	[tilespmem:s14+$0x1B200] =	vst v21;
	v23 =	vmul.f32 v23, v7;
	v21 =	vld.idx.msk [tilespmem:v31+s5+$0x0], $0xffff  }
0x467: {  	v17 =	vld.idx.msk [tilespmem:v17+s5+$0x0], $0xffff;
	v6 =	vadd.s32 $0x300, v6;
	[tilespmem:s16+$0x1B280] =	vst v22;
	v22 =	vmul.f32 v26, v13  }
0x468: {  	[tilespmem:s0+$0x1B200] =	vst v23;
	v2 =	vmul.f32 v3, v2;
	v3 =	vld.idx.msk [tilespmem:v28+s5+$0x0], $0xffff  }
0x469: {  	v20 =	vld.idx.msk [tilespmem:v20+s5+$0x0], $0xffff;
	v9 =	vadd.s32 $0x300, v9;
	v19 =	vmul.f32 v19, v4;
	[tilespmem:s16+$0x1B200] =	vst v22  }
0x46a: {  	[tilespmem:s9+$0x1C280] =	vst v2;
	v2 =	vmul.f32 v15, v1;
	v15 =	vld.idx.msk [tilespmem:v25+s5+$0x0], $0xffff  }
0x46b: {  	v10 =	vld.idx.msk [tilespmem:v10+s5+$0x0], $0xffff;
	v14 =	vadd.s32 $0x300, v14;
	[tilespmem:s14+$0x1BA80] =	vst v19;
	v19 =	vmul.f32 v21, v8  }
0x46c: {  	[tilespmem:s9+$0x1BA00] =	vst v2;
	v2 =	vld.idx.msk [tilespmem:v6+s5+$0x0], $0xffff;
	v6 =	vmul.f32 v17, v5  }
0x46d: {  	v11 =	vld.idx.msk [tilespmem:v11+s5+$0x0], $0xffff;
	[tilespmem:s0+$0x1BA80] =	vst v19;
	v3 =	vmul.f32 v3, v16  }
0x46e: {  	[tilespmem:s14+$0x1BA00] =	vst v6;
	v6 =	vld.idx.msk [tilespmem:v9+s5+$0x0], $0xffff;
	v9 =	vmul.f32 v20, v7  }
0x46f: {  	v12 =	vld.idx.msk [tilespmem:v12+s5+$0x0], $0xffff;
	[tilespmem:s16+$0x1BA80] =	vst v3;
	v3 =	vmul.f32 v15, v13  }
0x470: {  	v0 =	vmul.f32 v10, v0;
	[tilespmem:s0+$0x1BA00] =	vst v9;
	v9 =	vld.idx.msk [tilespmem:v14+s5+$0x0], $0xffff  }
0x471: {  	v2 =	vmul.f32 v2, v4;
	v4 =	vld.idx.msk [tilespmem:v18+s5+$0x0], $0xffff;
	[tilespmem:s16+$0x1BA00] =	vst v3  }
0x472: {  	[tilespmem:s7+$0x1C200] =	vst v0;
	v0 =	vmul.f32 v11, v1;
	v1 =	vld.idx.msk [tilespmem:v24+s5+$0x0], $0xffff  }
0x473: {  	[tilespmem:s14+$0x1C280] =	vst v2;
	v2 =	vmul.f32 v6, v8  }
0x474: {  	[tilespmem:s9+$0x1C200] =	vst v0;
	v0 =	vmul.f32 v12, v5  }
0x475: {  	[tilespmem:s0+$0x1C280] =	vst v2;
	v2 =	vmul.f32 v9, v16  }
0x476: {  	[tilespmem:s14+$0x1C200] =	vst v0;
	v0 =	vmul.f32 v4, v7  }
0x477: {  	[tilespmem:s16+$0x1C280] =	vst v2;
	v1 =	vmul.f32 v1, v13  }
0x478: {  	[tilespmem:s0+$0x1C200] =	vst v0  }
0x479: {  	[tilespmem:s16+$0x1C200] =	vst v1  }
0x47a: {  	s2 =	rddreg [dreg:$0xc]  }
0x47b: {  	[hbm4b:s2+s23] =	stream.strided.scatter [tilespmem:s19], [sflag:$0x7], $0x800, s24, s23, $0x38;
	[tilespmem:$0x1CA00] =	vst v63  }
0x47c: {  	s31 =	simm.s32 $0x16A00;
	s30 =	sadd.s32 $0x61C00, s2  }
0x47d: {  	[hbm4b:s30+s23] =	stream.strided.scatter [tilespmem:s31], [sflag:$0x7], $0x800, s24, s23, $0x38;
	[tilespmem:$0x1CA00] =	vst v63  }
0x47e: {  	s9 =	simm.s32 $0x17200;
	s7 =	sadd.s32 $0xC3800, s2  }
0x47f: {  	[hbm4b:s7+s23] =	stream.strided.scatter [tilespmem:s9], [sflag:$0x7], $0x800, s24, s23, $0x38;
	[tilespmem:$0x1CA00] =	vst v63  }
0x480: {  	s13 =	simm.s32 $0x17A00;
	s12 =	sadd.s32 $0x125400, s2  }
0x481: {  	[hbm4b:s12+s23] =	stream.strided.scatter [tilespmem:s13], [sflag:$0x7], $0x800, s24, s23, $0x38;
	[tilespmem:$0x1CA00] =	vst v63  }
0x482: {  	s15 =	simm.s32 $0x18200;
	s14 =	sadd.s32 $0x187000, s2  }
0x483: {  	[hbm4b:s14+s23] =	stream.strided.scatter [tilespmem:s15], [sflag:$0x7], $0x800, s24, s23, $0x38;
	[tilespmem:$0x1CA00] =	vst v63  }
0x484: {  	s17 =	simm.s32 $0x18A00;
	s16 =	sadd.s32 $0x1E8C00, s2  }
0x485: {  	[hbm4b:s16+s23] =	stream.strided.scatter [tilespmem:s17], [sflag:$0x7], $0x800, s24, s23, $0x38;
	[tilespmem:$0x1CA00] =	vst v63  }
0x486: {  	s22 =	simm.s32 $0x19200;
	s20 =	sadd.s32 $0x24A800, s2  }
0x487: {  	[hbm4b:s20+s23] =	stream.strided.scatter [tilespmem:s22], [sflag:$0x7], $0x800, s24, s23, $0x38;
	[tilespmem:$0x1CA00] =	vst v63  }
0x488: {  	s26 =	simm.s32 $0x19A00;
	s25 =	sadd.s32 $0x2AC400, s2  }
0x489: {  	[hbm4b:s25+s23] =	stream.strided.scatter [tilespmem:s26], [sflag:$0x7], $0x800, s24, s23, $0x38;
	[tilespmem:$0x1CA00] =	vst v63  }
0x48a: {  	s30 =	sadd.s32 $0x30E000, s2;
	s31 =	simm.s32 $0x1A200  }
0x48b: {  	[hbm4b:s30+s23] =	stream.strided.scatter [tilespmem:s31], [sflag:$0x7], $0x800, s24, s23, $0x38;
	[tilespmem:$0x1CA00] =	vst v63  }
0x48c: {  	s7 =	sadd.s32 $0x36FC00, s2;
	s9 =	simm.s32 $0x1AA00  }
0x48d: {  	[hbm4b:s7+s23] =	stream.strided.scatter [tilespmem:s9], [sflag:$0x7], $0x800, s24, s23, $0x38;
	[tilespmem:$0x1CA00] =	vst v63  }
0x48e: {  	s12 =	sadd.s32 $0x3D1800, s2;
	s13 =	simm.s32 $0x1B200  }
0x48f: {  	[hbm4b:s12+s23] =	stream.strided.scatter [tilespmem:s13], [sflag:$0x7], $0x800, s24, s23, $0x38;
	[tilespmem:$0x1CA00] =	vst v63  }
0x490: {  	s14 =	sadd.s32 $0x433400, s2;
	s15 =	simm.s32 $0x1BA00  }
0x491: {  	[hbm4b:s14+s23] =	stream.strided.scatter [tilespmem:s15], [sflag:$0x7], $0x800, s24, s23, $0x38;
	[tilespmem:$0x1CA00] =	vst v63  }
0x492: {  	s16 =	sadd.s32 $0x495000, s2;
	s17 =	simm.s32 $0x1C200  }
0x493: {  	[hbm4b:s16+s23] =	stream.strided.scatter [tilespmem:s17], [sflag:$0x7], $0x800, s24, s23, $0x38;
	[tilespmem:$0x1CA00] =	vst v63  }
0x494: {  	_ =	swait.ge [sflag:s18], $0x6800  }
0x495: {  	[sflag:s18] =	ssyncset.done $0x0  }
0x496: {  	s22 =	simm.s32 $0x15A00;
	s20 =	rddreg [dreg:$0xd];
	[sflag:s18] =	ssyncadd.s32 $0xFFFF9800  }
0x497: {  	[tilespmem:s22], [sflag:$0x7] =	stream.strided.gather [hbm4b:s20+s23], $0x800, s24, s23, $0x38;
	[tilespmem:$0x1CA00] =	vst v63  }
0x498: {  	_ =	swait.ge [sflag:s18], $0x800  }
0x499: {  	s25 =	simm.s32 $0x0;
	[sflag:s18] =	ssyncset.done $0x0  }
0x49a: {  	s26 =	sand.u32 $0x70, s25;
	[sflag:s18] =	ssyncadd.s32 $0xFFFFF800  }
0x49b: {  	v0 =	vld [tilespmem:s26+$0x15980];
	_ =	sdelay $0x4  }
0x49c: {  	s0 =	sand.u32 $0xE, s25;
	v0 =	vmul.u32 $0x341, v0  }
0x49d: {  	s30 =	sor.u32 $0x21, s0  }
0x49e: {  	v11 =	vadd.s32 s30, v0  }
0x49f: {  	s31 =	sshll.u32 s0, $0x7  }
0x4a0: {  	s7 =	sor.u32 s26, s31  }
0x4a1: {  	v1 =	vld [tilespmem:s7+$0x15A80];
	_ =	sdelay $0x1  }
0x4a2: {  	s0 =	sor.u32 $0x20, s0;
	v2 =	vld.idx.msk [tilespmem:v11+s5+$0x0], $0xffff  }
0x4a3: {  	v10 =	vadd.s32 s0, v0;
	_ =	sdelay $0x1  }
0x4a4: {  	v13 =	vadd.f32 $1.000000000e+00, v1;
	v0 =	vadd.s32 $0x40, v11  }
0x4a5: {  	v1 =	vld [tilespmem:s7+$0x15A00]  }
0x4a6: {  	v2 =	vmul.f32 v13, v2  }
0x4a7: {  	v3 =	vld.idx.msk [tilespmem:v10+s5+$0x0], $0xffff  }
0x4a8: {  	[tilespmem:s7+$0x16280] =	vst v2  }
0x4a9: {  	v2 =	vld.idx.msk [tilespmem:v0+s5+$0x0], $0xffff  }
0x4aa: {  	v4 =	vadd.s32 $0x40, v10;
	v0 =	vadd.f32 $1.000000000e+00, v1;
	_ =	sdelay $0x1  }
0x4ab: {  	s9 =	simm.s32 $0x2;
	v1 =	vmul.f32 v0, v3;
	v3 =	vadd.s32 $0x80, v11  }
0x4ac: {  	s12 =	sand.u32 $0x70, s9  }
0x4ad: {  	[tilespmem:s7+$0x16200] =	vst v1;
	v1 =	vmul.f32 v2, v13;
	v2 =	vld [tilespmem:s12+$0x15980]  }
0x4ae: {  	v4 =	vld.idx.msk [tilespmem:v4+s5+$0x0], $0xffff  }
0x4af: {  	[tilespmem:s7+$0x16A80] =	vst v1  }
0x4b0: {  	v1 =	vld.idx.msk [tilespmem:v3+s5+$0x0], $0xffff  }
0x4b1: {  	v5 =	vadd.s32 $0x80, v10;
	_ =	sdelay $0x1  }
0x4b2: {  	s0 =	sand.u32 $0xE, s9;
	v6 =	vadd.s32 $0xC0, v11;
	v2 =	vmul.u32 $0x341, v2;
	v4 =	vmul.f32 v4, v0  }
0x4b3: {  	s13 =	sor.u32 $0x21, s0  }
0x4b4: {  	s14 =	sshll.u32 s0, $0x7;
	v3 =	vadd.s32 s13, v2;
	[tilespmem:s7+$0x16A00] =	vst v4;
	v1 =	vmul.f32 v1, v13  }
0x4b5: {  	s9 =	sor.u32 s12, s14;
	v4 =	vld.idx.msk [tilespmem:v5+s5+$0x0], $0xffff  }
0x4b6: {  	s0 =	sor.u32 $0x20, s0;
	[tilespmem:s7+$0x17280] =	vst v1;
	v1 =	vld [tilespmem:s9+$0x15A80]  }
0x4b7: {  	v12 =	vadd.s32 s0, v2;
	v5 =	vld.idx.msk [tilespmem:v6+s5+$0x0], $0xffff  }
0x4b8: {  	v6 =	vadd.s32 $0xC0, v10  }
0x4b9: {  	v7 =	vld.idx.msk [tilespmem:v3+s5+$0x0], $0xffff  }
0x4ba: {  	v9 =	vadd.s32 $0x100, v11;
	v8 =	vld [tilespmem:s9+$0x15A00];
	v4 =	vmul.f32 v4, v0;
	_ =	sdelay $0x1  }
0x4bb: {  	v2 =	vadd.f32 $1.000000000e+00, v1;
	[tilespmem:s7+$0x17200] =	vst v4;
	v4 =	vld.idx.msk [tilespmem:v12+s5+$0x0], $0xffff;
	v1 =	vmul.f32 v5, v13  }
0x4bc: {  	v14 =	vadd.s32 $0x40, v3;
	v5 =	vld.idx.msk [tilespmem:v6+s5+$0x0], $0xffff  }
0x4bd: {  	v6 =	vmul.f32 v2, v7;
	[tilespmem:s7+$0x17A80] =	vst v1  }
0x4be: {  	v7 =	vadd.s32 $0x40, v12;
	v1 =	vadd.f32 $1.000000000e+00, v8;
	v8 =	vld.idx.msk [tilespmem:v9+s5+$0x0], $0xffff  }
0x4bf: {  	[tilespmem:s9+$0x16280] =	vst v6;
	v6 =	vadd.s32 $0x100, v10  }
0x4c0: {  	v4 =	vmul.f32 v1, v4  }
0x4c1: {  	v9 =	vld.idx.msk [tilespmem:v14+s5+$0x0], $0xffff;
	v14 =	vadd.s32 $0x140, v11;
	v5 =	vmul.f32 v5, v0  }
0x4c2: {  	[tilespmem:s9+$0x16200] =	vst v4  }
0x4c3: {  	s15 =	simm.s32 $0x4;
	v7 =	vld.idx.msk [tilespmem:v7+s5+$0x0], $0xffff;
	[tilespmem:s7+$0x17A00] =	vst v5;
	v5 =	vmul.f32 v8, v13  }
0x4c4: {  	s16 =	sand.u32 $0x70, s15;
	v4 =	vadd.s32 $0x80, v3;
	v6 =	vld.idx.msk [tilespmem:v6+s5+$0x0], $0xffff  }
0x4c5: {  	[tilespmem:s7+$0x18280] =	vst v5;
	v5 =	vld [tilespmem:s16+$0x15980]  }
0x4c6: {  	v8 =	vmul.f32 v9, v2;
	v9 =	vld.idx.msk [tilespmem:v14+s5+$0x0], $0xffff;
	_ =	sdelay $0x1  }
0x4c7: {  	[tilespmem:s9+$0x16A80] =	vst v8;
	v8 =	vadd.s32 $0x80, v12  }
0x4c8: {  	v15 =	vadd.s32 $0x180, v11;
	s0 =	sand.u32 $0xE, s15;
	v4 =	vld.idx.msk [tilespmem:v4+s5+$0x0], $0xffff;
	v7 =	vmul.f32 v7, v1  }
0x4c9: {  	s12 =	sor.u32 $0x21, s0;
	s17 =	sor.u32 $0x20, s0;
	s0 =	sshll.u32 s0, $0x7;
	v14 =	vadd.s32 $0x140, v10;
	v6 =	vmul.f32 v6, v0  }
0x4ca: {  	s14 =	sor.u32 s16, s0;
	[tilespmem:s9+$0x16A00] =	vst v7;
	v5 =	vmul.u32 $0x341, v5;
	v7 =	vmul.f32 v9, v13  }
0x4cb: {  	v17 =	vadd.s32 $0xC0, v3;
	v19 =	vld [tilespmem:s14+$0x15A00];
	[tilespmem:s7+$0x18200] =	vst v6  }
0x4cc: {  	v8 =	vld.idx.msk [tilespmem:v8+s5+$0x0], $0xffff;
	v6 =	vadd.s32 s12, v5;
	[tilespmem:s7+$0x18A80] =	vst v7  }
0x4cd: {  	v4 =	vmul.f32 v4, v2;
	v7 =	vld.idx.msk [tilespmem:v15+s5+$0x0], $0xffff  }
0x4ce: {  	v9 =	vld.idx.msk [tilespmem:v14+s5+$0x0], $0xffff;
	v16 =	vadd.s32 s17, v5  }
0x4cf: {  	v14 =	vadd.s32 $0xC0, v12;
	[tilespmem:s9+$0x17280] =	vst v4;
	v4 =	vld [tilespmem:s14+$0x15A80]  }
0x4d0: {  	v5 =	vld.idx.msk [tilespmem:v17+s5+$0x0], $0xffff;
	v17 =	vadd.s32 $0x1C0, v11  }
0x4d1: {  	v18 =	vadd.s32 $0x180, v10;
	v8 =	vmul.f32 v8, v1;
	v15 =	vld.idx.msk [tilespmem:v6+s5+$0x0], $0xffff  }
0x4d2: {  	v7 =	vmul.f32 v7, v13  }
0x4d3: {  	v20 =	vadd.s32 $0x100, v3;
	[tilespmem:s9+$0x17200] =	vst v8;
	v8 =	vmul.f32 v9, v0;
	v9 =	vld.idx.msk [tilespmem:v16+s5+$0x0], $0xffff  }
0x4d4: {  	v21 =	vadd.s32 $0x40, v6;
	v4 =	vadd.f32 $1.000000000e+00, v4;
	v14 =	vld.idx.msk [tilespmem:v14+s5+$0x0], $0xffff;
	[tilespmem:s7+$0x19280] =	vst v7  }
0x4d5: {  	v22 =	vmul.f32 v5, v2;
	[tilespmem:s7+$0x18A00] =	vst v8;
	v7 =	vld.idx.msk [tilespmem:v17+s5+$0x0], $0xffff  }
0x4d6: {  	v8 =	vadd.s32 $0x40, v16;
	v5 =	vadd.f32 $1.000000000e+00, v19;
	v15 =	vmul.f32 v4, v15;
	v17 =	vld.idx.msk [tilespmem:v18+s5+$0x0], $0xffff  }
0x4d7: {  	[tilespmem:s9+$0x17A80] =	vst v22;
	v18 =	vadd.s32 $0x100, v12  }
0x4d8: {  	v19 =	vld.idx.msk [tilespmem:v20+s5+$0x0], $0xffff;
	v9 =	vmul.f32 v5, v9;
	[tilespmem:s14+$0x16280] =	vst v15;
	v15 =	vadd.s32 $0x200, v11  }
0x4d9: {  	v20 =	vadd.s32 $0x1C0, v10;
	v14 =	vmul.f32 v14, v1;
	v21 =	vld.idx.msk [tilespmem:v21+s5+$0x0], $0xffff  }
0x4da: {  	[tilespmem:s14+$0x16200] =	vst v9;
	v7 =	vmul.f32 v7, v13  }
0x4db: {  	v9 =	vadd.s32 $0x140, v3;
	v8 =	vld.idx.msk [tilespmem:v8+s5+$0x0], $0xffff;
	[tilespmem:s9+$0x17A00] =	vst v14;
	v14 =	vmul.f32 v17, v0  }
0x4dc: {  	v17 =	vadd.s32 $0x80, v6;
	v18 =	vld.idx.msk [tilespmem:v18+s5+$0x0], $0xffff;
	[tilespmem:s7+$0x19A80] =	vst v7  }
0x4dd: {  	s20 =	simm.s32 $0x6;
	v19 =	vmul.f32 v19, v2;
	[tilespmem:s7+$0x19200] =	vst v14;
	v7 =	vld.idx.msk [tilespmem:v15+s5+$0x0], $0xffff  }
0x4de: {  	s22 =	sand.u32 $0x70, s20;
	v14 =	vmul.f32 v21, v4;
	v15 =	vld.idx.msk [tilespmem:v20+s5+$0x0], $0xffff  }
0x4df: {  	[tilespmem:s9+$0x18280] =	vst v19;
	v19 =	vadd.s32 $0x80, v16;
	v21 =	vld [tilespmem:s22+$0x15980]  }
0x4e0: {  	s0 =	sand.u32 $0xE, s20;
	v20 =	vadd.s32 $0x140, v12;
	v9 =	vld.idx.msk [tilespmem:v9+s5+$0x0], $0xffff;
	[tilespmem:s14+$0x16A80] =	vst v14  }
0x4e1: {  	s25 =	sor.u32 $0x21, s0;
	s13 =	sor.u32 $0x20, s0;
	s0 =	sshll.u32 s0, $0x7;
	v8 =	vmul.f32 v8, v5;
	v14 =	vld.idx.msk [tilespmem:v17+s5+$0x0], $0xffff;
	v17 =	vadd.s32 $0x240, v11  }
0x4e2: {  	s0 =	sor.u32 s22, s0;
	v22 =	vadd.s32 $0x200, v10;
	v18 =	vmul.f32 v18, v1  }
0x4e3: {  	v24 =	vld [tilespmem:s0+$0x15A00];
	[tilespmem:s14+$0x16A00] =	vst v8;
	v8 =	vadd.s32 $0x180, v3;
	v7 =	vmul.f32 v7, v13  }
0x4e4: {  	[tilespmem:s9+$0x18200] =	vst v18;
	v19 =	vld.idx.msk [tilespmem:v19+s5+$0x0], $0xffff;
	v15 =	vmul.f32 v15, v0  }
0x4e5: {  	v23 =	vadd.s32 $0xC0, v6;
	v18 =	vmul.u32 $0x341, v21;
	v20 =	vld.idx.msk [tilespmem:v20+s5+$0x0], $0xffff;
	v21 =	vmul.f32 v9, v2;
	[tilespmem:s7+$0x1A280] =	vst v7  }
0x4e6: {  	[tilespmem:s7+$0x19A00] =	vst v15;
	v7 =	vld.idx.msk [tilespmem:v17+s5+$0x0], $0xffff  }
0x4e7: {  	s2 =	simm.s32 $0x8;
	v9 =	vadd.s32 s25, v18;
	v14 =	vmul.f32 v14, v4;
	[tilespmem:s9+$0x18A80] =	vst v21;
	v15 =	vld.idx.msk [tilespmem:v22+s5+$0x0], $0xffff  }
0x4e8: {  	s30 =	sand.u32 $0xE, s2;
	v18 =	vadd.s32 s13, v18;
	v8 =	vld.idx.msk [tilespmem:v8+s5+$0x0], $0xffff  }
0x4e9: {  	s26 =	sand.u32 $0x70, s2;
	s13 =	sshll.u32 s30, $0x7;
	v21 =	vadd.s32 $0xC0, v16;
	v22 =	vld [tilespmem:s0+$0x15A80];
	[tilespmem:s14+$0x17280] =	vst v14  }
0x4ea: {  	v17 =	vadd.s32 $0x280, v11;
	s16 =	sor.u32 s26, s13;
	v14 =	vld.idx.msk [tilespmem:v23+s5+$0x0], $0xffff  }
0x4eb: {  	v53 =	vld [tilespmem:s16+$0x15A80];
	v19 =	vmul.f32 v19, v5;
	v23 =	vadd.s32 $0x1C0, v3  }
0x4ec: {  	v25 =	vadd.s32 $0x180, v12;
	v26 =	vld.idx.msk [tilespmem:v9+s5+$0x0], $0xffff;
	v7 =	vmul.f32 v7, v13  }
0x4ed: {  	v28 =	vadd.s32 $0x100, v6;
	v27 =	vld.idx.msk [tilespmem:v18+s5+$0x0], $0xffff;
	[tilespmem:s14+$0x17200] =	vst v19;
	v29 =	vmul.f32 v8, v2  }
0x4ee: {  	v30 =	vadd.s32 $0x240, v10;
	[tilespmem:s7+$0x1AA80] =	vst v7;
	v7 =	vmul.f32 v20, v1;
	v20 =	vld.idx.msk [tilespmem:v21+s5+$0x0], $0xffff  }
0x4ef: {  	v8 =	vadd.f32 $1.000000000e+00, v22;
	v17 =	vld.idx.msk [tilespmem:v17+s5+$0x0], $0xffff;
	v14 =	vmul.f32 v14, v4;
	[tilespmem:s9+$0x19280] =	vst v29  }
0x4f0: {  	v19 =	vadd.s32 $0x40, v9;
	v15 =	vmul.f32 v15, v0;
	[tilespmem:s9+$0x18A00] =	vst v7;
	v22 =	vld.idx.msk [tilespmem:v23+s5+$0x0], $0xffff  }
0x4f1: {  	v21 =	vadd.s32 $0x40, v18;
	v7 =	vadd.f32 $1.000000000e+00, v24;
	v23 =	vmul.f32 v8, v26;
	[tilespmem:s14+$0x17A80] =	vst v14;
	v14 =	vld.idx.msk [tilespmem:v25+s5+$0x0], $0xffff  }
0x4f2: {  	[tilespmem:s7+$0x1A200] =	vst v15;
	v24 =	vadd.s32 $0x2C0, v11;
	v15 =	vld.idx.msk [tilespmem:v28+s5+$0x0], $0xffff  }
0x4f3: {  	v26 =	vadd.s32 $0x100, v16;
	v25 =	vmul.f32 v7, v27;
	[tilespmem:s0+$0x16280] =	vst v23;
	v23 =	vld.idx.msk [tilespmem:v30+s5+$0x0], $0xffff  }
0x4f4: {  	v27 =	vadd.s32 $0x200, v3;
	v28 =	vld [tilespmem:s26+$0x15980];
	v17 =	vmul.f32 v17, v13  }
0x4f5: {  	v19 =	vld.idx.msk [tilespmem:v19+s5+$0x0], $0xffff;
	v20 =	vmul.f32 v20, v5;
	[tilespmem:s0+$0x16200] =	vst v25;
	v25 =	vadd.s32 $0x1C0, v12  }
0x4f6: {  	v21 =	vld.idx.msk [tilespmem:v21+s5+$0x0], $0xffff;
	v22 =	vmul.f32 v22, v2;
	[tilespmem:s7+$0x1B280] =	vst v17;
	v17 =	vadd.s32 $0x140, v6  }
0x4f7: {  	v29 =	vadd.s32 $0x280, v10;
	[tilespmem:s14+$0x17A00] =	vst v20;
	v14 =	vmul.f32 v14, v1;
	v24 =	vld.idx.msk [tilespmem:v24+s5+$0x0], $0xffff  }
0x4f8: {  	v20 =	vadd.s32 $0x80, v9;
	v26 =	vld.idx.msk [tilespmem:v26+s5+$0x0], $0xffff;
	v15 =	vmul.f32 v15, v4;
	[tilespmem:s9+$0x19A80] =	vst v22  }
0x4f9: {  	v22 =	vadd.s32 $0x80, v18;
	v23 =	vmul.f32 v23, v0;
	[tilespmem:s9+$0x19200] =	vst v14;
	v14 =	vld.idx.msk [tilespmem:v27+s5+$0x0], $0xffff  }
0x4fa: {  	v34 =	vadd.s32 $0x2C0, v10;
	v11 =	vadd.s32 $0x300, v11;
	v19 =	vmul.f32 v19, v8;
	[tilespmem:s14+$0x18280] =	vst v15;
	v15 =	vld.idx.msk [tilespmem:v25+s5+$0x0], $0xffff  }
0x4fb: {  	v35 =	vadd.s32 $0x240, v12;
	v25 =	vadd.s32 $0x140, v16;
	[tilespmem:s7+$0x1AA00] =	vst v23;
	v21 =	vmul.f32 v21, v7;
	v17 =	vld.idx.msk [tilespmem:v17+s5+$0x0], $0xffff  }
0x4fc: {  	v51 =	vadd.s32 $0x280, v3;
	v23 =	vadd.s32 $0x240, v3;
	[tilespmem:s0+$0x16A80] =	vst v19;
	v31 =	vld.idx.msk [tilespmem:v29+s5+$0x0], $0xffff;
	v19 =	vmul.f32 v24, v13  }
0x4fd: {  	v27 =	vadd.s32 $0x200, v12;
	v20 =	vld.idx.msk [tilespmem:v20+s5+$0x0], $0xffff;
	v24 =	vmul.u32 $0x341, v28;
	[tilespmem:s0+$0x16A00] =	vst v21;
	v21 =	vmul.f32 v26, v5  }
0x4fe: {  	s31 =	sor.u32 $0x21, s30;
	s15 =	sor.u32 $0x20, s30;
	v36 =	vadd.s32 $0x180, v16;
	v30 =	vadd.s32 $0x180, v6;
	v29 =	vld.idx.msk [tilespmem:v22+s5+$0x0], $0xffff;
	v22 =	vmul.f32 v14, v2;
	[tilespmem:s7+$0x1BA80] =	vst v19  }
0x4ff: {  	v44 =	vadd.s32 s15, v24;
	v14 =	vadd.s32 s31, v24;
	[tilespmem:s14+$0x18200] =	vst v21;
	v15 =	vmul.f32 v15, v1;
	v24 =	vld.idx.msk [tilespmem:v11+s5+$0x0], $0xffff  }
0x500: {  	v55 =	vadd.s32 $0x1C0, v6;
	v59 =	vadd.s32 $0xC0, v9;
	v25 =	vld.idx.msk [tilespmem:v25+s5+$0x0], $0xffff;
	[tilespmem:s9+$0x1A280] =	vst v22;
	v17 =	vmul.f32 v17, v4  }
0x501: {  	v52 =	vadd.s32 $0xC0, v18;
	v45 =	vadd.s32 $0x100, v18;
	v31 =	vmul.f32 v31, v0;
	[tilespmem:s9+$0x19A00] =	vst v15;
	v23 =	vld.idx.msk [tilespmem:v23+s5+$0x0], $0xffff  }
0x502: {  	v33 =	vadd.s32 $0x140, v18;
	v28 =	vadd.s32 $0x1C0, v16;
	v20 =	vmul.f32 v20, v8;
	v60 =	vld.idx.msk [tilespmem:v27+s5+$0x0], $0xffff;
	[tilespmem:s14+$0x18A80] =	vst v17  }
0x503: {  	v26 =	vadd.s32 $0x200, v16;
	v19 =	vadd.s32 $0x280, v12;
	v21 =	vadd.s32 $0x280, v16;
	[tilespmem:s7+$0x1B200] =	vst v31;
	v27 =	vld.idx.msk [tilespmem:v30+s5+$0x0], $0xffff  }
0x504: {  	v11 =	vadd.s32 $0x300, v12;
	v22 =	vadd.s32 $0x240, v16;
	v15 =	vadd.s32 $0x2C0, v12;
	[tilespmem:s0+$0x17280] =	vst v20;
	v43 =	vld.idx.msk [tilespmem:v34+s5+$0x0], $0xffff  }
0x505: {  	v12 =	vadd.s32 $0x300, v16;
	v17 =	vadd.s32 $0x2C0, v16;
	v16 =	vmul.f32 v29, v7;
	v20 =	vld.idx.msk [tilespmem:v59+s5+$0x0], $0xffff  }
0x506: {  	v32 =	vadd.s32 $0x180, v18;
	v61 =	vadd.s32 $0x100, v9;
	v54 =	vld.idx.msk [tilespmem:v14+s5+$0x0], $0xffff;
	v13 =	vmul.f32 v24, v13  }
0x507: {  	v48 =	vadd.s32 $0x140, v9;
	v10 =	vadd.s32 $0x300, v10;
	[tilespmem:s0+$0x17200] =	vst v16;
	v24 =	vld [tilespmem:s16+$0x15A00];
	v23 =	vmul.f32 v23, v2  }
0x508: {  	v57 =	vadd.s32 $0x40, v14;
	v40 =	vadd.s32 $0x80, v44;
	v58 =	vld.idx.msk [tilespmem:v52+s5+$0x0], $0xffff;
	[tilespmem:s7+$0x1C280] =	vst v13;
	v62 =	vmul.f32 v27, v4  }
0x509: {  	v38 =	vadd.s32 $0xC0, v44;
	v37 =	vadd.s32 $0x100, v44;
	v56 =	vld.idx.msk [tilespmem:v44+s5+$0x0], $0xffff;
	v25 =	vmul.f32 v25, v5;
	[tilespmem:s9+$0x1AA80] =	vst v23  }
0x50a: {  	v39 =	vadd.s32 $0x140, v44;
	v16 =	vadd.f32 $1.000000000e+00, v53;
	v63 =	vld.idx.msk [tilespmem:v51+s5+$0x0], $0xffff;
	v59 =	vmul.f32 v20, v8;
	[tilespmem:s14+$0x19280] =	vst v62  }
0x50b: {  	v41 =	vadd.s32 $0x1C0, v44;
	v50 =	vadd.s32 $0x80, v14;
	[tilespmem:s14+$0x18A00] =	vst v25;
	v25 =	vmul.f32 v60, v1;
	v42 =	vld.idx.msk [tilespmem:v55+s5+$0x0], $0xffff  }
0x50c: {  	v60 =	vadd.s32 $0x40, v44;
	v52 =	vld.idx.msk [tilespmem:v36+s5+$0x0], $0xffff;
	v13 =	vadd.f32 $1.000000000e+00, v24;
	v24 =	vmul.f32 v16, v54;
	[tilespmem:s0+$0x17A80] =	vst v59  }
0x50d: {  	v31 =	vadd.s32 $0x240, v44;
	[tilespmem:s9+$0x1A200] =	vst v25;
	v25 =	vadd.s32 $0x2C0, v3;
	v62 =	vmul.f32 v58, v7;
	v53 =	vld.idx.msk [tilespmem:v61+s5+$0x0], $0xffff  }
0x50e: {  	v29 =	vadd.s32 $0x200, v18;
	v54 =	vld.idx.msk [tilespmem:v35+s5+$0x0], $0xffff;
	v61 =	vmul.f32 v13, v56;
	[tilespmem:s16+$0x16280] =	vst v24;
	v55 =	vadd.s32 $0x200, v6  }
0x50f: {  	v34 =	vadd.s32 $0x200, v44;
	v30 =	vadd.s32 $0x1C0, v18;
	v47 =	vld.idx.msk [tilespmem:v57+s5+$0x0], $0xffff;
	[tilespmem:s0+$0x17A00] =	vst v62;
	v24 =	vmul.f32 v63, v2  }
0x510: {  	v23 =	vadd.s32 $0x280, v18;
	v36 =	vadd.s32 $0x180, v44;
	[tilespmem:s16+$0x16200] =	vst v61;
	v46 =	vld.idx.msk [tilespmem:v45+s5+$0x0], $0xffff;
	v63 =	vmul.f32 v42, v4  }
0x511: {  	v27 =	vadd.s32 $0x240, v18;
	v20 =	vadd.s32 $0x2C0, v18;
	v52 =	vmul.f32 v52, v5;
	v49 =	vld.idx.msk [tilespmem:v60+s5+$0x0], $0xffff;
	[tilespmem:s9+$0x1B280] =	vst v24  }
0x512: {  	v18 =	vadd.s32 $0x300, v18;
	v35 =	vadd.s32 $0x280, v44;
	v42 =	vld.idx.msk [tilespmem:v25+s5+$0x0], $0xffff;
	v51 =	vmul.f32 v53, v8;
	[tilespmem:s14+$0x19A80] =	vst v63  }
0x513: {  	[tilespmem:s14+$0x19200] =	vst v52;
	v45 =	vmul.f32 v54, v1;
	v24 =	vadd.s32 $0x300, v44;
	v25 =	vadd.s32 $0x2C0, v44;
	v44 =	vld.idx.msk [tilespmem:v55+s5+$0x0], $0xffff  }
.LBB2_17:
0x514: {  	s2 =	sadd.s32 $0x2, s2;
	v47 =	vmul.f32 v47, v16;
	[tilespmem:s0+$0x18280] =	vst v51;
	v51 =	vld.idx.msk [tilespmem:v28+s5+$0x0], $0xffff;
	v28 =	vmov v30;
	v30 =	vmov v41  }
0x515: {  	v43 =	vmul.f32 v43, v0;
	s12 =	sand.u32 $0x70, s2;
	p1 =	slt.u32 s2, $0x4E;
	v41 =	vld.idx.msk [tilespmem:v48+s5+$0x0], $0xffff;
	[tilespmem:s9+$0x1AA00] =	vst v45;
	v45 =	vadd.s32 $0x300, v3;
	v3 =	vmovc v6;
	v6 =	vmov v9  }
0x516: {  	v49 =	vmul.f32 v49, v13;
	v9 =	vmov v14;
	v48 =	vld [tilespmem:s12+$0x15980];
	[tilespmem:s16+$0x16A80] =	vst v47  }
0x517: {  	v14 =	vadd.s32 $0x240, v3;
	v42 =	vmul.f32 v42, v2;
	v47 =	vld.idx.msk [tilespmem:v50+s5+$0x0], $0xffff;
	[tilespmem:s7+$0x1BA00] =	vst v43  }
0x518: {  	v43 =	vmul.f32 v46, v7;
	[tilespmem:s16+$0x16A00] =	vst v49;
	v46 =	vld.idx.msk [tilespmem:v19+s5+$0x0], $0xffff;
	v19 =	vmovc v21;
	v21 =	vmov v23;
	v23 =	vmov v35  }
0x519: {  	v49 =	vadd.s32 $0x180, v6;
	v35 =	vld.idx.msk [tilespmem:v40+s5+$0x0], $0xffff;
	v40 =	vmul.f32 v44, v4;
	[tilespmem:s9+$0x1BA80] =	vst v42  }
0x51a: {  	v42 =	vmul.f32 v51, v5;
	[tilespmem:s0+$0x18200] =	vst v43;
	v43 =	vld.idx.msk [tilespmem:v45+s5+$0x0], $0xffff  }
0x51b: {  	s13 =	sand.u32 $0xE, s2;
	v45 =	vadd.s32 $0xC0, v9;
	v41 =	vmul.f32 v41, v8;
	v44 =	vmul.u32 $0x341, v48;
	v48 =	vld.idx.msk [tilespmem:v33+s5+$0x0], $0xffff;
	[tilespmem:s14+$0x1A280] =	vst v40;
	v33 =	vmovc v39  }
0x51c: {  	s15 =	sor.u32 $0x20, s13;
	s17 =	sor.u32 $0x21, s13;
	[tilespmem:s14+$0x19A00] =	vst v42;
	v42 =	vld.idx.msk [tilespmem:v14+s5+$0x0], $0xffff  }
0x51d: {  	v50 =	vadd.s32 s15, v44;
	v14 =	vadd.s32 s17, v44;
	v44 =	vmul.f32 v47, v16;
	[tilespmem:s0+$0x18A80] =	vst v41;
	v47 =	vld.idx.msk [tilespmem:v26+s5+$0x0], $0xffff;
	v26 =	vmovc v29  }
0x51e: {  	v29 =	vmovc v34;
	v51 =	vadd.s32 $0x40, v50;
	v40 =	vadd.s32 $0x80, v50;
	v52 =	vadd.s32 $0xC0, v50;
	v49 =	vld.idx.msk [tilespmem:v49+s5+$0x0], $0xffff  }
0x51f: {  	s13 =	sshll.u32 s13, $0x7;
	v53 =	vadd.s32 $0x100, v50;
	v39 =	vadd.s32 $0x140, v50;
	v35 =	vmul.f32 v35, v13;
	[tilespmem:s16+$0x17280] =	vst v44;
	v44 =	vld.idx.msk [tilespmem:v10+s5+$0x0], $0xffff;
	v10 =	vmovc v11  }
0x520: {  	v55 =	vadd.s32 $0x280, v3;
	s12 =	sor.u32 s12, s13;
	v54 =	vadd.s32 $0x180, v50;
	v43 =	vmul.f32 v43, v2;
	v11 =	vmovc v12;
	v12 =	vmovc v18;
	v45 =	vld.idx.msk [tilespmem:v45+s5+$0x0], $0xffff  }
0x521: {  	v41 =	vadd.s32 $0x1C0, v50;
	v34 =	vadd.s32 $0x200, v50;
	v18 =	vmovc v24;
	v2 =	vmovc v4;
	v48 =	vmul.f32 v48, v7;
	v56 =	vld [tilespmem:s12+$0x15A80];
	[tilespmem:s16+$0x17200] =	vst v35  }
0x522: {  	v59 =	vadd.s32 $0x1C0, v6;
	v57 =	vadd.s32 $0x240, v50;
	v4 =	vmovc v8;
	v24 =	vmul.f32 v42, v2;
	v58 =	vld.idx.msk [tilespmem:v14+s5+$0x0], $0xffff;
	[tilespmem:s9+$0x1C280] =	vst v43  }
0x523: {  	v46 =	vmul.f32 v46, v1;
	v8 =	vmovc v16;
	v35 =	vadd.s32 $0x280, v50;
	v43 =	vmul.f32 v47, v5;
	v42 =	vld [tilespmem:s12+$0x15A00];
	[tilespmem:s0+$0x18A00] =	vst v48  }
0x524: {  	v60 =	vadd.s32 $0x2C0, v50;
	v48 =	vadd.s32 $0x100, v9;
	v49 =	vmul.f32 v49, v4;
	v47 =	vld.idx.msk [tilespmem:v50+s5+$0x0], $0xffff;
	[tilespmem:s14+$0x1AA80] =	vst v24  }
0x525: {  	v24 =	vadd.s32 $0x300, v50;
	v44 =	vmul.f32 v44, v0;
	v0 =	vmovc v1;
	v1 =	vmov v5;
	[tilespmem:s14+$0x1A200] =	vst v43;
	v43 =	vld.idx.msk [tilespmem:v55+s5+$0x0], $0xffff  }
0x526: {  	v50 =	vadd.s32 $0x40, v14;
	v45 =	vmul.f32 v45, v8;
	v16 =	vadd.f32 $1.000000000e+00, v56;
	v55 =	vld.idx.msk [tilespmem:v38+s5+$0x0], $0xffff;
	[tilespmem:s0+$0x19280] =	vst v49;
	v38 =	vmovc v52  }
0x527: {  	v5 =	vmov v7;
	v7 =	vmov v13;
	v52 =	vld.idx.msk [tilespmem:v59+s5+$0x0], $0xffff;
	[tilespmem:s9+$0x1B200] =	vst v46  }
0x528: {  	v13 =	vadd.f32 $1.000000000e+00, v42;
	v42 =	vmul.f32 v16, v58;
	[tilespmem:s16+$0x17A80] =	vst v45;
	v45 =	vld.idx.msk [tilespmem:v32+s5+$0x0], $0xffff;
	v32 =	vmovc v36;
	v36 =	vmov v54  }
0x529: {  	v46 =	vadd.s32 $0x2C0, v3;
	v54 =	vld.idx.msk [tilespmem:v48+s5+$0x0], $0xffff;
	[tilespmem:s7+$0x1C200] =	vst v44;
	s7 =	smov.u32 s9;
	s9 =	smov.u32 s14;
	s14 =	smov.u32 s0  }
0x52a: {  	s0 =	smov.u32 s16;
	s16 =	smov.u32 s12;
	v44 =	vmul.f32 v13, v47;
	[tilespmem:s12+$0x16280] =	vst v42;
	v56 =	vld.idx.msk [tilespmem:v22+s5+$0x0], $0xffff;
	v22 =	vmovc v27;
	v27 =	vmov v31;
	v31 =	vmov v57  }
0x52b: {  	v57 =	vadd.s32 $0x200, v6;
	v42 =	vmul.f32 v43, v2;
	v47 =	vld.idx.msk [tilespmem:v50+s5+$0x0], $0xffff  }
.Ltmp12:
0x52c: {  	[tilespmem:s16+$0x16200] =	vst v44;
	v44 =	vmul.f32 v55, v7;
	v43 =	vld.idx.msk [tilespmem:v15+s5+$0x0], $0xffff;
	v15 =	vmovc v17;
	v17 =	vmov v20;
	v20 =	vmov v25;
	(pc) =	sbr.rel @p1 .LBB2_17-.Ltmp12, $4  }
0x52d: {  	v48 =	vadd.s32 $0x140, v9;
	v52 =	vmul.f32 v52, v4;
	v25 =	vmov v60;
	v49 =	vld.idx.msk [tilespmem:v51+s5+$0x0], $0xffff;
	[tilespmem:s9+$0x1B280] =	vst v42  }
0x52e: {  	[tilespmem:s0+$0x17A00] =	vst v44;
	v44 =	vmul.f32 v45, v5;
	v42 =	vld.idx.msk [tilespmem:v46+s5+$0x0], $0xffff  }
0x52f: {  	v50 =	vadd.s32 $0x80, v14;
	v51 =	vmul.f32 v54, v8;
	v46 =	vld.idx.msk [tilespmem:v37+s5+$0x0], $0xffff;
	[tilespmem:s14+$0x19A80] =	vst v52;
	v37 =	vmov v53  }
0x530: {  	v45 =	vmul.f32 v56, v1;
	[tilespmem:s14+$0x19200] =	vst v44;
	v44 =	vld.idx.msk [tilespmem:v57+s5+$0x0], $0xffff  }
0x531: {  	_ = 	snop  }
0x532: {  	v47 =	vmul.f32 v47, v16;
	_ =	sdelay $0x1  }
0x533: {  	v49 =	vmul.f32 v49, v13;
	[tilespmem:s16+$0x16A80] =	vst v47  }
0x534: {  	v47 =	vld.idx.msk [tilespmem:v50+s5+$0x0], $0xffff  }
0x535: {  	[tilespmem:s16+$0x16A00] =	vst v49  }
0x536: {  	v40 =	vld.idx.msk [tilespmem:v40+s5+$0x0], $0xffff  }
0x537: {  	v53 =	vadd.s32 $0xC0, v14;
	_ =	sdelay $0x1  }
0x538: {  	v47 =	vmul.f32 v47, v16;
	_ =	sdelay $0x1  }
0x539: {  	v40 =	vmul.f32 v40, v13;
	[tilespmem:s16+$0x17280] =	vst v47  }
0x53a: {  	v47 =	vld.idx.msk [tilespmem:v53+s5+$0x0], $0xffff  }
0x53b: {  	[tilespmem:s16+$0x17200] =	vst v40  }
0x53c: {  	v38 =	vld.idx.msk [tilespmem:v38+s5+$0x0], $0xffff  }
0x53d: {  	v54 =	vadd.s32 $0x100, v14;
	_ =	sdelay $0x1  }
0x53e: {  	v47 =	vmul.f32 v47, v16;
	_ =	sdelay $0x1  }
0x53f: {  	v38 =	vmul.f32 v38, v13;
	[tilespmem:s16+$0x17A80] =	vst v47  }
0x540: {  	v40 =	vld.idx.msk [tilespmem:v54+s5+$0x0], $0xffff  }
0x541: {  	[tilespmem:s16+$0x17A00] =	vst v38  }
0x542: {  	v37 =	vld.idx.msk [tilespmem:v37+s5+$0x0], $0xffff  }
0x543: {  	v55 =	vadd.s32 $0x140, v14;
	_ =	sdelay $0x1  }
0x544: {  	[tilespmem:s0+$0x18280] =	vst v51;
	v40 =	vmul.f32 v40, v16  }
0x545: {  	v56 =	vld.idx.msk [tilespmem:v48+s5+$0x0], $0xffff;
	v46 =	vmul.f32 v46, v7  }
0x546: {  	v37 =	vmul.f32 v37, v13;
	[tilespmem:s16+$0x18280] =	vst v40  }
0x547: {  	[tilespmem:s0+$0x18200] =	vst v46;
	v38 =	vld.idx.msk [tilespmem:v55+s5+$0x0], $0xffff  }
0x548: {  	v57 =	vadd.s32 $0x180, v9;
	v33 =	vld.idx.msk [tilespmem:v33+s5+$0x0], $0xffff;
	[tilespmem:s16+$0x18200] =	vst v37  }
0x549: {  	v37 =	vld.idx.msk [tilespmem:v39+s5+$0x0], $0xffff  }
0x54a: {  	v59 =	vadd.s32 $0x180, v14;
	v58 =	vmul.f32 v56, v8;
	_ =	sdelay $0x1  }
0x54b: {  	[tilespmem:s0+$0x18A80] =	vst v58;
	v38 =	vmul.f32 v38, v16  }
0x54c: {  	v33 =	vmul.f32 v33, v7;
	v39 =	vld.idx.msk [tilespmem:v57+s5+$0x0], $0xffff  }
0x54d: {  	v37 =	vmul.f32 v37, v13;
	[tilespmem:s16+$0x18A80] =	vst v38  }
0x54e: {  	[tilespmem:s0+$0x18A00] =	vst v33;
	v60 =	vld.idx.msk [tilespmem:v59+s5+$0x0], $0xffff  }
0x54f: {  	v61 =	vadd.s32 $0x1C0, v9;
	v32 =	vld.idx.msk [tilespmem:v32+s5+$0x0], $0xffff;
	[tilespmem:s16+$0x18A00] =	vst v37  }
0x550: {  	v36 =	vld.idx.msk [tilespmem:v36+s5+$0x0], $0xffff  }
0x551: {  	v63 =	vadd.s32 $0x1C0, v14;
	v62 =	vmul.f32 v39, v8;
	_ =	sdelay $0x1  }
0x552: {  	[tilespmem:s0+$0x19280] =	vst v62;
	v33 =	vmul.f32 v60, v16  }
0x553: {  	v32 =	vmul.f32 v32, v7;
	v37 =	vld.idx.msk [tilespmem:v61+s5+$0x0], $0xffff  }
0x554: {  	v28 =	vld.idx.msk [tilespmem:v28+s5+$0x0], $0xffff;
	v46 =	vmul.f32 v36, v13;
	[tilespmem:s16+$0x19280] =	vst v33  }
0x555: {  	[tilespmem:s0+$0x19200] =	vst v32;
	v47 =	vld.idx.msk [tilespmem:v63+s5+$0x0], $0xffff  }
0x556: {  	v48 =	vadd.s32 $0x200, v9;
	v30 =	vld.idx.msk [tilespmem:v30+s5+$0x0], $0xffff;
	[tilespmem:s16+$0x19200] =	vst v46  }
0x557: {  	v33 =	vld.idx.msk [tilespmem:v41+s5+$0x0], $0xffff  }
0x558: {  	v49 =	vadd.s32 $0x200, v14;
	v37 =	vmul.f32 v37, v8  }
0x559: {  	v28 =	vmul.f32 v28, v5  }
0x55a: {  	[tilespmem:s0+$0x19A80] =	vst v37;
	v32 =	vmul.f32 v47, v16  }
0x55b: {  	[tilespmem:s14+$0x19A00] =	vst v28;
	v30 =	vmul.f32 v30, v7;
	v28 =	vld.idx.msk [tilespmem:v48+s5+$0x0], $0xffff  }
0x55c: {  	v50 =	vadd.s32 $0x240, v6;
	v26 =	vld.idx.msk [tilespmem:v26+s5+$0x0], $0xffff;
	v51 =	vmul.f32 v33, v13;
	[tilespmem:s16+$0x19A80] =	vst v32  }
0x55d: {  	[tilespmem:s0+$0x19A00] =	vst v30;
	v30 =	vld.idx.msk [tilespmem:v49+s5+$0x0], $0xffff  }
0x55e: {  	v52 =	vmul.f32 v44, v4;
	v53 =	vadd.s32 $0x240, v9;
	v29 =	vld.idx.msk [tilespmem:v29+s5+$0x0], $0xffff;
	[tilespmem:s16+$0x19A00] =	vst v51  }
0x55f: {  	v32 =	vld.idx.msk [tilespmem:v34+s5+$0x0], $0xffff  }
0x560: {  	[tilespmem:s14+$0x1A280] =	vst v52;
	v54 =	vadd.s32 $0x240, v14;
	v28 =	vmul.f32 v28, v8  }
0x561: {  	v26 =	vmul.f32 v26, v5;
	v55 =	vld.idx.msk [tilespmem:v50+s5+$0x0], $0xffff  }
0x562: {  	[tilespmem:s0+$0x1A280] =	vst v28;
	v28 =	vmul.f32 v30, v16  }
0x563: {  	[tilespmem:s14+$0x1A200] =	vst v26;
	v29 =	vmul.f32 v29, v7;
	v26 =	vld.idx.msk [tilespmem:v53+s5+$0x0], $0xffff  }
0x564: {  	v22 =	vld.idx.msk [tilespmem:v22+s5+$0x0], $0xffff;
	v30 =	vadd.s32 $0x280, v6;
	[tilespmem:s16+$0x1A280] =	vst v28;
	v28 =	vmul.f32 v32, v13  }
0x565: {  	[tilespmem:s0+$0x1A200] =	vst v29;
	v29 =	vld.idx.msk [tilespmem:v54+s5+$0x0], $0xffff  }
0x566: {  	v57 =	vadd.s32 $0x280, v9;
	v56 =	vmul.f32 v55, v4;
	v27 =	vld.idx.msk [tilespmem:v27+s5+$0x0], $0xffff;
	[tilespmem:s16+$0x1A200] =	vst v28  }
0x567: {  	[tilespmem:s9+$0x1AA00] =	vst v45;
	v28 =	vmul.f32 v43, v0;
	v31 =	vld.idx.msk [tilespmem:v31+s5+$0x0], $0xffff  }
0x568: {  	v58 =	vadd.s32 $0x280, v14;
	[tilespmem:s14+$0x1AA80] =	vst v56;
	v26 =	vmul.f32 v26, v8  }
0x569: {  	v22 =	vmul.f32 v22, v5;
	[tilespmem:s7+$0x1BA00] =	vst v28;
	v28 =	vld.idx.msk [tilespmem:v30+s5+$0x0], $0xffff  }
0x56a: {  	v19 =	vld.idx.msk [tilespmem:v19+s5+$0x0], $0xffff;
	[tilespmem:s0+$0x1AA80] =	vst v26;
	v26 =	vmul.f32 v29, v16  }
0x56b: {  	v3 =	vadd.s32 $0x300, v3;
	[tilespmem:s14+$0x1AA00] =	vst v22;
	v27 =	vmul.f32 v27, v7;
	v22 =	vld.idx.msk [tilespmem:v57+s5+$0x0], $0xffff  }
0x56c: {  	v21 =	vld.idx.msk [tilespmem:v21+s5+$0x0], $0xffff;
	v29 =	vadd.s32 $0x2C0, v6;
	[tilespmem:s16+$0x1AA80] =	vst v26;
	v26 =	vmul.f32 v31, v13  }
0x56d: {  	[tilespmem:s0+$0x1AA00] =	vst v27;
	v30 =	vmul.f32 v42, v2;
	v27 =	vld.idx.msk [tilespmem:v58+s5+$0x0], $0xffff  }
0x56e: {  	v23 =	vld.idx.msk [tilespmem:v23+s5+$0x0], $0xffff;
	v31 =	vadd.s32 $0x2C0, v9;
	v28 =	vmul.f32 v28, v4;
	[tilespmem:s16+$0x1AA00] =	vst v26  }
0x56f: {  	v19 =	vmul.f32 v19, v1;
	[tilespmem:s9+$0x1BA80] =	vst v30;
	v26 =	vld.idx.msk [tilespmem:v35+s5+$0x0], $0xffff  }
0x570: {  	v3 =	vld.idx.msk [tilespmem:v3+s5+$0x0], $0xffff;
	v22 =	vmul.f32 v22, v8;
	[tilespmem:s14+$0x1B280] =	vst v28;
	v28 =	vadd.s32 $0x2C0, v14  }
0x571: {  	[tilespmem:s9+$0x1B200] =	vst v19;
	v21 =	vmul.f32 v21, v5;
	v19 =	vld.idx.msk [tilespmem:v29+s5+$0x0], $0xffff  }
0x572: {  	v15 =	vld.idx.msk [tilespmem:v15+s5+$0x0], $0xffff;
	[tilespmem:s0+$0x1B280] =	vst v22;
	v22 =	vmul.f32 v27, v16  }
0x573: {  	[tilespmem:s14+$0x1B200] =	vst v21;
	v23 =	vmul.f32 v23, v7;
	v21 =	vld.idx.msk [tilespmem:v31+s5+$0x0], $0xffff  }
0x574: {  	v17 =	vld.idx.msk [tilespmem:v17+s5+$0x0], $0xffff;
	v6 =	vadd.s32 $0x300, v6;
	[tilespmem:s16+$0x1B280] =	vst v22;
	v22 =	vmul.f32 v26, v13  }
0x575: {  	[tilespmem:s0+$0x1B200] =	vst v23;
	v2 =	vmul.f32 v3, v2;
	v3 =	vld.idx.msk [tilespmem:v28+s5+$0x0], $0xffff  }
0x576: {  	v20 =	vld.idx.msk [tilespmem:v20+s5+$0x0], $0xffff;
	v9 =	vadd.s32 $0x300, v9;
	v19 =	vmul.f32 v19, v4;
	[tilespmem:s16+$0x1B200] =	vst v22  }
0x577: {  	[tilespmem:s9+$0x1C280] =	vst v2;
	v2 =	vmul.f32 v15, v1;
	v15 =	vld.idx.msk [tilespmem:v25+s5+$0x0], $0xffff  }
0x578: {  	v10 =	vld.idx.msk [tilespmem:v10+s5+$0x0], $0xffff;
	v14 =	vadd.s32 $0x300, v14;
	[tilespmem:s14+$0x1BA80] =	vst v19;
	v19 =	vmul.f32 v21, v8  }
0x579: {  	[tilespmem:s9+$0x1BA00] =	vst v2;
	v2 =	vld.idx.msk [tilespmem:v6+s5+$0x0], $0xffff;
	v6 =	vmul.f32 v17, v5  }
0x57a: {  	v11 =	vld.idx.msk [tilespmem:v11+s5+$0x0], $0xffff;
	[tilespmem:s0+$0x1BA80] =	vst v19;
	v3 =	vmul.f32 v3, v16  }
0x57b: {  	[tilespmem:s14+$0x1BA00] =	vst v6;
	v6 =	vld.idx.msk [tilespmem:v9+s5+$0x0], $0xffff;
	v9 =	vmul.f32 v20, v7  }
0x57c: {  	v12 =	vld.idx.msk [tilespmem:v12+s5+$0x0], $0xffff;
	[tilespmem:s16+$0x1BA80] =	vst v3;
	v3 =	vmul.f32 v15, v13  }
0x57d: {  	v0 =	vmul.f32 v10, v0;
	[tilespmem:s0+$0x1BA00] =	vst v9;
	v9 =	vld.idx.msk [tilespmem:v14+s5+$0x0], $0xffff  }
0x57e: {  	v2 =	vmul.f32 v2, v4;
	v4 =	vld.idx.msk [tilespmem:v18+s5+$0x0], $0xffff;
	[tilespmem:s16+$0x1BA00] =	vst v3  }
0x57f: {  	[tilespmem:s7+$0x1C200] =	vst v0;
	v0 =	vmul.f32 v11, v1;
	v1 =	vld.idx.msk [tilespmem:v24+s5+$0x0], $0xffff  }
0x580: {  	[tilespmem:s14+$0x1C280] =	vst v2;
	v2 =	vmul.f32 v6, v8  }
0x581: {  	[tilespmem:s9+$0x1C200] =	vst v0;
	v0 =	vmul.f32 v12, v5  }
0x582: {  	[tilespmem:s0+$0x1C280] =	vst v2;
	v2 =	vmul.f32 v9, v16  }
0x583: {  	[tilespmem:s14+$0x1C200] =	vst v0;
	v0 =	vmul.f32 v4, v7  }
0x584: {  	[tilespmem:s16+$0x1C280] =	vst v2;
	v1 =	vmul.f32 v1, v13  }
0x585: {  	[tilespmem:s0+$0x1C200] =	vst v0  }
0x586: {  	[tilespmem:s16+$0x1C200] =	vst v1  }
0x587: {  	s2 =	rddreg [dreg:$0xe]  }
0x588: {  	[hbm4b:s2+s23] =	stream.strided.scatter [tilespmem:s19], [sflag:$0x7], $0x800, s24, s23, $0x38;
	[tilespmem:$0x1CA00] =	vst v63  }
0x589: {  	s31 =	simm.s32 $0x16A00;
	s30 =	sadd.s32 $0x61C00, s2  }
0x58a: {  	[hbm4b:s30+s23] =	stream.strided.scatter [tilespmem:s31], [sflag:$0x7], $0x800, s24, s23, $0x38;
	[tilespmem:$0x1CA00] =	vst v63  }
0x58b: {  	s9 =	simm.s32 $0x17200;
	s7 =	sadd.s32 $0xC3800, s2  }
0x58c: {  	[hbm4b:s7+s23] =	stream.strided.scatter [tilespmem:s9], [sflag:$0x7], $0x800, s24, s23, $0x38;
	[tilespmem:$0x1CA00] =	vst v63  }
0x58d: {  	s13 =	simm.s32 $0x17A00;
	s12 =	sadd.s32 $0x125400, s2  }
0x58e: {  	[hbm4b:s12+s23] =	stream.strided.scatter [tilespmem:s13], [sflag:$0x7], $0x800, s24, s23, $0x38;
	[tilespmem:$0x1CA00] =	vst v63  }
0x58f: {  	s15 =	simm.s32 $0x18200;
	s14 =	sadd.s32 $0x187000, s2  }
0x590: {  	[hbm4b:s14+s23] =	stream.strided.scatter [tilespmem:s15], [sflag:$0x7], $0x800, s24, s23, $0x38;
	[tilespmem:$0x1CA00] =	vst v63  }
0x591: {  	s17 =	simm.s32 $0x18A00;
	s16 =	sadd.s32 $0x1E8C00, s2  }
0x592: {  	[hbm4b:s16+s23] =	stream.strided.scatter [tilespmem:s17], [sflag:$0x7], $0x800, s24, s23, $0x38;
	[tilespmem:$0x1CA00] =	vst v63  }
0x593: {  	s22 =	simm.s32 $0x19200;
	s20 =	sadd.s32 $0x24A800, s2  }
0x594: {  	[hbm4b:s20+s23] =	stream.strided.scatter [tilespmem:s22], [sflag:$0x7], $0x800, s24, s23, $0x38;
	[tilespmem:$0x1CA00] =	vst v63  }
0x595: {  	s26 =	simm.s32 $0x19A00;
	s25 =	sadd.s32 $0x2AC400, s2  }
0x596: {  	[hbm4b:s25+s23] =	stream.strided.scatter [tilespmem:s26], [sflag:$0x7], $0x800, s24, s23, $0x38;
	[tilespmem:$0x1CA00] =	vst v63  }
0x597: {  	s30 =	sadd.s32 $0x30E000, s2;
	s31 =	simm.s32 $0x1A200  }
0x598: {  	[hbm4b:s30+s23] =	stream.strided.scatter [tilespmem:s31], [sflag:$0x7], $0x800, s24, s23, $0x38;
	[tilespmem:$0x1CA00] =	vst v63  }
0x599: {  	s7 =	sadd.s32 $0x36FC00, s2;
	s9 =	simm.s32 $0x1AA00  }
0x59a: {  	[hbm4b:s7+s23] =	stream.strided.scatter [tilespmem:s9], [sflag:$0x7], $0x800, s24, s23, $0x38;
	[tilespmem:$0x1CA00] =	vst v63  }
0x59b: {  	s12 =	sadd.s32 $0x3D1800, s2;
	s13 =	simm.s32 $0x1B200  }
0x59c: {  	[hbm4b:s12+s23] =	stream.strided.scatter [tilespmem:s13], [sflag:$0x7], $0x800, s24, s23, $0x38;
	[tilespmem:$0x1CA00] =	vst v63  }
0x59d: {  	s14 =	sadd.s32 $0x433400, s2;
	s15 =	simm.s32 $0x1BA00  }
0x59e: {  	[hbm4b:s14+s23] =	stream.strided.scatter [tilespmem:s15], [sflag:$0x7], $0x800, s24, s23, $0x38;
	[tilespmem:$0x1CA00] =	vst v63  }
0x59f: {  	s16 =	sadd.s32 $0x495000, s2;
	s17 =	simm.s32 $0x1C200  }
0x5a0: {  	[hbm4b:s16+s23] =	stream.strided.scatter [tilespmem:s17], [sflag:$0x7], $0x800, s24, s23, $0x38;
	[tilespmem:$0x1CA00] =	vst v63  }
0x5a1: {  	_ =	swait.ge [sflag:s18], $0x6800  }
0x5a2: {  	[sflag:s18] =	ssyncset.done $0x0  }
0x5a3: {  	s22 =	simm.s32 $0x15A00;
	s20 =	rddreg [dreg:$0xf];
	[sflag:s18] =	ssyncadd.s32 $0xFFFF9800  }
0x5a4: {  	[tilespmem:s22], [sflag:$0x7] =	stream.strided.gather [hbm4b:s20+s23], $0x800, s24, s23, $0x38;
	[tilespmem:$0x1CA00] =	vst v63  }
0x5a5: {  	_ =	swait.ge [sflag:s18], $0x800  }
0x5a6: {  	s25 =	simm.s32 $0x0;
	[sflag:s18] =	ssyncset.done $0x0  }
0x5a7: {  	s26 =	sand.u32 $0x70, s25;
	[sflag:s18] =	ssyncadd.s32 $0xFFFFF800  }
0x5a8: {  	v0 =	vld [tilespmem:s26+$0x15980];
	_ =	sdelay $0x4  }
0x5a9: {  	s0 =	sand.u32 $0xE, s25;
	v0 =	vmul.u32 $0x341, v0  }
0x5aa: {  	s30 =	sor.u32 $0x31, s0  }
0x5ab: {  	v11 =	vadd.s32 s30, v0  }
0x5ac: {  	s31 =	sshll.u32 s0, $0x7  }
0x5ad: {  	s7 =	sor.u32 s26, s31  }
0x5ae: {  	v1 =	vld [tilespmem:s7+$0x15A80];
	_ =	sdelay $0x1  }
0x5af: {  	s0 =	sor.u32 $0x30, s0;
	v2 =	vld.idx.msk [tilespmem:v11+s5+$0x0], $0xffff  }
0x5b0: {  	v10 =	vadd.s32 s0, v0;
	_ =	sdelay $0x1  }
0x5b1: {  	v13 =	vadd.f32 $1.000000000e+00, v1;
	v0 =	vadd.s32 $0x40, v11  }
0x5b2: {  	v1 =	vld [tilespmem:s7+$0x15A00]  }
0x5b3: {  	v2 =	vmul.f32 v13, v2  }
0x5b4: {  	v3 =	vld.idx.msk [tilespmem:v10+s5+$0x0], $0xffff  }
0x5b5: {  	[tilespmem:s7+$0x16280] =	vst v2  }
0x5b6: {  	v2 =	vld.idx.msk [tilespmem:v0+s5+$0x0], $0xffff  }
0x5b7: {  	v4 =	vadd.s32 $0x40, v10;
	v0 =	vadd.f32 $1.000000000e+00, v1;
	_ =	sdelay $0x1  }
0x5b8: {  	s9 =	simm.s32 $0x2;
	v1 =	vmul.f32 v0, v3;
	v3 =	vadd.s32 $0x80, v11  }
0x5b9: {  	s12 =	sand.u32 $0x70, s9  }
0x5ba: {  	[tilespmem:s7+$0x16200] =	vst v1;
	v1 =	vmul.f32 v2, v13;
	v2 =	vld [tilespmem:s12+$0x15980]  }
0x5bb: {  	v4 =	vld.idx.msk [tilespmem:v4+s5+$0x0], $0xffff  }
0x5bc: {  	[tilespmem:s7+$0x16A80] =	vst v1  }
0x5bd: {  	v1 =	vld.idx.msk [tilespmem:v3+s5+$0x0], $0xffff  }
0x5be: {  	v5 =	vadd.s32 $0x80, v10;
	_ =	sdelay $0x1  }
0x5bf: {  	s0 =	sand.u32 $0xE, s9;
	v6 =	vadd.s32 $0xC0, v11;
	v2 =	vmul.u32 $0x341, v2;
	v4 =	vmul.f32 v4, v0  }
0x5c0: {  	s13 =	sor.u32 $0x31, s0  }
0x5c1: {  	s14 =	sshll.u32 s0, $0x7;
	v3 =	vadd.s32 s13, v2;
	[tilespmem:s7+$0x16A00] =	vst v4;
	v1 =	vmul.f32 v1, v13  }
0x5c2: {  	s9 =	sor.u32 s12, s14;
	v4 =	vld.idx.msk [tilespmem:v5+s5+$0x0], $0xffff  }
0x5c3: {  	s0 =	sor.u32 $0x30, s0;
	[tilespmem:s7+$0x17280] =	vst v1;
	v1 =	vld [tilespmem:s9+$0x15A80]  }
0x5c4: {  	v12 =	vadd.s32 s0, v2;
	v5 =	vld.idx.msk [tilespmem:v6+s5+$0x0], $0xffff  }
0x5c5: {  	v6 =	vadd.s32 $0xC0, v10  }
0x5c6: {  	v7 =	vld.idx.msk [tilespmem:v3+s5+$0x0], $0xffff  }
0x5c7: {  	v9 =	vadd.s32 $0x100, v11;
	v8 =	vld [tilespmem:s9+$0x15A00];
	v4 =	vmul.f32 v4, v0;
	_ =	sdelay $0x1  }
0x5c8: {  	v2 =	vadd.f32 $1.000000000e+00, v1;
	[tilespmem:s7+$0x17200] =	vst v4;
	v4 =	vld.idx.msk [tilespmem:v12+s5+$0x0], $0xffff;
	v1 =	vmul.f32 v5, v13  }
0x5c9: {  	v14 =	vadd.s32 $0x40, v3;
	v5 =	vld.idx.msk [tilespmem:v6+s5+$0x0], $0xffff  }
0x5ca: {  	v6 =	vmul.f32 v2, v7;
	[tilespmem:s7+$0x17A80] =	vst v1  }
0x5cb: {  	v7 =	vadd.s32 $0x40, v12;
	v1 =	vadd.f32 $1.000000000e+00, v8;
	v8 =	vld.idx.msk [tilespmem:v9+s5+$0x0], $0xffff  }
0x5cc: {  	[tilespmem:s9+$0x16280] =	vst v6;
	v6 =	vadd.s32 $0x100, v10  }
0x5cd: {  	v4 =	vmul.f32 v1, v4  }
0x5ce: {  	v9 =	vld.idx.msk [tilespmem:v14+s5+$0x0], $0xffff;
	v14 =	vadd.s32 $0x140, v11;
	v5 =	vmul.f32 v5, v0  }
0x5cf: {  	[tilespmem:s9+$0x16200] =	vst v4  }
0x5d0: {  	s15 =	simm.s32 $0x4;
	v7 =	vld.idx.msk [tilespmem:v7+s5+$0x0], $0xffff;
	[tilespmem:s7+$0x17A00] =	vst v5;
	v5 =	vmul.f32 v8, v13  }
0x5d1: {  	s16 =	sand.u32 $0x70, s15;
	v4 =	vadd.s32 $0x80, v3;
	v6 =	vld.idx.msk [tilespmem:v6+s5+$0x0], $0xffff  }
0x5d2: {  	[tilespmem:s7+$0x18280] =	vst v5;
	v5 =	vld [tilespmem:s16+$0x15980]  }
0x5d3: {  	v8 =	vmul.f32 v9, v2;
	v9 =	vld.idx.msk [tilespmem:v14+s5+$0x0], $0xffff;
	_ =	sdelay $0x1  }
0x5d4: {  	[tilespmem:s9+$0x16A80] =	vst v8;
	v8 =	vadd.s32 $0x80, v12  }
0x5d5: {  	v15 =	vadd.s32 $0x180, v11;
	s0 =	sand.u32 $0xE, s15;
	v4 =	vld.idx.msk [tilespmem:v4+s5+$0x0], $0xffff;
	v7 =	vmul.f32 v7, v1  }
0x5d6: {  	s12 =	sor.u32 $0x31, s0;
	s17 =	sor.u32 $0x30, s0;
	s0 =	sshll.u32 s0, $0x7;
	v14 =	vadd.s32 $0x140, v10;
	v6 =	vmul.f32 v6, v0  }
0x5d7: {  	s14 =	sor.u32 s16, s0;
	[tilespmem:s9+$0x16A00] =	vst v7;
	v5 =	vmul.u32 $0x341, v5;
	v7 =	vmul.f32 v9, v13  }
0x5d8: {  	v17 =	vadd.s32 $0xC0, v3;
	v19 =	vld [tilespmem:s14+$0x15A00];
	[tilespmem:s7+$0x18200] =	vst v6  }
0x5d9: {  	v8 =	vld.idx.msk [tilespmem:v8+s5+$0x0], $0xffff;
	v6 =	vadd.s32 s12, v5;
	[tilespmem:s7+$0x18A80] =	vst v7  }
0x5da: {  	v4 =	vmul.f32 v4, v2;
	v7 =	vld.idx.msk [tilespmem:v15+s5+$0x0], $0xffff  }
0x5db: {  	v9 =	vld.idx.msk [tilespmem:v14+s5+$0x0], $0xffff;
	v16 =	vadd.s32 s17, v5  }
0x5dc: {  	v14 =	vadd.s32 $0xC0, v12;
	[tilespmem:s9+$0x17280] =	vst v4;
	v4 =	vld [tilespmem:s14+$0x15A80]  }
0x5dd: {  	v5 =	vld.idx.msk [tilespmem:v17+s5+$0x0], $0xffff;
	v17 =	vadd.s32 $0x1C0, v11  }
0x5de: {  	v18 =	vadd.s32 $0x180, v10;
	v8 =	vmul.f32 v8, v1;
	v15 =	vld.idx.msk [tilespmem:v6+s5+$0x0], $0xffff  }
0x5df: {  	v7 =	vmul.f32 v7, v13  }
0x5e0: {  	v20 =	vadd.s32 $0x100, v3;
	[tilespmem:s9+$0x17200] =	vst v8;
	v8 =	vmul.f32 v9, v0;
	v9 =	vld.idx.msk [tilespmem:v16+s5+$0x0], $0xffff  }
0x5e1: {  	v21 =	vadd.s32 $0x40, v6;
	v4 =	vadd.f32 $1.000000000e+00, v4;
	v14 =	vld.idx.msk [tilespmem:v14+s5+$0x0], $0xffff;
	[tilespmem:s7+$0x19280] =	vst v7  }
0x5e2: {  	v22 =	vmul.f32 v5, v2;
	[tilespmem:s7+$0x18A00] =	vst v8;
	v7 =	vld.idx.msk [tilespmem:v17+s5+$0x0], $0xffff  }
0x5e3: {  	v8 =	vadd.s32 $0x40, v16;
	v5 =	vadd.f32 $1.000000000e+00, v19;
	v15 =	vmul.f32 v4, v15;
	v17 =	vld.idx.msk [tilespmem:v18+s5+$0x0], $0xffff  }
0x5e4: {  	[tilespmem:s9+$0x17A80] =	vst v22;
	v18 =	vadd.s32 $0x100, v12  }
0x5e5: {  	v19 =	vld.idx.msk [tilespmem:v20+s5+$0x0], $0xffff;
	v9 =	vmul.f32 v5, v9;
	[tilespmem:s14+$0x16280] =	vst v15;
	v15 =	vadd.s32 $0x200, v11  }
0x5e6: {  	v20 =	vadd.s32 $0x1C0, v10;
	v14 =	vmul.f32 v14, v1;
	v21 =	vld.idx.msk [tilespmem:v21+s5+$0x0], $0xffff  }
0x5e7: {  	[tilespmem:s14+$0x16200] =	vst v9;
	v7 =	vmul.f32 v7, v13  }
0x5e8: {  	v9 =	vadd.s32 $0x140, v3;
	v8 =	vld.idx.msk [tilespmem:v8+s5+$0x0], $0xffff;
	[tilespmem:s9+$0x17A00] =	vst v14;
	v14 =	vmul.f32 v17, v0  }
0x5e9: {  	v17 =	vadd.s32 $0x80, v6;
	v18 =	vld.idx.msk [tilespmem:v18+s5+$0x0], $0xffff;
	[tilespmem:s7+$0x19A80] =	vst v7  }
0x5ea: {  	s20 =	simm.s32 $0x6;
	v19 =	vmul.f32 v19, v2;
	[tilespmem:s7+$0x19200] =	vst v14;
	v7 =	vld.idx.msk [tilespmem:v15+s5+$0x0], $0xffff  }
0x5eb: {  	s22 =	sand.u32 $0x70, s20;
	v14 =	vmul.f32 v21, v4;
	v15 =	vld.idx.msk [tilespmem:v20+s5+$0x0], $0xffff  }
0x5ec: {  	[tilespmem:s9+$0x18280] =	vst v19;
	v19 =	vadd.s32 $0x80, v16;
	v21 =	vld [tilespmem:s22+$0x15980]  }
0x5ed: {  	s0 =	sand.u32 $0xE, s20;
	v20 =	vadd.s32 $0x140, v12;
	v9 =	vld.idx.msk [tilespmem:v9+s5+$0x0], $0xffff;
	[tilespmem:s14+$0x16A80] =	vst v14  }
0x5ee: {  	s25 =	sor.u32 $0x31, s0;
	s13 =	sor.u32 $0x30, s0;
	s0 =	sshll.u32 s0, $0x7;
	v8 =	vmul.f32 v8, v5;
	v14 =	vld.idx.msk [tilespmem:v17+s5+$0x0], $0xffff;
	v17 =	vadd.s32 $0x240, v11  }
0x5ef: {  	s0 =	sor.u32 s22, s0;
	v22 =	vadd.s32 $0x200, v10;
	v18 =	vmul.f32 v18, v1  }
0x5f0: {  	v24 =	vld [tilespmem:s0+$0x15A00];
	[tilespmem:s14+$0x16A00] =	vst v8;
	v8 =	vadd.s32 $0x180, v3;
	v7 =	vmul.f32 v7, v13  }
0x5f1: {  	[tilespmem:s9+$0x18200] =	vst v18;
	v19 =	vld.idx.msk [tilespmem:v19+s5+$0x0], $0xffff;
	v15 =	vmul.f32 v15, v0  }
0x5f2: {  	v23 =	vadd.s32 $0xC0, v6;
	v18 =	vmul.u32 $0x341, v21;
	v20 =	vld.idx.msk [tilespmem:v20+s5+$0x0], $0xffff;
	v21 =	vmul.f32 v9, v2;
	[tilespmem:s7+$0x1A280] =	vst v7  }
0x5f3: {  	[tilespmem:s7+$0x19A00] =	vst v15;
	v7 =	vld.idx.msk [tilespmem:v17+s5+$0x0], $0xffff  }
0x5f4: {  	s2 =	simm.s32 $0x8;
	v9 =	vadd.s32 s25, v18;
	v14 =	vmul.f32 v14, v4;
	[tilespmem:s9+$0x18A80] =	vst v21;
	v15 =	vld.idx.msk [tilespmem:v22+s5+$0x0], $0xffff  }
0x5f5: {  	s30 =	sand.u32 $0xE, s2;
	v18 =	vadd.s32 s13, v18;
	v8 =	vld.idx.msk [tilespmem:v8+s5+$0x0], $0xffff  }
0x5f6: {  	s26 =	sand.u32 $0x70, s2;
	s13 =	sshll.u32 s30, $0x7;
	v21 =	vadd.s32 $0xC0, v16;
	v22 =	vld [tilespmem:s0+$0x15A80];
	[tilespmem:s14+$0x17280] =	vst v14  }
0x5f7: {  	v17 =	vadd.s32 $0x280, v11;
	s16 =	sor.u32 s26, s13;
	v14 =	vld.idx.msk [tilespmem:v23+s5+$0x0], $0xffff  }
0x5f8: {  	v53 =	vld [tilespmem:s16+$0x15A80];
	v19 =	vmul.f32 v19, v5;
	v23 =	vadd.s32 $0x1C0, v3  }
0x5f9: {  	v25 =	vadd.s32 $0x180, v12;
	v26 =	vld.idx.msk [tilespmem:v9+s5+$0x0], $0xffff;
	v7 =	vmul.f32 v7, v13  }
0x5fa: {  	v28 =	vadd.s32 $0x100, v6;
	v27 =	vld.idx.msk [tilespmem:v18+s5+$0x0], $0xffff;
	[tilespmem:s14+$0x17200] =	vst v19;
	v29 =	vmul.f32 v8, v2  }
0x5fb: {  	v30 =	vadd.s32 $0x240, v10;
	[tilespmem:s7+$0x1AA80] =	vst v7;
	v7 =	vmul.f32 v20, v1;
	v20 =	vld.idx.msk [tilespmem:v21+s5+$0x0], $0xffff  }
0x5fc: {  	v8 =	vadd.f32 $1.000000000e+00, v22;
	v17 =	vld.idx.msk [tilespmem:v17+s5+$0x0], $0xffff;
	v14 =	vmul.f32 v14, v4;
	[tilespmem:s9+$0x19280] =	vst v29  }
0x5fd: {  	v19 =	vadd.s32 $0x40, v9;
	v15 =	vmul.f32 v15, v0;
	[tilespmem:s9+$0x18A00] =	vst v7;
	v22 =	vld.idx.msk [tilespmem:v23+s5+$0x0], $0xffff  }
0x5fe: {  	v21 =	vadd.s32 $0x40, v18;
	v7 =	vadd.f32 $1.000000000e+00, v24;
	v23 =	vmul.f32 v8, v26;
	[tilespmem:s14+$0x17A80] =	vst v14;
	v14 =	vld.idx.msk [tilespmem:v25+s5+$0x0], $0xffff  }
0x5ff: {  	[tilespmem:s7+$0x1A200] =	vst v15;
	v24 =	vadd.s32 $0x2C0, v11;
	v15 =	vld.idx.msk [tilespmem:v28+s5+$0x0], $0xffff  }
0x600: {  	v26 =	vadd.s32 $0x100, v16;
	v25 =	vmul.f32 v7, v27;
	[tilespmem:s0+$0x16280] =	vst v23;
	v23 =	vld.idx.msk [tilespmem:v30+s5+$0x0], $0xffff  }
0x601: {  	v27 =	vadd.s32 $0x200, v3;
	v28 =	vld [tilespmem:s26+$0x15980];
	v17 =	vmul.f32 v17, v13  }
0x602: {  	v19 =	vld.idx.msk [tilespmem:v19+s5+$0x0], $0xffff;
	v20 =	vmul.f32 v20, v5;
	[tilespmem:s0+$0x16200] =	vst v25;
	v25 =	vadd.s32 $0x1C0, v12  }
0x603: {  	v21 =	vld.idx.msk [tilespmem:v21+s5+$0x0], $0xffff;
	v22 =	vmul.f32 v22, v2;
	[tilespmem:s7+$0x1B280] =	vst v17;
	v17 =	vadd.s32 $0x140, v6  }
0x604: {  	v29 =	vadd.s32 $0x280, v10;
	[tilespmem:s14+$0x17A00] =	vst v20;
	v14 =	vmul.f32 v14, v1;
	v24 =	vld.idx.msk [tilespmem:v24+s5+$0x0], $0xffff  }
0x605: {  	v20 =	vadd.s32 $0x80, v9;
	v26 =	vld.idx.msk [tilespmem:v26+s5+$0x0], $0xffff;
	v15 =	vmul.f32 v15, v4;
	[tilespmem:s9+$0x19A80] =	vst v22  }
0x606: {  	v22 =	vadd.s32 $0x80, v18;
	v23 =	vmul.f32 v23, v0;
	[tilespmem:s9+$0x19200] =	vst v14;
	v14 =	vld.idx.msk [tilespmem:v27+s5+$0x0], $0xffff  }
0x607: {  	v34 =	vadd.s32 $0x2C0, v10;
	v11 =	vadd.s32 $0x300, v11;
	v19 =	vmul.f32 v19, v8;
	[tilespmem:s14+$0x18280] =	vst v15;
	v15 =	vld.idx.msk [tilespmem:v25+s5+$0x0], $0xffff  }
0x608: {  	v35 =	vadd.s32 $0x240, v12;
	v25 =	vadd.s32 $0x140, v16;
	[tilespmem:s7+$0x1AA00] =	vst v23;
	v21 =	vmul.f32 v21, v7;
	v17 =	vld.idx.msk [tilespmem:v17+s5+$0x0], $0xffff  }
0x609: {  	v51 =	vadd.s32 $0x280, v3;
	v23 =	vadd.s32 $0x240, v3;
	[tilespmem:s0+$0x16A80] =	vst v19;
	v31 =	vld.idx.msk [tilespmem:v29+s5+$0x0], $0xffff;
	v19 =	vmul.f32 v24, v13  }
0x60a: {  	v27 =	vadd.s32 $0x200, v12;
	v20 =	vld.idx.msk [tilespmem:v20+s5+$0x0], $0xffff;
	v24 =	vmul.u32 $0x341, v28;
	[tilespmem:s0+$0x16A00] =	vst v21;
	v21 =	vmul.f32 v26, v5  }
0x60b: {  	s31 =	sor.u32 $0x31, s30;
	s15 =	sor.u32 $0x30, s30;
	v36 =	vadd.s32 $0x180, v16;
	v30 =	vadd.s32 $0x180, v6;
	v29 =	vld.idx.msk [tilespmem:v22+s5+$0x0], $0xffff;
	v22 =	vmul.f32 v14, v2;
	[tilespmem:s7+$0x1BA80] =	vst v19  }
0x60c: {  	v44 =	vadd.s32 s15, v24;
	v14 =	vadd.s32 s31, v24;
	[tilespmem:s14+$0x18200] =	vst v21;
	v15 =	vmul.f32 v15, v1;
	v24 =	vld.idx.msk [tilespmem:v11+s5+$0x0], $0xffff  }
0x60d: {  	v55 =	vadd.s32 $0x1C0, v6;
	v59 =	vadd.s32 $0xC0, v9;
	v25 =	vld.idx.msk [tilespmem:v25+s5+$0x0], $0xffff;
	[tilespmem:s9+$0x1A280] =	vst v22;
	v17 =	vmul.f32 v17, v4  }
0x60e: {  	v52 =	vadd.s32 $0xC0, v18;
	v45 =	vadd.s32 $0x100, v18;
	v31 =	vmul.f32 v31, v0;
	[tilespmem:s9+$0x19A00] =	vst v15;
	v23 =	vld.idx.msk [tilespmem:v23+s5+$0x0], $0xffff  }
0x60f: {  	v33 =	vadd.s32 $0x140, v18;
	v28 =	vadd.s32 $0x1C0, v16;
	v20 =	vmul.f32 v20, v8;
	v60 =	vld.idx.msk [tilespmem:v27+s5+$0x0], $0xffff;
	[tilespmem:s14+$0x18A80] =	vst v17  }
0x610: {  	v26 =	vadd.s32 $0x200, v16;
	v19 =	vadd.s32 $0x280, v12;
	v21 =	vadd.s32 $0x280, v16;
	[tilespmem:s7+$0x1B200] =	vst v31;
	v27 =	vld.idx.msk [tilespmem:v30+s5+$0x0], $0xffff  }
0x611: {  	v11 =	vadd.s32 $0x300, v12;
	v22 =	vadd.s32 $0x240, v16;
	v15 =	vadd.s32 $0x2C0, v12;
	[tilespmem:s0+$0x17280] =	vst v20;
	v43 =	vld.idx.msk [tilespmem:v34+s5+$0x0], $0xffff  }
0x612: {  	v12 =	vadd.s32 $0x300, v16;
	v17 =	vadd.s32 $0x2C0, v16;
	v16 =	vmul.f32 v29, v7;
	v20 =	vld.idx.msk [tilespmem:v59+s5+$0x0], $0xffff  }
0x613: {  	v32 =	vadd.s32 $0x180, v18;
	v61 =	vadd.s32 $0x100, v9;
	v54 =	vld.idx.msk [tilespmem:v14+s5+$0x0], $0xffff;
	v13 =	vmul.f32 v24, v13  }
0x614: {  	v48 =	vadd.s32 $0x140, v9;
	v10 =	vadd.s32 $0x300, v10;
	[tilespmem:s0+$0x17200] =	vst v16;
	v24 =	vld [tilespmem:s16+$0x15A00];
	v23 =	vmul.f32 v23, v2  }
0x615: {  	v57 =	vadd.s32 $0x40, v14;
	v40 =	vadd.s32 $0x80, v44;
	v58 =	vld.idx.msk [tilespmem:v52+s5+$0x0], $0xffff;
	[tilespmem:s7+$0x1C280] =	vst v13;
	v62 =	vmul.f32 v27, v4  }
0x616: {  	v38 =	vadd.s32 $0xC0, v44;
	v37 =	vadd.s32 $0x100, v44;
	v56 =	vld.idx.msk [tilespmem:v44+s5+$0x0], $0xffff;
	v25 =	vmul.f32 v25, v5;
	[tilespmem:s9+$0x1AA80] =	vst v23  }
0x617: {  	v39 =	vadd.s32 $0x140, v44;
	v16 =	vadd.f32 $1.000000000e+00, v53;
	v63 =	vld.idx.msk [tilespmem:v51+s5+$0x0], $0xffff;
	v59 =	vmul.f32 v20, v8;
	[tilespmem:s14+$0x19280] =	vst v62  }
0x618: {  	v41 =	vadd.s32 $0x1C0, v44;
	v50 =	vadd.s32 $0x80, v14;
	[tilespmem:s14+$0x18A00] =	vst v25;
	v25 =	vmul.f32 v60, v1;
	v42 =	vld.idx.msk [tilespmem:v55+s5+$0x0], $0xffff  }
0x619: {  	v60 =	vadd.s32 $0x40, v44;
	v52 =	vld.idx.msk [tilespmem:v36+s5+$0x0], $0xffff;
	v13 =	vadd.f32 $1.000000000e+00, v24;
	v24 =	vmul.f32 v16, v54;
	[tilespmem:s0+$0x17A80] =	vst v59  }
0x61a: {  	v31 =	vadd.s32 $0x240, v44;
	[tilespmem:s9+$0x1A200] =	vst v25;
	v25 =	vadd.s32 $0x2C0, v3;
	v62 =	vmul.f32 v58, v7;
	v53 =	vld.idx.msk [tilespmem:v61+s5+$0x0], $0xffff  }
0x61b: {  	v29 =	vadd.s32 $0x200, v18;
	v54 =	vld.idx.msk [tilespmem:v35+s5+$0x0], $0xffff;
	v61 =	vmul.f32 v13, v56;
	[tilespmem:s16+$0x16280] =	vst v24;
	v55 =	vadd.s32 $0x200, v6  }
0x61c: {  	v34 =	vadd.s32 $0x200, v44;
	v30 =	vadd.s32 $0x1C0, v18;
	v47 =	vld.idx.msk [tilespmem:v57+s5+$0x0], $0xffff;
	[tilespmem:s0+$0x17A00] =	vst v62;
	v24 =	vmul.f32 v63, v2  }
0x61d: {  	v23 =	vadd.s32 $0x280, v18;
	v36 =	vadd.s32 $0x180, v44;
	[tilespmem:s16+$0x16200] =	vst v61;
	v46 =	vld.idx.msk [tilespmem:v45+s5+$0x0], $0xffff;
	v63 =	vmul.f32 v42, v4  }
0x61e: {  	v27 =	vadd.s32 $0x240, v18;
	v20 =	vadd.s32 $0x2C0, v18;
	v52 =	vmul.f32 v52, v5;
	v49 =	vld.idx.msk [tilespmem:v60+s5+$0x0], $0xffff;
	[tilespmem:s9+$0x1B280] =	vst v24  }
0x61f: {  	v18 =	vadd.s32 $0x300, v18;
	v35 =	vadd.s32 $0x280, v44;
	v42 =	vld.idx.msk [tilespmem:v25+s5+$0x0], $0xffff;
	v51 =	vmul.f32 v53, v8;
	[tilespmem:s14+$0x19A80] =	vst v63  }
0x620: {  	[tilespmem:s14+$0x19200] =	vst v52;
	v45 =	vmul.f32 v54, v1;
	v24 =	vadd.s32 $0x300, v44;
	v25 =	vadd.s32 $0x2C0, v44;
	v44 =	vld.idx.msk [tilespmem:v55+s5+$0x0], $0xffff  }
.LBB2_19:
0x621: {  	s2 =	sadd.s32 $0x2, s2;
	v47 =	vmul.f32 v47, v16;
	[tilespmem:s0+$0x18280] =	vst v51;
	v51 =	vld.idx.msk [tilespmem:v28+s5+$0x0], $0xffff;
	v28 =	vmov v30;
	v30 =	vmov v41  }
0x622: {  	v43 =	vmul.f32 v43, v0;
	s12 =	sand.u32 $0x70, s2;
	p1 =	slt.u32 s2, $0x4E;
	v41 =	vld.idx.msk [tilespmem:v48+s5+$0x0], $0xffff;
	[tilespmem:s9+$0x1AA00] =	vst v45;
	v45 =	vadd.s32 $0x300, v3;
	v3 =	vmovc v6;
	v6 =	vmov v9  }
0x623: {  	v49 =	vmul.f32 v49, v13;
	v9 =	vmov v14;
	v48 =	vld [tilespmem:s12+$0x15980];
	[tilespmem:s16+$0x16A80] =	vst v47  }
0x624: {  	v14 =	vadd.s32 $0x240, v3;
	v42 =	vmul.f32 v42, v2;
	v47 =	vld.idx.msk [tilespmem:v50+s5+$0x0], $0xffff;
	[tilespmem:s7+$0x1BA00] =	vst v43  }
0x625: {  	v43 =	vmul.f32 v46, v7;
	[tilespmem:s16+$0x16A00] =	vst v49;
	v46 =	vld.idx.msk [tilespmem:v19+s5+$0x0], $0xffff;
	v19 =	vmovc v21;
	v21 =	vmov v23;
	v23 =	vmov v35  }
0x626: {  	v49 =	vadd.s32 $0x180, v6;
	v35 =	vld.idx.msk [tilespmem:v40+s5+$0x0], $0xffff;
	v40 =	vmul.f32 v44, v4;
	[tilespmem:s9+$0x1BA80] =	vst v42  }
0x627: {  	v42 =	vmul.f32 v51, v5;
	[tilespmem:s0+$0x18200] =	vst v43;
	v43 =	vld.idx.msk [tilespmem:v45+s5+$0x0], $0xffff  }
0x628: {  	s13 =	sand.u32 $0xE, s2;
	v45 =	vadd.s32 $0xC0, v9;
	v41 =	vmul.f32 v41, v8;
	v44 =	vmul.u32 $0x341, v48;
	v48 =	vld.idx.msk [tilespmem:v33+s5+$0x0], $0xffff;
	[tilespmem:s14+$0x1A280] =	vst v40;
	v33 =	vmovc v39  }
0x629: {  	s15 =	sor.u32 $0x30, s13;
	s17 =	sor.u32 $0x31, s13;
	[tilespmem:s14+$0x19A00] =	vst v42;
	v42 =	vld.idx.msk [tilespmem:v14+s5+$0x0], $0xffff  }
0x62a: {  	v50 =	vadd.s32 s15, v44;
	v14 =	vadd.s32 s17, v44;
	v44 =	vmul.f32 v47, v16;
	[tilespmem:s0+$0x18A80] =	vst v41;
	v47 =	vld.idx.msk [tilespmem:v26+s5+$0x0], $0xffff;
	v26 =	vmovc v29  }
0x62b: {  	v29 =	vmovc v34;
	v51 =	vadd.s32 $0x40, v50;
	v40 =	vadd.s32 $0x80, v50;
	v52 =	vadd.s32 $0xC0, v50;
	v49 =	vld.idx.msk [tilespmem:v49+s5+$0x0], $0xffff  }
0x62c: {  	s13 =	sshll.u32 s13, $0x7;
	v53 =	vadd.s32 $0x100, v50;
	v39 =	vadd.s32 $0x140, v50;
	v35 =	vmul.f32 v35, v13;
	[tilespmem:s16+$0x17280] =	vst v44;
	v44 =	vld.idx.msk [tilespmem:v10+s5+$0x0], $0xffff;
	v10 =	vmovc v11  }
0x62d: {  	v55 =	vadd.s32 $0x280, v3;
	s12 =	sor.u32 s12, s13;
	v54 =	vadd.s32 $0x180, v50;
	v43 =	vmul.f32 v43, v2;
	v11 =	vmovc v12;
	v12 =	vmovc v18;
	v45 =	vld.idx.msk [tilespmem:v45+s5+$0x0], $0xffff  }
0x62e: {  	v41 =	vadd.s32 $0x1C0, v50;
	v34 =	vadd.s32 $0x200, v50;
	v18 =	vmovc v24;
	v2 =	vmovc v4;
	v48 =	vmul.f32 v48, v7;
	v56 =	vld [tilespmem:s12+$0x15A80];
	[tilespmem:s16+$0x17200] =	vst v35  }
0x62f: {  	v59 =	vadd.s32 $0x1C0, v6;
	v57 =	vadd.s32 $0x240, v50;
	v4 =	vmovc v8;
	v24 =	vmul.f32 v42, v2;
	v58 =	vld.idx.msk [tilespmem:v14+s5+$0x0], $0xffff;
	[tilespmem:s9+$0x1C280] =	vst v43  }
0x630: {  	v46 =	vmul.f32 v46, v1;
	v8 =	vmovc v16;
	v35 =	vadd.s32 $0x280, v50;
	v43 =	vmul.f32 v47, v5;
	v42 =	vld [tilespmem:s12+$0x15A00];
	[tilespmem:s0+$0x18A00] =	vst v48  }
0x631: {  	v60 =	vadd.s32 $0x2C0, v50;
	v48 =	vadd.s32 $0x100, v9;
	v49 =	vmul.f32 v49, v4;
	v47 =	vld.idx.msk [tilespmem:v50+s5+$0x0], $0xffff;
	[tilespmem:s14+$0x1AA80] =	vst v24  }
0x632: {  	v24 =	vadd.s32 $0x300, v50;
	v44 =	vmul.f32 v44, v0;
	v0 =	vmovc v1;
	v1 =	vmov v5;
	[tilespmem:s14+$0x1A200] =	vst v43;
	v43 =	vld.idx.msk [tilespmem:v55+s5+$0x0], $0xffff  }
0x633: {  	v50 =	vadd.s32 $0x40, v14;
	v45 =	vmul.f32 v45, v8;
	v16 =	vadd.f32 $1.000000000e+00, v56;
	v55 =	vld.idx.msk [tilespmem:v38+s5+$0x0], $0xffff;
	[tilespmem:s0+$0x19280] =	vst v49;
	v38 =	vmovc v52  }
0x634: {  	v5 =	vmov v7;
	v7 =	vmov v13;
	v52 =	vld.idx.msk [tilespmem:v59+s5+$0x0], $0xffff;
	[tilespmem:s9+$0x1B200] =	vst v46  }
0x635: {  	v13 =	vadd.f32 $1.000000000e+00, v42;
	v42 =	vmul.f32 v16, v58;
	[tilespmem:s16+$0x17A80] =	vst v45;
	v45 =	vld.idx.msk [tilespmem:v32+s5+$0x0], $0xffff;
	v32 =	vmovc v36;
	v36 =	vmov v54  }
0x636: {  	v46 =	vadd.s32 $0x2C0, v3;
	v54 =	vld.idx.msk [tilespmem:v48+s5+$0x0], $0xffff;
	[tilespmem:s7+$0x1C200] =	vst v44;
	s7 =	smov.u32 s9;
	s9 =	smov.u32 s14;
	s14 =	smov.u32 s0  }
0x637: {  	s0 =	smov.u32 s16;
	s16 =	smov.u32 s12;
	v44 =	vmul.f32 v13, v47;
	[tilespmem:s12+$0x16280] =	vst v42;
	v56 =	vld.idx.msk [tilespmem:v22+s5+$0x0], $0xffff;
	v22 =	vmovc v27;
	v27 =	vmov v31;
	v31 =	vmov v57  }
0x638: {  	v57 =	vadd.s32 $0x200, v6;
	v42 =	vmul.f32 v43, v2;
	v47 =	vld.idx.msk [tilespmem:v50+s5+$0x0], $0xffff  }
.Ltmp13:
0x639: {  	[tilespmem:s16+$0x16200] =	vst v44;
	v44 =	vmul.f32 v55, v7;
	v43 =	vld.idx.msk [tilespmem:v15+s5+$0x0], $0xffff;
	v15 =	vmovc v17;
	v17 =	vmov v20;
	v20 =	vmov v25;
	(pc) =	sbr.rel @p1 .LBB2_19-.Ltmp13, $4  }
0x63a: {  	v48 =	vadd.s32 $0x140, v9;
	v52 =	vmul.f32 v52, v4;
	v25 =	vmov v60;
	v49 =	vld.idx.msk [tilespmem:v51+s5+$0x0], $0xffff;
	[tilespmem:s9+$0x1B280] =	vst v42  }
0x63b: {  	[tilespmem:s0+$0x17A00] =	vst v44;
	v44 =	vmul.f32 v45, v5;
	v42 =	vld.idx.msk [tilespmem:v46+s5+$0x0], $0xffff  }
0x63c: {  	v50 =	vadd.s32 $0x80, v14;
	v51 =	vmul.f32 v54, v8;
	v46 =	vld.idx.msk [tilespmem:v37+s5+$0x0], $0xffff;
	[tilespmem:s14+$0x19A80] =	vst v52;
	v37 =	vmov v53  }
0x63d: {  	v45 =	vmul.f32 v56, v1;
	[tilespmem:s14+$0x19200] =	vst v44;
	v44 =	vld.idx.msk [tilespmem:v57+s5+$0x0], $0xffff  }
0x63e: {  	_ = 	snop  }
0x63f: {  	v47 =	vmul.f32 v47, v16  }
0x640: {  	v49 =	vmul.f32 v49, v13  }
0x641: {  	[tilespmem:s16+$0x16A80] =	vst v47  }
0x642: {  	v47 =	vld.idx.msk [tilespmem:v50+s5+$0x0], $0xffff;
	[tilespmem:s16+$0x16A00] =	vst v49  }
0x643: {  	v40 =	vld.idx.msk [tilespmem:v40+s5+$0x0], $0xffff;
	_ =	sdelay $0x1  }
0x644: {  	v62 =	vadd.s32 $0xC0, v14;
	_ =	sdelay $0x1  }
0x645: {  	v47 =	vmul.f32 v47, v16  }
0x646: {  	v40 =	vmul.f32 v40, v13  }
0x647: {  	[tilespmem:s16+$0x17280] =	vst v47  }
0x648: {  	v47 =	vld.idx.msk [tilespmem:v62+s5+$0x0], $0xffff;
	[tilespmem:s16+$0x17200] =	vst v40  }
0x649: {  	v38 =	vld.idx.msk [tilespmem:v38+s5+$0x0], $0xffff;
	_ =	sdelay $0x1  }
0x64a: {  	v63 =	vadd.s32 $0x100, v14;
	_ =	sdelay $0x1  }
0x64b: {  	v47 =	vmul.f32 v47, v16  }
0x64c: {  	v38 =	vmul.f32 v38, v13  }
0x64d: {  	[tilespmem:s16+$0x17A80] =	vst v47  }
0x64e: {  	v40 =	vld.idx.msk [tilespmem:v63+s5+$0x0], $0xffff;
	[tilespmem:s16+$0x17A00] =	vst v38  }
0x64f: {  	v37 =	vld.idx.msk [tilespmem:v37+s5+$0x0], $0xffff  }
0x650: {  	v46 =	vmul.f32 v46, v7  }
0x651: {  	v49 =	vadd.s32 $0x140, v14  }
0x652: {  	[tilespmem:s0+$0x18200] =	vst v46  }
0x653: {  	v33 =	vld.idx.msk [tilespmem:v33+s5+$0x0], $0xffff;
	v40 =	vmul.f32 v40, v16  }
0x654: {  	[tilespmem:s0+$0x18280] =	vst v51;
	v37 =	vmul.f32 v37, v13  }
0x655: {  	v50 =	vld.idx.msk [tilespmem:v48+s5+$0x0], $0xffff;
	[tilespmem:s16+$0x18280] =	vst v40  }
0x656: {  	v38 =	vld.idx.msk [tilespmem:v49+s5+$0x0], $0xffff;
	[tilespmem:s16+$0x18200] =	vst v37  }
0x657: {  	v37 =	vld.idx.msk [tilespmem:v39+s5+$0x0], $0xffff  }
0x658: {  	v51 =	vadd.s32 $0x180, v9;
	v33 =	vmul.f32 v33, v7  }
0x659: {  	v53 =	vadd.s32 $0x180, v14  }
0x65a: {  	v52 =	vmul.f32 v50, v8;
	[tilespmem:s0+$0x18A00] =	vst v33  }
0x65b: {  	v32 =	vld.idx.msk [tilespmem:v32+s5+$0x0], $0xffff;
	v38 =	vmul.f32 v38, v16  }
0x65c: {  	[tilespmem:s0+$0x18A80] =	vst v52;
	v37 =	vmul.f32 v37, v13  }
0x65d: {  	v39 =	vld.idx.msk [tilespmem:v51+s5+$0x0], $0xffff;
	[tilespmem:s16+$0x18A80] =	vst v38  }
0x65e: {  	v54 =	vld.idx.msk [tilespmem:v53+s5+$0x0], $0xffff;
	[tilespmem:s16+$0x18A00] =	vst v37  }
0x65f: {  	v36 =	vld.idx.msk [tilespmem:v36+s5+$0x0], $0xffff  }
0x660: {  	v55 =	vadd.s32 $0x1C0, v9;
	v28 =	vld.idx.msk [tilespmem:v28+s5+$0x0], $0xffff;
	v32 =	vmul.f32 v32, v7  }
0x661: {  	v57 =	vadd.s32 $0x1C0, v14  }
0x662: {  	[tilespmem:s0+$0x19200] =	vst v32;
	v56 =	vmul.f32 v39, v8  }
0x663: {  	v30 =	vld.idx.msk [tilespmem:v30+s5+$0x0], $0xffff;
	v33 =	vmul.f32 v54, v16  }
0x664: {  	[tilespmem:s0+$0x19280] =	vst v56;
	v58 =	vmul.f32 v36, v13  }
0x665: {  	v28 =	vmul.f32 v28, v5;
	v37 =	vld.idx.msk [tilespmem:v55+s5+$0x0], $0xffff;
	[tilespmem:s16+$0x19280] =	vst v33  }
0x666: {  	v59 =	vld.idx.msk [tilespmem:v57+s5+$0x0], $0xffff;
	[tilespmem:s16+$0x19200] =	vst v58  }
0x667: {  	[tilespmem:s14+$0x19A00] =	vst v28;
	v33 =	vld.idx.msk [tilespmem:v41+s5+$0x0], $0xffff  }
0x668: {  	v60 =	vadd.s32 $0x200, v9;
	v26 =	vld.idx.msk [tilespmem:v26+s5+$0x0], $0xffff;
	v30 =	vmul.f32 v30, v7  }
0x669: {  	v61 =	vadd.s32 $0x200, v14  }
0x66a: {  	[tilespmem:s0+$0x19A00] =	vst v30;
	v37 =	vmul.f32 v37, v8  }
0x66b: {  	v29 =	vld.idx.msk [tilespmem:v29+s5+$0x0], $0xffff;
	v32 =	vmul.f32 v59, v16  }
0x66c: {  	[tilespmem:s0+$0x19A80] =	vst v37;
	v40 =	vmul.f32 v33, v13  }
0x66d: {  	v26 =	vmul.f32 v26, v5;
	v62 =	vld.idx.msk [tilespmem:v60+s5+$0x0], $0xffff;
	[tilespmem:s16+$0x19A80] =	vst v32  }
0x66e: {  	v41 =	vld.idx.msk [tilespmem:v61+s5+$0x0], $0xffff;
	[tilespmem:s16+$0x19A00] =	vst v40  }
0x66f: {  	[tilespmem:s14+$0x1A200] =	vst v26;
	v63 =	vadd.s32 $0x240, v6;
	v32 =	vld.idx.msk [tilespmem:v34+s5+$0x0], $0xffff  }
0x670: {  	v22 =	vld.idx.msk [tilespmem:v22+s5+$0x0], $0xffff;
	v47 =	vadd.s32 $0x240, v9;
	v29 =	vmul.f32 v29, v7  }
0x671: {  	[tilespmem:s9+$0x1AA00] =	vst v45;
	v48 =	vadd.s32 $0x240, v14;
	v46 =	vmul.f32 v44, v4  }
0x672: {  	v19 =	vld.idx.msk [tilespmem:v19+s5+$0x0], $0xffff;
	[tilespmem:s0+$0x1A200] =	vst v29;
	v28 =	vmul.f32 v62, v8  }
0x673: {  	[tilespmem:s14+$0x1A280] =	vst v46;
	v27 =	vld.idx.msk [tilespmem:v27+s5+$0x0], $0xffff;
	v50 =	vmul.f32 v41, v16  }
0x674: {  	v49 =	vld.idx.msk [tilespmem:v63+s5+$0x0], $0xffff;
	[tilespmem:s0+$0x1A280] =	vst v28;
	v53 =	vmul.f32 v32, v13  }
0x675: {  	v22 =	vmul.f32 v22, v5;
	v51 =	vld.idx.msk [tilespmem:v47+s5+$0x0], $0xffff;
	[tilespmem:s16+$0x1A280] =	vst v50  }
0x676: {  	v54 =	vld.idx.msk [tilespmem:v48+s5+$0x0], $0xffff;
	[tilespmem:s16+$0x1A200] =	vst v53  }
0x677: {  	v19 =	vmul.f32 v19, v1;
	v52 =	vadd.s32 $0x280, v6;
	[tilespmem:s14+$0x1AA00] =	vst v22;
	v31 =	vld.idx.msk [tilespmem:v31+s5+$0x0], $0xffff  }
0x678: {  	v21 =	vld.idx.msk [tilespmem:v21+s5+$0x0], $0xffff;
	v56 =	vadd.s32 $0x280, v9;
	v27 =	vmul.f32 v27, v7  }
0x679: {  	[tilespmem:s9+$0x1B200] =	vst v19;
	v55 =	vmul.f32 v49, v4;
	v58 =	vadd.s32 $0x280, v14  }
0x67a: {  	v15 =	vld.idx.msk [tilespmem:v15+s5+$0x0], $0xffff;
	[tilespmem:s0+$0x1AA00] =	vst v27;
	v26 =	vmul.f32 v51, v8  }
0x67b: {  	[tilespmem:s14+$0x1AA80] =	vst v55;
	v23 =	vld.idx.msk [tilespmem:v23+s5+$0x0], $0xffff;
	v60 =	vmul.f32 v54, v16  }
0x67c: {  	v59 =	vld.idx.msk [tilespmem:v52+s5+$0x0], $0xffff;
	[tilespmem:s0+$0x1AA80] =	vst v26;
	v63 =	vmul.f32 v31, v13  }
0x67d: {  	v3 =	vadd.s32 $0x300, v3;
	v21 =	vmul.f32 v21, v5;
	v61 =	vld.idx.msk [tilespmem:v56+s5+$0x0], $0xffff;
	[tilespmem:s16+$0x1AA80] =	vst v60  }
0x67e: {  	v57 =	vmul.f32 v43, v0;
	v34 =	vld.idx.msk [tilespmem:v58+s5+$0x0], $0xffff;
	[tilespmem:s16+$0x1AA00] =	vst v63  }
0x67f: {  	[tilespmem:s14+$0x1B200] =	vst v21;
	v62 =	vadd.s32 $0x2C0, v6;
	v33 =	vmul.f32 v42, v2;
	v26 =	vld.idx.msk [tilespmem:v35+s5+$0x0], $0xffff  }
0x680: {  	v17 =	vld.idx.msk [tilespmem:v17+s5+$0x0], $0xffff;
	v36 =	vadd.s32 $0x2C0, v9;
	[tilespmem:s7+$0x1BA00] =	vst v57;
	v23 =	vmul.f32 v23, v7  }
0x681: {  	v37 =	vadd.s32 $0x2C0, v14;
	v10 =	vld.idx.msk [tilespmem:v10+s5+$0x0], $0xffff;
	[tilespmem:s9+$0x1BA80] =	vst v33;
	v28 =	vmul.f32 v59, v4  }
0x682: {  	v3 =	vld.idx.msk [tilespmem:v3+s5+$0x0], $0xffff;
	[tilespmem:s0+$0x1B200] =	vst v23;
	v22 =	vmul.f32 v61, v8  }
0x683: {  	v20 =	vld.idx.msk [tilespmem:v20+s5+$0x0], $0xffff;
	[tilespmem:s14+$0x1B280] =	vst v28;
	v39 =	vmul.f32 v34, v16  }
0x684: {  	v38 =	vld.idx.msk [tilespmem:v62+s5+$0x0], $0xffff;
	[tilespmem:s0+$0x1B280] =	vst v22;
	v42 =	vmul.f32 v26, v13  }
0x685: {  	v46 =	vmul.f32 v15, v1;
	v40 =	vld.idx.msk [tilespmem:v36+s5+$0x0], $0xffff;
	[tilespmem:s16+$0x1B280] =	vst v39  }
0x686: {  	v51 =	vmul.f32 v17, v5;
	v44 =	vld.idx.msk [tilespmem:v37+s5+$0x0], $0xffff;
	[tilespmem:s16+$0x1B200] =	vst v42  }
0x687: {  	[tilespmem:s9+$0x1BA00] =	vst v46;
	v55 =	vmul.f32 v10, v0;
	v41 =	vadd.s32 $0x300, v6;
	v47 =	vld.idx.msk [tilespmem:v25+s5+$0x0], $0xffff  }
0x688: {  	v45 =	vadd.s32 $0x300, v9;
	[tilespmem:s14+$0x1BA00] =	vst v51;
	v53 =	vmul.f32 v20, v7  }
0x689: {  	v49 =	vadd.s32 $0x300, v14;
	[tilespmem:s7+$0x1C200] =	vst v55;
	v12 =	vld.idx.msk [tilespmem:v12+s5+$0x0], $0xffff;
	v19 =	vmul.f32 v38, v4  }
0x68a: {  	v11 =	vld.idx.msk [tilespmem:v11+s5+$0x0], $0xffff;
	[tilespmem:s0+$0x1BA00] =	vst v53;
	v48 =	vmul.f32 v40, v8  }
0x68b: {  	v43 =	vmul.f32 v3, v2;
	v57 =	vld.idx.msk [tilespmem:v18+s5+$0x0], $0xffff;
	[tilespmem:s14+$0x1BA80] =	vst v19;
	v3 =	vmul.f32 v44, v16  }
0x68c: {  	v50 =	vld.idx.msk [tilespmem:v41+s5+$0x0], $0xffff;
	[tilespmem:s0+$0x1BA80] =	vst v48;
	v54 =	vmul.f32 v47, v13  }
0x68d: {  	v52 =	vld.idx.msk [tilespmem:v45+s5+$0x0], $0xffff;
	[tilespmem:s16+$0x1BA80] =	vst v3  }
0x68e: {  	v61 =	vmul.f32 v12, v5;
	v56 =	vld.idx.msk [tilespmem:v49+s5+$0x0], $0xffff;
	[tilespmem:s16+$0x1BA00] =	vst v54  }
0x68f: {  	[tilespmem:s9+$0x1C280] =	vst v43;
	v58 =	vmul.f32 v11, v1;
	v59 =	vld.idx.msk [tilespmem:v24+s5+$0x0], $0xffff  }
0x690: {  	[tilespmem:s14+$0x1C200] =	vst v61;
	v63 =	vmul.f32 v57, v7  }
0x691: {  	v2 =	vmul.f32 v50, v4;
	[tilespmem:s9+$0x1C200] =	vst v58  }
0x692: {  	[tilespmem:s0+$0x1C200] =	vst v63;
	v60 =	vmul.f32 v52, v8  }
0x693: {  	[tilespmem:s14+$0x1C280] =	vst v2;
	v62 =	vmul.f32 v56, v16  }
0x694: {  	[tilespmem:s0+$0x1C280] =	vst v60;
	v1 =	vmul.f32 v59, v13  }
0x695: {  	[tilespmem:s16+$0x1C280] =	vst v62  }
0x696: {  	[tilespmem:s16+$0x1C200] =	vst v1  }
0x697: {  	s2 =	rddreg [dreg:$0x10]  }
0x698: {  	[hbm4b:s2+s23] =	stream.strided.scatter [tilespmem:s19], [sflag:$0x7], $0x800, s24, s23, $0x38;
	[tilespmem:$0x1CA00] =	vst v63  }
0x699: {  	s16 =	simm.s32 $0x16A00;
	s15 =	sadd.s32 $0x61C00, s2  }
0x69a: {  	[hbm4b:s15+s23] =	stream.strided.scatter [tilespmem:s16], [sflag:$0x7], $0x800, s24, s23, $0x38;
	[tilespmem:$0x1CA00] =	vst v63  }
0x69b: {  	s17 =	sadd.s32 $0xC3800, s2;
	s19 =	simm.s32 $0x17200  }
0x69c: {  	[hbm4b:s17+s23] =	stream.strided.scatter [tilespmem:s19], [sflag:$0x7], $0x800, s24, s23, $0x38;
	[tilespmem:$0x1CA00] =	vst v63  }
0x69d: {  	s22 =	simm.s32 $0x17A00;
	s20 =	sadd.s32 $0x125400, s2  }
0x69e: {  	[hbm4b:s20+s23] =	stream.strided.scatter [tilespmem:s22], [sflag:$0x7], $0x800, s24, s23, $0x38;
	[tilespmem:$0x1CA00] =	vst v63  }
0x69f: {  	s26 =	simm.s32 $0x18200;
	s25 =	sadd.s32 $0x187000, s2  }
0x6a0: {  	[hbm4b:s25+s23] =	stream.strided.scatter [tilespmem:s26], [sflag:$0x7], $0x800, s24, s23, $0x38;
	[tilespmem:$0x1CA00] =	vst v63  }
0x6a1: {  	s31 =	simm.s32 $0x18A00;
	s30 =	sadd.s32 $0x1E8C00, s2  }
0x6a2: {  	[hbm4b:s30+s23] =	stream.strided.scatter [tilespmem:s31], [sflag:$0x7], $0x800, s24, s23, $0x38;
	[tilespmem:$0x1CA00] =	vst v63  }
0x6a3: {  	s12 =	simm.s32 $0x19200;
	s9 =	sadd.s32 $0x24A800, s2  }
0x6a4: {  	[hbm4b:s9+s23] =	stream.strided.scatter [tilespmem:s12], [sflag:$0x7], $0x800, s24, s23, $0x38;
	[tilespmem:$0x1CA00] =	vst v63  }
0x6a5: {  	s14 =	simm.s32 $0x19A00;
	s13 =	sadd.s32 $0x2AC400, s2  }
0x6a6: {  	[hbm4b:s13+s23] =	stream.strided.scatter [tilespmem:s14], [sflag:$0x7], $0x800, s24, s23, $0x38;
	[tilespmem:$0x1CA00] =	vst v63  }
0x6a7: {  	s15 =	sadd.s32 $0x30E000, s2;
	s16 =	simm.s32 $0x1A200  }
0x6a8: {  	[hbm4b:s15+s23] =	stream.strided.scatter [tilespmem:s16], [sflag:$0x7], $0x800, s24, s23, $0x38;
	[tilespmem:$0x1CA00] =	vst v63  }
0x6a9: {  	s17 =	sadd.s32 $0x36FC00, s2;
	s19 =	simm.s32 $0x1AA00  }
0x6aa: {  	[hbm4b:s17+s23] =	stream.strided.scatter [tilespmem:s19], [sflag:$0x7], $0x800, s24, s23, $0x38;
	[tilespmem:$0x1CA00] =	vst v63  }
0x6ab: {  	s20 =	sadd.s32 $0x3D1800, s2;
	s22 =	simm.s32 $0x1B200  }
0x6ac: {  	[hbm4b:s20+s23] =	stream.strided.scatter [tilespmem:s22], [sflag:$0x7], $0x800, s24, s23, $0x38;
	[tilespmem:$0x1CA00] =	vst v63  }
0x6ad: {  	s25 =	sadd.s32 $0x433400, s2;
	s26 =	simm.s32 $0x1BA00  }
0x6ae: {  	[hbm4b:s25+s23] =	stream.strided.scatter [tilespmem:s26], [sflag:$0x7], $0x800, s24, s23, $0x38;
	[tilespmem:$0x1CA00] =	vst v63  }
.Ltmp14:
0x6af: {  	s30 =	sadd.s32 $0x495000, s2;
	s31 =	simm.s32 $0x1C200;
	(pc) =	sbr.rel .LBB2_21-.Ltmp14, $4  }
0x6b0: {  	[hbm4b:s30+s23] =	stream.strided.scatter [tilespmem:s31], [sflag:$0x7], $0x800, s24, s23, $0x38;
	[tilespmem:$0x1CA00] =	vst v63  }
0x6b1: {  	_ =	swait.ge [sflag:s18], $0x6800  }
0x6b2: {  	[sflag:s18] =	ssyncset.done $0x0  }
0x6b3: {  	s2 =	rddreg [dreg:$0x12];
	[sflag:s18] =	ssyncadd.s32 $0xFFFF9800  }
.LBB2_22:
0x6b4: {  	_ =	sfence.sel $0x180000  }
0x6b5: {  	[bflag:$0x0] =	sbarrier.arrive $0xFFFF  }
0x6b6: {  	_ =	strace $0x90000047  }
0x6b7: {  	s0 =	stileid.u32;
	[bflag:$0x2] =	sbarrier.arrive $0xFFFF  }
0x6b8: {  	p0 =	sne.s32 s0, $0x0;
	s0 =	rddreg [dreg:$0x4]  }
0x6b9: {  	s0 =	sadd.s32 @!p0 $0x100000, s0  }
0x6ba: {  	[sflag:s0] =	ssyncadd.tile.s32 @!p0 $0x1;
	_ =	shalt  }
.Lfunc_end2:
_tile_overlayer_lowered:
.L_overlay_start_2:
0x6bb: {  	(tag) =	ssettag $0x2  }
0x6bc: {  	s0 =	rddreg [dreg:$0x0];
	s2 =	stileid.u32  }
0x6bd: {  	s1 =	rddreg [dreg:$0x1];
	p0 =	sne.s32 s2, $0x0  }
0x6be: {  	s3 =	rddreg [dreg:$0x2];
	[bflag:$0x3] =	sbarrier.arrive $0xFFFF;
	s2 =	simm.s32 @!p0 $0x1C07  }
0x6bf: {  	[timem:s3], [sflag:s2] =	dma.local @!p0 [hbm:s0], s1  }
0x6c0: {  	s0 =	simm.s32 @!p0 $0x7  }
0x6c1: {  	_ =	swait.ge @!p0 [sflag:s0], s1  }
0x6c2: {  	s1 =	ssub.s32 @!p0 $0x0, s1;
	[sflag:s0] =	ssyncset.done @!p0 $0x0  }
0x6c3: {  	[sflag:s0] =	ssyncadd.s32 @!p0 s1  }
0x6c4: {  	[bflag:$0x3] =	sbarrier.arrive $0xFFFF  }
0x6c5: {  	_ =	shalt  }

</sc_bundles>
